<compile_context>
chip_gen: v7x
topology: tpu7x:2x2x1
jax: 0.10.2.dev20260603
libtpu: 0.0.44.dev20260713+nightly
codegen_flags: <defaults>
</compile_context>

<pallas_src>
import functools

import jax
import jax.numpy as jnp
from jax import lax
from jax.experimental import pallas as pl
from jax.experimental.pallas import tpu as pltpu
from jax.experimental.pallas import tpu_sc as plsc

N_USERS = 25000
N_ITEMS = 25000
N = N_USERS + N_ITEMS
D = 64
H = 32
NC, NS, L = 2, 16, 16
NP = 50176
NPT = NP // NS
E_PAD = 802816
RW = E_PAD // 128
RPT = RW // NS
RPW = RW // (NC * NS)
KA = 28
KD = 28
NODES_PT = NP // NS
CH = 112
NCH = NODES_PT // CH

_mesh = plsc.VectorSubcoreMesh(
    core_axis_name="c", subcore_axis_name="s", num_cores=NC, num_subcores=NS)


def _rsqrt16(d):
    i = plsc.bitcast(d, jnp.int32)
    i = jnp.int32(0x5F3759DF) - (i >> 1)
    y = plsc.bitcast(i, jnp.float32)
    for _ in range(3):
        y = y * (1.5 - 0.5 * d * y * y)
    return jnp.where(d > 0, y, 0.0)


@functools.partial(
    pl.kernel,
    out_type=jax.ShapeDtypeStruct((RW, 128), jnp.float32),
    mesh=_mesh,
    scratch_types=[
        pltpu.VMEM((NP,), jnp.float32),
        pltpu.VMEM((128, L), jnp.float32),
        pltpu.VMEM((128, L), jnp.float32),
        pltpu.VMEM((128, L), jnp.float32),
        pltpu.VMEM((KA, 128), jnp.int32),
        pltpu.VMEM((KA, 128), jnp.int32),
        pltpu.VMEM((KA, 128), jnp.float32),
        pltpu.VMEM((KA, 128), jnp.float32),
        pltpu.VMEM_SHARED((NP, L), jnp.float32),
        pltpu.VMEM_SHARED((NP,), jnp.float32),
        pltpu.SemaphoreType.DMA,
        pltpu.SemaphoreType.DMA,
        pltpu.SemaphoreType.DMA,
    ],
    compiler_params=pltpu.CompilerParams(needs_layout_passes=False, use_tc_tiling_on_sc=False),
)
def _deg_norm(rows_hbm, col_hbm, w_hbm, norm_hbm,
              dis_flat, w0, w1, w2, blk_row, blk_col, blk_w, blk_n,
              sh_deg, sh_dis, ss0, ss1, ss2):
    c = lax.axis_index("c")
    s = lax.axis_index("s")
    zeros = jnp.zeros((L,), jnp.float32)
    iota = jnp.arange(L, dtype=jnp.int32)

    @pl.loop(0, 112)
    def _(i):
        w0[i, pl.ds(0, L)] = zeros

    @pl.loop(0, NPT // 112)
    def _(k):
        pltpu.sync_copy(w0.at[pl.ds(0, 112)],
                        sh_deg.at[pl.ds(s * NPT + k * 112, 112)])
    plsc.subcore_barrier()

    def build(buf, r):
        wrow = blk_w.at[r]

        @pl.loop(0, 128, unroll=4)
        def _(e):
            idx = jnp.zeros((L,), jnp.int32) + e
            buf[e, pl.ds(0, L)] = plsc.load_gather(wrow, [idx])

    @pl.loop(0, RPT // KA)
    def _(b):
        base = s * RPT + b * KA
        pltpu.sync_copy(col_hbm.at[pl.ds(base, KA)], blk_col)
        pltpu.sync_copy(w_hbm.at[pl.ds(base, KA)], blk_w)

        @pl.loop(0, KA - 1, step=3)
        def _(r):
            build(w0, r)
            d0 = pltpu.async_copy(w0, sh_deg.at[blk_col.at[r]], ss0, add=True)
            build(w1, r + 1)
            d0.wait()
            d1 = pltpu.async_copy(w1, sh_deg.at[blk_col.at[r + 1]], ss1, add=True)
            build(w2, r + 2)
            d1.wait()
            d2 = pltpu.async_copy(w2, sh_deg.at[blk_col.at[r + 2]], ss2, add=True)
            d2.wait()

        build(w0, KA - 1)
        pltpu.async_copy(w0, sh_deg.at[blk_col.at[KA - 1]], ss0, add=True).wait()
    plsc.subcore_barrier()

    rng = pl.ds(s * NPT, NPT)
    zidx = jnp.zeros((L,), jnp.int32)

    @pl.loop(0, NPT // 112)
    def _(k):
        pltpu.sync_copy(sh_deg.at[pl.ds(s * NPT + k * 112, 112)],
                        w0.at[pl.ds(0, 112)])

        @pl.loop(0, 112 // L)
        def _(i):
            d16 = plsc.load_gather(w0, [i * L + iota, zidx])
            dis_flat[pl.ds(s * NPT + k * 112 + i * L, L)] = _rsqrt16(d16)
    pltpu.sync_copy(dis_flat.at[rng], sh_dis.at[rng])
    plsc.subcore_barrier()

    pltpu.sync_copy(sh_dis, dis_flat)
    wid = c * NS + s

    @pl.loop(0, RPW // KA)
    def _(b):
        base = wid * RPW + b * KA
        pltpu.sync_copy(rows_hbm.at[pl.ds(base, KA)], blk_row)
        pltpu.sync_copy(col_hbm.at[pl.ds(base, KA)], blk_col)
        pltpu.sync_copy(w_hbm.at[pl.ds(base, KA)], blk_w)

        @pl.loop(0, KA * (128 // L), unroll=2)
        def _(i):
            r = i // (128 // L)
            sl = pl.ds((i % (128 // L)) * L, L)
            r16 = blk_row[r, sl]
            c16 = blk_col[r, sl]
            dr = plsc.load_gather(dis_flat, [r16])
            dc = plsc.load_gather(dis_flat, [c16])
            blk_n[r, sl] = dr * blk_w[r, sl] * dc
        pltpu.sync_copy(blk_n, norm_hbm.at[pl.ds(base, KA)])


@functools.partial(
    pl.kernel,
    out_type=(
        jax.ShapeDtypeStruct((2 * NP, H), jnp.float32),
        jax.ShapeDtypeStruct((2 * NP, H), jnp.float32),
        jax.ShapeDtypeStruct((2 * NP, H), jnp.float32),
    ),
    mesh=_mesh,
    scratch_types=[
        pltpu.VMEM((KD, 128), jnp.int32),
        pltpu.VMEM((KD, 128), jnp.int32),
        pltpu.VMEM((KD, 128), jnp.float32),
        pltpu.VMEM((128, H), jnp.float32),
        pltpu.VMEM((128, H), jnp.float32),
        pltpu.VMEM((128, H), jnp.float32),
        pltpu.VMEM_SHARED((NP, H), jnp.float32),
        pltpu.SemaphoreType.DMA,
        pltpu.SemaphoreType.DMA,
        pltpu.SemaphoreType.DMA,
        pltpu.SemaphoreType.DMA,
        pltpu.SemaphoreType.DMA,
        pltpu.SemaphoreType.DMA,
    ],
    compiler_params=pltpu.CompilerParams(needs_layout_passes=False, use_tc_tiling_on_sc=False),
)
def _layers(x0, rows_hbm, col_hbm, norm_hbm, y1, y2, out,
            ir, ic, nm, ra, rb, rc, acc, sga, sgb, sgc, ssa, ssb, ssc):
    c = lax.axis_index("c")
    s = lax.axis_index("s")
    zeros = jnp.zeros((L,), jnp.float32)
    node0 = s * NODES_PT
    chunk = pl.ds(0, CH)

    def zero_buf(buf):
        @pl.loop(0, CH)
        def _(i):
            buf[i, pl.ds(0, L)] = zeros
            buf[i, pl.ds(L, L)] = zeros

    zero_buf(rb)

    @pl.loop(0, NCH)
    def _(k):
        pltpu.sync_copy(rb.at[chunk], acc.at[pl.ds(node0 + k * CH, CH)])
    plsc.subcore_barrier()

    def scale(buf, tt):
        nrow = nm.at[tt]

        @pl.loop(0, 128, unroll=4)
        def _(e):
            idx = jnp.zeros((L,), jnp.int32) + e
            nv = plsc.load_gather(nrow, [idx])
            lo = pl.ds(0, L)
            hi = pl.ds(L, L)
            buf[e, lo] = buf[e, lo] * nv
            buf[e, hi] = buf[e, hi] * nv

    def edge_pass(src):
        @pl.loop(0, RPT // KD)
        def _(b):
            base = s * RPT + b * KD
            pltpu.sync_copy(rows_hbm.at[pl.ds(c * RW + base, KD)], ir)
            pltpu.sync_copy(col_hbm.at[pl.ds(base, KD)], ic)
            pltpu.sync_copy(norm_hbm.at[pl.ds(base, KD)], nm)
            pltpu.async_copy(src.at[ir.at[0]], ra, sga)
            pltpu.async_copy(src.at[ir.at[1]], rb, sgb)
            pltpu.async_copy(src.at[ir.at[2]], rc, sgc)

            @pl.loop(0, KD - 1, step=3)
            def _(t):
                pltpu.make_async_copy(src.at[ir.at[t]], ra, sga).wait()
                scale(ra, t)
                da = pltpu.async_copy(ra, acc.at[ic.at[t]], ssa, add=True)
                pltpu.make_async_copy(src.at[ir.at[t + 1]], rb, sgb).wait()
                scale(rb, t + 1)
                da.wait()
                pltpu.async_copy(src.at[ir.at[t + 3]], ra, sga)
                db = pltpu.async_copy(rb, acc.at[ic.at[t + 1]], ssb, add=True)
                pltpu.make_async_copy(src.at[ir.at[t + 2]], rc, sgc).wait()
                scale(rc, t + 2)
                db.wait()

                @pl.when(t + 4 < KD)
                def _():
                    pltpu.async_copy(src.at[ir.at[t + 4]], rb, sgb)
                dc = pltpu.async_copy(rc, acc.at[ic.at[t + 2]], ssc, add=True)
                dc.wait()

                @pl.when(t + 5 < KD)
                def _():
                    pltpu.async_copy(src.at[ir.at[t + 5]], rc, sgc)

            pltpu.make_async_copy(src.at[ir.at[KD - 1]], ra, sga).wait()
            scale(ra, KD - 1)
            pltpu.async_copy(ra, acc.at[ic.at[KD - 1]], ssa, add=True).wait()
        plsc.subcore_barrier()

    def writeout_and_zero(dst):
        zero_buf(rb)

        @pl.loop(0, NCH)
        def _(k):
            rng = pl.ds(node0 + k * CH, CH)
            pltpu.sync_copy(acc.at[rng], ra.at[chunk])
            pltpu.sync_copy(ra.at[chunk], dst.at[pl.ds(c * NP + node0 + k * CH, CH)])
            pltpu.sync_copy(rb.at[chunk], acc.at[rng])
        plsc.subcore_barrier()

    edge_pass(x0)
    writeout_and_zero(y1)
    edge_pass(y1)
    writeout_and_zero(y2)
    edge_pass(y2)

    @pl.loop(0, NCH)
    def _(k):
        rng = pl.ds(node0 + k * CH, CH)
        hrng = pl.ds(c * NP + node0 + k * CH, CH)
        pltpu.sync_copy(acc.at[rng], ra.at[chunk])
        for other in (x0, y1, y2):
            pltpu.sync_copy(other.at[hrng], rb.at[chunk])

            @pl.loop(0, CH)
            def _(i):
                lo = pl.ds(0, L)
                hi = pl.ds(L, L)
                ra[i, lo] = ra[i, lo] + rb[i, lo]
                ra[i, hi] = ra[i, hi] + rb[i, hi]

        @pl.loop(0, CH)
        def _(i):
            lo = pl.ds(0, L)
            hi = pl.ds(L, L)
            ra[i, lo] = ra[i, lo] * 0.25
            ra[i, hi] = ra[i, hi] * 0.25
        pltpu.sync_copy(ra.at[chunk], out.at[hrng])


def kernel(edge_index, edge_weight, user_embedding_weight, item_embedding_weight):
    row = edge_index[0]
    col = edge_index[1]
    pad = E_PAD - row.shape[0]
    rowp = jnp.pad(row, (0, pad))
    colp = jnp.pad(col, (0, pad)).reshape(RW, 128)
    wp = jnp.pad(edge_weight, (0, pad)).reshape(RW, 128)
    rows_both = jnp.concatenate(
        [rowp.reshape(RW, 128), (rowp + NP).reshape(RW, 128)], axis=0)
    x = jnp.concatenate([user_embedding_weight, item_embedding_weight], axis=0)
    xa = jnp.pad(x[:, :H], ((0, NP - N), (0, 0)))
    xb = jnp.pad(x[:, H:], ((0, NP - N), (0, 0)))
    x0 = jnp.concatenate([xa, xb], axis=0)

    norm = _deg_norm(rows_both, colp, wp)
    _, _, out = _layers(x0, rows_both, colp, norm)

    final = jnp.concatenate([out[:N], out[NP:NP + N]], axis=1)
    return (final[:N_USERS], final[N_USERS:])

# --- scband reference (transcript-rebuilt; emitter-appended) ---
"""Pipeline reference for scband-preference-encoder-48352741819110 (READ-ONLY COPY).

The authoritative reference and input builder live on the scoring server;
editing this copy changes nothing except your own understanding.
"""

import jax, jax.numpy as jnp
import numpy as np

N_USERS = 25000
N_ITEMS = 25000
DIM = 64
N_LAYERS = 3
N_EDGES = 800000


def _xavier_uniform(key, shape):
    fan_in, fan_out = shape[0], shape[1]
    a = float(np.sqrt(6.0 / (fan_in + fan_out)))
    return jax.random.uniform(key, shape, dtype=jnp.float32, minval=-a, maxval=a)


def setup_inputs(seed: int = 0) -> dict:
    key = jax.random.key(seed)
    k1, k2, k3, k4 = jax.random.split(key, 4)
    N = N_USERS + N_ITEMS
    edge_index = jax.random.randint(k1, (2, N_EDGES), 0, N, dtype=jnp.int32)
    edge_weight = jax.random.uniform(k2, (N_EDGES,), dtype=jnp.float32)
    user_embedding_weight = _xavier_uniform(k3, (N_USERS, DIM))
    item_embedding_weight = _xavier_uniform(k4, (N_ITEMS, DIM))
    return {
        "edge_index": edge_index,
        "edge_weight": edge_weight,
        "user_embedding_weight": user_embedding_weight,
        "item_embedding_weight": item_embedding_weight,
    }


def _lgconv(x, edge_index, edge_weight, num_nodes):
    # PyG LGConv: symmetric gcn_norm without self-loops, then scatter-add propagate
    row = edge_index[0]
    col = edge_index[1]
    deg = jnp.zeros((num_nodes,), dtype=x.dtype).at[col].add(edge_weight)
    deg_inv_sqrt = jnp.where(deg > 0, deg ** -0.5, 0.0)
    norm = deg_inv_sqrt[row] * edge_weight * deg_inv_sqrt[col]
    msg = x[row] * norm[:, None]
    out = jnp.zeros_like(x).at[col].add(msg)
    return out


def reference(edge_index, edge_weight, user_embedding_weight, item_embedding_weight):
    N = N_USERS + N_ITEMS
    x = jnp.concatenate([user_embedding_weight, item_embedding_weight], axis=0)
    all_emb = [x]
    for _ in range(N_LAYERS):
        x = _lgconv(x, edge_index, edge_weight, N)
        all_emb.append(x)
    final_emb = jnp.stack(all_emb, axis=0).mean(axis=0)
    user_emb = final_emb[:N_USERS]
    item_emb = final_emb[N_USERS:]
    return (user_emb, item_emb)

if __name__ == "__main__":
    import jax
    _d = setup_inputs()
    print(jax.jit(kernel)(*tuple(_d.values())))

</pallas_src>

<mosaic_0001>
#map = affine_map<(d0, d1) -> (0, 0)>
module attributes {stable_mosaic.version = 14 : i64} {
  func.func @_deg_norm(%arg0: i32, %arg1: i32, %arg2: memref<12544x128xi32, #tpu.memory_space<hbm>>, %arg3: memref<6272x128xi32, #tpu.memory_space<hbm>>, %arg4: memref<6272x128xf32, #tpu.memory_space<hbm>>, %arg5: memref<6272x128xf32, #tpu.memory_space<hbm>>, %arg6: memref<50176xf32, #tpu.memory_space<vmem>>, %arg7: memref<128x16xf32, #tpu.memory_space<vmem>>, %arg8: memref<128x16xf32, #tpu.memory_space<vmem>>, %arg9: memref<128x16xf32, #tpu.memory_space<vmem>>, %arg10: memref<28x128xi32, #tpu.memory_space<vmem>>, %arg11: memref<28x128xi32, #tpu.memory_space<vmem>>, %arg12: memref<28x128xf32, #tpu.memory_space<vmem>>, %arg13: memref<28x128xf32, #tpu.memory_space<vmem>>, %arg14: memref<50176x16xf32, #tpu.memory_space<vmem_shared>>, %arg15: memref<50176xf32, #tpu.memory_space<vmem_shared>>, %arg16: memref<!tpu.dma_semaphore, #tpu.memory_space<semaphore_mem>>, %arg17: memref<!tpu.dma_semaphore, #tpu.memory_space<semaphore_mem>>, %arg18: memref<!tpu.dma_semaphore, #tpu.memory_space<semaphore_mem>>) attributes {dimension_semantics = [#tpu.dimension_semantics<core_parallel>, #tpu.dimension_semantics<subcore_parallel>], iteration_bounds = array<i64: 2, 16>, scalar_prefetch = 0 : i64, scratch_operands = 13 : i64, tpu.core_type = #tpu.core_type<sc_vector_subcore>, window_params = [{transform_indices = #map}, {transform_indices = #map}, {transform_indices = #map}, {transform_indices = #map}]} {
    %broadcast_in_dim3A = arith.constant 0.000000e+00 : f32
    %broadcast_in_dim3A_0 = vector.broadcast %broadcast_in_dim3A : f32 to vector<16xf32>
    %iota3A = tpu.iota {dimensions = array<i32: 0>} : vector<16xi32>
    %scan3A = arith.constant 0 : i32
    %scan3A_1 = arith.constant 112 : i32
    %scan3A_2 = arith.addi %scan3A, %scan3A_1 : i32
    %scan3A_3 = arith.constant 1 : i32
    scf.for %scan3A_32 = %scan3A to %scan3A_2 step %scan3A_3  : i32 {
      %mul3A_33 = arith.constant 1 : i32
      %mul3A_34 = arith.muli %scan3A_32, %mul3A_33 : i32
      %add3A_35 = arith.constant 0 : i32
      %add3A_36 = arith.addi %add3A_35, %mul3A_34 : i32
      %swap3A = arith.index_cast %add3A_36 : i32 to index
      %swap3A_37 = arith.constant 0 : index
      %swap3A_38 = tpu.vector_load %arg7[%swap3A, %swap3A_37] {strides = array<i32>} : memref<128x16xf32, #tpu.memory_space<vmem>>, vector<16xf32>,
      tpu.vector_store %arg7[%swap3A, %swap3A_37], %broadcast_in_dim3A_0 {strides = array<i32>} : memref<128x16xf32, #tpu.memory_space<vmem>>, vector<16xf32>,
    }
    %scan3A_4 = arith.constant 112 : i32
    %scan3A_5 = arith.constant 0 : i32
    %scan3A_6 = arith.constant 28 : i32
    %scan3A_7 = arith.addi %scan3A_5, %scan3A_6 : i32
    %scan3A_8 = arith.constant 1 : i32
    scf.for %scan3A_32 = %scan3A_5 to %scan3A_7 step %scan3A_8  : i32 {
      %mul3A_33 = arith.constant 1 : i32
      %mul3A_34 = arith.muli %scan3A_32, %mul3A_33 : i32
      %add3A_35 = arith.constant 0 : i32
      %add3A_36 = arith.addi %add3A_35, %mul3A_34 : i32
      %mul3A_37 = arith.constant 3136 : i32
      %mul3A_38 = arith.muli %arg1, %mul3A_37 : i32
      %mul3A_39 = arith.constant 112 : i32
      %mul3A_40 = arith.muli %add3A_36, %mul3A_39 : i32
      %add3A_41 = arith.addi %mul3A_38, %mul3A_40 : i32
      "tpu.region"() ({
        %run_scoped3A = tpu.sem_alloc : memref<!tpu.dma_semaphore, #tpu.memory_space<semaphore_mem>>
        %dma_start3A = arith.constant 0 : i32
        %dma_start3A_42 = arith.constant 0 : i32
        %dma_start3A_43 = tpu.memref_slice %arg7[%dma_start3A, %dma_start3A_42] : memref<128x16xf32, #tpu.memory_space<vmem>> -> memref<112x16xf32, #tpu.memory_space<vmem>>
        %dma_start3A_44 = arith.constant 0 : i32
        %dma_start3A_45 = tpu.memref_slice %arg14[%add3A_41, %dma_start3A_44] : memref<50176x16xf32, #tpu.memory_space<vmem_shared>> -> memref<112x16xf32, #tpu.memory_space<vmem_shared>>
        %dma_start3A_46 = arith.constant 0 : i32
        %dma_start3A_47 = tpu.memref_slice %arg14[%add3A_41, %dma_start3A_46] : memref<50176x16xf32, #tpu.memory_space<vmem_shared>> -> memref<112x16xf32, #tpu.memory_space<vmem_shared>>
        %dma_start3A_48 = arith.constant 0 : i32
        %dma_start3A_49 = arith.constant 0 : i32
        %dma_start3A_50 = tpu.memref_slice %arg7[%dma_start3A_48, %dma_start3A_49] : memref<128x16xf32, #tpu.memory_space<vmem>> -> memref<112x16xf32, #tpu.memory_space<vmem>>
        tpu.enqueue_dma source(%dma_start3A_50 : memref<112x16xf32, #tpu.memory_space<vmem>>) target(%dma_start3A_47 : memref<112x16xf32, #tpu.memory_space<vmem_shared>>) target_semaphore(%run_scoped3A : memref<!tpu.dma_semaphore, #tpu.memory_space<semaphore_mem>>)
        %dma_wait3A = arith.constant 0 : i32
        %dma_wait3A_51 = arith.constant 0 : i32
        %dma_wait3A_52 = tpu.memref_slice %arg7[%dma_wait3A, %dma_wait3A_51] : memref<128x16xf32, #tpu.memory_space<vmem>> -> memref<112x16xf32, #tpu.memory_space<vmem>>
        %dma_wait3A_53 = arith.constant 0 : i32
        %dma_wait3A_54 = tpu.memref_slice %arg14[%add3A_41, %dma_wait3A_53] : memref<50176x16xf32, #tpu.memory_space<vmem_shared>> -> memref<112x16xf32, #tpu.memory_space<vmem_shared>>
        %dma_wait3A_55 = arith.constant 0 : i32
        %dma_wait3A_56 = tpu.memref_slice %arg14[%add3A_41, %dma_wait3A_55] : memref<50176x16xf32, #tpu.memory_space<vmem_shared>> -> memref<112x16xf32, #tpu.memory_space<vmem_shared>>
        %dma_wait3A_57 = arith.constant 0 : i32
        %dma_wait3A_58 = arith.constant 0 : i32
        %dma_wait3A_59 = tpu.memref_slice %arg7[%dma_wait3A_57, %dma_wait3A_58] : memref<128x16xf32, #tpu.memory_space<vmem>> -> memref<112x16xf32, #tpu.memory_space<vmem>>
        tpu.wait_dma2 semaphore(%run_scoped3A : memref<!tpu.dma_semaphore, #tpu.memory_space<semaphore_mem>>) src(%dma_wait3A_59 : memref<112x16xf32, #tpu.memory_space<vmem>>) dst(%dma_wait3A_56 : memref<112x16xf32, #tpu.memory_space<vmem_shared>>)
        tpu.yield
      }) : () -> ()
    }
    %scan3A_9 = arith.constant 28 : i32
    %barrier3A = arith.constant 0 : index
    tpu.barrier barrier_id(%barrier3A)
    %scan3A_10 = arith.constant 0 : i32
    %scan3A_11 = arith.constant 14 : i32
    %scan3A_12 = arith.addi %scan3A_10, %scan3A_11 : i32
    %scan3A_13 = arith.constant 1 : i32
    scf.for %scan3A_32 = %scan3A_10 to %scan3A_12 step %scan3A_13  : i32 {
      %mul3A_33 = arith.constant 1 : i32
      %mul3A_34 = arith.muli %scan3A_32, %mul3A_33 : i32
      %add3A_35 = arith.constant 0 : i32
      %add3A_36 = arith.addi %add3A_35, %mul3A_34 : i32
      %mul3A_37 = arith.constant 392 : i32
      %mul3A_38 = arith.muli %arg1, %mul3A_37 : i32
      %mul3A_39 = arith.constant 28 : i32
      %mul3A_40 = arith.muli %add3A_36, %mul3A_39 : i32
      %add3A_41 = arith.addi %mul3A_38, %mul3A_40 : i32
      "tpu.region"() ({
        %run_scoped3A = tpu.sem_alloc : memref<!tpu.dma_semaphore, #tpu.memory_space<semaphore_mem>>
        %dma_start3A_65 = arith.constant 0 : i32
        %dma_start3A_66 = tpu.memref_slice %arg3[%add3A_41, %dma_start3A_65] : memref<6272x128xi32, #tpu.memory_space<hbm>> -> memref<28x128xi32, #tpu.memory_space<hbm>>
        %dma_start3A_67 = arith.constant 0 : i32
        %dma_start3A_68 = tpu.memref_slice %arg3[%add3A_41, %dma_start3A_67] : memref<6272x128xi32, #tpu.memory_space<hbm>> -> memref<28x128xi32, #tpu.memory_space<hbm>>
        tpu.enqueue_dma source(%dma_start3A_68 : memref<28x128xi32, #tpu.memory_space<hbm>>) target(%arg11 : memref<28x128xi32, #tpu.memory_space<vmem>>) target_semaphore(%run_scoped3A : memref<!tpu.dma_semaphore, #tpu.memory_space<semaphore_mem>>)
        %dma_wait3A_69 = arith.constant 0 : i32
        %dma_wait3A_70 = tpu.memref_slice %arg3[%add3A_41, %dma_wait3A_69] : memref<6272x128xi32, #tpu.memory_space<hbm>> -> memref<28x128xi32, #tpu.memory_space<hbm>>
        %dma_wait3A_71 = arith.constant 0 : i32
        %dma_wait3A_72 = tpu.memref_slice %arg3[%add3A_41, %dma_wait3A_71] : memref<6272x128xi32, #tpu.memory_space<hbm>> -> memref<28x128xi32, #tpu.memory_space<hbm>>
        tpu.wait_dma2 semaphore(%run_scoped3A : memref<!tpu.dma_semaphore, #tpu.memory_space<semaphore_mem>>) src(%dma_wait3A_72 : memref<28x128xi32, #tpu.memory_space<hbm>>) dst(%arg11 : memref<28x128xi32, #tpu.memory_space<vmem>>)
        tpu.yield
      }) : () -> ()
      "tpu.region"() ({
        %run_scoped3A = tpu.sem_alloc : memref<!tpu.dma_semaphore, #tpu.memory_space<semaphore_mem>>
        %dma_start3A_65 = arith.constant 0 : i32
        %dma_start3A_66 = tpu.memref_slice %arg4[%add3A_41, %dma_start3A_65] : memref<6272x128xf32, #tpu.memory_space<hbm>> -> memref<28x128xf32, #tpu.memory_space<hbm>>
        %dma_start3A_67 = arith.constant 0 : i32
        %dma_start3A_68 = tpu.memref_slice %arg4[%add3A_41, %dma_start3A_67] : memref<6272x128xf32, #tpu.memory_space<hbm>> -> memref<28x128xf32, #tpu.memory_space<hbm>>
        tpu.enqueue_dma source(%dma_start3A_68 : memref<28x128xf32, #tpu.memory_space<hbm>>) target(%arg12 : memref<28x128xf32, #tpu.memory_space<vmem>>) target_semaphore(%run_scoped3A : memref<!tpu.dma_semaphore, #tpu.memory_space<semaphore_mem>>)
        %dma_wait3A_69 = arith.constant 0 : i32
        %dma_wait3A_70 = tpu.memref_slice %arg4[%add3A_41, %dma_wait3A_69] : memref<6272x128xf32, #tpu.memory_space<hbm>> -> memref<28x128xf32, #tpu.memory_space<hbm>>
        %dma_wait3A_71 = arith.constant 0 : i32
        %dma_wait3A_72 = tpu.memref_slice %arg4[%add3A_41, %dma_wait3A_71] : memref<6272x128xf32, #tpu.memory_space<hbm>> -> memref<28x128xf32, #tpu.memory_space<hbm>>
        tpu.wait_dma2 semaphore(%run_scoped3A : memref<!tpu.dma_semaphore, #tpu.memory_space<semaphore_mem>>) src(%dma_wait3A_72 : memref<28x128xf32, #tpu.memory_space<hbm>>) dst(%arg12 : memref<28x128xf32, #tpu.memory_space<vmem>>)
        tpu.yield
      }) : () -> ()
      %scan3A_42 = arith.constant 0 : i32
      %scan3A_43 = arith.constant 9 : i32
      %scan3A_44 = arith.addi %scan3A_42, %scan3A_43 : i32
      %scan3A_45 = arith.constant 1 : i32
      scf.for %scan3A_65 = %scan3A_42 to %scan3A_44 step %scan3A_45  : i32 {
        %mul3A_66 = arith.constant 3 : i32
        %mul3A_67 = arith.muli %scan3A_65, %mul3A_66 : i32
        %add3A_68 = arith.constant 0 : i32
        %add3A_69 = arith.addi %add3A_68, %mul3A_67 : i32
        %scan3A_70 = arith.constant 0 : i32
        %scan3A_71 = arith.constant 128 : i32
        %scan3A_72 = arith.addi %scan3A_70, %scan3A_71 : i32
        %scan3A_73 = arith.constant 4 : i32
        scf.for %scan3A_129 = %scan3A_70 to %scan3A_72 step %scan3A_73  : i32 {
          %mul3A_130 = arith.constant 1 : i32
          %mul3A_131 = arith.muli %scan3A_129, %mul3A_130 : i32
          %add3A_132 = arith.constant 0 : i32
          %add3A_133 = arith.addi %add3A_132, %mul3A_131 : i32
          %broadcast_in_dim3A_134 = arith.constant 0 : i32
          %broadcast_in_dim3A_135 = vector.broadcast %broadcast_in_dim3A_134 : i32 to vector<16xi32>
          %add3A_136 = vector.broadcast %add3A_133 : i32 to vector<16xi32>
          %add3A_137 = arith.addi %broadcast_in_dim3A_135, %add3A_136 : vector<16xi32>
          %gather3A = arith.constant 0 : i32
          %gather3A_138 = tpu.memref_slice %arg12[%add3A_69, %gather3A] : memref<28x128xf32, #tpu.memory_space<vmem>> -> memref<1x128xf32, #tpu.memory_space<vmem>>
          %gather3A_139 = tpu.memref_squeeze %gather3A_138 : memref<1x128xf32, #tpu.memory_space<vmem>> -> memref<128xf32, #tpu.memory_space<vmem>>
          %gather3A_140 = tpu.vector_load_idx %gather3A_139[%add3A_137] : memref<128xf32, #tpu.memory_space<vmem>>[vector<16xi32>], vector<16xf32>,
          %swap3A = arith.index_cast %add3A_133 : i32 to index
          %swap3A_141 = arith.constant 0 : index
          %swap3A_142 = tpu.vector_load %arg7[%swap3A, %swap3A_141] {strides = array<i32>} : memref<128x16xf32, #tpu.memory_space<vmem>>, vector<16xf32>,
          tpu.vector_store %arg7[%swap3A, %swap3A_141], %gather3A_140 {strides = array<i32>} : memref<128x16xf32, #tpu.memory_space<vmem>>, vector<16xf32>,
          %scan3A_143 = arith.constant 1 : i32
          %scan3A_144 = arith.addi %scan3A_129, %scan3A_143 : i32
          %mul3A_145 = arith.constant 1 : i32
          %mul3A_146 = arith.muli %scan3A_144, %mul3A_145 : i32
          %add3A_147 = arith.constant 0 : i32
          %add3A_148 = arith.addi %add3A_147, %mul3A_146 : i32
          %broadcast_in_dim3A_149 = arith.constant 0 : i32
          %broadcast_in_dim3A_150 = vector.broadcast %broadcast_in_dim3A_149 : i32 to vector<16xi32>
          %add3A_151 = vector.broadcast %add3A_148 : i32 to vector<16xi32>
          %add3A_152 = arith.addi %broadcast_in_dim3A_150, %add3A_151 : vector<16xi32>
          %gather3A_153 = arith.constant 0 : i32
          %gather3A_154 = tpu.memref_slice %arg12[%add3A_69, %gather3A_153] : memref<28x128xf32, #tpu.memory_space<vmem>> -> memref<1x128xf32, #tpu.memory_space<vmem>>
          %gather3A_155 = tpu.memref_squeeze %gather3A_154 : memref<1x128xf32, #tpu.memory_space<vmem>> -> memref<128xf32, #tpu.memory_space<vmem>>
          %gather3A_156 = tpu.vector_load_idx %gather3A_155[%add3A_152] : memref<128xf32, #tpu.memory_space<vmem>>[vector<16xi32>], vector<16xf32>,
          %swap3A_157 = arith.index_cast %add3A_148 : i32 to index
          %swap3A_158 = arith.constant 0 : index
          %swap3A_159 = tpu.vector_load %arg7[%swap3A_157, %swap3A_158] {strides = array<i32>} : memref<128x16xf32, #tpu.memory_space<vmem>>, vector<16xf32>,
          tpu.vector_store %arg7[%swap3A_157, %swap3A_158], %gather3A_156 {strides = array<i32>} : memref<128x16xf32, #tpu.memory_space<vmem>>, vector<16xf32>,
          %scan3A_160 = arith.constant 2 : i32
          %scan3A_161 = arith.addi %scan3A_129, %scan3A_160 : i32
          %mul3A_162 = arith.constant 1 : i32
          %mul3A_163 = arith.muli %scan3A_161, %mul3A_162 : i32
          %add3A_164 = arith.constant 0 : i32
          %add3A_165 = arith.addi %add3A_164, %mul3A_163 : i32
          %broadcast_in_dim3A_166 = arith.constant 0 : i32
          %broadcast_in_dim3A_167 = vector.broadcast %broadcast_in_dim3A_166 : i32 to vector<16xi32>
          %add3A_168 = vector.broadcast %add3A_165 : i32 to vector<16xi32>
          %add3A_169 = arith.addi %broadcast_in_dim3A_167, %add3A_168 : vector<16xi32>
          %gather3A_170 = arith.constant 0 : i32
          %gather3A_171 = tpu.memref_slice %arg12[%add3A_69, %gather3A_170] : memref<28x128xf32, #tpu.memory_space<vmem>> -> memref<1x128xf32, #tpu.memory_space<vmem>>
          %gather3A_172 = tpu.memref_squeeze %gather3A_171 : memref<1x128xf32, #tpu.memory_space<vmem>> -> memref<128xf32, #tpu.memory_space<vmem>>
          %gather3A_173 = tpu.vector_load_idx %gather3A_172[%add3A_169] : memref<128xf32, #tpu.memory_space<vmem>>[vector<16xi32>], vector<16xf32>,
          %swap3A_174 = arith.index_cast %add3A_165 : i32 to index
          %swap3A_175 = arith.constant 0 : index
          %swap3A_176 = tpu.vector_load %arg7[%swap3A_174, %swap3A_175] {strides = array<i32>} : memref<128x16xf32, #tpu.memory_space<vmem>>, vector<16xf32>,
          tpu.vector_store %arg7[%swap3A_174, %swap3A_175], %gather3A_173 {strides = array<i32>} : memref<128x16xf32, #tpu.memory_space<vmem>>, vector<16xf32>,
          %scan3A_177 = arith.constant 3 : i32
          %scan3A_178 = arith.addi %scan3A_129, %scan3A_177 : i32
          %mul3A_179 = arith.constant 1 : i32
          %mul3A_180 = arith.muli %scan3A_178, %mul3A_179 : i32
          %add3A_181 = arith.constant 0 : i32
          %add3A_182 = arith.addi %add3A_181, %mul3A_180 : i32
          %broadcast_in_dim3A_183 = arith.constant 0 : i32
          %broadcast_in_dim3A_184 = vector.broadcast %broadcast_in_dim3A_183 : i32 to vector<16xi32>
          %add3A_185 = vector.broadcast %add3A_182 : i32 to vector<16xi32>
          %add3A_186 = arith.addi %broadcast_in_dim3A_184, %add3A_185 : vector<16xi32>
          %gather3A_187 = arith.constant 0 : i32
          %gather3A_188 = tpu.memref_slice %arg12[%add3A_69, %gather3A_187] : memref<28x128xf32, #tpu.memory_space<vmem>> -> memref<1x128xf32, #tpu.memory_space<vmem>>
          %gather3A_189 = tpu.memref_squeeze %gather3A_188 : memref<1x128xf32, #tpu.memory_space<vmem>> -> memref<128xf32, #tpu.memory_space<vmem>>
          %gather3A_190 = tpu.vector_load_idx %gather3A_189[%add3A_186] : memref<128xf32, #tpu.memory_space<vmem>>[vector<16xi32>], vector<16xf32>,
          %swap3A_191 = arith.index_cast %add3A_182 : i32 to index
          %swap3A_192 = arith.constant 0 : index
          %swap3A_193 = tpu.vector_load %arg7[%swap3A_191, %swap3A_192] {strides = array<i32>} : memref<128x16xf32, #tpu.memory_space<vmem>>, vector<16xf32>,
          tpu.vector_store %arg7[%swap3A_191, %swap3A_192], %gather3A_190 {strides = array<i32>} : memref<128x16xf32, #tpu.memory_space<vmem>>, vector<16xf32>,
        }
        %scan3A_74 = arith.constant 128 : i32
        %dma_start3A_75 = arith.constant 0 : i32
        %dma_start3A_76 = tpu.memref_slice %arg11[%add3A_69, %dma_start3A_75] : memref<28x128xi32, #tpu.memory_space<vmem>> -> memref<1x128xi32, #tpu.memory_space<vmem>>
        %dma_start3A_77 = tpu.memref_squeeze %dma_start3A_76 : memref<1x128xi32, #tpu.memory_space<vmem>> -> memref<128xi32, #tpu.memory_space<vmem>>
        %dma_start3A_78 = arith.constant 0 : i32
        %dma_start3A_79 = arith.constant 0 : i32
        %dma_start3A_80 = tpu.memref_slice %arg14[%dma_start3A_78, %dma_start3A_79] : memref<50176x16xf32, #tpu.memory_space<vmem_shared>> -> memref<50176x16xf32, #tpu.memory_space<vmem_shared>>
        tpu.enqueue_indirect_dma source(%arg7 : memref<128x16xf32, #tpu.memory_space<vmem>>) target(%dma_start3A_80 : memref<50176x16xf32, #tpu.memory_space<vmem_shared>>) offsets(%dma_start3A_77 : memref<128xi32, #tpu.memory_space<vmem>>) semaphore(%arg16 : memref<!tpu.dma_semaphore, #tpu.memory_space<semaphore_mem>>) {add = true}
        %add3A_81 = arith.constant 1 : i32
        %add3A_82 = arith.addi %add3A_69, %add3A_81 : i32
        %scan3A_83 = arith.constant 0 : i32
        %scan3A_84 = arith.constant 128 : i32
        %scan3A_85 = arith.addi %scan3A_83, %scan3A_84 : i32
        %scan3A_86 = arith.constant 4 : i32
        scf.for %scan3A_129 = %scan3A_83 to %scan3A_85 step %scan3A_86  : i32 {
          %mul3A_130 = arith.constant 1 : i32
          %mul3A_131 = arith.muli %scan3A_129, %mul3A_130 : i32
          %add3A_132 = arith.constant 0 : i32
          %add3A_133 = arith.addi %add3A_132, %mul3A_131 : i32
          %broadcast_in_dim3A_134 = arith.constant 0 : i32
          %broadcast_in_dim3A_135 = vector.broadcast %broadcast_in_dim3A_134 : i32 to vector<16xi32>
          %add3A_136 = vector.broadcast %add3A_133 : i32 to vector<16xi32>
          %add3A_137 = arith.addi %broadcast_in_dim3A_135, %add3A_136 : vector<16xi32>
          %gather3A = arith.constant 0 : i32
          %gather3A_138 = tpu.memref_slice %arg12[%add3A_82, %gather3A] : memref<28x128xf32, #tpu.memory_space<vmem>> -> memref<1x128xf32, #tpu.memory_space<vmem>>
          %gather3A_139 = tpu.memref_squeeze %gather3A_138 : memref<1x128xf32, #tpu.memory_space<vmem>> -> memref<128xf32, #tpu.memory_space<vmem>>
          %gather3A_140 = tpu.vector_load_idx %gather3A_139[%add3A_137] : memref<128xf32, #tpu.memory_space<vmem>>[vector<16xi32>], vector<16xf32>,
          %swap3A = arith.index_cast %add3A_133 : i32 to index
          %swap3A_141 = arith.constant 0 : index
          %swap3A_142 = tpu.vector_load %arg8[%swap3A, %swap3A_141] {strides = array<i32>} : memref<128x16xf32, #tpu.memory_space<vmem>>, vector<16xf32>,
          tpu.vector_store %arg8[%swap3A, %swap3A_141], %gather3A_140 {strides = array<i32>} : memref<128x16xf32, #tpu.memory_space<vmem>>, vector<16xf32>,
          %scan3A_143 = arith.constant 1 : i32
          %scan3A_144 = arith.addi %scan3A_129, %scan3A_143 : i32
          %mul3A_145 = arith.constant 1 : i32
          %mul3A_146 = arith.muli %scan3A_144, %mul3A_145 : i32
          %add3A_147 = arith.constant 0 : i32
          %add3A_148 = arith.addi %add3A_147, %mul3A_146 : i32
          %broadcast_in_dim3A_149 = arith.constant 0 : i32
          %broadcast_in_dim3A_150 = vector.broadcast %broadcast_in_dim3A_149 : i32 to vector<16xi32>
          %add3A_151 = vector.broadcast %add3A_148 : i32 to vector<16xi32>
          %add3A_152 = arith.addi %broadcast_in_dim3A_150, %add3A_151 : vector<16xi32>
          %gather3A_153 = arith.constant 0 : i32
          %gather3A_154 = tpu.memref_slice %arg12[%add3A_82, %gather3A_153] : memref<28x128xf32, #tpu.memory_space<vmem>> -> memref<1x128xf32, #tpu.memory_space<vmem>>
          %gather3A_155 = tpu.memref_squeeze %gather3A_154 : memref<1x128xf32, #tpu.memory_space<vmem>> -> memref<128xf32, #tpu.memory_space<vmem>>
          %gather3A_156 = tpu.vector_load_idx %gather3A_155[%add3A_152] : memref<128xf32, #tpu.memory_space<vmem>>[vector<16xi32>], vector<16xf32>,
          %swap3A_157 = arith.index_cast %add3A_148 : i32 to index
          %swap3A_158 = arith.constant 0 : index
          %swap3A_159 = tpu.vector_load %arg8[%swap3A_157, %swap3A_158] {strides = array<i32>} : memref<128x16xf32, #tpu.memory_space<vmem>>, vector<16xf32>,
          tpu.vector_store %arg8[%swap3A_157, %swap3A_158], %gather3A_156 {strides = array<i32>} : memref<128x16xf32, #tpu.memory_space<vmem>>, vector<16xf32>,
          %scan3A_160 = arith.constant 2 : i32
          %scan3A_161 = arith.addi %scan3A_129, %scan3A_160 : i32
          %mul3A_162 = arith.constant 1 : i32
          %mul3A_163 = arith.muli %scan3A_161, %mul3A_162 : i32
          %add3A_164 = arith.constant 0 : i32
          %add3A_165 = arith.addi %add3A_164, %mul3A_163 : i32
          %broadcast_in_dim3A_166 = arith.constant 0 : i32
          %broadcast_in_dim3A_167 = vector.broadcast %broadcast_in_dim3A_166 : i32 to vector<16xi32>
          %add3A_168 = vector.broadcast %add3A_165 : i32 to vector<16xi32>
          %add3A_169 = arith.addi %broadcast_in_dim3A_167, %add3A_168 : vector<16xi32>
          %gather3A_170 = arith.constant 0 : i32
          %gather3A_171 = tpu.memref_slice %arg12[%add3A_82, %gather3A_170] : memref<28x128xf32, #tpu.memory_space<vmem>> -> memref<1x128xf32, #tpu.memory_space<vmem>>
          %gather3A_172 = tpu.memref_squeeze %gather3A_171 : memref<1x128xf32, #tpu.memory_space<vmem>> -> memref<128xf32, #tpu.memory_space<vmem>>
          %gather3A_173 = tpu.vector_load_idx %gather3A_172[%add3A_169] : memref<128xf32, #tpu.memory_space<vmem>>[vector<16xi32>], vector<16xf32>,
          %swap3A_174 = arith.index_cast %add3A_165 : i32 to index
          %swap3A_175 = arith.constant 0 : index
          %swap3A_176 = tpu.vector_load %arg8[%swap3A_174, %swap3A_175] {strides = array<i32>} : memref<128x16xf32, #tpu.memory_space<vmem>>, vector<16xf32>,
          tpu.vector_store %arg8[%swap3A_174, %swap3A_175], %gather3A_173 {strides = array<i32>} : memref<128x16xf32, #tpu.memory_space<vmem>>, vector<16xf32>,
          %scan3A_177 = arith.constant 3 : i32
          %scan3A_178 = arith.addi %scan3A_129, %scan3A_177 : i32
          %mul3A_179 = arith.constant 1 : i32
          %mul3A_180 = arith.muli %scan3A_178, %mul3A_179 : i32
          %add3A_181 = arith.constant 0 : i32
          %add3A_182 = arith.addi %add3A_181, %mul3A_180 : i32
          %broadcast_in_dim3A_183 = arith.constant 0 : i32
          %broadcast_in_dim3A_184 = vector.broadcast %broadcast_in_dim3A_183 : i32 to vector<16xi32>
          %add3A_185 = vector.broadcast %add3A_182 : i32 to vector<16xi32>
          %add3A_186 = arith.addi %broadcast_in_dim3A_184, %add3A_185 : vector<16xi32>
          %gather3A_187 = arith.constant 0 : i32
          %gather3A_188 = tpu.memref_slice %arg12[%add3A_82, %gather3A_187] : memref<28x128xf32, #tpu.memory_space<vmem>> -> memref<1x128xf32, #tpu.memory_space<vmem>>
          %gather3A_189 = tpu.memref_squeeze %gather3A_188 : memref<1x128xf32, #tpu.memory_space<vmem>> -> memref<128xf32, #tpu.memory_space<vmem>>
          %gather3A_190 = tpu.vector_load_idx %gather3A_189[%add3A_186] : memref<128xf32, #tpu.memory_space<vmem>>[vector<16xi32>], vector<16xf32>,
          %swap3A_191 = arith.index_cast %add3A_182 : i32 to index
          %swap3A_192 = arith.constant 0 : index
          %swap3A_193 = tpu.vector_load %arg8[%swap3A_191, %swap3A_192] {strides = array<i32>} : memref<128x16xf32, #tpu.memory_space<vmem>>, vector<16xf32>,
          tpu.vector_store %arg8[%swap3A_191, %swap3A_192], %gather3A_190 {strides = array<i32>} : memref<128x16xf32, #tpu.memory_space<vmem>>, vector<16xf32>,
        }
        %scan3A_87 = arith.constant 128 : i32
        %dma_wait3A_88 = arith.constant 0 : i32
        %dma_wait3A_89 = tpu.memref_slice %arg11[%add3A_69, %dma_wait3A_88] : memref<28x128xi32, #tpu.memory_space<vmem>> -> memref<1x128xi32, #tpu.memory_space<vmem>>
        %dma_wait3A_90 = tpu.memref_squeeze %dma_wait3A_89 : memref<1x128xi32, #tpu.memory_space<vmem>> -> memref<128xi32, #tpu.memory_space<vmem>>
        %dma_wait3A_91 = arith.constant 0 : i32
        %dma_wait3A_92 = arith.constant 0 : i32
        %dma_wait3A_93 = tpu.memref_slice %arg14[%dma_wait3A_91, %dma_wait3A_92] : memref<50176x16xf32, #tpu.memory_space<vmem_shared>> -> memref<50176x16xf32, #tpu.memory_space<vmem_shared>>
        tpu.wait_indirect_dma semaphore(%arg16 : memref<!tpu.dma_semaphore, #tpu.memory_space<semaphore_mem>>) src(%arg7 : memref<128x16xf32, #tpu.memory_space<vmem>>) dst(%dma_wait3A_93 : memref<50176x16xf32, #tpu.memory_space<vmem_shared>>)
        %add3A_94 = arith.constant 1 : i32
        %add3A_95 = arith.addi %add3A_69, %add3A_94 : i32
        %dma_start3A_96 = arith.constant 0 : i32
        %dma_start3A_97 = tpu.memref_slice %arg11[%add3A_95, %dma_start3A_96] : memref<28x128xi32, #tpu.memory_space<vmem>> -> memref<1x128xi32, #tpu.memory_space<vmem>>
        %dma_start3A_98 = tpu.memref_squeeze %dma_start3A_97 : memref<1x128xi32, #tpu.memory_space<vmem>> -> memref<128xi32, #tpu.memory_space<vmem>>
        %dma_start3A_99 = arith.constant 0 : i32
        %dma_start3A_100 = arith.constant 0 : i32
        %dma_start3A_101 = tpu.memref_slice %arg14[%dma_start3A_99, %dma_start3A_100] : memref<50176x16xf32, #tpu.memory_space<vmem_shared>> -> memref<50176x16xf32, #tpu.memory_space<vmem_shared>>
        tpu.enqueue_indirect_dma source(%arg8 : memref<128x16xf32, #tpu.memory_space<vmem>>) target(%dma_start3A_101 : memref<50176x16xf32, #tpu.memory_space<vmem_shared>>) offsets(%dma_start3A_98 : memref<128xi32, #tpu.memory_space<vmem>>) semaphore(%arg17 : memref<!tpu.dma_semaphore, #tpu.memory_space<semaphore_mem>>) {add = true}
        %add3A_102 = arith.constant 2 : i32
        %add3A_103 = arith.addi %add3A_69, %add3A_102 : i32
        %scan3A_104 = arith.constant 0 : i32
        %scan3A_105 = arith.constant 128 : i32
        %scan3A_106 = arith.addi %scan3A_104, %scan3A_105 : i32
        %scan3A_107 = arith.constant 4 : i32
        scf.for %scan3A_129 = %scan3A_104 to %scan3A_106 step %scan3A_107  : i32 {
          %mul3A_130 = arith.constant 1 : i32
          %mul3A_131 = arith.muli %scan3A_129, %mul3A_130 : i32
          %add3A_132 = arith.constant 0 : i32
          %add3A_133 = arith.addi %add3A_132, %mul3A_131 : i32
          %broadcast_in_dim3A_134 = arith.constant 0 : i32
          %broadcast_in_dim3A_135 = vector.broadcast %broadcast_in_dim3A_134 : i32 to vector<16xi32>
          %add3A_136 = vector.broadcast %add3A_133 : i32 to vector<16xi32>
          %add3A_137 = arith.addi %broadcast_in_dim3A_135, %add3A_136 : vector<16xi32>
          %gather3A = arith.constant 0 : i32
          %gather3A_138 = tpu.memref_slice %arg12[%add3A_103, %gather3A] : memref<28x128xf32, #tpu.memory_space<vmem>> -> memref<1x128xf32, #tpu.memory_space<vmem>>
          %gather3A_139 = tpu.memref_squeeze %gather3A_138 : memref<1x128xf32, #tpu.memory_space<vmem>> -> memref<128xf32, #tpu.memory_space<vmem>>
          %gather3A_140 = tpu.vector_load_idx %gather3A_139[%add3A_137] : memref<128xf32, #tpu.memory_space<vmem>>[vector<16xi32>], vector<16xf32>,
          %swap3A = arith.index_cast %add3A_133 : i32 to index
          %swap3A_141 = arith.constant 0 : index
          %swap3A_142 = tpu.vector_load %arg9[%swap3A, %swap3A_141] {strides = array<i32>} : memref<128x16xf32, #tpu.memory_space<vmem>>, vector<16xf32>,
          tpu.vector_store %arg9[%swap3A, %swap3A_141], %gather3A_140 {strides = array<i32>} : memref<128x16xf32, #tpu.memory_space<vmem>>, vector<16xf32>,
          %scan3A_143 = arith.constant 1 : i32
          %scan3A_144 = arith.addi %scan3A_129, %scan3A_143 : i32
          %mul3A_145 = arith.constant 1 : i32
          %mul3A_146 = arith.muli %scan3A_144, %mul3A_145 : i32
          %add3A_147 = arith.constant 0 : i32
          %add3A_148 = arith.addi %add3A_147, %mul3A_146 : i32
          %broadcast_in_dim3A_149 = arith.constant 0 : i32
          %broadcast_in_dim3A_150 = vector.broadcast %broadcast_in_dim3A_149 : i32 to vector<16xi32>
          %add3A_151 = vector.broadcast %add3A_148 : i32 to vector<16xi32>
          %add3A_152 = arith.addi %broadcast_in_dim3A_150, %add3A_151 : vector<16xi32>
          %gather3A_153 = arith.constant 0 : i32
          %gather3A_154 = tpu.memref_slice %arg12[%add3A_103, %gather3A_153] : memref<28x128xf32, #tpu.memory_space<vmem>> -> memref<1x128xf32, #tpu.memory_space<vmem>>
          %gather3A_155 = tpu.memref_squeeze %gather3A_154 : memref<1x128xf32, #tpu.memory_space<vmem>> -> memref<128xf32, #tpu.memory_space<vmem>>
          %gather3A_156 = tpu.vector_load_idx %gather3A_155[%add3A_152] : memref<128xf32, #tpu.memory_space<vmem>>[vector<16xi32>], vector<16xf32>,
          %swap3A_157 = arith.index_cast %add3A_148 : i32 to index
          %swap3A_158 = arith.constant 0 : index
          %swap3A_159 = tpu.vector_load %arg9[%swap3A_157, %swap3A_158] {strides = array<i32>} : memref<128x16xf32, #tpu.memory_space<vmem>>, vector<16xf32>,
          tpu.vector_store %arg9[%swap3A_157, %swap3A_158], %gather3A_156 {strides = array<i32>} : memref<128x16xf32, #tpu.memory_space<vmem>>, vector<16xf32>,
          %scan3A_160 = arith.constant 2 : i32
          %scan3A_161 = arith.addi %scan3A_129, %scan3A_160 : i32
          %mul3A_162 = arith.constant 1 : i32
          %mul3A_163 = arith.muli %scan3A_161, %mul3A_162 : i32
          %add3A_164 = arith.constant 0 : i32
          %add3A_165 = arith.addi %add3A_164, %mul3A_163 : i32
          %broadcast_in_dim3A_166 = arith.constant 0 : i32
          %broadcast_in_dim3A_167 = vector.broadcast %broadcast_in_dim3A_166 : i32 to vector<16xi32>
          %add3A_168 = vector.broadcast %add3A_165 : i32 to vector<16xi32>
          %add3A_169 = arith.addi %broadcast_in_dim3A_167, %add3A_168 : vector<16xi32>
          %gather3A_170 = arith.constant 0 : i32
          %gather3A_171 = tpu.memref_slice %arg12[%add3A_103, %gather3A_170] : memref<28x128xf32, #tpu.memory_space<vmem>> -> memref<1x128xf32, #tpu.memory_space<vmem>>
          %gather3A_172 = tpu.memref_squeeze %gather3A_171 : memref<1x128xf32, #tpu.memory_space<vmem>> -> memref<128xf32, #tpu.memory_space<vmem>>
          %gather3A_173 = tpu.vector_load_idx %gather3A_172[%add3A_169] : memref<128xf32, #tpu.memory_space<vmem>>[vector<16xi32>], vector<16xf32>,
          %swap3A_174 = arith.index_cast %add3A_165 : i32 to index
          %swap3A_175 = arith.constant 0 : index
          %swap3A_176 = tpu.vector_load %arg9[%swap3A_174, %swap3A_175] {strides = array<i32>} : memref<128x16xf32, #tpu.memory_space<vmem>>, vector<16xf32>,
          tpu.vector_store %arg9[%swap3A_174, %swap3A_175], %gather3A_173 {strides = array<i32>} : memref<128x16xf32, #tpu.memory_space<vmem>>, vector<16xf32>,
          %scan3A_177 = arith.constant 3 : i32
          %scan3A_178 = arith.addi %scan3A_129, %scan3A_177 : i32
          %mul3A_179 = arith.constant 1 : i32
          %mul3A_180 = arith.muli %scan3A_178, %mul3A_179 : i32
          %add3A_181 = arith.constant 0 : i32
          %add3A_182 = arith.addi %add3A_181, %mul3A_180 : i32
          %broadcast_in_dim3A_183 = arith.constant 0 : i32
          %broadcast_in_dim3A_184 = vector.broadcast %broadcast_in_dim3A_183 : i32 to vector<16xi32>
          %add3A_185 = vector.broadcast %add3A_182 : i32 to vector<16xi32>
          %add3A_186 = arith.addi %broadcast_in_dim3A_184, %add3A_185 : vector<16xi32>
          %gather3A_187 = arith.constant 0 : i32
          %gather3A_188 = tpu.memref_slice %arg12[%add3A_103, %gather3A_187] : memref<28x128xf32, #tpu.memory_space<vmem>> -> memref<1x128xf32, #tpu.memory_space<vmem>>
          %gather3A_189 = tpu.memref_squeeze %gather3A_188 : memref<1x128xf32, #tpu.memory_space<vmem>> -> memref<128xf32, #tpu.memory_space<vmem>>
          %gather3A_190 = tpu.vector_load_idx %gather3A_189[%add3A_186] : memref<128xf32, #tpu.memory_space<vmem>>[vector<16xi32>], vector<16xf32>,
          %swap3A_191 = arith.index_cast %add3A_182 : i32 to index
          %swap3A_192 = arith.constant 0 : index
          %swap3A_193 = tpu.vector_load %arg9[%swap3A_191, %swap3A_192] {strides = array<i32>} : memref<128x16xf32, #tpu.memory_space<vmem>>, vector<16xf32>,
          tpu.vector_store %arg9[%swap3A_191, %swap3A_192], %gather3A_190 {strides = array<i32>} : memref<128x16xf32, #tpu.memory_space<vmem>>, vector<16xf32>,
        }
        %scan3A_108 = arith.constant 128 : i32
        %dma_wait3A_109 = arith.constant 0 : i32
        %dma_wait3A_110 = tpu.memref_slice %arg11[%add3A_95, %dma_wait3A_109] : memref<28x128xi32, #tpu.memory_space<vmem>> -> memref<1x128xi32, #tpu.memory_space<vmem>>
        %dma_wait3A_111 = tpu.memref_squeeze %dma_wait3A_110 : memref<1x128xi32, #tpu.memory_space<vmem>> -> memref<128xi32, #tpu.memory_space<vmem>>
        %dma_wait3A_112 = arith.constant 0 : i32
        %dma_wait3A_113 = arith.constant 0 : i32
        %dma_wait3A_114 = tpu.memref_slice %arg14[%dma_wait3A_112, %dma_wait3A_113] : memref<50176x16xf32, #tpu.memory_space<vmem_shared>> -> memref<50176x16xf32, #tpu.memory_space<vmem_shared>>
        tpu.wait_indirect_dma semaphore(%arg17 : memref<!tpu.dma_semaphore, #tpu.memory_space<semaphore_mem>>) src(%arg8 : memref<128x16xf32, #tpu.memory_space<vmem>>) dst(%dma_wait3A_114 : memref<50176x16xf32, #tpu.memory_space<vmem_shared>>)
        %add3A_115 = arith.constant 2 : i32
        %add3A_116 = arith.addi %add3A_69, %add3A_115 : i32
        %dma_start3A_117 = arith.constant 0 : i32
        %dma_start3A_118 = tpu.memref_slice %arg11[%add3A_116, %dma_start3A_117] : memref<28x128xi32, #tpu.memory_space<vmem>> -> memref<1x128xi32, #tpu.memory_space<vmem>>
        %dma_start3A_119 = tpu.memref_squeeze %dma_start3A_118 : memref<1x128xi32, #tpu.memory_space<vmem>> -> memref<128xi32, #tpu.memory_space<vmem>>
        %dma_start3A_120 = arith.constant 0 : i32
        %dma_start3A_121 = arith.constant 0 : i32
        %dma_start3A_122 = tpu.memref_slice %arg14[%dma_start3A_120, %dma_start3A_121] : memref<50176x16xf32, #tpu.memory_space<vmem_shared>> -> memref<50176x16xf32, #tpu.memory_space<vmem_shared>>
        tpu.enqueue_indirect_dma source(%arg9 : memref<128x16xf32, #tpu.memory_space<vmem>>) target(%dma_start3A_122 : memref<50176x16xf32, #tpu.memory_space<vmem_shared>>) offsets(%dma_start3A_119 : memref<128xi32, #tpu.memory_space<vmem>>) semaphore(%arg18 : memref<!tpu.dma_semaphore, #tpu.memory_space<semaphore_mem>>) {add = true}
        %dma_wait3A_123 = arith.constant 0 : i32
        %dma_wait3A_124 = tpu.memref_slice %arg11[%add3A_116, %dma_wait3A_123] : memref<28x128xi32, #tpu.memory_space<vmem>> -> memref<1x128xi32, #tpu.memory_space<vmem>>
        %dma_wait3A_125 = tpu.memref_squeeze %dma_wait3A_124 : memref<1x128xi32, #tpu.memory_space<vmem>> -> memref<128xi32, #tpu.memory_space<vmem>>
        %dma_wait3A_126 = arith.constant 0 : i32
        %dma_wait3A_127 = arith.constant 0 : i32
        %dma_wait3A_128 = tpu.memref_slice %arg14[%dma_wait3A_126, %dma_wait3A_127] : memref<50176x16xf32, #tpu.memory_space<vmem_shared>> -> memref<50176x16xf32, #tpu.memory_space<vmem_shared>>
        tpu.wait_indirect_dma semaphore(%arg18 : memref<!tpu.dma_semaphore, #tpu.memory_space<semaphore_mem>>) src(%arg9 : memref<128x16xf32, #tpu.memory_space<vmem>>) dst(%dma_wait3A_128 : memref<50176x16xf32, #tpu.memory_space<vmem_shared>>)
      }
      %scan3A_46 = arith.constant 9 : i32
      %scan3A_47 = arith.constant 27 : i32
      %scan3A_48 = arith.constant 0 : i32
      %scan3A_49 = arith.constant 128 : i32
      %scan3A_50 = arith.addi %scan3A_48, %scan3A_49 : i32
      %scan3A_51 = arith.constant 4 : i32
      scf.for %scan3A_65 = %scan3A_48 to %scan3A_50 step %scan3A_51  : i32 {
        %mul3A_66 = arith.constant 1 : i32
        %mul3A_67 = arith.muli %scan3A_65, %mul3A_66 : i32
        %add3A_68 = arith.constant 0 : i32
        %add3A_69 = arith.addi %add3A_68, %mul3A_67 : i32
        %broadcast_in_dim3A_70 = arith.constant 0 : i32
        %broadcast_in_dim3A_71 = vector.broadcast %broadcast_in_dim3A_70 : i32 to vector<16xi32>
        %add3A_72 = vector.broadcast %add3A_69 : i32 to vector<16xi32>
        %add3A_73 = arith.addi %broadcast_in_dim3A_71, %add3A_72 : vector<16xi32>
        %gather3A = arith.constant 0 : i32
        %gather3A_74 = tpu.memref_slice %arg12[%scan3A_47, %gather3A] : memref<28x128xf32, #tpu.memory_space<vmem>> -> memref<1x128xf32, #tpu.memory_space<vmem>>
        %gather3A_75 = tpu.memref_squeeze %gather3A_74 : memref<1x128xf32, #tpu.memory_space<vmem>> -> memref<128xf32, #tpu.memory_space<vmem>>
        %gather3A_76 = tpu.vector_load_idx %gather3A_75[%add3A_73] : memref<128xf32, #tpu.memory_space<vmem>>[vector<16xi32>], vector<16xf32>,
        %swap3A = arith.index_cast %add3A_69 : i32 to index
        %swap3A_77 = arith.constant 0 : index
        %swap3A_78 = tpu.vector_load %arg7[%swap3A, %swap3A_77] {strides = array<i32>} : memref<128x16xf32, #tpu.memory_space<vmem>>, vector<16xf32>,
        tpu.vector_store %arg7[%swap3A, %swap3A_77], %gather3A_76 {strides = array<i32>} : memref<128x16xf32, #tpu.memory_space<vmem>>, vector<16xf32>,
        %scan3A_79 = arith.constant 1 : i32
        %scan3A_80 = arith.addi %scan3A_65, %scan3A_79 : i32
        %mul3A_81 = arith.constant 1 : i32
        %mul3A_82 = arith.muli %scan3A_80, %mul3A_81 : i32
        %add3A_83 = arith.constant 0 : i32
        %add3A_84 = arith.addi %add3A_83, %mul3A_82 : i32
        %broadcast_in_dim3A_85 = arith.constant 0 : i32
        %broadcast_in_dim3A_86 = vector.broadcast %broadcast_in_dim3A_85 : i32 to vector<16xi32>
        %add3A_87 = vector.broadcast %add3A_84 : i32 to vector<16xi32>
        %add3A_88 = arith.addi %broadcast_in_dim3A_86, %add3A_87 : vector<16xi32>
        %gather3A_89 = arith.constant 0 : i32
        %gather3A_90 = tpu.memref_slice %arg12[%scan3A_47, %gather3A_89] : memref<28x128xf32, #tpu.memory_space<vmem>> -> memref<1x128xf32, #tpu.memory_space<vmem>>
        %gather3A_91 = tpu.memref_squeeze %gather3A_90 : memref<1x128xf32, #tpu.memory_space<vmem>> -> memref<128xf32, #tpu.memory_space<vmem>>
        %gather3A_92 = tpu.vector_load_idx %gather3A_91[%add3A_88] : memref<128xf32, #tpu.memory_space<vmem>>[vector<16xi32>], vector<16xf32>,
        %swap3A_93 = arith.index_cast %add3A_84 : i32 to index
        %swap3A_94 = arith.constant 0 : index
        %swap3A_95 = tpu.vector_load %arg7[%swap3A_93, %swap3A_94] {strides = array<i32>} : memref<128x16xf32, #tpu.memory_space<vmem>>, vector<16xf32>,
        tpu.vector_store %arg7[%swap3A_93, %swap3A_94], %gather3A_92 {strides = array<i32>} : memref<128x16xf32, #tpu.memory_space<vmem>>, vector<16xf32>,
        %scan3A_96 = arith.constant 2 : i32
        %scan3A_97 = arith.addi %scan3A_65, %scan3A_96 : i32
        %mul3A_98 = arith.constant 1 : i32
        %mul3A_99 = arith.muli %scan3A_97, %mul3A_98 : i32
        %add3A_100 = arith.constant 0 : i32
        %add3A_101 = arith.addi %add3A_100, %mul3A_99 : i32
        %broadcast_in_dim3A_102 = arith.constant 0 : i32
        %broadcast_in_dim3A_103 = vector.broadcast %broadcast_in_dim3A_102 : i32 to vector<16xi32>
        %add3A_104 = vector.broadcast %add3A_101 : i32 to vector<16xi32>
        %add3A_105 = arith.addi %broadcast_in_dim3A_103, %add3A_104 : vector<16xi32>
        %gather3A_106 = arith.constant 0 : i32
        %gather3A_107 = tpu.memref_slice %arg12[%scan3A_47, %gather3A_106] : memref<28x128xf32, #tpu.memory_space<vmem>> -> memref<1x128xf32, #tpu.memory_space<vmem>>
        %gather3A_108 = tpu.memref_squeeze %gather3A_107 : memref<1x128xf32, #tpu.memory_space<vmem>> -> memref<128xf32, #tpu.memory_space<vmem>>
        %gather3A_109 = tpu.vector_load_idx %gather3A_108[%add3A_105] : memref<128xf32, #tpu.memory_space<vmem>>[vector<16xi32>], vector<16xf32>,
        %swap3A_110 = arith.index_cast %add3A_101 : i32 to index
        %swap3A_111 = arith.constant 0 : index
        %swap3A_112 = tpu.vector_load %arg7[%swap3A_110, %swap3A_111] {strides = array<i32>} : memref<128x16xf32, #tpu.memory_space<vmem>>, vector<16xf32>,
        tpu.vector_store %arg7[%swap3A_110, %swap3A_111], %gather3A_109 {strides = array<i32>} : memref<128x16xf32, #tpu.memory_space<vmem>>, vector<16xf32>,
        %scan3A_113 = arith.constant 3 : i32
        %scan3A_114 = arith.addi %scan3A_65, %scan3A_113 : i32
        %mul3A_115 = arith.constant 1 : i32
        %mul3A_116 = arith.muli %scan3A_114, %mul3A_115 : i32
        %add3A_117 = arith.constant 0 : i32
        %add3A_118 = arith.addi %add3A_117, %mul3A_116 : i32
        %broadcast_in_dim3A_119 = arith.constant 0 : i32
        %broadcast_in_dim3A_120 = vector.broadcast %broadcast_in_dim3A_119 : i32 to vector<16xi32>
        %add3A_121 = vector.broadcast %add3A_118 : i32 to vector<16xi32>
        %add3A_122 = arith.addi %broadcast_in_dim3A_120, %add3A_121 : vector<16xi32>
        %gather3A_123 = arith.constant 0 : i32
        %gather3A_124 = tpu.memref_slice %arg12[%scan3A_47, %gather3A_123] : memref<28x128xf32, #tpu.memory_space<vmem>> -> memref<1x128xf32, #tpu.memory_space<vmem>>
        %gather3A_125 = tpu.memref_squeeze %gather3A_124 : memref<1x128xf32, #tpu.memory_space<vmem>> -> memref<128xf32, #tpu.memory_space<vmem>>
        %gather3A_126 = tpu.vector_load_idx %gather3A_125[%add3A_122] : memref<128xf32, #tpu.memory_space<vmem>>[vector<16xi32>], vector<16xf32>,
        %swap3A_127 = arith.index_cast %add3A_118 : i32 to index
        %swap3A_128 = arith.constant 0 : index
        %swap3A_129 = tpu.vector_load %arg7[%swap3A_127, %swap3A_128] {strides = array<i32>} : memref<128x16xf32, #tpu.memory_space<vmem>>, vector<16xf32>,
        tpu.vector_store %arg7[%swap3A_127, %swap3A_128], %gather3A_126 {strides = array<i32>} : memref<128x16xf32, #tpu.memory_space<vmem>>, vector<16xf32>,
      }
      %scan3A_52 = arith.constant 128 : i32
      %dma_start3A = arith.constant 27 : i32
      %dma_start3A_53 = arith.constant 0 : i32
      %dma_start3A_54 = tpu.memref_slice %arg11[%dma_start3A, %dma_start3A_53] : memref<28x128xi32, #tpu.memory_space<vmem>> -> memref<1x128xi32, #tpu.memory_space<vmem>>
      %dma_start3A_55 = tpu.memref_squeeze %dma_start3A_54 : memref<1x128xi32, #tpu.memory_space<vmem>> -> memref<128xi32, #tpu.memory_space<vmem>>
      %dma_start3A_56 = arith.constant 0 : i32
      %dma_start3A_57 = arith.constant 0 : i32
      %dma_start3A_58 = tpu.memref_slice %arg14[%dma_start3A_56, %dma_start3A_57] : memref<50176x16xf32, #tpu.memory_space<vmem_shared>> -> memref<50176x16xf32, #tpu.memory_space<vmem_shared>>
      tpu.enqueue_indirect_dma source(%arg7 : memref<128x16xf32, #tpu.memory_space<vmem>>) target(%dma_start3A_58 : memref<50176x16xf32, #tpu.memory_space<vmem_shared>>) offsets(%dma_start3A_55 : memref<128xi32, #tpu.memory_space<vmem>>) semaphore(%arg16 : memref<!tpu.dma_semaphore, #tpu.memory_space<semaphore_mem>>) {add = true}
      %dma_wait3A = arith.constant 27 : i32
      %dma_wait3A_59 = arith.constant 0 : i32
      %dma_wait3A_60 = tpu.memref_slice %arg11[%dma_wait3A, %dma_wait3A_59] : memref<28x128xi32, #tpu.memory_space<vmem>> -> memref<1x128xi32, #tpu.memory_space<vmem>>
      %dma_wait3A_61 = tpu.memref_squeeze %dma_wait3A_60 : memref<1x128xi32, #tpu.memory_space<vmem>> -> memref<128xi32, #tpu.memory_space<vmem>>
      %dma_wait3A_62 = arith.constant 0 : i32
      %dma_wait3A_63 = arith.constant 0 : i32
      %dma_wait3A_64 = tpu.memref_slice %arg14[%dma_wait3A_62, %dma_wait3A_63] : memref<50176x16xf32, #tpu.memory_space<vmem_shared>> -> memref<50176x16xf32, #tpu.memory_space<vmem_shared>>
      tpu.wait_indirect_dma semaphore(%arg16 : memref<!tpu.dma_semaphore, #tpu.memory_space<semaphore_mem>>) src(%arg7 : memref<128x16xf32, #tpu.memory_space<vmem>>) dst(%dma_wait3A_64 : memref<50176x16xf32, #tpu.memory_space<vmem_shared>>)
    }
    %scan3A_14 = arith.constant 14 : i32
    %barrier3A_15 = arith.constant 0 : index
    tpu.barrier barrier_id(%barrier3A_15)
    %mul3A = arith.constant 3136 : i32
    %mul3A_16 = arith.muli %arg1, %mul3A : i32
    %broadcast_in_dim3A_17 = arith.constant 0 : i32
    %broadcast_in_dim3A_18 = vector.broadcast %broadcast_in_dim3A_17 : i32 to vector<16xi32>
    %scan3A_19 = arith.constant 0 : i32
    %scan3A_20 = arith.constant 28 : i32
    %scan3A_21 = arith.addi %scan3A_19, %scan3A_20 : i32
    %scan3A_22 = arith.constant 1 : i32
    scf.for %scan3A_32 = %scan3A_19 to %scan3A_21 step %scan3A_22  : i32 {
      %mul3A_33 = arith.constant 1 : i32
      %mul3A_34 = arith.muli %scan3A_32, %mul3A_33 : i32
      %add3A_35 = arith.constant 0 : i32
      %add3A_36 = arith.addi %add3A_35, %mul3A_34 : i32
      %mul3A_37 = arith.constant 3136 : i32
      %mul3A_38 = arith.muli %arg1, %mul3A_37 : i32
      %mul3A_39 = arith.constant 112 : i32
      %mul3A_40 = arith.muli %add3A_36, %mul3A_39 : i32
      %add3A_41 = arith.addi %mul3A_38, %mul3A_40 : i32
      "tpu.region"() ({
        %run_scoped3A = tpu.sem_alloc : memref<!tpu.dma_semaphore, #tpu.memory_space<semaphore_mem>>
        %dma_start3A = arith.constant 0 : i32
        %dma_start3A_47 = arith.constant 0 : i32
        %dma_start3A_48 = tpu.memref_slice %arg7[%dma_start3A, %dma_start3A_47] : memref<128x16xf32, #tpu.memory_space<vmem>> -> memref<112x16xf32, #tpu.memory_space<vmem>>
        %dma_start3A_49 = arith.constant 0 : i32
        %dma_start3A_50 = tpu.memref_slice %arg14[%add3A_41, %dma_start3A_49] : memref<50176x16xf32, #tpu.memory_space<vmem_shared>> -> memref<112x16xf32, #tpu.memory_space<vmem_shared>>
        %dma_start3A_51 = arith.constant 0 : i32
        %dma_start3A_52 = arith.constant 0 : i32
        %dma_start3A_53 = tpu.memref_slice %arg7[%dma_start3A_51, %dma_start3A_52] : memref<128x16xf32, #tpu.memory_space<vmem>> -> memref<112x16xf32, #tpu.memory_space<vmem>>
        %dma_start3A_54 = arith.constant 0 : i32
        %dma_start3A_55 = tpu.memref_slice %arg14[%add3A_41, %dma_start3A_54] : memref<50176x16xf32, #tpu.memory_space<vmem_shared>> -> memref<112x16xf32, #tpu.memory_space<vmem_shared>>
        tpu.enqueue_dma source(%dma_start3A_55 : memref<112x16xf32, #tpu.memory_space<vmem_shared>>) target(%dma_start3A_53 : memref<112x16xf32, #tpu.memory_space<vmem>>) target_semaphore(%run_scoped3A : memref<!tpu.dma_semaphore, #tpu.memory_space<semaphore_mem>>)
        %dma_wait3A = arith.constant 0 : i32
        %dma_wait3A_56 = arith.constant 0 : i32
        %dma_wait3A_57 = tpu.memref_slice %arg7[%dma_wait3A, %dma_wait3A_56] : memref<128x16xf32, #tpu.memory_space<vmem>> -> memref<112x16xf32, #tpu.memory_space<vmem>>
        %dma_wait3A_58 = arith.constant 0 : i32
        %dma_wait3A_59 = tpu.memref_slice %arg14[%add3A_41, %dma_wait3A_58] : memref<50176x16xf32, #tpu.memory_space<vmem_shared>> -> memref<112x16xf32, #tpu.memory_space<vmem_shared>>
        %dma_wait3A_60 = arith.constant 0 : i32
        %dma_wait3A_61 = arith.constant 0 : i32
        %dma_wait3A_62 = tpu.memref_slice %arg7[%dma_wait3A_60, %dma_wait3A_61] : memref<128x16xf32, #tpu.memory_space<vmem>> -> memref<112x16xf32, #tpu.memory_space<vmem>>
        %dma_wait3A_63 = arith.constant 0 : i32
        %dma_wait3A_64 = tpu.memref_slice %arg14[%add3A_41, %dma_wait3A_63] : memref<50176x16xf32, #tpu.memory_space<vmem_shared>> -> memref<112x16xf32, #tpu.memory_space<vmem_shared>>
        tpu.wait_dma2 semaphore(%run_scoped3A : memref<!tpu.dma_semaphore, #tpu.memory_space<semaphore_mem>>) src(%dma_wait3A_64 : memref<112x16xf32, #tpu.memory_space<vmem_shared>>) dst(%dma_wait3A_62 : memref<112x16xf32, #tpu.memory_space<vmem>>)
        tpu.yield
      }) : () -> ()
      %scan3A_42 = arith.constant 0 : i32
      %scan3A_43 = arith.constant 7 : i32
      %scan3A_44 = arith.addi %scan3A_42, %scan3A_43 : i32
      %scan3A_45 = arith.constant 1 : i32
      scf.for %scan3A_47 = %scan3A_42 to %scan3A_44 step %scan3A_45  : i32 {
        %mul3A_48 = arith.constant 1 : i32
        %mul3A_49 = arith.muli %scan3A_47, %mul3A_48 : i32
        %add3A_50 = arith.constant 0 : i32
        %add3A_51 = arith.addi %add3A_50, %mul3A_49 : i32
        %mul3A_52 = arith.constant 16 : i32
        %mul3A_53 = arith.muli %add3A_51, %mul3A_52 : i32
        %add3A_54 = vector.broadcast %mul3A_53 : i32 to vector<16xi32>
        %add3A_55 = arith.addi %add3A_54, %iota3A : vector<16xi32>
        %gather3A = tpu.vector_load_idx %arg7[%add3A_55, %broadcast_in_dim3A_18] : memref<128x16xf32, #tpu.memory_space<vmem>>[vector<16xi32>, vector<16xi32>], vector<16xf32>,
        %bitcast3A = vector.bitcast %gather3A : vector<16xf32> to vector<16xi32>
        %shift_right_arithmetic3A = arith.constant 1 : i32
        %shift_right_arithmetic3A_56 = vector.broadcast %shift_right_arithmetic3A : i32 to vector<16xi32>
        %shift_right_arithmetic3A_57 = arith.shrsi %bitcast3A, %shift_right_arithmetic3A_56 : vector<16xi32>
        %sub3A = arith.constant 1597463007 : i32
        %sub3A_58 = vector.broadcast %sub3A : i32 to vector<16xi32>
        %sub3A_59 = arith.subi %sub3A_58, %shift_right_arithmetic3A_57 : vector<16xi32>
        %bitcast3A_60 = vector.bitcast %sub3A_59 : vector<16xi32> to vector<16xf32>
        %mul3A_61 = arith.constant 5.000000e-01 : f32
        %mul3A_62 = vector.broadcast %mul3A_61 : f32 to vector<16xf32>
        %mul3A_63 = arith.mulf %mul3A_62, %gather3A : vector<16xf32>
        %mul3A_64 = arith.mulf %mul3A_63, %bitcast3A_60 : vector<16xf32>
        %mul3A_65 = arith.mulf %mul3A_64, %bitcast3A_60 : vector<16xf32>
        %sub3A_66 = arith.constant 1.500000e+00 : f32
        %sub3A_67 = vector.broadcast %sub3A_66 : f32 to vector<16xf32>
        %sub3A_68 = arith.subf %sub3A_67, %mul3A_65 : vector<16xf32>
        %mul3A_69 = arith.mulf %bitcast3A_60, %sub3A_68 : vector<16xf32>
        %mul3A_70 = arith.constant 5.000000e-01 : f32
        %mul3A_71 = vector.broadcast %mul3A_70 : f32 to vector<16xf32>
        %mul3A_72 = arith.mulf %mul3A_71, %gather3A : vector<16xf32>
        %mul3A_73 = arith.mulf %mul3A_72, %mul3A_69 : vector<16xf32>
        %mul3A_74 = arith.mulf %mul3A_73, %mul3A_69 : vector<16xf32>
        %sub3A_75 = arith.constant 1.500000e+00 : f32
        %sub3A_76 = vector.broadcast %sub3A_75 : f32 to vector<16xf32>
        %sub3A_77 = arith.subf %sub3A_76, %mul3A_74 : vector<16xf32>
        %mul3A_78 = arith.mulf %mul3A_69, %sub3A_77 : vector<16xf32>
        %mul3A_79 = arith.constant 5.000000e-01 : f32
        %mul3A_80 = vector.broadcast %mul3A_79 : f32 to vector<16xf32>
        %mul3A_81 = arith.mulf %mul3A_80, %gather3A : vector<16xf32>
        %mul3A_82 = arith.mulf %mul3A_81, %mul3A_78 : vector<16xf32>
        %mul3A_83 = arith.mulf %mul3A_82, %mul3A_78 : vector<16xf32>
        %sub3A_84 = arith.constant 1.500000e+00 : f32
        %sub3A_85 = vector.broadcast %sub3A_84 : f32 to vector<16xf32>
        %sub3A_86 = arith.subf %sub3A_85, %mul3A_83 : vector<16xf32>
        %mul3A_87 = arith.mulf %mul3A_78, %sub3A_86 : vector<16xf32>
        %gt3A = arith.constant 0.000000e+00 : f32
        %gt3A_88 = vector.broadcast %gt3A : f32 to vector<16xf32>
        %gt3A_89 = arith.cmpf ogt, %gather3A, %gt3A_88 : vector<16xf32>
        %jit3A = arith.constant 0.000000e+00 : f32
        %broadcast_in_dim3A_90 = vector.broadcast %jit3A : f32 to vector<16xf32>
        %select_n3A = arith.select %gt3A_89, %mul3A_87, %broadcast_in_dim3A_90 : vector<16xi1>, vector<16xf32>
        %mul3A_91 = arith.constant 3136 : i32
        %mul3A_92 = arith.muli %arg1, %mul3A_91 : i32
        %mul3A_93 = arith.constant 112 : i32
        %mul3A_94 = arith.muli %add3A_36, %mul3A_93 : i32
        %add3A_95 = arith.addi %mul3A_92, %mul3A_94 : i32
        %mul3A_96 = arith.constant 16 : i32
        %mul3A_97 = arith.muli %add3A_51, %mul3A_96 : i32
        %add3A_98 = arith.addi %add3A_95, %mul3A_97 : i32
        %swap3A = arith.index_cast %add3A_98 : i32 to index
        %swap3A_99 = tpu.vector_load %arg6[%swap3A] {strides = array<i32>} : memref<50176xf32, #tpu.memory_space<vmem>>, vector<16xf32>,
        tpu.vector_store %arg6[%swap3A], %select_n3A {strides = array<i32>} : memref<50176xf32, #tpu.memory_space<vmem>>, vector<16xf32>,
      }
      %scan3A_46 = arith.constant 7 : i32
    }
    %scan3A_23 = arith.constant 28 : i32
    "tpu.region"() ({
      %run_scoped3A = tpu.sem_alloc : memref<!tpu.dma_semaphore, #tpu.memory_space<semaphore_mem>>
      %dma_start3A = tpu.memref_slice %arg6[%mul3A_16] : memref<50176xf32, #tpu.memory_space<vmem>> -> memref<3136xf32, #tpu.memory_space<vmem>>
      %dma_start3A_32 = tpu.memref_slice %arg15[%mul3A_16] : memref<50176xf32, #tpu.memory_space<vmem_shared>> -> memref<3136xf32, #tpu.memory_space<vmem_shared>>
      %dma_start3A_33 = tpu.memref_slice %arg15[%mul3A_16] : memref<50176xf32, #tpu.memory_space<vmem_shared>> -> memref<3136xf32, #tpu.memory_space<vmem_shared>>
      %dma_start3A_34 = tpu.memref_slice %arg6[%mul3A_16] : memref<50176xf32, #tpu.memory_space<vmem>> -> memref<3136xf32, #tpu.memory_space<vmem>>
      tpu.enqueue_dma source(%dma_start3A_34 : memref<3136xf32, #tpu.memory_space<vmem>>) target(%dma_start3A_33 : memref<3136xf32, #tpu.memory_space<vmem_shared>>) target_semaphore(%run_scoped3A : memref<!tpu.dma_semaphore, #tpu.memory_space<semaphore_mem>>)
      %dma_wait3A = tpu.memref_slice %arg6[%mul3A_16] : memref<50176xf32, #tpu.memory_space<vmem>> -> memref<3136xf32, #tpu.memory_space<vmem>>
      %dma_wait3A_35 = tpu.memref_slice %arg15[%mul3A_16] : memref<50176xf32, #tpu.memory_space<vmem_shared>> -> memref<3136xf32, #tpu.memory_space<vmem_shared>>
      %dma_wait3A_36 = tpu.memref_slice %arg15[%mul3A_16] : memref<50176xf32, #tpu.memory_space<vmem_shared>> -> memref<3136xf32, #tpu.memory_space<vmem_shared>>
      %dma_wait3A_37 = tpu.memref_slice %arg6[%mul3A_16] : memref<50176xf32, #tpu.memory_space<vmem>> -> memref<3136xf32, #tpu.memory_space<vmem>>
      tpu.wait_dma2 semaphore(%run_scoped3A : memref<!tpu.dma_semaphore, #tpu.memory_space<semaphore_mem>>) src(%dma_wait3A_37 : memref<3136xf32, #tpu.memory_space<vmem>>) dst(%dma_wait3A_36 : memref<3136xf32, #tpu.memory_space<vmem_shared>>)
      tpu.yield
    }) : () -> ()
    %barrier3A_24 = arith.constant 0 : index
    tpu.barrier barrier_id(%barrier3A_24)
    "tpu.region"() ({
      %run_scoped3A = tpu.sem_alloc : memref<!tpu.dma_semaphore, #tpu.memory_space<semaphore_mem>>
      tpu.enqueue_dma source(%arg15 : memref<50176xf32, #tpu.memory_space<vmem_shared>>) target(%arg6 : memref<50176xf32, #tpu.memory_space<vmem>>) target_semaphore(%run_scoped3A : memref<!tpu.dma_semaphore, #tpu.memory_space<semaphore_mem>>)
      tpu.wait_dma2 semaphore(%run_scoped3A : memref<!tpu.dma_semaphore, #tpu.memory_space<semaphore_mem>>) src(%arg15 : memref<50176xf32, #tpu.memory_space<vmem_shared>>) dst(%arg6 : memref<50176xf32, #tpu.memory_space<vmem>>)
      tpu.yield
    }) : () -> ()
    %mul3A_25 = arith.constant 16 : i32
    %mul3A_26 = arith.muli %arg0, %mul3A_25 : i32
    %add3A = arith.addi %mul3A_26, %arg1 : i32
    %scan3A_27 = arith.constant 0 : i32
    %scan3A_28 = arith.constant 7 : i32
    %scan3A_29 = arith.addi %scan3A_27, %scan3A_28 : i32
    %scan3A_30 = arith.constant 1 : i32
    scf.for %scan3A_32 = %scan3A_27 to %scan3A_29 step %scan3A_30  : i32 {
      %mul3A_33 = arith.constant 1 : i32
      %mul3A_34 = arith.muli %scan3A_32, %mul3A_33 : i32
      %add3A_35 = arith.constant 0 : i32
      %add3A_36 = arith.addi %add3A_35, %mul3A_34 : i32
      %mul3A_37 = arith.constant 196 : i32
      %mul3A_38 = arith.muli %add3A, %mul3A_37 : i32
      %mul3A_39 = arith.constant 28 : i32
      %mul3A_40 = arith.muli %add3A_36, %mul3A_39 : i32
      %add3A_41 = arith.addi %mul3A_38, %mul3A_40 : i32
      "tpu.region"() ({
        %run_scoped3A = tpu.sem_alloc : memref<!tpu.dma_semaphore, #tpu.memory_space<semaphore_mem>>
        %dma_start3A = arith.constant 0 : i32
        %dma_start3A_47 = tpu.memref_slice %arg2[%add3A_41, %dma_start3A] : memref<12544x128xi32, #tpu.memory_space<hbm>> -> memref<28x128xi32, #tpu.memory_space<hbm>>
        %dma_start3A_48 = arith.constant 0 : i32
        %dma_start3A_49 = tpu.memref_slice %arg2[%add3A_41, %dma_start3A_48] : memref<12544x128xi32, #tpu.memory_space<hbm>> -> memref<28x128xi32, #tpu.memory_space<hbm>>
        tpu.enqueue_dma source(%dma_start3A_49 : memref<28x128xi32, #tpu.memory_space<hbm>>) target(%arg10 : memref<28x128xi32, #tpu.memory_space<vmem>>) target_semaphore(%run_scoped3A : memref<!tpu.dma_semaphore, #tpu.memory_space<semaphore_mem>>)
        %dma_wait3A = arith.constant 0 : i32
        %dma_wait3A_50 = tpu.memref_slice %arg2[%add3A_41, %dma_wait3A] : memref<12544x128xi32, #tpu.memory_space<hbm>> -> memref<28x128xi32, #tpu.memory_space<hbm>>
        %dma_wait3A_51 = arith.constant 0 : i32
        %dma_wait3A_52 = tpu.memref_slice %arg2[%add3A_41, %dma_wait3A_51] : memref<12544x128xi32, #tpu.memory_space<hbm>> -> memref<28x128xi32, #tpu.memory_space<hbm>>
        tpu.wait_dma2 semaphore(%run_scoped3A : memref<!tpu.dma_semaphore, #tpu.memory_space<semaphore_mem>>) src(%dma_wait3A_52 : memref<28x128xi32, #tpu.memory_space<hbm>>) dst(%arg10 : memref<28x128xi32, #tpu.memory_space<vmem>>)
        tpu.yield
      }) : () -> ()
      "tpu.region"() ({
        %run_scoped3A = tpu.sem_alloc : memref<!tpu.dma_semaphore, #tpu.memory_space<semaphore_mem>>
        %dma_start3A = arith.constant 0 : i32
        %dma_start3A_47 = tpu.memref_slice %arg3[%add3A_41, %dma_start3A] : memref<6272x128xi32, #tpu.memory_space<hbm>> -> memref<28x128xi32, #tpu.memory_space<hbm>>
        %dma_start3A_48 = arith.constant 0 : i32
        %dma_start3A_49 = tpu.memref_slice %arg3[%add3A_41, %dma_start3A_48] : memref<6272x128xi32, #tpu.memory_space<hbm>> -> memref<28x128xi32, #tpu.memory_space<hbm>>
        tpu.enqueue_dma source(%dma_start3A_49 : memref<28x128xi32, #tpu.memory_space<hbm>>) target(%arg11 : memref<28x128xi32, #tpu.memory_space<vmem>>) target_semaphore(%run_scoped3A : memref<!tpu.dma_semaphore, #tpu.memory_space<semaphore_mem>>)
        %dma_wait3A = arith.constant 0 : i32
        %dma_wait3A_50 = tpu.memref_slice %arg3[%add3A_41, %dma_wait3A] : memref<6272x128xi32, #tpu.memory_space<hbm>> -> memref<28x128xi32, #tpu.memory_space<hbm>>
        %dma_wait3A_51 = arith.constant 0 : i32
        %dma_wait3A_52 = tpu.memref_slice %arg3[%add3A_41, %dma_wait3A_51] : memref<6272x128xi32, #tpu.memory_space<hbm>> -> memref<28x128xi32, #tpu.memory_space<hbm>>
        tpu.wait_dma2 semaphore(%run_scoped3A : memref<!tpu.dma_semaphore, #tpu.memory_space<semaphore_mem>>) src(%dma_wait3A_52 : memref<28x128xi32, #tpu.memory_space<hbm>>) dst(%arg11 : memref<28x128xi32, #tpu.memory_space<vmem>>)
        tpu.yield
      }) : () -> ()
      "tpu.region"() ({
        %run_scoped3A = tpu.sem_alloc : memref<!tpu.dma_semaphore, #tpu.memory_space<semaphore_mem>>
        %dma_start3A = arith.constant 0 : i32
        %dma_start3A_47 = tpu.memref_slice %arg4[%add3A_41, %dma_start3A] : memref<6272x128xf32, #tpu.memory_space<hbm>> -> memref<28x128xf32, #tpu.memory_space<hbm>>
        %dma_start3A_48 = arith.constant 0 : i32
        %dma_start3A_49 = tpu.memref_slice %arg4[%add3A_41, %dma_start3A_48] : memref<6272x128xf32, #tpu.memory_space<hbm>> -> memref<28x128xf32, #tpu.memory_space<hbm>>
        tpu.enqueue_dma source(%dma_start3A_49 : memref<28x128xf32, #tpu.memory_space<hbm>>) target(%arg12 : memref<28x128xf32, #tpu.memory_space<vmem>>) target_semaphore(%run_scoped3A : memref<!tpu.dma_semaphore, #tpu.memory_space<semaphore_mem>>)
        %dma_wait3A = arith.constant 0 : i32
        %dma_wait3A_50 = tpu.memref_slice %arg4[%add3A_41, %dma_wait3A] : memref<6272x128xf32, #tpu.memory_space<hbm>> -> memref<28x128xf32, #tpu.memory_space<hbm>>
        %dma_wait3A_51 = arith.constant 0 : i32
        %dma_wait3A_52 = tpu.memref_slice %arg4[%add3A_41, %dma_wait3A_51] : memref<6272x128xf32, #tpu.memory_space<hbm>> -> memref<28x128xf32, #tpu.memory_space<hbm>>
        tpu.wait_dma2 semaphore(%run_scoped3A : memref<!tpu.dma_semaphore, #tpu.memory_space<semaphore_mem>>) src(%dma_wait3A_52 : memref<28x128xf32, #tpu.memory_space<hbm>>) dst(%arg12 : memref<28x128xf32, #tpu.memory_space<vmem>>)
        tpu.yield
      }) : () -> ()
      %scan3A_42 = arith.constant 0 : i32
      %scan3A_43 = arith.constant 224 : i32
      %scan3A_44 = arith.addi %scan3A_42, %scan3A_43 : i32
      %scan3A_45 = arith.constant 2 : i32
      scf.for %scan3A_47 = %scan3A_42 to %scan3A_44 step %scan3A_45  : i32 {
        %mul3A_48 = arith.constant 1 : i32
        %mul3A_49 = arith.muli %scan3A_47, %mul3A_48 : i32
        %add3A_50 = arith.constant 0 : i32
        %add3A_51 = arith.addi %add3A_50, %mul3A_49 : i32
        %jit3A = arith.constant 8 : i32
        %div3A = arith.divsi %add3A_51, %jit3A : i32
        %sign3A = arith.constant 0 : i32
        %sign3A_52 = arith.cmpi sgt, %add3A_51, %sign3A : i32
        %sign3A_53 = arith.extui %sign3A_52 : i1 to i32
        %sign3A_54 = arith.constant 0 : i32
        %sign3A_55 = arith.cmpi slt, %add3A_51, %sign3A_54 : i32
        %sign3A_56 = arith.extui %sign3A_55 : i1 to i32
        %sign3A_57 = arith.subi %sign3A_53, %sign3A_56 : i32
        %sign3A_58 = arith.constant 0 : i32
        %sign3A_59 = arith.cmpi sgt, %jit3A, %sign3A_58 : i32
        %sign3A_60 = arith.extui %sign3A_59 : i1 to i32
        %sign3A_61 = arith.constant 0 : i32
        %sign3A_62 = arith.cmpi slt, %jit3A, %sign3A_61 : i32
        %sign3A_63 = arith.extui %sign3A_62 : i1 to i32
        %sign3A_64 = arith.subi %sign3A_60, %sign3A_63 : i32
        %ne3A = arith.cmpi ne, %sign3A_57, %sign3A_64 : i32
        %rem3A = arith.remsi %add3A_51, %jit3A : i32
        %ne3A_65 = arith.constant 0 : i32
        %ne3A_66 = arith.cmpi ne, %rem3A, %ne3A_65 : i32
        %and3A = arith.andi %ne3A, %ne3A_66 : i1
        %sub3A = arith.constant 1 : i32
        %sub3A_67 = arith.subi %div3A, %sub3A : i32
        %select_n3A = arith.select %and3A, %sub3A_67, %div3A : i32
        %jit3A_68 = arith.constant 8 : i32
        %eq3A = arith.constant 0 : i32
        %eq3A_69 = arith.cmpi eq, %jit3A_68, %eq3A : i32
        %jit3A_70 = arith.constant 1 : i32
        %select_n3A_71 = arith.select %eq3A_69, %jit3A_70, %jit3A_68 : i32
        %rem3A_72 = arith.remsi %add3A_51, %select_n3A_71 : i32
        %ne3A_73 = arith.constant 0 : i32
        %ne3A_74 = arith.cmpi ne, %rem3A_72, %ne3A_73 : i32
        %lt3A = arith.constant 0 : i32
        %lt3A_75 = arith.cmpi slt, %rem3A_72, %lt3A : i32
        %lt3A_76 = arith.constant 0 : i32
        %lt3A_77 = arith.cmpi slt, %select_n3A_71, %lt3A_76 : i32
        %ne3A_78 = arith.xori %lt3A_75, %lt3A_77 : i1
        %and3A_79 = arith.andi %ne3A_78, %ne3A_74 : i1
        %add3A_80 = arith.addi %rem3A_72, %select_n3A_71 : i32
        %select_n3A_81 = arith.select %and3A_79, %add3A_80, %rem3A_72 : i32
        %mul3A_82 = arith.constant 16 : i32
        %mul3A_83 = arith.muli %select_n3A_81, %mul3A_82 : i32
        %get3A = arith.index_cast %select_n3A : i32 to index
        %get3A_84 = arith.index_cast %mul3A_83 : i32 to index
        %get3A_85 = tpu.vector_load %arg10[%get3A, %get3A_84] {strides = array<i32>} : memref<28x128xi32, #tpu.memory_space<vmem>>, vector<16xi32>,
        %get3A_86 = arith.index_cast %select_n3A : i32 to index
        %get3A_87 = arith.index_cast %mul3A_83 : i32 to index
        %get3A_88 = tpu.vector_load %arg11[%get3A_86, %get3A_87] {strides = array<i32>} : memref<28x128xi32, #tpu.memory_space<vmem>>, vector<16xi32>,
        %gather3A = tpu.vector_load_idx %arg6[%get3A_85] : memref<50176xf32, #tpu.memory_space<vmem>>[vector<16xi32>], vector<16xf32>,
        %gather3A_89 = tpu.vector_load_idx %arg6[%get3A_88] : memref<50176xf32, #tpu.memory_space<vmem>>[vector<16xi32>], vector<16xf32>,
        %get3A_90 = arith.index_cast %select_n3A : i32 to index
        %get3A_91 = arith.index_cast %mul3A_83 : i32 to index
        %get3A_92 = tpu.vector_load %arg12[%get3A_90, %get3A_91] {strides = array<i32>} : memref<28x128xf32, #tpu.memory_space<vmem>>, vector<16xf32>,
        %mul3A_93 = arith.mulf %gather3A, %get3A_92 : vector<16xf32>
        %mul3A_94 = arith.mulf %mul3A_93, %gather3A_89 : vector<16xf32>
        %swap3A = arith.index_cast %select_n3A : i32 to index
        %swap3A_95 = arith.index_cast %mul3A_83 : i32 to index
        %swap3A_96 = tpu.vector_load %arg13[%swap3A, %swap3A_95] {strides = array<i32>} : memref<28x128xf32, #tpu.memory_space<vmem>>, vector<16xf32>,
        tpu.vector_store %arg13[%swap3A, %swap3A_95], %mul3A_94 {strides = array<i32>} : memref<28x128xf32, #tpu.memory_space<vmem>>, vector<16xf32>,
        %scan3A_97 = arith.constant 1 : i32
        %scan3A_98 = arith.addi %scan3A_47, %scan3A_97 : i32
        %mul3A_99 = arith.constant 1 : i32
        %mul3A_100 = arith.muli %scan3A_98, %mul3A_99 : i32
        %add3A_101 = arith.constant 0 : i32
        %add3A_102 = arith.addi %add3A_101, %mul3A_100 : i32
        %jit3A_103 = arith.constant 8 : i32
        %div3A_104 = arith.divsi %add3A_102, %jit3A_103 : i32
        %sign3A_105 = arith.constant 0 : i32
        %sign3A_106 = arith.cmpi sgt, %add3A_102, %sign3A_105 : i32
        %sign3A_107 = arith.extui %sign3A_106 : i1 to i32
        %sign3A_108 = arith.constant 0 : i32
        %sign3A_109 = arith.cmpi slt, %add3A_102, %sign3A_108 : i32
        %sign3A_110 = arith.extui %sign3A_109 : i1 to i32
        %sign3A_111 = arith.subi %sign3A_107, %sign3A_110 : i32
        %sign3A_112 = arith.constant 0 : i32
        %sign3A_113 = arith.cmpi sgt, %jit3A_103, %sign3A_112 : i32
        %sign3A_114 = arith.extui %sign3A_113 : i1 to i32
        %sign3A_115 = arith.constant 0 : i32
        %sign3A_116 = arith.cmpi slt, %jit3A_103, %sign3A_115 : i32
        %sign3A_117 = arith.extui %sign3A_116 : i1 to i32
        %sign3A_118 = arith.subi %sign3A_114, %sign3A_117 : i32
        %ne3A_119 = arith.cmpi ne, %sign3A_111, %sign3A_118 : i32
        %rem3A_120 = arith.remsi %add3A_102, %jit3A_103 : i32
        %ne3A_121 = arith.constant 0 : i32
        %ne3A_122 = arith.cmpi ne, %rem3A_120, %ne3A_121 : i32
        %and3A_123 = arith.andi %ne3A_119, %ne3A_122 : i1
        %sub3A_124 = arith.constant 1 : i32
        %sub3A_125 = arith.subi %div3A_104, %sub3A_124 : i32
        %select_n3A_126 = arith.select %and3A_123, %sub3A_125, %div3A_104 : i32
        %jit3A_127 = arith.constant 8 : i32
        %eq3A_128 = arith.constant 0 : i32
        %eq3A_129 = arith.cmpi eq, %jit3A_127, %eq3A_128 : i32
        %jit3A_130 = arith.constant 1 : i32
        %select_n3A_131 = arith.select %eq3A_129, %jit3A_130, %jit3A_127 : i32
        %rem3A_132 = arith.remsi %add3A_102, %select_n3A_131 : i32
        %ne3A_133 = arith.constant 0 : i32
        %ne3A_134 = arith.cmpi ne, %rem3A_132, %ne3A_133 : i32
        %lt3A_135 = arith.constant 0 : i32
        %lt3A_136 = arith.cmpi slt, %rem3A_132, %lt3A_135 : i32
        %lt3A_137 = arith.constant 0 : i32
        %lt3A_138 = arith.cmpi slt, %select_n3A_131, %lt3A_137 : i32
        %ne3A_139 = arith.xori %lt3A_136, %lt3A_138 : i1
        %and3A_140 = arith.andi %ne3A_139, %ne3A_134 : i1
        %add3A_141 = arith.addi %rem3A_132, %select_n3A_131 : i32
        %select_n3A_142 = arith.select %and3A_140, %add3A_141, %rem3A_132 : i32
        %mul3A_143 = arith.constant 16 : i32
        %mul3A_144 = arith.muli %select_n3A_142, %mul3A_143 : i32
        %get3A_145 = arith.index_cast %select_n3A_126 : i32 to index
        %get3A_146 = arith.index_cast %mul3A_144 : i32 to index
        %get3A_147 = tpu.vector_load %arg10[%get3A_145, %get3A_146] {strides = array<i32>} : memref<28x128xi32, #tpu.memory_space<vmem>>, vector<16xi32>,
        %get3A_148 = arith.index_cast %select_n3A_126 : i32 to index
        %get3A_149 = arith.index_cast %mul3A_144 : i32 to index
        %get3A_150 = tpu.vector_load %arg11[%get3A_148, %get3A_149] {strides = array<i32>} : memref<28x128xi32, #tpu.memory_space<vmem>>, vector<16xi32>,
        %gather3A_151 = tpu.vector_load_idx %arg6[%get3A_147] : memref<50176xf32, #tpu.memory_space<vmem>>[vector<16xi32>], vector<16xf32>,
        %gather3A_152 = tpu.vector_load_idx %arg6[%get3A_150] : memref<50176xf32, #tpu.memory_space<vmem>>[vector<16xi32>], vector<16xf32>,
        %get3A_153 = arith.index_cast %select_n3A_126 : i32 to index
        %get3A_154 = arith.index_cast %mul3A_144 : i32 to index
        %get3A_155 = tpu.vector_load %arg12[%get3A_153, %get3A_154] {strides = array<i32>} : memref<28x128xf32, #tpu.memory_space<vmem>>, vector<16xf32>,
        %mul3A_156 = arith.mulf %gather3A_151, %get3A_155 : vector<16xf32>
        %mul3A_157 = arith.mulf %mul3A_156, %gather3A_152 : vector<16xf32>
        %swap3A_158 = arith.index_cast %select_n3A_126 : i32 to index
        %swap3A_159 = arith.index_cast %mul3A_144 : i32 to index
        %swap3A_160 = tpu.vector_load %arg13[%swap3A_158, %swap3A_159] {strides = array<i32>} : memref<28x128xf32, #tpu.memory_space<vmem>>, vector<16xf32>,
        tpu.vector_store %arg13[%swap3A_158, %swap3A_159], %mul3A_157 {strides = array<i32>} : memref<28x128xf32, #tpu.memory_space<vmem>>, vector<16xf32>,
      }
      %scan3A_46 = arith.constant 224 : i32
      "tpu.region"() ({
        %run_scoped3A = tpu.sem_alloc : memref<!tpu.dma_semaphore, #tpu.memory_space<semaphore_mem>>
        %dma_start3A = arith.constant 0 : i32
        %dma_start3A_47 = tpu.memref_slice %arg5[%add3A_41, %dma_start3A] : memref<6272x128xf32, #tpu.memory_space<hbm>> -> memref<28x128xf32, #tpu.memory_space<hbm>>
        %dma_start3A_48 = arith.constant 0 : i32
        %dma_start3A_49 = tpu.memref_slice %arg5[%add3A_41, %dma_start3A_48] : memref<6272x128xf32, #tpu.memory_space<hbm>> -> memref<28x128xf32, #tpu.memory_space<hbm>>
        tpu.enqueue_dma source(%arg13 : memref<28x128xf32, #tpu.memory_space<vmem>>) target(%dma_start3A_49 : memref<28x128xf32, #tpu.memory_space<hbm>>) target_semaphore(%run_scoped3A : memref<!tpu.dma_semaphore, #tpu.memory_space<semaphore_mem>>)
        %dma_wait3A = arith.constant 0 : i32
        %dma_wait3A_50 = tpu.memref_slice %arg5[%add3A_41, %dma_wait3A] : memref<6272x128xf32, #tpu.memory_space<hbm>> -> memref<28x128xf32, #tpu.memory_space<hbm>>
        %dma_wait3A_51 = arith.constant 0 : i32
        %dma_wait3A_52 = tpu.memref_slice %arg5[%add3A_41, %dma_wait3A_51] : memref<6272x128xf32, #tpu.memory_space<hbm>> -> memref<28x128xf32, #tpu.memory_space<hbm>>
        tpu.wait_dma2 semaphore(%run_scoped3A : memref<!tpu.dma_semaphore, #tpu.memory_space<semaphore_mem>>) src(%arg13 : memref<28x128xf32, #tpu.memory_space<vmem>>) dst(%dma_wait3A_52 : memref<28x128xf32, #tpu.memory_space<hbm>>)
        tpu.yield
      }) : () -> ()
    }
    %scan3A_31 = arith.constant 7 : i32
    return
  }
}

#map = affine_map<(d0, d1) -> (0, 0)>
module attributes {stable_mosaic.version = 14 : i64} {
  func.func @_layers(%arg0: i32, %arg1: i32, %arg2: memref<100352x32xf32, #tpu.memory_space<hbm>>, %arg3: memref<12544x128xi32, #tpu.memory_space<hbm>>, %arg4: memref<6272x128xi32, #tpu.memory_space<hbm>>, %arg5: memref<6272x128xf32, #tpu.memory_space<hbm>>, %arg6: memref<100352x32xf32, #tpu.memory_space<hbm>>, %arg7: memref<100352x32xf32, #tpu.memory_space<hbm>>, %arg8: memref<100352x32xf32, #tpu.memory_space<hbm>>, %arg9: memref<28x128xi32, #tpu.memory_space<vmem>>, %arg10: memref<28x128xi32, #tpu.memory_space<vmem>>, %arg11: memref<28x128xf32, #tpu.memory_space<vmem>>, %arg12: memref<128x32xf32, #tpu.memory_space<vmem>>, %arg13: memref<128x32xf32, #tpu.memory_space<vmem>>, %arg14: memref<128x32xf32, #tpu.memory_space<vmem>>, %arg15: memref<50176x32xf32, #tpu.memory_space<vmem_shared>>, %arg16: memref<!tpu.dma_semaphore, #tpu.memory_space<semaphore_mem>>, %arg17: memref<!tpu.dma_semaphore, #tpu.memory_space<semaphore_mem>>, %arg18: memref<!tpu.dma_semaphore, #tpu.memory_space<semaphore_mem>>, %arg19: memref<!tpu.dma_semaphore, #tpu.memory_space<semaphore_mem>>, %arg20: memref<!tpu.dma_semaphore, #tpu.memory_space<semaphore_mem>>, %arg21: memref<!tpu.dma_semaphore, #tpu.memory_space<semaphore_mem>>) attributes {dimension_semantics = [#tpu.dimension_semantics<core_parallel>, #tpu.dimension_semantics<subcore_parallel>], iteration_bounds = array<i64: 2, 16>, scalar_prefetch = 0 : i64, scratch_operands = 13 : i64, tpu.core_type = #tpu.core_type<sc_vector_subcore>, window_params = [{transform_indices = #map}, {transform_indices = #map}, {transform_indices = #map}, {transform_indices = #map}, {transform_indices = #map}, {transform_indices = #map}, {transform_indices = #map}]} {
    %broadcast_in_dim3A = arith.constant 0.000000e+00 : f32
    %broadcast_in_dim3A_0 = vector.broadcast %broadcast_in_dim3A : f32 to vector<16xf32>
    %mul3A = arith.constant 3136 : i32
    %mul3A_1 = arith.muli %arg1, %mul3A : i32
    %scan3A = arith.constant 0 : i32
    %scan3A_2 = arith.constant 112 : i32
    %scan3A_3 = arith.addi %scan3A, %scan3A_2 : i32
    %scan3A_4 = arith.constant 1 : i32
    scf.for %scan3A_56 = %scan3A to %scan3A_3 step %scan3A_4  : i32 {
      %mul3A_57 = arith.constant 1 : i32
      %mul3A_58 = arith.muli %scan3A_56, %mul3A_57 : i32
      %add3A = arith.constant 0 : i32
      %add3A_59 = arith.addi %add3A, %mul3A_58 : i32
      %swap3A = arith.index_cast %add3A_59 : i32 to index
      %swap3A_60 = arith.constant 0 : index
      %swap3A_61 = tpu.vector_load %arg13[%swap3A, %swap3A_60] {strides = array<i32>} : memref<128x32xf32, #tpu.memory_space<vmem>>, vector<16xf32>,
      tpu.vector_store %arg13[%swap3A, %swap3A_60], %broadcast_in_dim3A_0 {strides = array<i32>} : memref<128x32xf32, #tpu.memory_space<vmem>>, vector<16xf32>,
      %swap3A_62 = arith.index_cast %add3A_59 : i32 to index
      %swap3A_63 = arith.constant 16 : index
      %swap3A_64 = tpu.vector_load %arg13[%swap3A_62, %swap3A_63] {strides = array<i32>} : memref<128x32xf32, #tpu.memory_space<vmem>>, vector<16xf32>,
      tpu.vector_store %arg13[%swap3A_62, %swap3A_63], %broadcast_in_dim3A_0 {strides = array<i32>} : memref<128x32xf32, #tpu.memory_space<vmem>>, vector<16xf32>,
    }
    %scan3A_5 = arith.constant 112 : i32
    %scan3A_6 = arith.constant 0 : i32
    %scan3A_7 = arith.constant 28 : i32
    %scan3A_8 = arith.addi %scan3A_6, %scan3A_7 : i32
    %scan3A_9 = arith.constant 1 : i32
    scf.for %scan3A_56 = %scan3A_6 to %scan3A_8 step %scan3A_9  : i32 {
      %mul3A_57 = arith.constant 1 : i32
      %mul3A_58 = arith.muli %scan3A_56, %mul3A_57 : i32
      %add3A = arith.constant 0 : i32
      %add3A_59 = arith.addi %add3A, %mul3A_58 : i32
      %mul3A_60 = arith.constant 112 : i32
      %mul3A_61 = arith.muli %add3A_59, %mul3A_60 : i32
      %add3A_62 = arith.addi %mul3A_1, %mul3A_61 : i32
      "tpu.region"() ({
        %run_scoped3A = tpu.sem_alloc : memref<!tpu.dma_semaphore, #tpu.memory_space<semaphore_mem>>
        %dma_start3A = arith.constant 0 : i32
        %dma_start3A_63 = arith.constant 0 : i32
        %dma_start3A_64 = tpu.memref_slice %arg13[%dma_start3A, %dma_start3A_63] : memref<128x32xf32, #tpu.memory_space<vmem>> -> memref<112x32xf32, #tpu.memory_space<vmem>>
        %dma_start3A_65 = arith.constant 0 : i32
        %dma_start3A_66 = tpu.memref_slice %arg15[%add3A_62, %dma_start3A_65] : memref<50176x32xf32, #tpu.memory_space<vmem_shared>> -> memref<112x32xf32, #tpu.memory_space<vmem_shared>>
        %dma_start3A_67 = arith.constant 0 : i32
        %dma_start3A_68 = tpu.memref_slice %arg15[%add3A_62, %dma_start3A_67] : memref<50176x32xf32, #tpu.memory_space<vmem_shared>> -> memref<112x32xf32, #tpu.memory_space<vmem_shared>>
        %dma_start3A_69 = arith.constant 0 : i32
        %dma_start3A_70 = arith.constant 0 : i32
        %dma_start3A_71 = tpu.memref_slice %arg13[%dma_start3A_69, %dma_start3A_70] : memref<128x32xf32, #tpu.memory_space<vmem>> -> memref<112x32xf32, #tpu.memory_space<vmem>>
        tpu.enqueue_dma source(%dma_start3A_71 : memref<112x32xf32, #tpu.memory_space<vmem>>) target(%dma_start3A_68 : memref<112x32xf32, #tpu.memory_space<vmem_shared>>) target_semaphore(%run_scoped3A : memref<!tpu.dma_semaphore, #tpu.memory_space<semaphore_mem>>)
        %dma_wait3A = arith.constant 0 : i32
        %dma_wait3A_72 = arith.constant 0 : i32
        %dma_wait3A_73 = tpu.memref_slice %arg13[%dma_wait3A, %dma_wait3A_72] : memref<128x32xf32, #tpu.memory_space<vmem>> -> memref<112x32xf32, #tpu.memory_space<vmem>>
        %dma_wait3A_74 = arith.constant 0 : i32
        %dma_wait3A_75 = tpu.memref_slice %arg15[%add3A_62, %dma_wait3A_74] : memref<50176x32xf32, #tpu.memory_space<vmem_shared>> -> memref<112x32xf32, #tpu.memory_space<vmem_shared>>
        %dma_wait3A_76 = arith.constant 0 : i32
        %dma_wait3A_77 = tpu.memref_slice %arg15[%add3A_62, %dma_wait3A_76] : memref<50176x32xf32, #tpu.memory_space<vmem_shared>> -> memref<112x32xf32, #tpu.memory_space<vmem_shared>>
        %dma_wait3A_78 = arith.constant 0 : i32
        %dma_wait3A_79 = arith.constant 0 : i32
        %dma_wait3A_80 = tpu.memref_slice %arg13[%dma_wait3A_78, %dma_wait3A_79] : memref<128x32xf32, #tpu.memory_space<vmem>> -> memref<112x32xf32, #tpu.memory_space<vmem>>
        tpu.wait_dma2 semaphore(%run_scoped3A : memref<!tpu.dma_semaphore, #tpu.memory_space<semaphore_mem>>) src(%dma_wait3A_80 : memref<112x32xf32, #tpu.memory_space<vmem>>) dst(%dma_wait3A_77 : memref<112x32xf32, #tpu.memory_space<vmem_shared>>)
        tpu.yield
      }) : () -> ()
    }
    %scan3A_10 = arith.constant 28 : i32
    %barrier3A = arith.constant 0 : index
    tpu.barrier barrier_id(%barrier3A)
    %scan3A_11 = arith.constant 0 : i32
    %scan3A_12 = arith.constant 14 : i32
    %scan3A_13 = arith.addi %scan3A_11, %scan3A_12 : i32
    %scan3A_14 = arith.constant 1 : i32
    scf.for %scan3A_56 = %scan3A_11 to %scan3A_13 step %scan3A_14  : i32 {
      %mul3A_57 = arith.constant 1 : i32
      %mul3A_58 = arith.muli %scan3A_56, %mul3A_57 : i32
      %add3A = arith.constant 0 : i32
      %add3A_59 = arith.addi %add3A, %mul3A_58 : i32
      %mul3A_60 = arith.constant 392 : i32
      %mul3A_61 = arith.muli %arg1, %mul3A_60 : i32
      %mul3A_62 = arith.constant 28 : i32
      %mul3A_63 = arith.muli %add3A_59, %mul3A_62 : i32
      %add3A_64 = arith.addi %mul3A_61, %mul3A_63 : i32
      %mul3A_65 = arith.constant 6272 : i32
      %mul3A_66 = arith.muli %arg0, %mul3A_65 : i32
      %add3A_67 = arith.addi %mul3A_66, %add3A_64 : i32
      "tpu.region"() ({
        %run_scoped3A = tpu.sem_alloc : memref<!tpu.dma_semaphore, #tpu.memory_space<semaphore_mem>>
        %dma_start3A_119 = arith.constant 0 : i32
        %dma_start3A_120 = tpu.memref_slice %arg3[%add3A_67, %dma_start3A_119] : memref<12544x128xi32, #tpu.memory_space<hbm>> -> memref<28x128xi32, #tpu.memory_space<hbm>>
        %dma_start3A_121 = arith.constant 0 : i32
        %dma_start3A_122 = tpu.memref_slice %arg3[%add3A_67, %dma_start3A_121] : memref<12544x128xi32, #tpu.memory_space<hbm>> -> memref<28x128xi32, #tpu.memory_space<hbm>>
        tpu.enqueue_dma source(%dma_start3A_122 : memref<28x128xi32, #tpu.memory_space<hbm>>) target(%arg9 : memref<28x128xi32, #tpu.memory_space<vmem>>) target_semaphore(%run_scoped3A : memref<!tpu.dma_semaphore, #tpu.memory_space<semaphore_mem>>)
        %dma_wait3A_123 = arith.constant 0 : i32
        %dma_wait3A_124 = tpu.memref_slice %arg3[%add3A_67, %dma_wait3A_123] : memref<12544x128xi32, #tpu.memory_space<hbm>> -> memref<28x128xi32, #tpu.memory_space<hbm>>
        %dma_wait3A_125 = arith.constant 0 : i32
        %dma_wait3A_126 = tpu.memref_slice %arg3[%add3A_67, %dma_wait3A_125] : memref<12544x128xi32, #tpu.memory_space<hbm>> -> memref<28x128xi32, #tpu.memory_space<hbm>>
        tpu.wait_dma2 semaphore(%run_scoped3A : memref<!tpu.dma_semaphore, #tpu.memory_space<semaphore_mem>>) src(%dma_wait3A_126 : memref<28x128xi32, #tpu.memory_space<hbm>>) dst(%arg9 : memref<28x128xi32, #tpu.memory_space<vmem>>)
        tpu.yield
      }) : () -> ()
      "tpu.region"() ({
        %run_scoped3A = tpu.sem_alloc : memref<!tpu.dma_semaphore, #tpu.memory_space<semaphore_mem>>
        %dma_start3A_119 = arith.constant 0 : i32
        %dma_start3A_120 = tpu.memref_slice %arg4[%add3A_64, %dma_start3A_119] : memref<6272x128xi32, #tpu.memory_space<hbm>> -> memref<28x128xi32, #tpu.memory_space<hbm>>
        %dma_start3A_121 = arith.constant 0 : i32
        %dma_start3A_122 = tpu.memref_slice %arg4[%add3A_64, %dma_start3A_121] : memref<6272x128xi32, #tpu.memory_space<hbm>> -> memref<28x128xi32, #tpu.memory_space<hbm>>
        tpu.enqueue_dma source(%dma_start3A_122 : memref<28x128xi32, #tpu.memory_space<hbm>>) target(%arg10 : memref<28x128xi32, #tpu.memory_space<vmem>>) target_semaphore(%run_scoped3A : memref<!tpu.dma_semaphore, #tpu.memory_space<semaphore_mem>>)
        %dma_wait3A_123 = arith.constant 0 : i32
        %dma_wait3A_124 = tpu.memref_slice %arg4[%add3A_64, %dma_wait3A_123] : memref<6272x128xi32, #tpu.memory_space<hbm>> -> memref<28x128xi32, #tpu.memory_space<hbm>>
        %dma_wait3A_125 = arith.constant 0 : i32
        %dma_wait3A_126 = tpu.memref_slice %arg4[%add3A_64, %dma_wait3A_125] : memref<6272x128xi32, #tpu.memory_space<hbm>> -> memref<28x128xi32, #tpu.memory_space<hbm>>
        tpu.wait_dma2 semaphore(%run_scoped3A : memref<!tpu.dma_semaphore, #tpu.memory_space<semaphore_mem>>) src(%dma_wait3A_126 : memref<28x128xi32, #tpu.memory_space<hbm>>) dst(%arg10 : memref<28x128xi32, #tpu.memory_space<vmem>>)
        tpu.yield
      }) : () -> ()
      "tpu.region"() ({
        %run_scoped3A = tpu.sem_alloc : memref<!tpu.dma_semaphore, #tpu.memory_space<semaphore_mem>>
        %dma_start3A_119 = arith.constant 0 : i32
        %dma_start3A_120 = tpu.memref_slice %arg5[%add3A_64, %dma_start3A_119] : memref<6272x128xf32, #tpu.memory_space<hbm>> -> memref<28x128xf32, #tpu.memory_space<hbm>>
        %dma_start3A_121 = arith.constant 0 : i32
        %dma_start3A_122 = tpu.memref_slice %arg5[%add3A_64, %dma_start3A_121] : memref<6272x128xf32, #tpu.memory_space<hbm>> -> memref<28x128xf32, #tpu.memory_space<hbm>>
        tpu.enqueue_dma source(%dma_start3A_122 : memref<28x128xf32, #tpu.memory_space<hbm>>) target(%arg11 : memref<28x128xf32, #tpu.memory_space<vmem>>) target_semaphore(%run_scoped3A : memref<!tpu.dma_semaphore, #tpu.memory_space<semaphore_mem>>)
        %dma_wait3A_123 = arith.constant 0 : i32
        %dma_wait3A_124 = tpu.memref_slice %arg5[%add3A_64, %dma_wait3A_123] : memref<6272x128xf32, #tpu.memory_space<hbm>> -> memref<28x128xf32, #tpu.memory_space<hbm>>
        %dma_wait3A_125 = arith.constant 0 : i32
        %dma_wait3A_126 = tpu.memref_slice %arg5[%add3A_64, %dma_wait3A_125] : memref<6272x128xf32, #tpu.memory_space<hbm>> -> memref<28x128xf32, #tpu.memory_space<hbm>>
        tpu.wait_dma2 semaphore(%run_scoped3A : memref<!tpu.dma_semaphore, #tpu.memory_space<semaphore_mem>>) src(%dma_wait3A_126 : memref<28x128xf32, #tpu.memory_space<hbm>>) dst(%arg11 : memref<28x128xf32, #tpu.memory_space<vmem>>)
        tpu.yield
      }) : () -> ()
      %dma_start3A = arith.constant 0 : i32
      %dma_start3A_68 = arith.constant 0 : i32
      %dma_start3A_69 = tpu.memref_slice %arg9[%dma_start3A, %dma_start3A_68] : memref<28x128xi32, #tpu.memory_space<vmem>> -> memref<1x128xi32, #tpu.memory_space<vmem>>
      %dma_start3A_70 = tpu.memref_squeeze %dma_start3A_69 : memref<1x128xi32, #tpu.memory_space<vmem>> -> memref<128xi32, #tpu.memory_space<vmem>>
      %dma_start3A_71 = arith.constant 0 : i32
      %dma_start3A_72 = arith.constant 0 : i32
      %dma_start3A_73 = tpu.memref_slice %arg2[%dma_start3A_71, %dma_start3A_72] : memref<100352x32xf32, #tpu.memory_space<hbm>> -> memref<100352x32xf32, #tpu.memory_space<hbm>>
      tpu.enqueue_indirect_dma source(%dma_start3A_73 : memref<100352x32xf32, #tpu.memory_space<hbm>>) target(%arg12 : memref<128x32xf32, #tpu.memory_space<vmem>>) offsets(%dma_start3A_70 : memref<128xi32, #tpu.memory_space<vmem>>) semaphore(%arg16 : memref<!tpu.dma_semaphore, #tpu.memory_space<semaphore_mem>>)
      %dma_start3A_74 = arith.constant 1 : i32
      %dma_start3A_75 = arith.constant 0 : i32
      %dma_start3A_76 = tpu.memref_slice %arg9[%dma_start3A_74, %dma_start3A_75] : memref<28x128xi32, #tpu.memory_space<vmem>> -> memref<1x128xi32, #tpu.memory_space<vmem>>
      %dma_start3A_77 = tpu.memref_squeeze %dma_start3A_76 : memref<1x128xi32, #tpu.memory_space<vmem>> -> memref<128xi32, #tpu.memory_space<vmem>>
      %dma_start3A_78 = arith.constant 0 : i32
      %dma_start3A_79 = arith.constant 0 : i32
      %dma_start3A_80 = tpu.memref_slice %arg2[%dma_start3A_78, %dma_start3A_79] : memref<100352x32xf32, #tpu.memory_space<hbm>> -> memref<100352x32xf32, #tpu.memory_space<hbm>>
      tpu.enqueue_indirect_dma source(%dma_start3A_80 : memref<100352x32xf32, #tpu.memory_space<hbm>>) target(%arg13 : memref<128x32xf32, #tpu.memory_space<vmem>>) offsets(%dma_start3A_77 : memref<128xi32, #tpu.memory_space<vmem>>) semaphore(%arg17 : memref<!tpu.dma_semaphore, #tpu.memory_space<semaphore_mem>>)
      %dma_start3A_81 = arith.constant 2 : i32
      %dma_start3A_82 = arith.constant 0 : i32
      %dma_start3A_83 = tpu.memref_slice %arg9[%dma_start3A_81, %dma_start3A_82] : memref<28x128xi32, #tpu.memory_space<vmem>> -> memref<1x128xi32, #tpu.memory_space<vmem>>
      %dma_start3A_84 = tpu.memref_squeeze %dma_start3A_83 : memref<1x128xi32, #tpu.memory_space<vmem>> -> memref<128xi32, #tpu.memory_space<vmem>>
      %dma_start3A_85 = arith.constant 0 : i32
      %dma_start3A_86 = arith.constant 0 : i32
      %dma_start3A_87 = tpu.memref_slice %arg2[%dma_start3A_85, %dma_start3A_86] : memref<100352x32xf32, #tpu.memory_space<hbm>> -> memref<100352x32xf32, #tpu.memory_space<hbm>>
      tpu.enqueue_indirect_dma source(%dma_start3A_87 : memref<100352x32xf32, #tpu.memory_space<hbm>>) target(%arg14 : memref<128x32xf32, #tpu.memory_space<vmem>>) offsets(%dma_start3A_84 : memref<128xi32, #tpu.memory_space<vmem>>) semaphore(%arg18 : memref<!tpu.dma_semaphore, #tpu.memory_space<semaphore_mem>>)
      %scan3A_88 = arith.constant 0 : i32
      %scan3A_89 = arith.constant 9 : i32
      %scan3A_90 = arith.addi %scan3A_88, %scan3A_89 : i32
      %scan3A_91 = arith.constant 1 : i32
      scf.for %scan3A_119 = %scan3A_88 to %scan3A_90 step %scan3A_91  : i32 {
        %mul3A_120 = arith.constant 3 : i32
        %mul3A_121 = arith.muli %scan3A_119, %mul3A_120 : i32
        %add3A_122 = arith.constant 0 : i32
        %add3A_123 = arith.addi %add3A_122, %mul3A_121 : i32
        %dma_wait3A_124 = arith.constant 0 : i32
        %dma_wait3A_125 = tpu.memref_slice %arg9[%add3A_123, %dma_wait3A_124] : memref<28x128xi32, #tpu.memory_space<vmem>> -> memref<1x128xi32, #tpu.memory_space<vmem>>
        %dma_wait3A_126 = tpu.memref_squeeze %dma_wait3A_125 : memref<1x128xi32, #tpu.memory_space<vmem>> -> memref<128xi32, #tpu.memory_space<vmem>>
        %dma_wait3A_127 = arith.constant 0 : i32
        %dma_wait3A_128 = arith.constant 0 : i32
        %dma_wait3A_129 = tpu.memref_slice %arg2[%dma_wait3A_127, %dma_wait3A_128] : memref<100352x32xf32, #tpu.memory_space<hbm>> -> memref<100352x32xf32, #tpu.memory_space<hbm>>
        tpu.wait_indirect_dma semaphore(%arg16 : memref<!tpu.dma_semaphore, #tpu.memory_space<semaphore_mem>>) src(%dma_wait3A_129 : memref<100352x32xf32, #tpu.memory_space<hbm>>) dst(%arg12 : memref<128x32xf32, #tpu.memory_space<vmem>>)
        %scan3A_130 = arith.constant 0 : i32
        %scan3A_131 = arith.constant 128 : i32
        %scan3A_132 = arith.addi %scan3A_130, %scan3A_131 : i32
        %scan3A_133 = arith.constant 4 : i32
        scf.for %scan3A_224 = %scan3A_130 to %scan3A_132 step %scan3A_133  : i32 {
          %mul3A_225 = arith.constant 1 : i32
          %mul3A_226 = arith.muli %scan3A_224, %mul3A_225 : i32
          %add3A_227 = arith.constant 0 : i32
          %add3A_228 = arith.addi %add3A_227, %mul3A_226 : i32
          %broadcast_in_dim3A_229 = arith.constant 0 : i32
          %broadcast_in_dim3A_230 = vector.broadcast %broadcast_in_dim3A_229 : i32 to vector<16xi32>
          %add3A_231 = vector.broadcast %add3A_228 : i32 to vector<16xi32>
          %add3A_232 = arith.addi %broadcast_in_dim3A_230, %add3A_231 : vector<16xi32>
          %gather3A = arith.constant 0 : i32
          %gather3A_233 = tpu.memref_slice %arg11[%add3A_123, %gather3A] : memref<28x128xf32, #tpu.memory_space<vmem>> -> memref<1x128xf32, #tpu.memory_space<vmem>>
          %gather3A_234 = tpu.memref_squeeze %gather3A_233 : memref<1x128xf32, #tpu.memory_space<vmem>> -> memref<128xf32, #tpu.memory_space<vmem>>
          %gather3A_235 = tpu.vector_load_idx %gather3A_234[%add3A_232] : memref<128xf32, #tpu.memory_space<vmem>>[vector<16xi32>], vector<16xf32>,
          %get3A = arith.index_cast %add3A_228 : i32 to index
          %get3A_236 = arith.constant 0 : index
          %get3A_237 = tpu.vector_load %arg12[%get3A, %get3A_236] {strides = array<i32>} : memref<128x32xf32, #tpu.memory_space<vmem>>, vector<16xf32>,
          %mul3A_238 = arith.mulf %get3A_237, %gather3A_235 : vector<16xf32>
          %swap3A = arith.index_cast %add3A_228 : i32 to index
          %swap3A_239 = arith.constant 0 : index
          %swap3A_240 = tpu.vector_load %arg12[%swap3A, %swap3A_239] {strides = array<i32>} : memref<128x32xf32, #tpu.memory_space<vmem>>, vector<16xf32>,
          tpu.vector_store %arg12[%swap3A, %swap3A_239], %mul3A_238 {strides = array<i32>} : memref<128x32xf32, #tpu.memory_space<vmem>>, vector<16xf32>,
          %get3A_241 = arith.index_cast %add3A_228 : i32 to index
          %get3A_242 = arith.constant 16 : index
          %get3A_243 = tpu.vector_load %arg12[%get3A_241, %get3A_242] {strides = array<i32>} : memref<128x32xf32, #tpu.memory_space<vmem>>, vector<16xf32>,
          %mul3A_244 = arith.mulf %get3A_243, %gather3A_235 : vector<16xf32>
          %swap3A_245 = arith.index_cast %add3A_228 : i32 to index
          %swap3A_246 = arith.constant 16 : index
          %swap3A_247 = tpu.vector_load %arg12[%swap3A_245, %swap3A_246] {strides = array<i32>} : memref<128x32xf32, #tpu.memory_space<vmem>>, vector<16xf32>,
          tpu.vector_store %arg12[%swap3A_245, %swap3A_246], %mul3A_244 {strides = array<i32>} : memref<128x32xf32, #tpu.memory_space<vmem>>, vector<16xf32>,
          %scan3A_248 = arith.constant 1 : i32
          %scan3A_249 = arith.addi %scan3A_224, %scan3A_248 : i32
          %mul3A_250 = arith.constant 1 : i32
          %mul3A_251 = arith.muli %scan3A_249, %mul3A_250 : i32
          %add3A_252 = arith.constant 0 : i32
          %add3A_253 = arith.addi %add3A_252, %mul3A_251 : i32
          %broadcast_in_dim3A_254 = arith.constant 0 : i32
          %broadcast_in_dim3A_255 = vector.broadcast %broadcast_in_dim3A_254 : i32 to vector<16xi32>
          %add3A_256 = vector.broadcast %add3A_253 : i32 to vector<16xi32>
          %add3A_257 = arith.addi %broadcast_in_dim3A_255, %add3A_256 : vector<16xi32>
          %gather3A_258 = arith.constant 0 : i32
          %gather3A_259 = tpu.memref_slice %arg11[%add3A_123, %gather3A_258] : memref<28x128xf32, #tpu.memory_space<vmem>> -> memref<1x128xf32, #tpu.memory_space<vmem>>
          %gather3A_260 = tpu.memref_squeeze %gather3A_259 : memref<1x128xf32, #tpu.memory_space<vmem>> -> memref<128xf32, #tpu.memory_space<vmem>>
          %gather3A_261 = tpu.vector_load_idx %gather3A_260[%add3A_257] : memref<128xf32, #tpu.memory_space<vmem>>[vector<16xi32>], vector<16xf32>,
          %get3A_262 = arith.index_cast %add3A_253 : i32 to index
          %get3A_263 = arith.constant 0 : index
          %get3A_264 = tpu.vector_load %arg12[%get3A_262, %get3A_263] {strides = array<i32>} : memref<128x32xf32, #tpu.memory_space<vmem>>, vector<16xf32>,
          %mul3A_265 = arith.mulf %get3A_264, %gather3A_261 : vector<16xf32>
          %swap3A_266 = arith.index_cast %add3A_253 : i32 to index
          %swap3A_267 = arith.constant 0 : index
          %swap3A_268 = tpu.vector_load %arg12[%swap3A_266, %swap3A_267] {strides = array<i32>} : memref<128x32xf32, #tpu.memory_space<vmem>>, vector<16xf32>,
          tpu.vector_store %arg12[%swap3A_266, %swap3A_267], %mul3A_265 {strides = array<i32>} : memref<128x32xf32, #tpu.memory_space<vmem>>, vector<16xf32>,
          %get3A_269 = arith.index_cast %add3A_253 : i32 to index
          %get3A_270 = arith.constant 16 : index
          %get3A_271 = tpu.vector_load %arg12[%get3A_269, %get3A_270] {strides = array<i32>} : memref<128x32xf32, #tpu.memory_space<vmem>>, vector<16xf32>,
          %mul3A_272 = arith.mulf %get3A_271, %gather3A_261 : vector<16xf32>
          %swap3A_273 = arith.index_cast %add3A_253 : i32 to index
          %swap3A_274 = arith.constant 16 : index
          %swap3A_275 = tpu.vector_load %arg12[%swap3A_273, %swap3A_274] {strides = array<i32>} : memref<128x32xf32, #tpu.memory_space<vmem>>, vector<16xf32>,
          tpu.vector_store %arg12[%swap3A_273, %swap3A_274], %mul3A_272 {strides = array<i32>} : memref<128x32xf32, #tpu.memory_space<vmem>>, vector<16xf32>,
          %scan3A_276 = arith.constant 2 : i32
          %scan3A_277 = arith.addi %scan3A_224, %scan3A_276 : i32
          %mul3A_278 = arith.constant 1 : i32
          %mul3A_279 = arith.muli %scan3A_277, %mul3A_278 : i32
          %add3A_280 = arith.constant 0 : i32
          %add3A_281 = arith.addi %add3A_280, %mul3A_279 : i32
          %broadcast_in_dim3A_282 = arith.constant 0 : i32
          %broadcast_in_dim3A_283 = vector.broadcast %broadcast_in_dim3A_282 : i32 to vector<16xi32>
          %add3A_284 = vector.broadcast %add3A_281 : i32 to vector<16xi32>
          %add3A_285 = arith.addi %broadcast_in_dim3A_283, %add3A_284 : vector<16xi32>
          %gather3A_286 = arith.constant 0 : i32
          %gather3A_287 = tpu.memref_slice %arg11[%add3A_123, %gather3A_286] : memref<28x128xf32, #tpu.memory_space<vmem>> -> memref<1x128xf32, #tpu.memory_space<vmem>>
          %gather3A_288 = tpu.memref_squeeze %gather3A_287 : memref<1x128xf32, #tpu.memory_space<vmem>> -> memref<128xf32, #tpu.memory_space<vmem>>
          %gather3A_289 = tpu.vector_load_idx %gather3A_288[%add3A_285] : memref<128xf32, #tpu.memory_space<vmem>>[vector<16xi32>], vector<16xf32>,
          %get3A_290 = arith.index_cast %add3A_281 : i32 to index
          %get3A_291 = arith.constant 0 : index
          %get3A_292 = tpu.vector_load %arg12[%get3A_290, %get3A_291] {strides = array<i32>} : memref<128x32xf32, #tpu.memory_space<vmem>>, vector<16xf32>,
          %mul3A_293 = arith.mulf %get3A_292, %gather3A_289 : vector<16xf32>
          %swap3A_294 = arith.index_cast %add3A_281 : i32 to index
          %swap3A_295 = arith.constant 0 : index
          %swap3A_296 = tpu.vector_load %arg12[%swap3A_294, %swap3A_295] {strides = array<i32>} : memref<128x32xf32, #tpu.memory_space<vmem>>, vector<16xf32>,
          tpu.vector_store %arg12[%swap3A_294, %swap3A_295], %mul3A_293 {strides = array<i32>} : memref<128x32xf32, #tpu.memory_space<vmem>>, vector<16xf32>,
          %get3A_297 = arith.index_cast %add3A_281 : i32 to index
          %get3A_298 = arith.constant 16 : index
          %get3A_299 = tpu.vector_load %arg12[%get3A_297, %get3A_298] {strides = array<i32>} : memref<128x32xf32, #tpu.memory_space<vmem>>, vector<16xf32>,
          %mul3A_300 = arith.mulf %get3A_299, %gather3A_289 : vector<16xf32>
          %swap3A_301 = arith.index_cast %add3A_281 : i32 to index
          %swap3A_302 = arith.constant 16 : index
          %swap3A_303 = tpu.vector_load %arg12[%swap3A_301, %swap3A_302] {strides = array<i32>} : memref<128x32xf32, #tpu.memory_space<vmem>>, vector<16xf32>,
          tpu.vector_store %arg12[%swap3A_301, %swap3A_302], %mul3A_300 {strides = array<i32>} : memref<128x32xf32, #tpu.memory_space<vmem>>, vector<16xf32>,
          %scan3A_304 = arith.constant 3 : i32
          %scan3A_305 = arith.addi %scan3A_224, %scan3A_304 : i32
          %mul3A_306 = arith.constant 1 : i32
          %mul3A_307 = arith.muli %scan3A_305, %mul3A_306 : i32
          %add3A_308 = arith.constant 0 : i32
          %add3A_309 = arith.addi %add3A_308, %mul3A_307 : i32
          %broadcast_in_dim3A_310 = arith.constant 0 : i32
          %broadcast_in_dim3A_311 = vector.broadcast %broadcast_in_dim3A_310 : i32 to vector<16xi32>
          %add3A_312 = vector.broadcast %add3A_309 : i32 to vector<16xi32>
          %add3A_313 = arith.addi %broadcast_in_dim3A_311, %add3A_312 : vector<16xi32>
          %gather3A_314 = arith.constant 0 : i32
          %gather3A_315 = tpu.memref_slice %arg11[%add3A_123, %gather3A_314] : memref<28x128xf32, #tpu.memory_space<vmem>> -> memref<1x128xf32, #tpu.memory_space<vmem>>
          %gather3A_316 = tpu.memref_squeeze %gather3A_315 : memref<1x128xf32, #tpu.memory_space<vmem>> -> memref<128xf32, #tpu.memory_space<vmem>>
          %gather3A_317 = tpu.vector_load_idx %gather3A_316[%add3A_313] : memref<128xf32, #tpu.memory_space<vmem>>[vector<16xi32>], vector<16xf32>,
          %get3A_318 = arith.index_cast %add3A_309 : i32 to index
          %get3A_319 = arith.constant 0 : index
          %get3A_320 = tpu.vector_load %arg12[%get3A_318, %get3A_319] {strides = array<i32>} : memref<128x32xf32, #tpu.memory_space<vmem>>, vector<16xf32>,
          %mul3A_321 = arith.mulf %get3A_320, %gather3A_317 : vector<16xf32>
          %swap3A_322 = arith.index_cast %add3A_309 : i32 to index
          %swap3A_323 = arith.constant 0 : index
          %swap3A_324 = tpu.vector_load %arg12[%swap3A_322, %swap3A_323] {strides = array<i32>} : memref<128x32xf32, #tpu.memory_space<vmem>>, vector<16xf32>,
          tpu.vector_store %arg12[%swap3A_322, %swap3A_323], %mul3A_321 {strides = array<i32>} : memref<128x32xf32, #tpu.memory_space<vmem>>, vector<16xf32>,
          %get3A_325 = arith.index_cast %add3A_309 : i32 to index
          %get3A_326 = arith.constant 16 : index
          %get3A_327 = tpu.vector_load %arg12[%get3A_325, %get3A_326] {strides = array<i32>} : memref<128x32xf32, #tpu.memory_space<vmem>>, vector<16xf32>,
          %mul3A_328 = arith.mulf %get3A_327, %gather3A_317 : vector<16xf32>
          %swap3A_329 = arith.index_cast %add3A_309 : i32 to index
          %swap3A_330 = arith.constant 16 : index
          %swap3A_331 = tpu.vector_load %arg12[%swap3A_329, %swap3A_330] {strides = array<i32>} : memref<128x32xf32, #tpu.memory_space<vmem>>, vector<16xf32>,
          tpu.vector_store %arg12[%swap3A_329, %swap3A_330], %mul3A_328 {strides = array<i32>} : memref<128x32xf32, #tpu.memory_space<vmem>>, vector<16xf32>,
        }
        %scan3A_134 = arith.constant 128 : i32
        %dma_start3A_135 = arith.constant 0 : i32
        %dma_start3A_136 = tpu.memref_slice %arg10[%add3A_123, %dma_start3A_135] : memref<28x128xi32, #tpu.memory_space<vmem>> -> memref<1x128xi32, #tpu.memory_space<vmem>>
        %dma_start3A_137 = tpu.memref_squeeze %dma_start3A_136 : memref<1x128xi32, #tpu.memory_space<vmem>> -> memref<128xi32, #tpu.memory_space<vmem>>
        %dma_start3A_138 = arith.constant 0 : i32
        %dma_start3A_139 = arith.constant 0 : i32
        %dma_start3A_140 = tpu.memref_slice %arg15[%dma_start3A_138, %dma_start3A_139] : memref<50176x32xf32, #tpu.memory_space<vmem_shared>> -> memref<50176x32xf32, #tpu.memory_space<vmem_shared>>
        tpu.enqueue_indirect_dma source(%arg12 : memref<128x32xf32, #tpu.memory_space<vmem>>) target(%dma_start3A_140 : memref<50176x32xf32, #tpu.memory_space<vmem_shared>>) offsets(%dma_start3A_137 : memref<128xi32, #tpu.memory_space<vmem>>) semaphore(%arg19 : memref<!tpu.dma_semaphore, #tpu.memory_space<semaphore_mem>>) {add = true}
        %add3A_141 = arith.constant 1 : i32
        %add3A_142 = arith.addi %add3A_123, %add3A_141 : i32
        %dma_wait3A_143 = arith.constant 0 : i32
        %dma_wait3A_144 = tpu.memref_slice %arg9[%add3A_142, %dma_wait3A_143] : memref<28x128xi32, #tpu.memory_space<vmem>> -> memref<1x128xi32, #tpu.memory_space<vmem>>
        %dma_wait3A_145 = tpu.memref_squeeze %dma_wait3A_144 : memref<1x128xi32, #tpu.memory_space<vmem>> -> memref<128xi32, #tpu.memory_space<vmem>>
        %dma_wait3A_146 = arith.constant 0 : i32
        %dma_wait3A_147 = arith.constant 0 : i32
        %dma_wait3A_148 = tpu.memref_slice %arg2[%dma_wait3A_146, %dma_wait3A_147] : memref<100352x32xf32, #tpu.memory_space<hbm>> -> memref<100352x32xf32, #tpu.memory_space<hbm>>
        tpu.wait_indirect_dma semaphore(%arg17 : memref<!tpu.dma_semaphore, #tpu.memory_space<semaphore_mem>>) src(%dma_wait3A_148 : memref<100352x32xf32, #tpu.memory_space<hbm>>) dst(%arg13 : memref<128x32xf32, #tpu.memory_space<vmem>>)
        %add3A_149 = arith.constant 1 : i32
        %add3A_150 = arith.addi %add3A_123, %add3A_149 : i32
        %scan3A_151 = arith.constant 0 : i32
        %scan3A_152 = arith.constant 128 : i32
        %scan3A_153 = arith.addi %scan3A_151, %scan3A_152 : i32
        %scan3A_154 = arith.constant 4 : i32
        scf.for %scan3A_224 = %scan3A_151 to %scan3A_153 step %scan3A_154  : i32 {
          %mul3A_225 = arith.constant 1 : i32
          %mul3A_226 = arith.muli %scan3A_224, %mul3A_225 : i32
          %add3A_227 = arith.constant 0 : i32
          %add3A_228 = arith.addi %add3A_227, %mul3A_226 : i32
          %broadcast_in_dim3A_229 = arith.constant 0 : i32
          %broadcast_in_dim3A_230 = vector.broadcast %broadcast_in_dim3A_229 : i32 to vector<16xi32>
          %add3A_231 = vector.broadcast %add3A_228 : i32 to vector<16xi32>
          %add3A_232 = arith.addi %broadcast_in_dim3A_230, %add3A_231 : vector<16xi32>
          %gather3A = arith.constant 0 : i32
          %gather3A_233 = tpu.memref_slice %arg11[%add3A_150, %gather3A] : memref<28x128xf32, #tpu.memory_space<vmem>> -> memref<1x128xf32, #tpu.memory_space<vmem>>
          %gather3A_234 = tpu.memref_squeeze %gather3A_233 : memref<1x128xf32, #tpu.memory_space<vmem>> -> memref<128xf32, #tpu.memory_space<vmem>>
          %gather3A_235 = tpu.vector_load_idx %gather3A_234[%add3A_232] : memref<128xf32, #tpu.memory_space<vmem>>[vector<16xi32>], vector<16xf32>,
          %get3A = arith.index_cast %add3A_228 : i32 to index
          %get3A_236 = arith.constant 0 : index
          %get3A_237 = tpu.vector_load %arg13[%get3A, %get3A_236] {strides = array<i32>} : memref<128x32xf32, #tpu.memory_space<vmem>>, vector<16xf32>,
          %mul3A_238 = arith.mulf %get3A_237, %gather3A_235 : vector<16xf32>
          %swap3A = arith.index_cast %add3A_228 : i32 to index
          %swap3A_239 = arith.constant 0 : index
          %swap3A_240 = tpu.vector_load %arg13[%swap3A, %swap3A_239] {strides = array<i32>} : memref<128x32xf32, #tpu.memory_space<vmem>>, vector<16xf32>,
          tpu.vector_store %arg13[%swap3A, %swap3A_239], %mul3A_238 {strides = array<i32>} : memref<128x32xf32, #tpu.memory_space<vmem>>, vector<16xf32>,
          %get3A_241 = arith.index_cast %add3A_228 : i32 to index
          %get3A_242 = arith.constant 16 : index
          %get3A_243 = tpu.vector_load %arg13[%get3A_241, %get3A_242] {strides = array<i32>} : memref<128x32xf32, #tpu.memory_space<vmem>>, vector<16xf32>,
          %mul3A_244 = arith.mulf %get3A_243, %gather3A_235 : vector<16xf32>
          %swap3A_245 = arith.index_cast %add3A_228 : i32 to index
          %swap3A_246 = arith.constant 16 : index
          %swap3A_247 = tpu.vector_load %arg13[%swap3A_245, %swap3A_246] {strides = array<i32>} : memref<128x32xf32, #tpu.memory_space<vmem>>, vector<16xf32>,
          tpu.vector_store %arg13[%swap3A_245, %swap3A_246], %mul3A_244 {strides = array<i32>} : memref<128x32xf32, #tpu.memory_space<vmem>>, vector<16xf32>,
          %scan3A_248 = arith.constant 1 : i32
          %scan3A_249 = arith.addi %scan3A_224, %scan3A_248 : i32
          %mul3A_250 = arith.constant 1 : i32
          %mul3A_251 = arith.muli %scan3A_249, %mul3A_250 : i32
          %add3A_252 = arith.constant 0 : i32
          %add3A_253 = arith.addi %add3A_252, %mul3A_251 : i32
          %broadcast_in_dim3A_254 = arith.constant 0 : i32
          %broadcast_in_dim3A_255 = vector.broadcast %broadcast_in_dim3A_254 : i32 to vector<16xi32>
          %add3A_256 = vector.broadcast %add3A_253 : i32 to vector<16xi32>
          %add3A_257 = arith.addi %broadcast_in_dim3A_255, %add3A_256 : vector<16xi32>
          %gather3A_258 = arith.constant 0 : i32
          %gather3A_259 = tpu.memref_slice %arg11[%add3A_150, %gather3A_258] : memref<28x128xf32, #tpu.memory_space<vmem>> -> memref<1x128xf32, #tpu.memory_space<vmem>>
          %gather3A_260 = tpu.memref_squeeze %gather3A_259 : memref<1x128xf32, #tpu.memory_space<vmem>> -> memref<128xf32, #tpu.memory_space<vmem>>
          %gather3A_261 = tpu.vector_load_idx %gather3A_260[%add3A_257] : memref<128xf32, #tpu.memory_space<vmem>>[vector<16xi32>], vector<16xf32>,
          %get3A_262 = arith.index_cast %add3A_253 : i32 to index
          %get3A_263 = arith.constant 0 : index
          %get3A_264 = tpu.vector_load %arg13[%get3A_262, %get3A_263] {strides = array<i32>} : memref<128x32xf32, #tpu.memory_space<vmem>>, vector<16xf32>,
          %mul3A_265 = arith.mulf %get3A_264, %gather3A_261 : vector<16xf32>
          %swap3A_266 = arith.index_cast %add3A_253 : i32 to index
          %swap3A_267 = arith.constant 0 : index
          %swap3A_268 = tpu.vector_load %arg13[%swap3A_266, %swap3A_267] {strides = array<i32>} : memref<128x32xf32, #tpu.memory_space<vmem>>, vector<16xf32>,
          tpu.vector_store %arg13[%swap3A_266, %swap3A_267], %mul3A_265 {strides = array<i32>} : memref<128x32xf32, #tpu.memory_space<vmem>>, vector<16xf32>,
          %get3A_269 = arith.index_cast %add3A_253 : i32 to index
          %get3A_270 = arith.constant 16 : index
          %get3A_271 = tpu.vector_load %arg13[%get3A_269, %get3A_270] {strides = array<i32>} : memref<128x32xf32, #tpu.memory_space<vmem>>, vector<16xf32>,
          %mul3A_272 = arith.mulf %get3A_271, %gather3A_261 : vector<16xf32>
          %swap3A_273 = arith.index_cast %add3A_253 : i32 to index
          %swap3A_274 = arith.constant 16 : index
          %swap3A_275 = tpu.vector_load %arg13[%swap3A_273, %swap3A_274] {strides = array<i32>} : memref<128x32xf32, #tpu.memory_space<vmem>>, vector<16xf32>,
          tpu.vector_store %arg13[%swap3A_273, %swap3A_274], %mul3A_272 {strides = array<i32>} : memref<128x32xf32, #tpu.memory_space<vmem>>, vector<16xf32>,
          %scan3A_276 = arith.constant 2 : i32
          %scan3A_277 = arith.addi %scan3A_224, %scan3A_276 : i32
          %mul3A_278 = arith.constant 1 : i32
          %mul3A_279 = arith.muli %scan3A_277, %mul3A_278 : i32
          %add3A_280 = arith.constant 0 : i32
          %add3A_281 = arith.addi %add3A_280, %mul3A_279 : i32
          %broadcast_in_dim3A_282 = arith.constant 0 : i32
          %broadcast_in_dim3A_283 = vector.broadcast %broadcast_in_dim3A_282 : i32 to vector<16xi32>
          %add3A_284 = vector.broadcast %add3A_281 : i32 to vector<16xi32>
          %add3A_285 = arith.addi %broadcast_in_dim3A_283, %add3A_284 : vector<16xi32>
          %gather3A_286 = arith.constant 0 : i32
          %gather3A_287 = tpu.memref_slice %arg11[%add3A_150, %gather3A_286] : memref<28x128xf32, #tpu.memory_space<vmem>> -> memref<1x128xf32, #tpu.memory_space<vmem>>
          %gather3A_288 = tpu.memref_squeeze %gather3A_287 : memref<1x128xf32, #tpu.memory_space<vmem>> -> memref<128xf32, #tpu.memory_space<vmem>>
          %gather3A_289 = tpu.vector_load_idx %gather3A_288[%add3A_285] : memref<128xf32, #tpu.memory_space<vmem>>[vector<16xi32>], vector<16xf32>,
          %get3A_290 = arith.index_cast %add3A_281 : i32 to index
          %get3A_291 = arith.constant 0 : index
          %get3A_292 = tpu.vector_load %arg13[%get3A_290, %get3A_291] {strides = array<i32>} : memref<128x32xf32, #tpu.memory_space<vmem>>, vector<16xf32>,
          %mul3A_293 = arith.mulf %get3A_292, %gather3A_289 : vector<16xf32>
          %swap3A_294 = arith.index_cast %add3A_281 : i32 to index
          %swap3A_295 = arith.constant 0 : index
          %swap3A_296 = tpu.vector_load %arg13[%swap3A_294, %swap3A_295] {strides = array<i32>} : memref<128x32xf32, #tpu.memory_space<vmem>>, vector<16xf32>,
          tpu.vector_store %arg13[%swap3A_294, %swap3A_295], %mul3A_293 {strides = array<i32>} : memref<128x32xf32, #tpu.memory_space<vmem>>, vector<16xf32>,
          %get3A_297 = arith.index_cast %add3A_281 : i32 to index
          %get3A_298 = arith.constant 16 : index
          %get3A_299 = tpu.vector_load %arg13[%get3A_297, %get3A_298] {strides = array<i32>} : memref<128x32xf32, #tpu.memory_space<vmem>>, vector<16xf32>,
          %mul3A_300 = arith.mulf %get3A_299, %gather3A_289 : vector<16xf32>
          %swap3A_301 = arith.index_cast %add3A_281 : i32 to index
          %swap3A_302 = arith.constant 16 : index
          %swap3A_303 = tpu.vector_load %arg13[%swap3A_301, %swap3A_302] {strides = array<i32>} : memref<128x32xf32, #tpu.memory_space<vmem>>, vector<16xf32>,
          tpu.vector_store %arg13[%swap3A_301, %swap3A_302], %mul3A_300 {strides = array<i32>} : memref<128x32xf32, #tpu.memory_space<vmem>>, vector<16xf32>,
          %scan3A_304 = arith.constant 3 : i32
          %scan3A_305 = arith.addi %scan3A_224, %scan3A_304 : i32
          %mul3A_306 = arith.constant 1 : i32
          %mul3A_307 = arith.muli %scan3A_305, %mul3A_306 : i32
          %add3A_308 = arith.constant 0 : i32
          %add3A_309 = arith.addi %add3A_308, %mul3A_307 : i32
          %broadcast_in_dim3A_310 = arith.constant 0 : i32
          %broadcast_in_dim3A_311 = vector.broadcast %broadcast_in_dim3A_310 : i32 to vector<16xi32>
          %add3A_312 = vector.broadcast %add3A_309 : i32 to vector<16xi32>
          %add3A_313 = arith.addi %broadcast_in_dim3A_311, %add3A_312 : vector<16xi32>
          %gather3A_314 = arith.constant 0 : i32
          %gather3A_315 = tpu.memref_slice %arg11[%add3A_150, %gather3A_314] : memref<28x128xf32, #tpu.memory_space<vmem>> -> memref<1x128xf32, #tpu.memory_space<vmem>>
          %gather3A_316 = tpu.memref_squeeze %gather3A_315 : memref<1x128xf32, #tpu.memory_space<vmem>> -> memref<128xf32, #tpu.memory_space<vmem>>
          %gather3A_317 = tpu.vector_load_idx %gather3A_316[%add3A_313] : memref<128xf32, #tpu.memory_space<vmem>>[vector<16xi32>], vector<16xf32>,
          %get3A_318 = arith.index_cast %add3A_309 : i32 to index
          %get3A_319 = arith.constant 0 : index
          %get3A_320 = tpu.vector_load %arg13[%get3A_318, %get3A_319] {strides = array<i32>} : memref<128x32xf32, #tpu.memory_space<vmem>>, vector<16xf32>,
          %mul3A_321 = arith.mulf %get3A_320, %gather3A_317 : vector<16xf32>
          %swap3A_322 = arith.index_cast %add3A_309 : i32 to index
          %swap3A_323 = arith.constant 0 : index
          %swap3A_324 = tpu.vector_load %arg13[%swap3A_322, %swap3A_323] {strides = array<i32>} : memref<128x32xf32, #tpu.memory_space<vmem>>, vector<16xf32>,
          tpu.vector_store %arg13[%swap3A_322, %swap3A_323], %mul3A_321 {strides = array<i32>} : memref<128x32xf32, #tpu.memory_space<vmem>>, vector<16xf32>,
          %get3A_325 = arith.index_cast %add3A_309 : i32 to index
          %get3A_326 = arith.constant 16 : index
          %get3A_327 = tpu.vector_load %arg13[%get3A_325, %get3A_326] {strides = array<i32>} : memref<128x32xf32, #tpu.memory_space<vmem>>, vector<16xf32>,
          %mul3A_328 = arith.mulf %get3A_327, %gather3A_317 : vector<16xf32>
          %swap3A_329 = arith.index_cast %add3A_309 : i32 to index
          %swap3A_330 = arith.constant 16 : index
          %swap3A_331 = tpu.vector_load %arg13[%swap3A_329, %swap3A_330] {strides = array<i32>} : memref<128x32xf32, #tpu.memory_space<vmem>>, vector<16xf32>,
          tpu.vector_store %arg13[%swap3A_329, %swap3A_330], %mul3A_328 {strides = array<i32>} : memref<128x32xf32, #tpu.memory_space<vmem>>, vector<16xf32>,
        }
        %scan3A_155 = arith.constant 128 : i32
        %dma_wait3A_156 = arith.constant 0 : i32
        %dma_wait3A_157 = tpu.memref_slice %arg10[%add3A_123, %dma_wait3A_156] : memref<28x128xi32, #tpu.memory_space<vmem>> -> memref<1x128xi32, #tpu.memory_space<vmem>>
        %dma_wait3A_158 = tpu.memref_squeeze %dma_wait3A_157 : memref<1x128xi32, #tpu.memory_space<vmem>> -> memref<128xi32, #tpu.memory_space<vmem>>
        %dma_wait3A_159 = arith.constant 0 : i32
        %dma_wait3A_160 = arith.constant 0 : i32
        %dma_wait3A_161 = tpu.memref_slice %arg15[%dma_wait3A_159, %dma_wait3A_160] : memref<50176x32xf32, #tpu.memory_space<vmem_shared>> -> memref<50176x32xf32, #tpu.memory_space<vmem_shared>>
        tpu.wait_indirect_dma semaphore(%arg19 : memref<!tpu.dma_semaphore, #tpu.memory_space<semaphore_mem>>) src(%arg12 : memref<128x32xf32, #tpu.memory_space<vmem>>) dst(%dma_wait3A_161 : memref<50176x32xf32, #tpu.memory_space<vmem_shared>>)
        %add3A_162 = arith.constant 3 : i32
        %add3A_163 = arith.addi %add3A_123, %add3A_162 : i32
        %dma_start3A_164 = arith.constant 0 : i32
        %dma_start3A_165 = tpu.memref_slice %arg9[%add3A_163, %dma_start3A_164] : memref<28x128xi32, #tpu.memory_space<vmem>> -> memref<1x128xi32, #tpu.memory_space<vmem>>
        %dma_start3A_166 = tpu.memref_squeeze %dma_start3A_165 : memref<1x128xi32, #tpu.memory_space<vmem>> -> memref<128xi32, #tpu.memory_space<vmem>>
        %dma_start3A_167 = arith.constant 0 : i32
        %dma_start3A_168 = arith.constant 0 : i32
        %dma_start3A_169 = tpu.memref_slice %arg2[%dma_start3A_167, %dma_start3A_168] : memref<100352x32xf32, #tpu.memory_space<hbm>> -> memref<100352x32xf32, #tpu.memory_space<hbm>>
        tpu.enqueue_indirect_dma source(%dma_start3A_169 : memref<100352x32xf32, #tpu.memory_space<hbm>>) target(%arg12 : memref<128x32xf32, #tpu.memory_space<vmem>>) offsets(%dma_start3A_166 : memref<128xi32, #tpu.memory_space<vmem>>) semaphore(%arg16 : memref<!tpu.dma_semaphore, #tpu.memory_space<semaphore_mem>>)
        %add3A_170 = arith.constant 1 : i32
        %add3A_171 = arith.addi %add3A_123, %add3A_170 : i32
        %dma_start3A_172 = arith.constant 0 : i32
        %dma_start3A_173 = tpu.memref_slice %arg10[%add3A_171, %dma_start3A_172] : memref<28x128xi32, #tpu.memory_space<vmem>> -> memref<1x128xi32, #tpu.memory_space<vmem>>
        %dma_start3A_174 = tpu.memref_squeeze %dma_start3A_173 : memref<1x128xi32, #tpu.memory_space<vmem>> -> memref<128xi32, #tpu.memory_space<vmem>>
        %dma_start3A_175 = arith.constant 0 : i32
        %dma_start3A_176 = arith.constant 0 : i32
        %dma_start3A_177 = tpu.memref_slice %arg15[%dma_start3A_175, %dma_start3A_176] : memref<50176x32xf32, #tpu.memory_space<vmem_shared>> -> memref<50176x32xf32, #tpu.memory_space<vmem_shared>>
        tpu.enqueue_indirect_dma source(%arg13 : memref<128x32xf32, #tpu.memory_space<vmem>>) target(%dma_start3A_177 : memref<50176x32xf32, #tpu.memory_space<vmem_shared>>) offsets(%dma_start3A_174 : memref<128xi32, #tpu.memory_space<vmem>>) semaphore(%arg20 : memref<!tpu.dma_semaphore, #tpu.memory_space<semaphore_mem>>) {add = true}
        %add3A_178 = arith.constant 2 : i32
        %add3A_179 = arith.addi %add3A_123, %add3A_178 : i32
        %dma_wait3A_180 = arith.constant 0 : i32
        %dma_wait3A_181 = tpu.memref_slice %arg9[%add3A_179, %dma_wait3A_180] : memref<28x128xi32, #tpu.memory_space<vmem>> -> memref<1x128xi32, #tpu.memory_space<vmem>>
        %dma_wait3A_182 = tpu.memref_squeeze %dma_wait3A_181 : memref<1x128xi32, #tpu.memory_space<vmem>> -> memref<128xi32, #tpu.memory_space<vmem>>
        %dma_wait3A_183 = arith.constant 0 : i32
        %dma_wait3A_184 = arith.constant 0 : i32
        %dma_wait3A_185 = tpu.memref_slice %arg2[%dma_wait3A_183, %dma_wait3A_184] : memref<100352x32xf32, #tpu.memory_space<hbm>> -> memref<100352x32xf32, #tpu.memory_space<hbm>>
        tpu.wait_indirect_dma semaphore(%arg18 : memref<!tpu.dma_semaphore, #tpu.memory_space<semaphore_mem>>) src(%dma_wait3A_185 : memref<100352x32xf32, #tpu.memory_space<hbm>>) dst(%arg14 : memref<128x32xf32, #tpu.memory_space<vmem>>)
        %add3A_186 = arith.constant 2 : i32
        %add3A_187 = arith.addi %add3A_123, %add3A_186 : i32
        %scan3A_188 = arith.constant 0 : i32
        %scan3A_189 = arith.constant 128 : i32
        %scan3A_190 = arith.addi %scan3A_188, %scan3A_189 : i32
        %scan3A_191 = arith.constant 4 : i32
        scf.for %scan3A_224 = %scan3A_188 to %scan3A_190 step %scan3A_191  : i32 {
          %mul3A_225 = arith.constant 1 : i32
          %mul3A_226 = arith.muli %scan3A_224, %mul3A_225 : i32
          %add3A_227 = arith.constant 0 : i32
          %add3A_228 = arith.addi %add3A_227, %mul3A_226 : i32
          %broadcast_in_dim3A_229 = arith.constant 0 : i32
          %broadcast_in_dim3A_230 = vector.broadcast %broadcast_in_dim3A_229 : i32 to vector<16xi32>
          %add3A_231 = vector.broadcast %add3A_228 : i32 to vector<16xi32>
          %add3A_232 = arith.addi %broadcast_in_dim3A_230, %add3A_231 : vector<16xi32>
          %gather3A = arith.constant 0 : i32
          %gather3A_233 = tpu.memref_slice %arg11[%add3A_187, %gather3A] : memref<28x128xf32, #tpu.memory_space<vmem>> -> memref<1x128xf32, #tpu.memory_space<vmem>>
          %gather3A_234 = tpu.memref_squeeze %gather3A_233 : memref<1x128xf32, #tpu.memory_space<vmem>> -> memref<128xf32, #tpu.memory_space<vmem>>
          %gather3A_235 = tpu.vector_load_idx %gather3A_234[%add3A_232] : memref<128xf32, #tpu.memory_space<vmem>>[vector<16xi32>], vector<16xf32>,
          %get3A = arith.index_cast %add3A_228 : i32 to index
          %get3A_236 = arith.constant 0 : index
          %get3A_237 = tpu.vector_load %arg14[%get3A, %get3A_236] {strides = array<i32>} : memref<128x32xf32, #tpu.memory_space<vmem>>, vector<16xf32>,
          %mul3A_238 = arith.mulf %get3A_237, %gather3A_235 : vector<16xf32>
          %swap3A = arith.index_cast %add3A_228 : i32 to index
          %swap3A_239 = arith.constant 0 : index
          %swap3A_240 = tpu.vector_load %arg14[%swap3A, %swap3A_239] {strides = array<i32>} : memref<128x32xf32, #tpu.memory_space<vmem>>, vector<16xf32>,
          tpu.vector_store %arg14[%swap3A, %swap3A_239], %mul3A_238 {strides = array<i32>} : memref<128x32xf32, #tpu.memory_space<vmem>>, vector<16xf32>,
          %get3A_241 = arith.index_cast %add3A_228 : i32 to index
          %get3A_242 = arith.constant 16 : index
          %get3A_243 = tpu.vector_load %arg14[%get3A_241, %get3A_242] {strides = array<i32>} : memref<128x32xf32, #tpu.memory_space<vmem>>, vector<16xf32>,
          %mul3A_244 = arith.mulf %get3A_243, %gather3A_235 : vector<16xf32>
          %swap3A_245 = arith.index_cast %add3A_228 : i32 to index
          %swap3A_246 = arith.constant 16 : index
          %swap3A_247 = tpu.vector_load %arg14[%swap3A_245, %swap3A_246] {strides = array<i32>} : memref<128x32xf32, #tpu.memory_space<vmem>>, vector<16xf32>,
          tpu.vector_store %arg14[%swap3A_245, %swap3A_246], %mul3A_244 {strides = array<i32>} : memref<128x32xf32, #tpu.memory_space<vmem>>, vector<16xf32>,
          %scan3A_248 = arith.constant 1 : i32
          %scan3A_249 = arith.addi %scan3A_224, %scan3A_248 : i32
          %mul3A_250 = arith.constant 1 : i32
          %mul3A_251 = arith.muli %scan3A_249, %mul3A_250 : i32
          %add3A_252 = arith.constant 0 : i32
          %add3A_253 = arith.addi %add3A_252, %mul3A_251 : i32
          %broadcast_in_dim3A_254 = arith.constant 0 : i32
          %broadcast_in_dim3A_255 = vector.broadcast %broadcast_in_dim3A_254 : i32 to vector<16xi32>
          %add3A_256 = vector.broadcast %add3A_253 : i32 to vector<16xi32>
          %add3A_257 = arith.addi %broadcast_in_dim3A_255, %add3A_256 : vector<16xi32>
          %gather3A_258 = arith.constant 0 : i32
          %gather3A_259 = tpu.memref_slice %arg11[%add3A_187, %gather3A_258] : memref<28x128xf32, #tpu.memory_space<vmem>> -> memref<1x128xf32, #tpu.memory_space<vmem>>
          %gather3A_260 = tpu.memref_squeeze %gather3A_259 : memref<1x128xf32, #tpu.memory_space<vmem>> -> memref<128xf32, #tpu.memory_space<vmem>>
          %gather3A_261 = tpu.vector_load_idx %gather3A_260[%add3A_257] : memref<128xf32, #tpu.memory_space<vmem>>[vector<16xi32>], vector<16xf32>,
          %get3A_262 = arith.index_cast %add3A_253 : i32 to index
          %get3A_263 = arith.constant 0 : index
          %get3A_264 = tpu.vector_load %arg14[%get3A_262, %get3A_263] {strides = array<i32>} : memref<128x32xf32, #tpu.memory_space<vmem>>, vector<16xf32>,
          %mul3A_265 = arith.mulf %get3A_264, %gather3A_261 : vector<16xf32>
          %swap3A_266 = arith.index_cast %add3A_253 : i32 to index
          %swap3A_267 = arith.constant 0 : index
          %swap3A_268 = tpu.vector_load %arg14[%swap3A_266, %swap3A_267] {strides = array<i32>} : memref<128x32xf32, #tpu.memory_space<vmem>>, vector<16xf32>,
          tpu.vector_store %arg14[%swap3A_266, %swap3A_267], %mul3A_265 {strides = array<i32>} : memref<128x32xf32, #tpu.memory_space<vmem>>, vector<16xf32>,
          %get3A_269 = arith.index_cast %add3A_253 : i32 to index
          %get3A_270 = arith.constant 16 : index
          %get3A_271 = tpu.vector_load %arg14[%get3A_269, %get3A_270] {strides = array<i32>} : memref<128x32xf32, #tpu.memory_space<vmem>>, vector<16xf32>,
          %mul3A_272 = arith.mulf %get3A_271, %gather3A_261 : vector<16xf32>
          %swap3A_273 = arith.index_cast %add3A_253 : i32 to index
          %swap3A_274 = arith.constant 16 : index
          %swap3A_275 = tpu.vector_load %arg14[%swap3A_273, %swap3A_274] {strides = array<i32>} : memref<128x32xf32, #tpu.memory_space<vmem>>, vector<16xf32>,
          tpu.vector_store %arg14[%swap3A_273, %swap3A_274], %mul3A_272 {strides = array<i32>} : memref<128x32xf32, #tpu.memory_space<vmem>>, vector<16xf32>,
          %scan3A_276 = arith.constant 2 : i32
          %scan3A_277 = arith.addi %scan3A_224, %scan3A_276 : i32
          %mul3A_278 = arith.constant 1 : i32
          %mul3A_279 = arith.muli %scan3A_277, %mul3A_278 : i32
          %add3A_280 = arith.constant 0 : i32
          %add3A_281 = arith.addi %add3A_280, %mul3A_279 : i32
          %broadcast_in_dim3A_282 = arith.constant 0 : i32
          %broadcast_in_dim3A_283 = vector.broadcast %broadcast_in_dim3A_282 : i32 to vector<16xi32>
          %add3A_284 = vector.broadcast %add3A_281 : i32 to vector<16xi32>
          %add3A_285 = arith.addi %broadcast_in_dim3A_283, %add3A_284 : vector<16xi32>
          %gather3A_286 = arith.constant 0 : i32
          %gather3A_287 = tpu.memref_slice %arg11[%add3A_187, %gather3A_286] : memref<28x128xf32, #tpu.memory_space<vmem>> -> memref<1x128xf32, #tpu.memory_space<vmem>>
          %gather3A_288 = tpu.memref_squeeze %gather3A_287 : memref<1x128xf32, #tpu.memory_space<vmem>> -> memref<128xf32, #tpu.memory_space<vmem>>
          %gather3A_289 = tpu.vector_load_idx %gather3A_288[%add3A_285] : memref<128xf32, #tpu.memory_space<vmem>>[vector<16xi32>], vector<16xf32>,
          %get3A_290 = arith.index_cast %add3A_281 : i32 to index
          %get3A_291 = arith.constant 0 : index
          %get3A_292 = tpu.vector_load %arg14[%get3A_290, %get3A_291] {strides = array<i32>} : memref<128x32xf32, #tpu.memory_space<vmem>>, vector<16xf32>,
          %mul3A_293 = arith.mulf %get3A_292, %gather3A_289 : vector<16xf32>
          %swap3A_294 = arith.index_cast %add3A_281 : i32 to index
          %swap3A_295 = arith.constant 0 : index
          %swap3A_296 = tpu.vector_load %arg14[%swap3A_294, %swap3A_295] {strides = array<i32>} : memref<128x32xf32, #tpu.memory_space<vmem>>, vector<16xf32>,
          tpu.vector_store %arg14[%swap3A_294, %swap3A_295], %mul3A_293 {strides = array<i32>} : memref<128x32xf32, #tpu.memory_space<vmem>>, vector<16xf32>,
          %get3A_297 = arith.index_cast %add3A_281 : i32 to index
          %get3A_298 = arith.constant 16 : index
          %get3A_299 = tpu.vector_load %arg14[%get3A_297, %get3A_298] {strides = array<i32>} : memref<128x32xf32, #tpu.memory_space<vmem>>, vector<16xf32>,
          %mul3A_300 = arith.mulf %get3A_299, %gather3A_289 : vector<16xf32>
          %swap3A_301 = arith.index_cast %add3A_281 : i32 to index
          %swap3A_302 = arith.constant 16 : index
          %swap3A_303 = tpu.vector_load %arg14[%swap3A_301, %swap3A_302] {strides = array<i32>} : memref<128x32xf32, #tpu.memory_space<vmem>>, vector<16xf32>,
          tpu.vector_store %arg14[%swap3A_301, %swap3A_302], %mul3A_300 {strides = array<i32>} : memref<128x32xf32, #tpu.memory_space<vmem>>, vector<16xf32>,
          %scan3A_304 = arith.constant 3 : i32
          %scan3A_305 = arith.addi %scan3A_224, %scan3A_304 : i32
          %mul3A_306 = arith.constant 1 : i32
          %mul3A_307 = arith.muli %scan3A_305, %mul3A_306 : i32
          %add3A_308 = arith.constant 0 : i32
          %add3A_309 = arith.addi %add3A_308, %mul3A_307 : i32
          %broadcast_in_dim3A_310 = arith.constant 0 : i32
          %broadcast_in_dim3A_311 = vector.broadcast %broadcast_in_dim3A_310 : i32 to vector<16xi32>
          %add3A_312 = vector.broadcast %add3A_309 : i32 to vector<16xi32>
          %add3A_313 = arith.addi %broadcast_in_dim3A_311, %add3A_312 : vector<16xi32>
          %gather3A_314 = arith.constant 0 : i32
          %gather3A_315 = tpu.memref_slice %arg11[%add3A_187, %gather3A_314] : memref<28x128xf32, #tpu.memory_space<vmem>> -> memref<1x128xf32, #tpu.memory_space<vmem>>
          %gather3A_316 = tpu.memref_squeeze %gather3A_315 : memref<1x128xf32, #tpu.memory_space<vmem>> -> memref<128xf32, #tpu.memory_space<vmem>>
          %gather3A_317 = tpu.vector_load_idx %gather3A_316[%add3A_313] : memref<128xf32, #tpu.memory_space<vmem>>[vector<16xi32>], vector<16xf32>,
          %get3A_318 = arith.index_cast %add3A_309 : i32 to index
          %get3A_319 = arith.constant 0 : index
          %get3A_320 = tpu.vector_load %arg14[%get3A_318, %get3A_319] {strides = array<i32>} : memref<128x32xf32, #tpu.memory_space<vmem>>, vector<16xf32>,
          %mul3A_321 = arith.mulf %get3A_320, %gather3A_317 : vector<16xf32>
          %swap3A_322 = arith.index_cast %add3A_309 : i32 to index
          %swap3A_323 = arith.constant 0 : index
          %swap3A_324 = tpu.vector_load %arg14[%swap3A_322, %swap3A_323] {strides = array<i32>} : memref<128x32xf32, #tpu.memory_space<vmem>>, vector<16xf32>,
          tpu.vector_store %arg14[%swap3A_322, %swap3A_323], %mul3A_321 {strides = array<i32>} : memref<128x32xf32, #tpu.memory_space<vmem>>, vector<16xf32>,
          %get3A_325 = arith.index_cast %add3A_309 : i32 to index
          %get3A_326 = arith.constant 16 : index
          %get3A_327 = tpu.vector_load %arg14[%get3A_325, %get3A_326] {strides = array<i32>} : memref<128x32xf32, #tpu.memory_space<vmem>>, vector<16xf32>,
          %mul3A_328 = arith.mulf %get3A_327, %gather3A_317 : vector<16xf32>
          %swap3A_329 = arith.index_cast %add3A_309 : i32 to index
          %swap3A_330 = arith.constant 16 : index
          %swap3A_331 = tpu.vector_load %arg14[%swap3A_329, %swap3A_330] {strides = array<i32>} : memref<128x32xf32, #tpu.memory_space<vmem>>, vector<16xf32>,
          tpu.vector_store %arg14[%swap3A_329, %swap3A_330], %mul3A_328 {strides = array<i32>} : memref<128x32xf32, #tpu.memory_space<vmem>>, vector<16xf32>,
        }
        %scan3A_192 = arith.constant 128 : i32
        %dma_wait3A_193 = arith.constant 0 : i32
        %dma_wait3A_194 = tpu.memref_slice %arg10[%add3A_171, %dma_wait3A_193] : memref<28x128xi32, #tpu.memory_space<vmem>> -> memref<1x128xi32, #tpu.memory_space<vmem>>
        %dma_wait3A_195 = tpu.memref_squeeze %dma_wait3A_194 : memref<1x128xi32, #tpu.memory_space<vmem>> -> memref<128xi32, #tpu.memory_space<vmem>>
        %dma_wait3A_196 = arith.constant 0 : i32
        %dma_wait3A_197 = arith.constant 0 : i32
        %dma_wait3A_198 = tpu.memref_slice %arg15[%dma_wait3A_196, %dma_wait3A_197] : memref<50176x32xf32, #tpu.memory_space<vmem_shared>> -> memref<50176x32xf32, #tpu.memory_space<vmem_shared>>
        tpu.wait_indirect_dma semaphore(%arg20 : memref<!tpu.dma_semaphore, #tpu.memory_space<semaphore_mem>>) src(%arg13 : memref<128x32xf32, #tpu.memory_space<vmem>>) dst(%dma_wait3A_198 : memref<50176x32xf32, #tpu.memory_space<vmem_shared>>)
        %add3A_199 = arith.constant 4 : i32
        %add3A_200 = arith.addi %add3A_123, %add3A_199 : i32
        %lt3A = arith.constant 28 : i32
        %lt3A_201 = arith.cmpi slt, %add3A_200, %lt3A : i32
        %convert_element_type3A = arith.extui %lt3A_201 : i1 to i32
        %cond3A = arith.constant 0 : i32
        %cond3A_202 = arith.cmpi ne, %convert_element_type3A, %cond3A : i32
        scf.if %cond3A_202 {
          %add3A_224 = arith.constant 4 : i32
          %add3A_225 = arith.addi %add3A_123, %add3A_224 : i32
          %dma_start3A_226 = arith.constant 0 : i32
          %dma_start3A_227 = tpu.memref_slice %arg9[%add3A_225, %dma_start3A_226] : memref<28x128xi32, #tpu.memory_space<vmem>> -> memref<1x128xi32, #tpu.memory_space<vmem>>
          %dma_start3A_228 = tpu.memref_squeeze %dma_start3A_227 : memref<1x128xi32, #tpu.memory_space<vmem>> -> memref<128xi32, #tpu.memory_space<vmem>>
          %dma_start3A_229 = arith.constant 0 : i32
          %dma_start3A_230 = arith.constant 0 : i32
          %dma_start3A_231 = tpu.memref_slice %arg2[%dma_start3A_229, %dma_start3A_230] : memref<100352x32xf32, #tpu.memory_space<hbm>> -> memref<100352x32xf32, #tpu.memory_space<hbm>>
          tpu.enqueue_indirect_dma source(%dma_start3A_231 : memref<100352x32xf32, #tpu.memory_space<hbm>>) target(%arg13 : memref<128x32xf32, #tpu.memory_space<vmem>>) offsets(%dma_start3A_228 : memref<128xi32, #tpu.memory_space<vmem>>) semaphore(%arg17 : memref<!tpu.dma_semaphore, #tpu.memory_space<semaphore_mem>>)
        } else {
        }
        %add3A_203 = arith.constant 2 : i32
        %add3A_204 = arith.addi %add3A_123, %add3A_203 : i32
        %dma_start3A_205 = arith.constant 0 : i32
        %dma_start3A_206 = tpu.memref_slice %arg10[%add3A_204, %dma_start3A_205] : memref<28x128xi32, #tpu.memory_space<vmem>> -> memref<1x128xi32, #tpu.memory_space<vmem>>
        %dma_start3A_207 = tpu.memref_squeeze %dma_start3A_206 : memref<1x128xi32, #tpu.memory_space<vmem>> -> memref<128xi32, #tpu.memory_space<vmem>>
        %dma_start3A_208 = arith.constant 0 : i32
        %dma_start3A_209 = arith.constant 0 : i32
        %dma_start3A_210 = tpu.memref_slice %arg15[%dma_start3A_208, %dma_start3A_209] : memref<50176x32xf32, #tpu.memory_space<vmem_shared>> -> memref<50176x32xf32, #tpu.memory_space<vmem_shared>>
        tpu.enqueue_indirect_dma source(%arg14 : memref<128x32xf32, #tpu.memory_space<vmem>>) target(%dma_start3A_210 : memref<50176x32xf32, #tpu.memory_space<vmem_shared>>) offsets(%dma_start3A_207 : memref<128xi32, #tpu.memory_space<vmem>>) semaphore(%arg21 : memref<!tpu.dma_semaphore, #tpu.memory_space<semaphore_mem>>) {add = true}
        %dma_wait3A_211 = arith.constant 0 : i32
        %dma_wait3A_212 = tpu.memref_slice %arg10[%add3A_204, %dma_wait3A_211] : memref<28x128xi32, #tpu.memory_space<vmem>> -> memref<1x128xi32, #tpu.memory_space<vmem>>
        %dma_wait3A_213 = tpu.memref_squeeze %dma_wait3A_212 : memref<1x128xi32, #tpu.memory_space<vmem>> -> memref<128xi32, #tpu.memory_space<vmem>>
        %dma_wait3A_214 = arith.constant 0 : i32
        %dma_wait3A_215 = arith.constant 0 : i32
        %dma_wait3A_216 = tpu.memref_slice %arg15[%dma_wait3A_214, %dma_wait3A_215] : memref<50176x32xf32, #tpu.memory_space<vmem_shared>> -> memref<50176x32xf32, #tpu.memory_space<vmem_shared>>
        tpu.wait_indirect_dma semaphore(%arg21 : memref<!tpu.dma_semaphore, #tpu.memory_space<semaphore_mem>>) src(%arg14 : memref<128x32xf32, #tpu.memory_space<vmem>>) dst(%dma_wait3A_216 : memref<50176x32xf32, #tpu.memory_space<vmem_shared>>)
        %add3A_217 = arith.constant 5 : i32
        %add3A_218 = arith.addi %add3A_123, %add3A_217 : i32
        %lt3A_219 = arith.constant 28 : i32
        %lt3A_220 = arith.cmpi slt, %add3A_218, %lt3A_219 : i32
        %convert_element_type3A_221 = arith.extui %lt3A_220 : i1 to i32
        %cond3A_222 = arith.constant 0 : i32
        %cond3A_223 = arith.cmpi ne, %convert_element_type3A_221, %cond3A_222 : i32
        scf.if %cond3A_223 {
          %add3A_224 = arith.constant 5 : i32
          %add3A_225 = arith.addi %add3A_123, %add3A_224 : i32
          %dma_start3A_226 = arith.constant 0 : i32
          %dma_start3A_227 = tpu.memref_slice %arg9[%add3A_225, %dma_start3A_226] : memref<28x128xi32, #tpu.memory_space<vmem>> -> memref<1x128xi32, #tpu.memory_space<vmem>>
          %dma_start3A_228 = tpu.memref_squeeze %dma_start3A_227 : memref<1x128xi32, #tpu.memory_space<vmem>> -> memref<128xi32, #tpu.memory_space<vmem>>
          %dma_start3A_229 = arith.constant 0 : i32
          %dma_start3A_230 = arith.constant 0 : i32
          %dma_start3A_231 = tpu.memref_slice %arg2[%dma_start3A_229, %dma_start3A_230] : memref<100352x32xf32, #tpu.memory_space<hbm>> -> memref<100352x32xf32, #tpu.memory_space<hbm>>
          tpu.enqueue_indirect_dma source(%dma_start3A_231 : memref<100352x32xf32, #tpu.memory_space<hbm>>) target(%arg14 : memref<128x32xf32, #tpu.memory_space<vmem>>) offsets(%dma_start3A_228 : memref<128xi32, #tpu.memory_space<vmem>>) semaphore(%arg18 : memref<!tpu.dma_semaphore, #tpu.memory_space<semaphore_mem>>)
        } else {
        }
      }
      %scan3A_92 = arith.constant 9 : i32
      %dma_wait3A = arith.constant 27 : i32
      %dma_wait3A_93 = arith.constant 0 : i32
      %dma_wait3A_94 = tpu.memref_slice %arg9[%dma_wait3A, %dma_wait3A_93] : memref<28x128xi32, #tpu.memory_space<vmem>> -> memref<1x128xi32, #tpu.memory_space<vmem>>
      %dma_wait3A_95 = tpu.memref_squeeze %dma_wait3A_94 : memref<1x128xi32, #tpu.memory_space<vmem>> -> memref<128xi32, #tpu.memory_space<vmem>>
      %dma_wait3A_96 = arith.constant 0 : i32
      %dma_wait3A_97 = arith.constant 0 : i32
      %dma_wait3A_98 = tpu.memref_slice %arg2[%dma_wait3A_96, %dma_wait3A_97] : memref<100352x32xf32, #tpu.memory_space<hbm>> -> memref<100352x32xf32, #tpu.memory_space<hbm>>
      tpu.wait_indirect_dma semaphore(%arg16 : memref<!tpu.dma_semaphore, #tpu.memory_space<semaphore_mem>>) src(%dma_wait3A_98 : memref<100352x32xf32, #tpu.memory_space<hbm>>) dst(%arg12 : memref<128x32xf32, #tpu.memory_space<vmem>>)
      %scan3A_99 = arith.constant 27 : i32
      %scan3A_100 = arith.constant 0 : i32
      %scan3A_101 = arith.constant 128 : i32
      %scan3A_102 = arith.addi %scan3A_100, %scan3A_101 : i32
      %scan3A_103 = arith.constant 4 : i32
      scf.for %scan3A_119 = %scan3A_100 to %scan3A_102 step %scan3A_103  : i32 {
        %mul3A_120 = arith.constant 1 : i32
        %mul3A_121 = arith.muli %scan3A_119, %mul3A_120 : i32
        %add3A_122 = arith.constant 0 : i32
        %add3A_123 = arith.addi %add3A_122, %mul3A_121 : i32
        %broadcast_in_dim3A_124 = arith.constant 0 : i32
        %broadcast_in_dim3A_125 = vector.broadcast %broadcast_in_dim3A_124 : i32 to vector<16xi32>
        %add3A_126 = vector.broadcast %add3A_123 : i32 to vector<16xi32>
        %add3A_127 = arith.addi %broadcast_in_dim3A_125, %add3A_126 : vector<16xi32>
        %gather3A = arith.constant 0 : i32
        %gather3A_128 = tpu.memref_slice %arg11[%scan3A_99, %gather3A] : memref<28x128xf32, #tpu.memory_space<vmem>> -> memref<1x128xf32, #tpu.memory_space<vmem>>
        %gather3A_129 = tpu.memref_squeeze %gather3A_128 : memref<1x128xf32, #tpu.memory_space<vmem>> -> memref<128xf32, #tpu.memory_space<vmem>>
        %gather3A_130 = tpu.vector_load_idx %gather3A_129[%add3A_127] : memref<128xf32, #tpu.memory_space<vmem>>[vector<16xi32>], vector<16xf32>,
        %get3A = arith.index_cast %add3A_123 : i32 to index
        %get3A_131 = arith.constant 0 : index
        %get3A_132 = tpu.vector_load %arg12[%get3A, %get3A_131] {strides = array<i32>} : memref<128x32xf32, #tpu.memory_space<vmem>>, vector<16xf32>,
        %mul3A_133 = arith.mulf %get3A_132, %gather3A_130 : vector<16xf32>
        %swap3A = arith.index_cast %add3A_123 : i32 to index
        %swap3A_134 = arith.constant 0 : index
        %swap3A_135 = tpu.vector_load %arg12[%swap3A, %swap3A_134] {strides = array<i32>} : memref<128x32xf32, #tpu.memory_space<vmem>>, vector<16xf32>,
        tpu.vector_store %arg12[%swap3A, %swap3A_134], %mul3A_133 {strides = array<i32>} : memref<128x32xf32, #tpu.memory_space<vmem>>, vector<16xf32>,
        %get3A_136 = arith.index_cast %add3A_123 : i32 to index
        %get3A_137 = arith.constant 16 : index
        %get3A_138 = tpu.vector_load %arg12[%get3A_136, %get3A_137] {strides = array<i32>} : memref<128x32xf32, #tpu.memory_space<vmem>>, vector<16xf32>,
        %mul3A_139 = arith.mulf %get3A_138, %gather3A_130 : vector<16xf32>
        %swap3A_140 = arith.index_cast %add3A_123 : i32 to index
        %swap3A_141 = arith.constant 16 : index
        %swap3A_142 = tpu.vector_load %arg12[%swap3A_140, %swap3A_141] {strides = array<i32>} : memref<128x32xf32, #tpu.memory_space<vmem>>, vector<16xf32>,
        tpu.vector_store %arg12[%swap3A_140, %swap3A_141], %mul3A_139 {strides = array<i32>} : memref<128x32xf32, #tpu.memory_space<vmem>>, vector<16xf32>,
        %scan3A_143 = arith.constant 1 : i32
        %scan3A_144 = arith.addi %scan3A_119, %scan3A_143 : i32
        %mul3A_145 = arith.constant 1 : i32
        %mul3A_146 = arith.muli %scan3A_144, %mul3A_145 : i32
        %add3A_147 = arith.constant 0 : i32
        %add3A_148 = arith.addi %add3A_147, %mul3A_146 : i32
        %broadcast_in_dim3A_149 = arith.constant 0 : i32
        %broadcast_in_dim3A_150 = vector.broadcast %broadcast_in_dim3A_149 : i32 to vector<16xi32>
        %add3A_151 = vector.broadcast %add3A_148 : i32 to vector<16xi32>
        %add3A_152 = arith.addi %broadcast_in_dim3A_150, %add3A_151 : vector<16xi32>
        %gather3A_153 = arith.constant 0 : i32
        %gather3A_154 = tpu.memref_slice %arg11[%scan3A_99, %gather3A_153] : memref<28x128xf32, #tpu.memory_space<vmem>> -> memref<1x128xf32, #tpu.memory_space<vmem>>
        %gather3A_155 = tpu.memref_squeeze %gather3A_154 : memref<1x128xf32, #tpu.memory_space<vmem>> -> memref<128xf32, #tpu.memory_space<vmem>>
        %gather3A_156 = tpu.vector_load_idx %gather3A_155[%add3A_152] : memref<128xf32, #tpu.memory_space<vmem>>[vector<16xi32>], vector<16xf32>,
        %get3A_157 = arith.index_cast %add3A_148 : i32 to index
        %get3A_158 = arith.constant 0 : index
        %get3A_159 = tpu.vector_load %arg12[%get3A_157, %get3A_158] {strides = array<i32>} : memref<128x32xf32, #tpu.memory_space<vmem>>, vector<16xf32>,
        %mul3A_160 = arith.mulf %get3A_159, %gather3A_156 : vector<16xf32>
        %swap3A_161 = arith.index_cast %add3A_148 : i32 to index
        %swap3A_162 = arith.constant 0 : index
        %swap3A_163 = tpu.vector_load %arg12[%swap3A_161, %swap3A_162] {strides = array<i32>} : memref<128x32xf32, #tpu.memory_space<vmem>>, vector<16xf32>,
        tpu.vector_store %arg12[%swap3A_161, %swap3A_162], %mul3A_160 {strides = array<i32>} : memref<128x32xf32, #tpu.memory_space<vmem>>, vector<16xf32>,
        %get3A_164 = arith.index_cast %add3A_148 : i32 to index
        %get3A_165 = arith.constant 16 : index
        %get3A_166 = tpu.vector_load %arg12[%get3A_164, %get3A_165] {strides = array<i32>} : memref<128x32xf32, #tpu.memory_space<vmem>>, vector<16xf32>,
        %mul3A_167 = arith.mulf %get3A_166, %gather3A_156 : vector<16xf32>
        %swap3A_168 = arith.index_cast %add3A_148 : i32 to index
        %swap3A_169 = arith.constant 16 : index
        %swap3A_170 = tpu.vector_load %arg12[%swap3A_168, %swap3A_169] {strides = array<i32>} : memref<128x32xf32, #tpu.memory_space<vmem>>, vector<16xf32>,
        tpu.vector_store %arg12[%swap3A_168, %swap3A_169], %mul3A_167 {strides = array<i32>} : memref<128x32xf32, #tpu.memory_space<vmem>>, vector<16xf32>,
        %scan3A_171 = arith.constant 2 : i32
        %scan3A_172 = arith.addi %scan3A_119, %scan3A_171 : i32
        %mul3A_173 = arith.constant 1 : i32
        %mul3A_174 = arith.muli %scan3A_172, %mul3A_173 : i32
        %add3A_175 = arith.constant 0 : i32
        %add3A_176 = arith.addi %add3A_175, %mul3A_174 : i32
        %broadcast_in_dim3A_177 = arith.constant 0 : i32
        %broadcast_in_dim3A_178 = vector.broadcast %broadcast_in_dim3A_177 : i32 to vector<16xi32>
        %add3A_179 = vector.broadcast %add3A_176 : i32 to vector<16xi32>
        %add3A_180 = arith.addi %broadcast_in_dim3A_178, %add3A_179 : vector<16xi32>
        %gather3A_181 = arith.constant 0 : i32
        %gather3A_182 = tpu.memref_slice %arg11[%scan3A_99, %gather3A_181] : memref<28x128xf32, #tpu.memory_space<vmem>> -> memref<1x128xf32, #tpu.memory_space<vmem>>
        %gather3A_183 = tpu.memref_squeeze %gather3A_182 : memref<1x128xf32, #tpu.memory_space<vmem>> -> memref<128xf32, #tpu.memory_space<vmem>>
        %gather3A_184 = tpu.vector_load_idx %gather3A_183[%add3A_180] : memref<128xf32, #tpu.memory_space<vmem>>[vector<16xi32>], vector<16xf32>,
        %get3A_185 = arith.index_cast %add3A_176 : i32 to index
        %get3A_186 = arith.constant 0 : index
        %get3A_187 = tpu.vector_load %arg12[%get3A_185, %get3A_186] {strides = array<i32>} : memref<128x32xf32, #tpu.memory_space<vmem>>, vector<16xf32>,
        %mul3A_188 = arith.mulf %get3A_187, %gather3A_184 : vector<16xf32>
        %swap3A_189 = arith.index_cast %add3A_176 : i32 to index
        %swap3A_190 = arith.constant 0 : index
        %swap3A_191 = tpu.vector_load %arg12[%swap3A_189, %swap3A_190] {strides = array<i32>} : memref<128x32xf32, #tpu.memory_space<vmem>>, vector<16xf32>,
        tpu.vector_store %arg12[%swap3A_189, %swap3A_190], %mul3A_188 {strides = array<i32>} : memref<128x32xf32, #tpu.memory_space<vmem>>, vector<16xf32>,
        %get3A_192 = arith.index_cast %add3A_176 : i32 to index
        %get3A_193 = arith.constant 16 : index
        %get3A_194 = tpu.vector_load %arg12[%get3A_192, %get3A_193] {strides = array<i32>} : memref<128x32xf32, #tpu.memory_space<vmem>>, vector<16xf32>,
        %mul3A_195 = arith.mulf %get3A_194, %gather3A_184 : vector<16xf32>
        %swap3A_196 = arith.index_cast %add3A_176 : i32 to index
        %swap3A_197 = arith.constant 16 : index
        %swap3A_198 = tpu.vector_load %arg12[%swap3A_196, %swap3A_197] {strides = array<i32>} : memref<128x32xf32, #tpu.memory_space<vmem>>, vector<16xf32>,
        tpu.vector_store %arg12[%swap3A_196, %swap3A_197], %mul3A_195 {strides = array<i32>} : memref<128x32xf32, #tpu.memory_space<vmem>>, vector<16xf32>,
        %scan3A_199 = arith.constant 3 : i32
        %scan3A_200 = arith.addi %scan3A_119, %scan3A_199 : i32
        %mul3A_201 = arith.constant 1 : i32
        %mul3A_202 = arith.muli %scan3A_200, %mul3A_201 : i32
        %add3A_203 = arith.constant 0 : i32
        %add3A_204 = arith.addi %add3A_203, %mul3A_202 : i32
        %broadcast_in_dim3A_205 = arith.constant 0 : i32
        %broadcast_in_dim3A_206 = vector.broadcast %broadcast_in_dim3A_205 : i32 to vector<16xi32>
        %add3A_207 = vector.broadcast %add3A_204 : i32 to vector<16xi32>
        %add3A_208 = arith.addi %broadcast_in_dim3A_206, %add3A_207 : vector<16xi32>
        %gather3A_209 = arith.constant 0 : i32
        %gather3A_210 = tpu.memref_slice %arg11[%scan3A_99, %gather3A_209] : memref<28x128xf32, #tpu.memory_space<vmem>> -> memref<1x128xf32, #tpu.memory_space<vmem>>
        %gather3A_211 = tpu.memref_squeeze %gather3A_210 : memref<1x128xf32, #tpu.memory_space<vmem>> -> memref<128xf32, #tpu.memory_space<vmem>>
        %gather3A_212 = tpu.vector_load_idx %gather3A_211[%add3A_208] : memref<128xf32, #tpu.memory_space<vmem>>[vector<16xi32>], vector<16xf32>,
        %get3A_213 = arith.index_cast %add3A_204 : i32 to index
        %get3A_214 = arith.constant 0 : index
        %get3A_215 = tpu.vector_load %arg12[%get3A_213, %get3A_214] {strides = array<i32>} : memref<128x32xf32, #tpu.memory_space<vmem>>, vector<16xf32>,
        %mul3A_216 = arith.mulf %get3A_215, %gather3A_212 : vector<16xf32>
        %swap3A_217 = arith.index_cast %add3A_204 : i32 to index
        %swap3A_218 = arith.constant 0 : index
        %swap3A_219 = tpu.vector_load %arg12[%swap3A_217, %swap3A_218] {strides = array<i32>} : memref<128x32xf32, #tpu.memory_space<vmem>>, vector<16xf32>,
        tpu.vector_store %arg12[%swap3A_217, %swap3A_218], %mul3A_216 {strides = array<i32>} : memref<128x32xf32, #tpu.memory_space<vmem>>, vector<16xf32>,
        %get3A_220 = arith.index_cast %add3A_204 : i32 to index
        %get3A_221 = arith.constant 16 : index
        %get3A_222 = tpu.vector_load %arg12[%get3A_220, %get3A_221] {strides = array<i32>} : memref<128x32xf32, #tpu.memory_space<vmem>>, vector<16xf32>,
        %mul3A_223 = arith.mulf %get3A_222, %gather3A_212 : vector<16xf32>
        %swap3A_224 = arith.index_cast %add3A_204 : i32 to index
        %swap3A_225 = arith.constant 16 : index
        %swap3A_226 = tpu.vector_load %arg12[%swap3A_224, %swap3A_225] {strides = array<i32>} : memref<128x32xf32, #tpu.memory_space<vmem>>, vector<16xf32>,
        tpu.vector_store %arg12[%swap3A_224, %swap3A_225], %mul3A_223 {strides = array<i32>} : memref<128x32xf32, #tpu.memory_space<vmem>>, vector<16xf32>,
      }
      %scan3A_104 = arith.constant 128 : i32
      %dma_start3A_105 = arith.constant 27 : i32
      %dma_start3A_106 = arith.constant 0 : i32
      %dma_start3A_107 = tpu.memref_slice %arg10[%dma_start3A_105, %dma_start3A_106] : memref<28x128xi32, #tpu.memory_space<vmem>> -> memref<1x128xi32, #tpu.memory_space<vmem>>
      %dma_start3A_108 = tpu.memref_squeeze %dma_start3A_107 : memref<1x128xi32, #tpu.memory_space<vmem>> -> memref<128xi32, #tpu.memory_space<vmem>>
      %dma_start3A_109 = arith.constant 0 : i32
      %dma_start3A_110 = arith.constant 0 : i32
      %dma_start3A_111 = tpu.memref_slice %arg15[%dma_start3A_109, %dma_start3A_110] : memref<50176x32xf32, #tpu.memory_space<vmem_shared>> -> memref<50176x32xf32, #tpu.memory_space<vmem_shared>>
      tpu.enqueue_indirect_dma source(%arg12 : memref<128x32xf32, #tpu.memory_space<vmem>>) target(%dma_start3A_111 : memref<50176x32xf32, #tpu.memory_space<vmem_shared>>) offsets(%dma_start3A_108 : memref<128xi32, #tpu.memory_space<vmem>>) semaphore(%arg19 : memref<!tpu.dma_semaphore, #tpu.memory_space<semaphore_mem>>) {add = true}
      %dma_wait3A_112 = arith.constant 27 : i32
      %dma_wait3A_113 = arith.constant 0 : i32
      %dma_wait3A_114 = tpu.memref_slice %arg10[%dma_wait3A_112, %dma_wait3A_113] : memref<28x128xi32, #tpu.memory_space<vmem>> -> memref<1x128xi32, #tpu.memory_space<vmem>>
      %dma_wait3A_115 = tpu.memref_squeeze %dma_wait3A_114 : memref<1x128xi32, #tpu.memory_space<vmem>> -> memref<128xi32, #tpu.memory_space<vmem>>
      %dma_wait3A_116 = arith.constant 0 : i32
      %dma_wait3A_117 = arith.constant 0 : i32
      %dma_wait3A_118 = tpu.memref_slice %arg15[%dma_wait3A_116, %dma_wait3A_117] : memref<50176x32xf32, #tpu.memory_space<vmem_shared>> -> memref<50176x32xf32, #tpu.memory_space<vmem_shared>>
      tpu.wait_indirect_dma semaphore(%arg19 : memref<!tpu.dma_semaphore, #tpu.memory_space<semaphore_mem>>) src(%arg12 : memref<128x32xf32, #tpu.memory_space<vmem>>) dst(%dma_wait3A_118 : memref<50176x32xf32, #tpu.memory_space<vmem_shared>>)
    }
    %scan3A_15 = arith.constant 14 : i32
    %barrier3A_16 = arith.constant 0 : index
    tpu.barrier barrier_id(%barrier3A_16)
    %scan3A_17 = arith.constant 0 : i32
    %scan3A_18 = arith.constant 112 : i32
    %scan3A_19 = arith.addi %scan3A_17, %scan3A_18 : i32
    %scan3A_20 = arith.constant 1 : i32
    scf.for %scan3A_56 = %scan3A_17 to %scan3A_19 step %scan3A_20  : i32 {
      %mul3A_57 = arith.constant 1 : i32
      %mul3A_58 = arith.muli %scan3A_56, %mul3A_57 : i32
      %add3A = arith.constant 0 : i32
      %add3A_59 = arith.addi %add3A, %mul3A_58 : i32
      %swap3A = arith.index_cast %add3A_59 : i32 to index
      %swap3A_60 = arith.constant 0 : index
      %swap3A_61 = tpu.vector_load %arg13[%swap3A, %swap3A_60] {strides = array<i32>} : memref<128x32xf32, #tpu.memory_space<vmem>>, vector<16xf32>,
      tpu.vector_store %arg13[%swap3A, %swap3A_60], %broadcast_in_dim3A_0 {strides = array<i32>} : memref<128x32xf32, #tpu.memory_space<vmem>>, vector<16xf32>,
      %swap3A_62 = arith.index_cast %add3A_59 : i32 to index
      %swap3A_63 = arith.constant 16 : index
      %swap3A_64 = tpu.vector_load %arg13[%swap3A_62, %swap3A_63] {strides = array<i32>} : memref<128x32xf32, #tpu.memory_space<vmem>>, vector<16xf32>,
      tpu.vector_store %arg13[%swap3A_62, %swap3A_63], %broadcast_in_dim3A_0 {strides = array<i32>} : memref<128x32xf32, #tpu.memory_space<vmem>>, vector<16xf32>,
    }
    %scan3A_21 = arith.constant 112 : i32
    %scan3A_22 = arith.constant 0 : i32
    %scan3A_23 = arith.constant 28 : i32
    %scan3A_24 = arith.addi %scan3A_22, %scan3A_23 : i32
    %scan3A_25 = arith.constant 1 : i32
    scf.for %scan3A_56 = %scan3A_22 to %scan3A_24 step %scan3A_25  : i32 {
      %mul3A_57 = arith.constant 1 : i32
      %mul3A_58 = arith.muli %scan3A_56, %mul3A_57 : i32
      %add3A = arith.constant 0 : i32
      %add3A_59 = arith.addi %add3A, %mul3A_58 : i32
      %mul3A_60 = arith.constant 112 : i32
      %mul3A_61 = arith.muli %add3A_59, %mul3A_60 : i32
      %add3A_62 = arith.addi %mul3A_1, %mul3A_61 : i32
      "tpu.region"() ({
        %run_scoped3A = tpu.sem_alloc : memref<!tpu.dma_semaphore, #tpu.memory_space<semaphore_mem>>
        %dma_start3A = arith.constant 0 : i32
        %dma_start3A_69 = arith.constant 0 : i32
        %dma_start3A_70 = tpu.memref_slice %arg12[%dma_start3A, %dma_start3A_69] : memref<128x32xf32, #tpu.memory_space<vmem>> -> memref<112x32xf32, #tpu.memory_space<vmem>>
        %dma_start3A_71 = arith.constant 0 : i32
        %dma_start3A_72 = tpu.memref_slice %arg15[%add3A_62, %dma_start3A_71] : memref<50176x32xf32, #tpu.memory_space<vmem_shared>> -> memref<112x32xf32, #tpu.memory_space<vmem_shared>>
        %dma_start3A_73 = arith.constant 0 : i32
        %dma_start3A_74 = arith.constant 0 : i32
        %dma_start3A_75 = tpu.memref_slice %arg12[%dma_start3A_73, %dma_start3A_74] : memref<128x32xf32, #tpu.memory_space<vmem>> -> memref<112x32xf32, #tpu.memory_space<vmem>>
        %dma_start3A_76 = arith.constant 0 : i32
        %dma_start3A_77 = tpu.memref_slice %arg15[%add3A_62, %dma_start3A_76] : memref<50176x32xf32, #tpu.memory_space<vmem_shared>> -> memref<112x32xf32, #tpu.memory_space<vmem_shared>>
        tpu.enqueue_dma source(%dma_start3A_77 : memref<112x32xf32, #tpu.memory_space<vmem_shared>>) target(%dma_start3A_75 : memref<112x32xf32, #tpu.memory_space<vmem>>) target_semaphore(%run_scoped3A : memref<!tpu.dma_semaphore, #tpu.memory_space<semaphore_mem>>)
        %dma_wait3A = arith.constant 0 : i32
        %dma_wait3A_78 = arith.constant 0 : i32
        %dma_wait3A_79 = tpu.memref_slice %arg12[%dma_wait3A, %dma_wait3A_78] : memref<128x32xf32, #tpu.memory_space<vmem>> -> memref<112x32xf32, #tpu.memory_space<vmem>>
        %dma_wait3A_80 = arith.constant 0 : i32
        %dma_wait3A_81 = tpu.memref_slice %arg15[%add3A_62, %dma_wait3A_80] : memref<50176x32xf32, #tpu.memory_space<vmem_shared>> -> memref<112x32xf32, #tpu.memory_space<vmem_shared>>
        %dma_wait3A_82 = arith.constant 0 : i32
        %dma_wait3A_83 = arith.constant 0 : i32
        %dma_wait3A_84 = tpu.memref_slice %arg12[%dma_wait3A_82, %dma_wait3A_83] : memref<128x32xf32, #tpu.memory_space<vmem>> -> memref<112x32xf32, #tpu.memory_space<vmem>>
        %dma_wait3A_85 = arith.constant 0 : i32
        %dma_wait3A_86 = tpu.memref_slice %arg15[%add3A_62, %dma_wait3A_85] : memref<50176x32xf32, #tpu.memory_space<vmem_shared>> -> memref<112x32xf32, #tpu.memory_space<vmem_shared>>
        tpu.wait_dma2 semaphore(%run_scoped3A : memref<!tpu.dma_semaphore, #tpu.memory_space<semaphore_mem>>) src(%dma_wait3A_86 : memref<112x32xf32, #tpu.memory_space<vmem_shared>>) dst(%dma_wait3A_84 : memref<112x32xf32, #tpu.memory_space<vmem>>)
        tpu.yield
      }) : () -> ()
      %mul3A_63 = arith.constant 50176 : i32
      %mul3A_64 = arith.muli %arg0, %mul3A_63 : i32
      %add3A_65 = arith.addi %mul3A_64, %mul3A_1 : i32
      %mul3A_66 = arith.constant 112 : i32
      %mul3A_67 = arith.muli %add3A_59, %mul3A_66 : i32
      %add3A_68 = arith.addi %add3A_65, %mul3A_67 : i32
      "tpu.region"() ({
        %run_scoped3A = tpu.sem_alloc : memref<!tpu.dma_semaphore, #tpu.memory_space<semaphore_mem>>
        %dma_start3A = arith.constant 0 : i32
        %dma_start3A_69 = arith.constant 0 : i32
        %dma_start3A_70 = tpu.memref_slice %arg12[%dma_start3A, %dma_start3A_69] : memref<128x32xf32, #tpu.memory_space<vmem>> -> memref<112x32xf32, #tpu.memory_space<vmem>>
        %dma_start3A_71 = arith.constant 0 : i32
        %dma_start3A_72 = tpu.memref_slice %arg6[%add3A_68, %dma_start3A_71] : memref<100352x32xf32, #tpu.memory_space<hbm>> -> memref<112x32xf32, #tpu.memory_space<hbm>>
        %dma_start3A_73 = arith.constant 0 : i32
        %dma_start3A_74 = tpu.memref_slice %arg6[%add3A_68, %dma_start3A_73] : memref<100352x32xf32, #tpu.memory_space<hbm>> -> memref<112x32xf32, #tpu.memory_space<hbm>>
        %dma_start3A_75 = arith.constant 0 : i32
        %dma_start3A_76 = arith.constant 0 : i32
        %dma_start3A_77 = tpu.memref_slice %arg12[%dma_start3A_75, %dma_start3A_76] : memref<128x32xf32, #tpu.memory_space<vmem>> -> memref<112x32xf32, #tpu.memory_space<vmem>>
        tpu.enqueue_dma source(%dma_start3A_77 : memref<112x32xf32, #tpu.memory_space<vmem>>) target(%dma_start3A_74 : memref<112x32xf32, #tpu.memory_space<hbm>>) target_semaphore(%run_scoped3A : memref<!tpu.dma_semaphore, #tpu.memory_space<semaphore_mem>>)
        %dma_wait3A = arith.constant 0 : i32
        %dma_wait3A_78 = arith.constant 0 : i32
        %dma_wait3A_79 = tpu.memref_slice %arg12[%dma_wait3A, %dma_wait3A_78] : memref<128x32xf32, #tpu.memory_space<vmem>> -> memref<112x32xf32, #tpu.memory_space<vmem>>
        %dma_wait3A_80 = arith.constant 0 : i32
        %dma_wait3A_81 = tpu.memref_slice %arg6[%add3A_68, %dma_wait3A_80] : memref<100352x32xf32, #tpu.memory_space<hbm>> -> memref<112x32xf32, #tpu.memory_space<hbm>>
        %dma_wait3A_82 = arith.constant 0 : i32
        %dma_wait3A_83 = tpu.memref_slice %arg6[%add3A_68, %dma_wait3A_82] : memref<100352x32xf32, #tpu.memory_space<hbm>> -> memref<112x32xf32, #tpu.memory_space<hbm>>
        %dma_wait3A_84 = arith.constant 0 : i32
        %dma_wait3A_85 = arith.constant 0 : i32
        %dma_wait3A_86 = tpu.memref_slice %arg12[%dma_wait3A_84, %dma_wait3A_85] : memref<128x32xf32, #tpu.memory_space<vmem>> -> memref<112x32xf32, #tpu.memory_space<vmem>>
        tpu.wait_dma2 semaphore(%run_scoped3A : memref<!tpu.dma_semaphore, #tpu.memory_space<semaphore_mem>>) src(%dma_wait3A_86 : memref<112x32xf32, #tpu.memory_space<vmem>>) dst(%dma_wait3A_83 : memref<112x32xf32, #tpu.memory_space<hbm>>)
        tpu.yield
      }) : () -> ()
      "tpu.region"() ({
        %run_scoped3A = tpu.sem_alloc : memref<!tpu.dma_semaphore, #tpu.memory_space<semaphore_mem>>
        %dma_start3A = arith.constant 0 : i32
        %dma_start3A_69 = arith.constant 0 : i32
        %dma_start3A_70 = tpu.memref_slice %arg13[%dma_start3A, %dma_start3A_69] : memref<128x32xf32, #tpu.memory_space<vmem>> -> memref<112x32xf32, #tpu.memory_space<vmem>>
        %dma_start3A_71 = arith.constant 0 : i32
        %dma_start3A_72 = tpu.memref_slice %arg15[%add3A_62, %dma_start3A_71] : memref<50176x32xf32, #tpu.memory_space<vmem_shared>> -> memref<112x32xf32, #tpu.memory_space<vmem_shared>>
        %dma_start3A_73 = arith.constant 0 : i32
        %dma_start3A_74 = tpu.memref_slice %arg15[%add3A_62, %dma_start3A_73] : memref<50176x32xf32, #tpu.memory_space<vmem_shared>> -> memref<112x32xf32, #tpu.memory_space<vmem_shared>>
        %dma_start3A_75 = arith.constant 0 : i32
        %dma_start3A_76 = arith.constant 0 : i32
        %dma_start3A_77 = tpu.memref_slice %arg13[%dma_start3A_75, %dma_start3A_76] : memref<128x32xf32, #tpu.memory_space<vmem>> -> memref<112x32xf32, #tpu.memory_space<vmem>>
        tpu.enqueue_dma source(%dma_start3A_77 : memref<112x32xf32, #tpu.memory_space<vmem>>) target(%dma_start3A_74 : memref<112x32xf32, #tpu.memory_space<vmem_shared>>) target_semaphore(%run_scoped3A : memref<!tpu.dma_semaphore, #tpu.memory_space<semaphore_mem>>)
        %dma_wait3A = arith.constant 0 : i32
        %dma_wait3A_78 = arith.constant 0 : i32
        %dma_wait3A_79 = tpu.memref_slice %arg13[%dma_wait3A, %dma_wait3A_78] : memref<128x32xf32, #tpu.memory_space<vmem>> -> memref<112x32xf32, #tpu.memory_space<vmem>>
        %dma_wait3A_80 = arith.constant 0 : i32
        %dma_wait3A_81 = tpu.memref_slice %arg15[%add3A_62, %dma_wait3A_80] : memref<50176x32xf32, #tpu.memory_space<vmem_shared>> -> memref<112x32xf32, #tpu.memory_space<vmem_shared>>
        %dma_wait3A_82 = arith.constant 0 : i32
        %dma_wait3A_83 = tpu.memref_slice %arg15[%add3A_62, %dma_wait3A_82] : memref<50176x32xf32, #tpu.memory_space<vmem_shared>> -> memref<112x32xf32, #tpu.memory_space<vmem_shared>>
        %dma_wait3A_84 = arith.constant 0 : i32
        %dma_wait3A_85 = arith.constant 0 : i32
        %dma_wait3A_86 = tpu.memref_slice %arg13[%dma_wait3A_84, %dma_wait3A_85] : memref<128x32xf32, #tpu.memory_space<vmem>> -> memref<112x32xf32, #tpu.memory_space<vmem>>
        tpu.wait_dma2 semaphore(%run_scoped3A : memref<!tpu.dma_semaphore, #tpu.memory_space<semaphore_mem>>) src(%dma_wait3A_86 : memref<112x32xf32, #tpu.memory_space<vmem>>) dst(%dma_wait3A_83 : memref<112x32xf32, #tpu.memory_space<vmem_shared>>)
        tpu.yield
      }) : () -> ()
    }
    %scan3A_26 = arith.constant 28 : i32
    %barrier3A_27 = arith.constant 0 : index
    tpu.barrier barrier_id(%barrier3A_27)
    %scan3A_28 = arith.constant 0 : i32
    %scan3A_29 = arith.constant 14 : i32
    %scan3A_30 = arith.addi %scan3A_28, %scan3A_29 : i32
    %scan3A_31 = arith.constant 1 : i32
    scf.for %scan3A_56 = %scan3A_28 to %scan3A_30 step %scan3A_31  : i32 {
      %mul3A_57 = arith.constant 1 : i32
      %mul3A_58 = arith.muli %scan3A_56, %mul3A_57 : i32
      %add3A = arith.constant 0 : i32
      %add3A_59 = arith.addi %add3A, %mul3A_58 : i32
      %mul3A_60 = arith.constant 392 : i32
      %mul3A_61 = arith.muli %arg1, %mul3A_60 : i32
      %mul3A_62 = arith.constant 28 : i32
      %mul3A_63 = arith.muli %add3A_59, %mul3A_62 : i32
      %add3A_64 = arith.addi %mul3A_61, %mul3A_63 : i32
      %mul3A_65 = arith.constant 6272 : i32
      %mul3A_66 = arith.muli %arg0, %mul3A_65 : i32
      %add3A_67 = arith.addi %mul3A_66, %add3A_64 : i32
      "tpu.region"() ({
        %run_scoped3A = tpu.sem_alloc : memref<!tpu.dma_semaphore, #tpu.memory_space<semaphore_mem>>
        %dma_start3A_119 = arith.constant 0 : i32
        %dma_start3A_120 = tpu.memref_slice %arg3[%add3A_67, %dma_start3A_119] : memref<12544x128xi32, #tpu.memory_space<hbm>> -> memref<28x128xi32, #tpu.memory_space<hbm>>
        %dma_start3A_121 = arith.constant 0 : i32
        %dma_start3A_122 = tpu.memref_slice %arg3[%add3A_67, %dma_start3A_121] : memref<12544x128xi32, #tpu.memory_space<hbm>> -> memref<28x128xi32, #tpu.memory_space<hbm>>
        tpu.enqueue_dma source(%dma_start3A_122 : memref<28x128xi32, #tpu.memory_space<hbm>>) target(%arg9 : memref<28x128xi32, #tpu.memory_space<vmem>>) target_semaphore(%run_scoped3A : memref<!tpu.dma_semaphore, #tpu.memory_space<semaphore_mem>>)
        %dma_wait3A_123 = arith.constant 0 : i32
        %dma_wait3A_124 = tpu.memref_slice %arg3[%add3A_67, %dma_wait3A_123] : memref<12544x128xi32, #tpu.memory_space<hbm>> -> memref<28x128xi32, #tpu.memory_space<hbm>>
        %dma_wait3A_125 = arith.constant 0 : i32
        %dma_wait3A_126 = tpu.memref_slice %arg3[%add3A_67, %dma_wait3A_125] : memref<12544x128xi32, #tpu.memory_space<hbm>> -> memref<28x128xi32, #tpu.memory_space<hbm>>
        tpu.wait_dma2 semaphore(%run_scoped3A : memref<!tpu.dma_semaphore, #tpu.memory_space<semaphore_mem>>) src(%dma_wait3A_126 : memref<28x128xi32, #tpu.memory_space<hbm>>) dst(%arg9 : memref<28x128xi32, #tpu.memory_space<vmem>>)
        tpu.yield
      }) : () -> ()
      "tpu.region"() ({
        %run_scoped3A = tpu.sem_alloc : memref<!tpu.dma_semaphore, #tpu.memory_space<semaphore_mem>>
        %dma_start3A_119 = arith.constant 0 : i32
        %dma_start3A_120 = tpu.memref_slice %arg4[%add3A_64, %dma_start3A_119] : memref<6272x128xi32, #tpu.memory_space<hbm>> -> memref<28x128xi32, #tpu.memory_space<hbm>>
        %dma_start3A_121 = arith.constant 0 : i32
        %dma_start3A_122 = tpu.memref_slice %arg4[%add3A_64, %dma_start3A_121] : memref<6272x128xi32, #tpu.memory_space<hbm>> -> memref<28x128xi32, #tpu.memory_space<hbm>>
        tpu.enqueue_dma source(%dma_start3A_122 : memref<28x128xi32, #tpu.memory_space<hbm>>) target(%arg10 : memref<28x128xi32, #tpu.memory_space<vmem>>) target_semaphore(%run_scoped3A : memref<!tpu.dma_semaphore, #tpu.memory_space<semaphore_mem>>)
        %dma_wait3A_123 = arith.constant 0 : i32
        %dma_wait3A_124 = tpu.memref_slice %arg4[%add3A_64, %dma_wait3A_123] : memref<6272x128xi32, #tpu.memory_space<hbm>> -> memref<28x128xi32, #tpu.memory_space<hbm>>
        %dma_wait3A_125 = arith.constant 0 : i32
        %dma_wait3A_126 = tpu.memref_slice %arg4[%add3A_64, %dma_wait3A_125] : memref<6272x128xi32, #tpu.memory_space<hbm>> -> memref<28x128xi32, #tpu.memory_space<hbm>>
        tpu.wait_dma2 semaphore(%run_scoped3A : memref<!tpu.dma_semaphore, #tpu.memory_space<semaphore_mem>>) src(%dma_wait3A_126 : memref<28x128xi32, #tpu.memory_space<hbm>>) dst(%arg10 : memref<28x128xi32, #tpu.memory_space<vmem>>)
        tpu.yield
      }) : () -> ()
      "tpu.region"() ({
        %run_scoped3A = tpu.sem_alloc : memref<!tpu.dma_semaphore, #tpu.memory_space<semaphore_mem>>
        %dma_start3A_119 = arith.constant 0 : i32
        %dma_start3A_120 = tpu.memref_slice %arg5[%add3A_64, %dma_start3A_119] : memref<6272x128xf32, #tpu.memory_space<hbm>> -> memref<28x128xf32, #tpu.memory_space<hbm>>
        %dma_start3A_121 = arith.constant 0 : i32
        %dma_start3A_122 = tpu.memref_slice %arg5[%add3A_64, %dma_start3A_121] : memref<6272x128xf32, #tpu.memory_space<hbm>> -> memref<28x128xf32, #tpu.memory_space<hbm>>
        tpu.enqueue_dma source(%dma_start3A_122 : memref<28x128xf32, #tpu.memory_space<hbm>>) target(%arg11 : memref<28x128xf32, #tpu.memory_space<vmem>>) target_semaphore(%run_scoped3A : memref<!tpu.dma_semaphore, #tpu.memory_space<semaphore_mem>>)
        %dma_wait3A_123 = arith.constant 0 : i32
        %dma_wait3A_124 = tpu.memref_slice %arg5[%add3A_64, %dma_wait3A_123] : memref<6272x128xf32, #tpu.memory_space<hbm>> -> memref<28x128xf32, #tpu.memory_space<hbm>>
        %dma_wait3A_125 = arith.constant 0 : i32
        %dma_wait3A_126 = tpu.memref_slice %arg5[%add3A_64, %dma_wait3A_125] : memref<6272x128xf32, #tpu.memory_space<hbm>> -> memref<28x128xf32, #tpu.memory_space<hbm>>
        tpu.wait_dma2 semaphore(%run_scoped3A : memref<!tpu.dma_semaphore, #tpu.memory_space<semaphore_mem>>) src(%dma_wait3A_126 : memref<28x128xf32, #tpu.memory_space<hbm>>) dst(%arg11 : memref<28x128xf32, #tpu.memory_space<vmem>>)
        tpu.yield
      }) : () -> ()
      %dma_start3A = arith.constant 0 : i32
      %dma_start3A_68 = arith.constant 0 : i32
      %dma_start3A_69 = tpu.memref_slice %arg9[%dma_start3A, %dma_start3A_68] : memref<28x128xi32, #tpu.memory_space<vmem>> -> memref<1x128xi32, #tpu.memory_space<vmem>>
      %dma_start3A_70 = tpu.memref_squeeze %dma_start3A_69 : memref<1x128xi32, #tpu.memory_space<vmem>> -> memref<128xi32, #tpu.memory_space<vmem>>
      %dma_start3A_71 = arith.constant 0 : i32
      %dma_start3A_72 = arith.constant 0 : i32
      %dma_start3A_73 = tpu.memref_slice %arg6[%dma_start3A_71, %dma_start3A_72] : memref<100352x32xf32, #tpu.memory_space<hbm>> -> memref<100352x32xf32, #tpu.memory_space<hbm>>
      tpu.enqueue_indirect_dma source(%dma_start3A_73 : memref<100352x32xf32, #tpu.memory_space<hbm>>) target(%arg12 : memref<128x32xf32, #tpu.memory_space<vmem>>) offsets(%dma_start3A_70 : memref<128xi32, #tpu.memory_space<vmem>>) semaphore(%arg16 : memref<!tpu.dma_semaphore, #tpu.memory_space<semaphore_mem>>)
      %dma_start3A_74 = arith.constant 1 : i32
      %dma_start3A_75 = arith.constant 0 : i32
      %dma_start3A_76 = tpu.memref_slice %arg9[%dma_start3A_74, %dma_start3A_75] : memref<28x128xi32, #tpu.memory_space<vmem>> -> memref<1x128xi32, #tpu.memory_space<vmem>>
      %dma_start3A_77 = tpu.memref_squeeze %dma_start3A_76 : memref<1x128xi32, #tpu.memory_space<vmem>> -> memref<128xi32, #tpu.memory_space<vmem>>
      %dma_start3A_78 = arith.constant 0 : i32
      %dma_start3A_79 = arith.constant 0 : i32
      %dma_start3A_80 = tpu.memref_slice %arg6[%dma_start3A_78, %dma_start3A_79] : memref<100352x32xf32, #tpu.memory_space<hbm>> -> memref<100352x32xf32, #tpu.memory_space<hbm>>
      tpu.enqueue_indirect_dma source(%dma_start3A_80 : memref<100352x32xf32, #tpu.memory_space<hbm>>) target(%arg13 : memref<128x32xf32, #tpu.memory_space<vmem>>) offsets(%dma_start3A_77 : memref<128xi32, #tpu.memory_space<vmem>>) semaphore(%arg17 : memref<!tpu.dma_semaphore, #tpu.memory_space<semaphore_mem>>)
      %dma_start3A_81 = arith.constant 2 : i32
      %dma_start3A_82 = arith.constant 0 : i32
      %dma_start3A_83 = tpu.memref_slice %arg9[%dma_start3A_81, %dma_start3A_82] : memref<28x128xi32, #tpu.memory_space<vmem>> -> memref<1x128xi32, #tpu.memory_space<vmem>>
      %dma_start3A_84 = tpu.memref_squeeze %dma_start3A_83 : memref<1x128xi32, #tpu.memory_space<vmem>> -> memref<128xi32, #tpu.memory_space<vmem>>
      %dma_start3A_85 = arith.constant 0 : i32
      %dma_start3A_86 = arith.constant 0 : i32
      %dma_start3A_87 = tpu.memref_slice %arg6[%dma_start3A_85, %dma_start3A_86] : memref<100352x32xf32, #tpu.memory_space<hbm>> -> memref<100352x32xf32, #tpu.memory_space<hbm>>
      tpu.enqueue_indirect_dma source(%dma_start3A_87 : memref<100352x32xf32, #tpu.memory_space<hbm>>) target(%arg14 : memref<128x32xf32, #tpu.memory_space<vmem>>) offsets(%dma_start3A_84 : memref<128xi32, #tpu.memory_space<vmem>>) semaphore(%arg18 : memref<!tpu.dma_semaphore, #tpu.memory_space<semaphore_mem>>)
      %scan3A_88 = arith.constant 0 : i32
      %scan3A_89 = arith.constant 9 : i32
      %scan3A_90 = arith.addi %scan3A_88, %scan3A_89 : i32
      %scan3A_91 = arith.constant 1 : i32
      scf.for %scan3A_119 = %scan3A_88 to %scan3A_90 step %scan3A_91  : i32 {
        %mul3A_120 = arith.constant 3 : i32
        %mul3A_121 = arith.muli %scan3A_119, %mul3A_120 : i32
        %add3A_122 = arith.constant 0 : i32
        %add3A_123 = arith.addi %add3A_122, %mul3A_121 : i32
        %dma_wait3A_124 = arith.constant 0 : i32
        %dma_wait3A_125 = tpu.memref_slice %arg9[%add3A_123, %dma_wait3A_124] : memref<28x128xi32, #tpu.memory_space<vmem>> -> memref<1x128xi32, #tpu.memory_space<vmem>>
        %dma_wait3A_126 = tpu.memref_squeeze %dma_wait3A_125 : memref<1x128xi32, #tpu.memory_space<vmem>> -> memref<128xi32, #tpu.memory_space<vmem>>
        %dma_wait3A_127 = arith.constant 0 : i32
        %dma_wait3A_128 = arith.constant 0 : i32
        %dma_wait3A_129 = tpu.memref_slice %arg6[%dma_wait3A_127, %dma_wait3A_128] : memref<100352x32xf32, #tpu.memory_space<hbm>> -> memref<100352x32xf32, #tpu.memory_space<hbm>>
        tpu.wait_indirect_dma semaphore(%arg16 : memref<!tpu.dma_semaphore, #tpu.memory_space<semaphore_mem>>) src(%dma_wait3A_129 : memref<100352x32xf32, #tpu.memory_space<hbm>>) dst(%arg12 : memref<128x32xf32, #tpu.memory_space<vmem>>)
        %scan3A_130 = arith.constant 0 : i32
        %scan3A_131 = arith.constant 128 : i32
        %scan3A_132 = arith.addi %scan3A_130, %scan3A_131 : i32
        %scan3A_133 = arith.constant 4 : i32
        scf.for %scan3A_224 = %scan3A_130 to %scan3A_132 step %scan3A_133  : i32 {
          %mul3A_225 = arith.constant 1 : i32
          %mul3A_226 = arith.muli %scan3A_224, %mul3A_225 : i32
          %add3A_227 = arith.constant 0 : i32
          %add3A_228 = arith.addi %add3A_227, %mul3A_226 : i32
          %broadcast_in_dim3A_229 = arith.constant 0 : i32
          %broadcast_in_dim3A_230 = vector.broadcast %broadcast_in_dim3A_229 : i32 to vector<16xi32>
          %add3A_231 = vector.broadcast %add3A_228 : i32 to vector<16xi32>
          %add3A_232 = arith.addi %broadcast_in_dim3A_230, %add3A_231 : vector<16xi32>
          %gather3A = arith.constant 0 : i32
          %gather3A_233 = tpu.memref_slice %arg11[%add3A_123, %gather3A] : memref<28x128xf32, #tpu.memory_space<vmem>> -> memref<1x128xf32, #tpu.memory_space<vmem>>
          %gather3A_234 = tpu.memref_squeeze %gather3A_233 : memref<1x128xf32, #tpu.memory_space<vmem>> -> memref<128xf32, #tpu.memory_space<vmem>>
          %gather3A_235 = tpu.vector_load_idx %gather3A_234[%add3A_232] : memref<128xf32, #tpu.memory_space<vmem>>[vector<16xi32>], vector<16xf32>,
          %get3A = arith.index_cast %add3A_228 : i32 to index
          %get3A_236 = arith.constant 0 : index
          %get3A_237 = tpu.vector_load %arg12[%get3A, %get3A_236] {strides = array<i32>} : memref<128x32xf32, #tpu.memory_space<vmem>>, vector<16xf32>,
          %mul3A_238 = arith.mulf %get3A_237, %gather3A_235 : vector<16xf32>
          %swap3A = arith.index_cast %add3A_228 : i32 to index
          %swap3A_239 = arith.constant 0 : index
          %swap3A_240 = tpu.vector_load %arg12[%swap3A, %swap3A_239] {strides = array<i32>} : memref<128x32xf32, #tpu.memory_space<vmem>>, vector<16xf32>,
          tpu.vector_store %arg12[%swap3A, %swap3A_239], %mul3A_238 {strides = array<i32>} : memref<128x32xf32, #tpu.memory_space<vmem>>, vector<16xf32>,
          %get3A_241 = arith.index_cast %add3A_228 : i32 to index
          %get3A_242 = arith.constant 16 : index
          %get3A_243 = tpu.vector_load %arg12[%get3A_241, %get3A_242] {strides = array<i32>} : memref<128x32xf32, #tpu.memory_space<vmem>>, vector<16xf32>,
          %mul3A_244 = arith.mulf %get3A_243, %gather3A_235 : vector<16xf32>
          %swap3A_245 = arith.index_cast %add3A_228 : i32 to index
          %swap3A_246 = arith.constant 16 : index
          %swap3A_247 = tpu.vector_load %arg12[%swap3A_245, %swap3A_246] {strides = array<i32>} : memref<128x32xf32, #tpu.memory_space<vmem>>, vector<16xf32>,
          tpu.vector_store %arg12[%swap3A_245, %swap3A_246], %mul3A_244 {strides = array<i32>} : memref<128x32xf32, #tpu.memory_space<vmem>>, vector<16xf32>,
          %scan3A_248 = arith.constant 1 : i32
          %scan3A_249 = arith.addi %scan3A_224, %scan3A_248 : i32
          %mul3A_250 = arith.constant 1 : i32
          %mul3A_251 = arith.muli %scan3A_249, %mul3A_250 : i32
          %add3A_252 = arith.constant 0 : i32
          %add3A_253 = arith.addi %add3A_252, %mul3A_251 : i32
          %broadcast_in_dim3A_254 = arith.constant 0 : i32
          %broadcast_in_dim3A_255 = vector.broadcast %broadcast_in_dim3A_254 : i32 to vector<16xi32>
          %add3A_256 = vector.broadcast %add3A_253 : i32 to vector<16xi32>
          %add3A_257 = arith.addi %broadcast_in_dim3A_255, %add3A_256 : vector<16xi32>
          %gather3A_258 = arith.constant 0 : i32
          %gather3A_259 = tpu.memref_slice %arg11[%add3A_123, %gather3A_258] : memref<28x128xf32, #tpu.memory_space<vmem>> -> memref<1x128xf32, #tpu.memory_space<vmem>>
          %gather3A_260 = tpu.memref_squeeze %gather3A_259 : memref<1x128xf32, #tpu.memory_space<vmem>> -> memref<128xf32, #tpu.memory_space<vmem>>
          %gather3A_261 = tpu.vector_load_idx %gather3A_260[%add3A_257] : memref<128xf32, #tpu.memory_space<vmem>>[vector<16xi32>], vector<16xf32>,
          %get3A_262 = arith.index_cast %add3A_253 : i32 to index
          %get3A_263 = arith.constant 0 : index
          %get3A_264 = tpu.vector_load %arg12[%get3A_262, %get3A_263] {strides = array<i32>} : memref<128x32xf32, #tpu.memory_space<vmem>>, vector<16xf32>,
          %mul3A_265 = arith.mulf %get3A_264, %gather3A_261 : vector<16xf32>
          %swap3A_266 = arith.index_cast %add3A_253 : i32 to index
          %swap3A_267 = arith.constant 0 : index
          %swap3A_268 = tpu.vector_load %arg12[%swap3A_266, %swap3A_267] {strides = array<i32>} : memref<128x32xf32, #tpu.memory_space<vmem>>, vector<16xf32>,
          tpu.vector_store %arg12[%swap3A_266, %swap3A_267], %mul3A_265 {strides = array<i32>} : memref<128x32xf32, #tpu.memory_space<vmem>>, vector<16xf32>,
          %get3A_269 = arith.index_cast %add3A_253 : i32 to index
          %get3A_270 = arith.constant 16 : index
          %get3A_271 = tpu.vector_load %arg12[%get3A_269, %get3A_270] {strides = array<i32>} : memref<128x32xf32, #tpu.memory_space<vmem>>, vector<16xf32>,
          %mul3A_272 = arith.mulf %get3A_271, %gather3A_261 : vector<16xf32>
          %swap3A_273 = arith.index_cast %add3A_253 : i32 to index
          %swap3A_274 = arith.constant 16 : index
          %swap3A_275 = tpu.vector_load %arg12[%swap3A_273, %swap3A_274] {strides = array<i32>} : memref<128x32xf32, #tpu.memory_space<vmem>>, vector<16xf32>,
          tpu.vector_store %arg12[%swap3A_273, %swap3A_274], %mul3A_272 {strides = array<i32>} : memref<128x32xf32, #tpu.memory_space<vmem>>, vector<16xf32>,
          %scan3A_276 = arith.constant 2 : i32
          %scan3A_277 = arith.addi %scan3A_224, %scan3A_276 : i32
          %mul3A_278 = arith.constant 1 : i32
          %mul3A_279 = arith.muli %scan3A_277, %mul3A_278 : i32
          %add3A_280 = arith.constant 0 : i32
          %add3A_281 = arith.addi %add3A_280, %mul3A_279 : i32
          %broadcast_in_dim3A_282 = arith.constant 0 : i32
          %broadcast_in_dim3A_283 = vector.broadcast %broadcast_in_dim3A_282 : i32 to vector<16xi32>
          %add3A_284 = vector.broadcast %add3A_281 : i32 to vector<16xi32>
          %add3A_285 = arith.addi %broadcast_in_dim3A_283, %add3A_284 : vector<16xi32>
          %gather3A_286 = arith.constant 0 : i32
          %gather3A_287 = tpu.memref_slice %arg11[%add3A_123, %gather3A_286] : memref<28x128xf32, #tpu.memory_space<vmem>> -> memref<1x128xf32, #tpu.memory_space<vmem>>
          %gather3A_288 = tpu.memref_squeeze %gather3A_287 : memref<1x128xf32, #tpu.memory_space<vmem>> -> memref<128xf32, #tpu.memory_space<vmem>>
          %gather3A_289 = tpu.vector_load_idx %gather3A_288[%add3A_285] : memref<128xf32, #tpu.memory_space<vmem>>[vector<16xi32>], vector<16xf32>,
          %get3A_290 = arith.index_cast %add3A_281 : i32 to index
          %get3A_291 = arith.constant 0 : index
          %get3A_292 = tpu.vector_load %arg12[%get3A_290, %get3A_291] {strides = array<i32>} : memref<128x32xf32, #tpu.memory_space<vmem>>, vector<16xf32>,
          %mul3A_293 = arith.mulf %get3A_292, %gather3A_289 : vector<16xf32>
          %swap3A_294 = arith.index_cast %add3A_281 : i32 to index
          %swap3A_295 = arith.constant 0 : index
          %swap3A_296 = tpu.vector_load %arg12[%swap3A_294, %swap3A_295] {strides = array<i32>} : memref<128x32xf32, #tpu.memory_space<vmem>>, vector<16xf32>,
          tpu.vector_store %arg12[%swap3A_294, %swap3A_295], %mul3A_293 {strides = array<i32>} : memref<128x32xf32, #tpu.memory_space<vmem>>, vector<16xf32>,
          %get3A_297 = arith.index_cast %add3A_281 : i32 to index
          %get3A_298 = arith.constant 16 : index
          %get3A_299 = tpu.vector_load %arg12[%get3A_297, %get3A_298] {strides = array<i32>} : memref<128x32xf32, #tpu.memory_space<vmem>>, vector<16xf32>,
          %mul3A_300 = arith.mulf %get3A_299, %gather3A_289 : vector<16xf32>
          %swap3A_301 = arith.index_cast %add3A_281 : i32 to index
          %swap3A_302 = arith.constant 16 : index
          %swap3A_303 = tpu.vector_load %arg12[%swap3A_301, %swap3A_302] {strides = array<i32>} : memref<128x32xf32, #tpu.memory_space<vmem>>, vector<16xf32>,
          tpu.vector_store %arg12[%swap3A_301, %swap3A_302], %mul3A_300 {strides = array<i32>} : memref<128x32xf32, #tpu.memory_space<vmem>>, vector<16xf32>,
          %scan3A_304 = arith.constant 3 : i32
          %scan3A_305 = arith.addi %scan3A_224, %scan3A_304 : i32
          %mul3A_306 = arith.constant 1 : i32
          %mul3A_307 = arith.muli %scan3A_305, %mul3A_306 : i32
          %add3A_308 = arith.constant 0 : i32
          %add3A_309 = arith.addi %add3A_308, %mul3A_307 : i32
          %broadcast_in_dim3A_310 = arith.constant 0 : i32
          %broadcast_in_dim3A_311 = vector.broadcast %broadcast_in_dim3A_310 : i32 to vector<16xi32>
          %add3A_312 = vector.broadcast %add3A_309 : i32 to vector<16xi32>
          %add3A_313 = arith.addi %broadcast_in_dim3A_311, %add3A_312 : vector<16xi32>
          %gather3A_314 = arith.constant 0 : i32
          %gather3A_315 = tpu.memref_slice %arg11[%add3A_123, %gather3A_314] : memref<28x128xf32, #tpu.memory_space<vmem>> -> memref<1x128xf32, #tpu.memory_space<vmem>>
          %gather3A_316 = tpu.memref_squeeze %gather3A_315 : memref<1x128xf32, #tpu.memory_space<vmem>> -> memref<128xf32, #tpu.memory_space<vmem>>
          %gather3A_317 = tpu.vector_load_idx %gather3A_316[%add3A_313] : memref<128xf32, #tpu.memory_space<vmem>>[vector<16xi32>], vector<16xf32>,
          %get3A_318 = arith.index_cast %add3A_309 : i32 to index
          %get3A_319 = arith.constant 0 : index
          %get3A_320 = tpu.vector_load %arg12[%get3A_318, %get3A_319] {strides = array<i32>} : memref<128x32xf32, #tpu.memory_space<vmem>>, vector<16xf32>,
          %mul3A_321 = arith.mulf %get3A_320, %gather3A_317 : vector<16xf32>
          %swap3A_322 = arith.index_cast %add3A_309 : i32 to index
          %swap3A_323 = arith.constant 0 : index
          %swap3A_324 = tpu.vector_load %arg12[%swap3A_322, %swap3A_323] {strides = array<i32>} : memref<128x32xf32, #tpu.memory_space<vmem>>, vector<16xf32>,
          tpu.vector_store %arg12[%swap3A_322, %swap3A_323], %mul3A_321 {strides = array<i32>} : memref<128x32xf32, #tpu.memory_space<vmem>>, vector<16xf32>,
          %get3A_325 = arith.index_cast %add3A_309 : i32 to index
          %get3A_326 = arith.constant 16 : index
          %get3A_327 = tpu.vector_load %arg12[%get3A_325, %get3A_326] {strides = array<i32>} : memref<128x32xf32, #tpu.memory_space<vmem>>, vector<16xf32>,
          %mul3A_328 = arith.mulf %get3A_327, %gather3A_317 : vector<16xf32>
          %swap3A_329 = arith.index_cast %add3A_309 : i32 to index
          %swap3A_330 = arith.constant 16 : index
          %swap3A_331 = tpu.vector_load %arg12[%swap3A_329, %swap3A_330] {strides = array<i32>} : memref<128x32xf32, #tpu.memory_space<vmem>>, vector<16xf32>,
          tpu.vector_store %arg12[%swap3A_329, %swap3A_330], %mul3A_328 {strides = array<i32>} : memref<128x32xf32, #tpu.memory_space<vmem>>, vector<16xf32>,
        }
        %scan3A_134 = arith.constant 128 : i32
        %dma_start3A_135 = arith.constant 0 : i32
        %dma_start3A_136 = tpu.memref_slice %arg10[%add3A_123, %dma_start3A_135] : memref<28x128xi32, #tpu.memory_space<vmem>> -> memref<1x128xi32, #tpu.memory_space<vmem>>
        %dma_start3A_137 = tpu.memref_squeeze %dma_start3A_136 : memref<1x128xi32, #tpu.memory_space<vmem>> -> memref<128xi32, #tpu.memory_space<vmem>>
        %dma_start3A_138 = arith.constant 0 : i32
        %dma_start3A_139 = arith.constant 0 : i32
        %dma_start3A_140 = tpu.memref_slice %arg15[%dma_start3A_138, %dma_start3A_139] : memref<50176x32xf32, #tpu.memory_space<vmem_shared>> -> memref<50176x32xf32, #tpu.memory_space<vmem_shared>>
        tpu.enqueue_indirect_dma source(%arg12 : memref<128x32xf32, #tpu.memory_space<vmem>>) target(%dma_start3A_140 : memref<50176x32xf32, #tpu.memory_space<vmem_shared>>) offsets(%dma_start3A_137 : memref<128xi32, #tpu.memory_space<vmem>>) semaphore(%arg19 : memref<!tpu.dma_semaphore, #tpu.memory_space<semaphore_mem>>) {add = true}
        %add3A_141 = arith.constant 1 : i32
        %add3A_142 = arith.addi %add3A_123, %add3A_141 : i32
        %dma_wait3A_143 = arith.constant 0 : i32
        %dma_wait3A_144 = tpu.memref_slice %arg9[%add3A_142, %dma_wait3A_143] : memref<28x128xi32, #tpu.memory_space<vmem>> -> memref<1x128xi32, #tpu.memory_space<vmem>>
        %dma_wait3A_145 = tpu.memref_squeeze %dma_wait3A_144 : memref<1x128xi32, #tpu.memory_space<vmem>> -> memref<128xi32, #tpu.memory_space<vmem>>
        %dma_wait3A_146 = arith.constant 0 : i32
        %dma_wait3A_147 = arith.constant 0 : i32
        %dma_wait3A_148 = tpu.memref_slice %arg6[%dma_wait3A_146, %dma_wait3A_147] : memref<100352x32xf32, #tpu.memory_space<hbm>> -> memref<100352x32xf32, #tpu.memory_space<hbm>>
        tpu.wait_indirect_dma semaphore(%arg17 : memref<!tpu.dma_semaphore, #tpu.memory_space<semaphore_mem>>) src(%dma_wait3A_148 : memref<100352x32xf32, #tpu.memory_space<hbm>>) dst(%arg13 : memref<128x32xf32, #tpu.memory_space<vmem>>)
        %add3A_149 = arith.constant 1 : i32
        %add3A_150 = arith.addi %add3A_123, %add3A_149 : i32
        %scan3A_151 = arith.constant 0 : i32
        %scan3A_152 = arith.constant 128 : i32
        %scan3A_153 = arith.addi %scan3A_151, %scan3A_152 : i32
        %scan3A_154 = arith.constant 4 : i32
        scf.for %scan3A_224 = %scan3A_151 to %scan3A_153 step %scan3A_154  : i32 {
          %mul3A_225 = arith.constant 1 : i32
          %mul3A_226 = arith.muli %scan3A_224, %mul3A_225 : i32
          %add3A_227 = arith.constant 0 : i32
          %add3A_228 = arith.addi %add3A_227, %mul3A_226 : i32
          %broadcast_in_dim3A_229 = arith.constant 0 : i32
          %broadcast_in_dim3A_230 = vector.broadcast %broadcast_in_dim3A_229 : i32 to vector<16xi32>
          %add3A_231 = vector.broadcast %add3A_228 : i32 to vector<16xi32>
          %add3A_232 = arith.addi %broadcast_in_dim3A_230, %add3A_231 : vector<16xi32>
          %gather3A = arith.constant 0 : i32
          %gather3A_233 = tpu.memref_slice %arg11[%add3A_150, %gather3A] : memref<28x128xf32, #tpu.memory_space<vmem>> -> memref<1x128xf32, #tpu.memory_space<vmem>>
          %gather3A_234 = tpu.memref_squeeze %gather3A_233 : memref<1x128xf32, #tpu.memory_space<vmem>> -> memref<128xf32, #tpu.memory_space<vmem>>
          %gather3A_235 = tpu.vector_load_idx %gather3A_234[%add3A_232] : memref<128xf32, #tpu.memory_space<vmem>>[vector<16xi32>], vector<16xf32>,
          %get3A = arith.index_cast %add3A_228 : i32 to index
          %get3A_236 = arith.constant 0 : index
          %get3A_237 = tpu.vector_load %arg13[%get3A, %get3A_236] {strides = array<i32>} : memref<128x32xf32, #tpu.memory_space<vmem>>, vector<16xf32>,
          %mul3A_238 = arith.mulf %get3A_237, %gather3A_235 : vector<16xf32>
          %swap3A = arith.index_cast %add3A_228 : i32 to index
          %swap3A_239 = arith.constant 0 : index
          %swap3A_240 = tpu.vector_load %arg13[%swap3A, %swap3A_239] {strides = array<i32>} : memref<128x32xf32, #tpu.memory_space<vmem>>, vector<16xf32>,
          tpu.vector_store %arg13[%swap3A, %swap3A_239], %mul3A_238 {strides = array<i32>} : memref<128x32xf32, #tpu.memory_space<vmem>>, vector<16xf32>,
          %get3A_241 = arith.index_cast %add3A_228 : i32 to index
          %get3A_242 = arith.constant 16 : index
          %get3A_243 = tpu.vector_load %arg13[%get3A_241, %get3A_242] {strides = array<i32>} : memref<128x32xf32, #tpu.memory_space<vmem>>, vector<16xf32>,
          %mul3A_244 = arith.mulf %get3A_243, %gather3A_235 : vector<16xf32>
          %swap3A_245 = arith.index_cast %add3A_228 : i32 to index
          %swap3A_246 = arith.constant 16 : index
          %swap3A_247 = tpu.vector_load %arg13[%swap3A_245, %swap3A_246] {strides = array<i32>} : memref<128x32xf32, #tpu.memory_space<vmem>>, vector<16xf32>,
          tpu.vector_store %arg13[%swap3A_245, %swap3A_246], %mul3A_244 {strides = array<i32>} : memref<128x32xf32, #tpu.memory_space<vmem>>, vector<16xf32>,
          %scan3A_248 = arith.constant 1 : i32
          %scan3A_249 = arith.addi %scan3A_224, %scan3A_248 : i32
          %mul3A_250 = arith.constant 1 : i32
          %mul3A_251 = arith.muli %scan3A_249, %mul3A_250 : i32
          %add3A_252 = arith.constant 0 : i32
          %add3A_253 = arith.addi %add3A_252, %mul3A_251 : i32
          %broadcast_in_dim3A_254 = arith.constant 0 : i32
          %broadcast_in_dim3A_255 = vector.broadcast %broadcast_in_dim3A_254 : i32 to vector<16xi32>
          %add3A_256 = vector.broadcast %add3A_253 : i32 to vector<16xi32>
          %add3A_257 = arith.addi %broadcast_in_dim3A_255, %add3A_256 : vector<16xi32>
          %gather3A_258 = arith.constant 0 : i32
          %gather3A_259 = tpu.memref_slice %arg11[%add3A_150, %gather3A_258] : memref<28x128xf32, #tpu.memory_space<vmem>> -> memref<1x128xf32, #tpu.memory_space<vmem>>
          %gather3A_260 = tpu.memref_squeeze %gather3A_259 : memref<1x128xf32, #tpu.memory_space<vmem>> -> memref<128xf32, #tpu.memory_space<vmem>>
          %gather3A_261 = tpu.vector_load_idx %gather3A_260[%add3A_257] : memref<128xf32, #tpu.memory_space<vmem>>[vector<16xi32>], vector<16xf32>,
          %get3A_262 = arith.index_cast %add3A_253 : i32 to index
          %get3A_263 = arith.constant 0 : index
          %get3A_264 = tpu.vector_load %arg13[%get3A_262, %get3A_263] {strides = array<i32>} : memref<128x32xf32, #tpu.memory_space<vmem>>, vector<16xf32>,
          %mul3A_265 = arith.mulf %get3A_264, %gather3A_261 : vector<16xf32>
          %swap3A_266 = arith.index_cast %add3A_253 : i32 to index
          %swap3A_267 = arith.constant 0 : index
          %swap3A_268 = tpu.vector_load %arg13[%swap3A_266, %swap3A_267] {strides = array<i32>} : memref<128x32xf32, #tpu.memory_space<vmem>>, vector<16xf32>,
          tpu.vector_store %arg13[%swap3A_266, %swap3A_267], %mul3A_265 {strides = array<i32>} : memref<128x32xf32, #tpu.memory_space<vmem>>, vector<16xf32>,
          %get3A_269 = arith.index_cast %add3A_253 : i32 to index
          %get3A_270 = arith.constant 16 : index
          %get3A_271 = tpu.vector_load %arg13[%get3A_269, %get3A_270] {strides = array<i32>} : memref<128x32xf32, #tpu.memory_space<vmem>>, vector<16xf32>,
          %mul3A_272 = arith.mulf %get3A_271, %gather3A_261 : vector<16xf32>
          %swap3A_273 = arith.index_cast %add3A_253 : i32 to index
          %swap3A_274 = arith.constant 16 : index
          %swap3A_275 = tpu.vector_load %arg13[%swap3A_273, %swap3A_274] {strides = array<i32>} : memref<128x32xf32, #tpu.memory_space<vmem>>, vector<16xf32>,
          tpu.vector_store %arg13[%swap3A_273, %swap3A_274], %mul3A_272 {strides = array<i32>} : memref<128x32xf32, #tpu.memory_space<vmem>>, vector<16xf32>,
          %scan3A_276 = arith.constant 2 : i32
          %scan3A_277 = arith.addi %scan3A_224, %scan3A_276 : i32
          %mul3A_278 = arith.constant 1 : i32
          %mul3A_279 = arith.muli %scan3A_277, %mul3A_278 : i32
          %add3A_280 = arith.constant 0 : i32
          %add3A_281 = arith.addi %add3A_280, %mul3A_279 : i32
          %broadcast_in_dim3A_282 = arith.constant 0 : i32
          %broadcast_in_dim3A_283 = vector.broadcast %broadcast_in_dim3A_282 : i32 to vector<16xi32>
          %add3A_284 = vector.broadcast %add3A_281 : i32 to vector<16xi32>
          %add3A_285 = arith.addi %broadcast_in_dim3A_283, %add3A_284 : vector<16xi32>
          %gather3A_286 = arith.constant 0 : i32
          %gather3A_287 = tpu.memref_slice %arg11[%add3A_150, %gather3A_286] : memref<28x128xf32, #tpu.memory_space<vmem>> -> memref<1x128xf32, #tpu.memory_space<vmem>>
          %gather3A_288 = tpu.memref_squeeze %gather3A_287 : memref<1x128xf32, #tpu.memory_space<vmem>> -> memref<128xf32, #tpu.memory_space<vmem>>
          %gather3A_289 = tpu.vector_load_idx %gather3A_288[%add3A_285] : memref<128xf32, #tpu.memory_space<vmem>>[vector<16xi32>], vector<16xf32>,
          %get3A_290 = arith.index_cast %add3A_281 : i32 to index
          %get3A_291 = arith.constant 0 : index
          %get3A_292 = tpu.vector_load %arg13[%get3A_290, %get3A_291] {strides = array<i32>} : memref<128x32xf32, #tpu.memory_space<vmem>>, vector<16xf32>,
          %mul3A_293 = arith.mulf %get3A_292, %gather3A_289 : vector<16xf32>
          %swap3A_294 = arith.index_cast %add3A_281 : i32 to index
          %swap3A_295 = arith.constant 0 : index
          %swap3A_296 = tpu.vector_load %arg13[%swap3A_294, %swap3A_295] {strides = array<i32>} : memref<128x32xf32, #tpu.memory_space<vmem>>, vector<16xf32>,
          tpu.vector_store %arg13[%swap3A_294, %swap3A_295], %mul3A_293 {strides = array<i32>} : memref<128x32xf32, #tpu.memory_space<vmem>>, vector<16xf32>,
          %get3A_297 = arith.index_cast %add3A_281 : i32 to index
          %get3A_298 = arith.constant 16 : index
          %get3A_299 = tpu.vector_load %arg13[%get3A_297, %get3A_298] {strides = array<i32>} : memref<128x32xf32, #tpu.memory_space<vmem>>, vector<16xf32>,
          %mul3A_300 = arith.mulf %get3A_299, %gather3A_289 : vector<16xf32>
          %swap3A_301 = arith.index_cast %add3A_281 : i32 to index
          %swap3A_302 = arith.constant 16 : index
          %swap3A_303 = tpu.vector_load %arg13[%swap3A_301, %swap3A_302] {strides = array<i32>} : memref<128x32xf32, #tpu.memory_space<vmem>>, vector<16xf32>,
          tpu.vector_store %arg13[%swap3A_301, %swap3A_302], %mul3A_300 {strides = array<i32>} : memref<128x32xf32, #tpu.memory_space<vmem>>, vector<16xf32>,
          %scan3A_304 = arith.constant 3 : i32
          %scan3A_305 = arith.addi %scan3A_224, %scan3A_304 : i32
          %mul3A_306 = arith.constant 1 : i32
          %mul3A_307 = arith.muli %scan3A_305, %mul3A_306 : i32
          %add3A_308 = arith.constant 0 : i32
          %add3A_309 = arith.addi %add3A_308, %mul3A_307 : i32
          %broadcast_in_dim3A_310 = arith.constant 0 : i32
          %broadcast_in_dim3A_311 = vector.broadcast %broadcast_in_dim3A_310 : i32 to vector<16xi32>
          %add3A_312 = vector.broadcast %add3A_309 : i32 to vector<16xi32>
          %add3A_313 = arith.addi %broadcast_in_dim3A_311, %add3A_312 : vector<16xi32>
          %gather3A_314 = arith.constant 0 : i32
          %gather3A_315 = tpu.memref_slice %arg11[%add3A_150, %gather3A_314] : memref<28x128xf32, #tpu.memory_space<vmem>> -> memref<1x128xf32, #tpu.memory_space<vmem>>
          %gather3A_316 = tpu.memref_squeeze %gather3A_315 : memref<1x128xf32, #tpu.memory_space<vmem>> -> memref<128xf32, #tpu.memory_space<vmem>>
          %gather3A_317 = tpu.vector_load_idx %gather3A_316[%add3A_313] : memref<128xf32, #tpu.memory_space<vmem>>[vector<16xi32>], vector<16xf32>,
          %get3A_318 = arith.index_cast %add3A_309 : i32 to index
          %get3A_319 = arith.constant 0 : index
          %get3A_320 = tpu.vector_load %arg13[%get3A_318, %get3A_319] {strides = array<i32>} : memref<128x32xf32, #tpu.memory_space<vmem>>, vector<16xf32>,
          %mul3A_321 = arith.mulf %get3A_320, %gather3A_317 : vector<16xf32>
          %swap3A_322 = arith.index_cast %add3A_309 : i32 to index
          %swap3A_323 = arith.constant 0 : index
          %swap3A_324 = tpu.vector_load %arg13[%swap3A_322, %swap3A_323] {strides = array<i32>} : memref<128x32xf32, #tpu.memory_space<vmem>>, vector<16xf32>,
          tpu.vector_store %arg13[%swap3A_322, %swap3A_323], %mul3A_321 {strides = array<i32>} : memref<128x32xf32, #tpu.memory_space<vmem>>, vector<16xf32>,
          %get3A_325 = arith.index_cast %add3A_309 : i32 to index
          %get3A_326 = arith.constant 16 : index
          %get3A_327 = tpu.vector_load %arg13[%get3A_325, %get3A_326] {strides = array<i32>} : memref<128x32xf32, #tpu.memory_space<vmem>>, vector<16xf32>,
          %mul3A_328 = arith.mulf %get3A_327, %gather3A_317 : vector<16xf32>
          %swap3A_329 = arith.index_cast %add3A_309 : i32 to index
          %swap3A_330 = arith.constant 16 : index
          %swap3A_331 = tpu.vector_load %arg13[%swap3A_329, %swap3A_330] {strides = array<i32>} : memref<128x32xf32, #tpu.memory_space<vmem>>, vector<16xf32>,
          tpu.vector_store %arg13[%swap3A_329, %swap3A_330], %mul3A_328 {strides = array<i32>} : memref<128x32xf32, #tpu.memory_space<vmem>>, vector<16xf32>,
        }
        %scan3A_155 = arith.constant 128 : i32
        %dma_wait3A_156 = arith.constant 0 : i32
        %dma_wait3A_157 = tpu.memref_slice %arg10[%add3A_123, %dma_wait3A_156] : memref<28x128xi32, #tpu.memory_space<vmem>> -> memref<1x128xi32, #tpu.memory_space<vmem>>
        %dma_wait3A_158 = tpu.memref_squeeze %dma_wait3A_157 : memref<1x128xi32, #tpu.memory_space<vmem>> -> memref<128xi32, #tpu.memory_space<vmem>>
        %dma_wait3A_159 = arith.constant 0 : i32
        %dma_wait3A_160 = arith.constant 0 : i32
        %dma_wait3A_161 = tpu.memref_slice %arg15[%dma_wait3A_159, %dma_wait3A_160] : memref<50176x32xf32, #tpu.memory_space<vmem_shared>> -> memref<50176x32xf32, #tpu.memory_space<vmem_shared>>
        tpu.wait_indirect_dma semaphore(%arg19 : memref<!tpu.dma_semaphore, #tpu.memory_space<semaphore_mem>>) src(%arg12 : memref<128x32xf32, #tpu.memory_space<vmem>>) dst(%dma_wait3A_161 : memref<50176x32xf32, #tpu.memory_space<vmem_shared>>)
        %add3A_162 = arith.constant 3 : i32
        %add3A_163 = arith.addi %add3A_123, %add3A_162 : i32
        %dma_start3A_164 = arith.constant 0 : i32
        %dma_start3A_165 = tpu.memref_slice %arg9[%add3A_163, %dma_start3A_164] : memref<28x128xi32, #tpu.memory_space<vmem>> -> memref<1x128xi32, #tpu.memory_space<vmem>>
        %dma_start3A_166 = tpu.memref_squeeze %dma_start3A_165 : memref<1x128xi32, #tpu.memory_space<vmem>> -> memref<128xi32, #tpu.memory_space<vmem>>
        %dma_start3A_167 = arith.constant 0 : i32
        %dma_start3A_168 = arith.constant 0 : i32
        %dma_start3A_169 = tpu.memref_slice %arg6[%dma_start3A_167, %dma_start3A_168] : memref<100352x32xf32, #tpu.memory_space<hbm>> -> memref<100352x32xf32, #tpu.memory_space<hbm>>
        tpu.enqueue_indirect_dma source(%dma_start3A_169 : memref<100352x32xf32, #tpu.memory_space<hbm>>) target(%arg12 : memref<128x32xf32, #tpu.memory_space<vmem>>) offsets(%dma_start3A_166 : memref<128xi32, #tpu.memory_space<vmem>>) semaphore(%arg16 : memref<!tpu.dma_semaphore, #tpu.memory_space<semaphore_mem>>)
        %add3A_170 = arith.constant 1 : i32
        %add3A_171 = arith.addi %add3A_123, %add3A_170 : i32
        %dma_start3A_172 = arith.constant 0 : i32
        %dma_start3A_173 = tpu.memref_slice %arg10[%add3A_171, %dma_start3A_172] : memref<28x128xi32, #tpu.memory_space<vmem>> -> memref<1x128xi32, #tpu.memory_space<vmem>>
        %dma_start3A_174 = tpu.memref_squeeze %dma_start3A_173 : memref<1x128xi32, #tpu.memory_space<vmem>> -> memref<128xi32, #tpu.memory_space<vmem>>
        %dma_start3A_175 = arith.constant 0 : i32
        %dma_start3A_176 = arith.constant 0 : i32
        %dma_start3A_177 = tpu.memref_slice %arg15[%dma_start3A_175, %dma_start3A_176] : memref<50176x32xf32, #tpu.memory_space<vmem_shared>> -> memref<50176x32xf32, #tpu.memory_space<vmem_shared>>
        tpu.enqueue_indirect_dma source(%arg13 : memref<128x32xf32, #tpu.memory_space<vmem>>) target(%dma_start3A_177 : memref<50176x32xf32, #tpu.memory_space<vmem_shared>>) offsets(%dma_start3A_174 : memref<128xi32, #tpu.memory_space<vmem>>) semaphore(%arg20 : memref<!tpu.dma_semaphore, #tpu.memory_space<semaphore_mem>>) {add = true}
        %add3A_178 = arith.constant 2 : i32
        %add3A_179 = arith.addi %add3A_123, %add3A_178 : i32
        %dma_wait3A_180 = arith.constant 0 : i32
        %dma_wait3A_181 = tpu.memref_slice %arg9[%add3A_179, %dma_wait3A_180] : memref<28x128xi32, #tpu.memory_space<vmem>> -> memref<1x128xi32, #tpu.memory_space<vmem>>
        %dma_wait3A_182 = tpu.memref_squeeze %dma_wait3A_181 : memref<1x128xi32, #tpu.memory_space<vmem>> -> memref<128xi32, #tpu.memory_space<vmem>>
        %dma_wait3A_183 = arith.constant 0 : i32
        %dma_wait3A_184 = arith.constant 0 : i32
        %dma_wait3A_185 = tpu.memref_slice %arg6[%dma_wait3A_183, %dma_wait3A_184] : memref<100352x32xf32, #tpu.memory_space<hbm>> -> memref<100352x32xf32, #tpu.memory_space<hbm>>
        tpu.wait_indirect_dma semaphore(%arg18 : memref<!tpu.dma_semaphore, #tpu.memory_space<semaphore_mem>>) src(%dma_wait3A_185 : memref<100352x32xf32, #tpu.memory_space<hbm>>) dst(%arg14 : memref<128x32xf32, #tpu.memory_space<vmem>>)
        %add3A_186 = arith.constant 2 : i32
        %add3A_187 = arith.addi %add3A_123, %add3A_186 : i32
        %scan3A_188 = arith.constant 0 : i32
        %scan3A_189 = arith.constant 128 : i32
        %scan3A_190 = arith.addi %scan3A_188, %scan3A_189 : i32
        %scan3A_191 = arith.constant 4 : i32
        scf.for %scan3A_224 = %scan3A_188 to %scan3A_190 step %scan3A_191  : i32 {
          %mul3A_225 = arith.constant 1 : i32
          %mul3A_226 = arith.muli %scan3A_224, %mul3A_225 : i32
          %add3A_227 = arith.constant 0 : i32
          %add3A_228 = arith.addi %add3A_227, %mul3A_226 : i32
          %broadcast_in_dim3A_229 = arith.constant 0 : i32
          %broadcast_in_dim3A_230 = vector.broadcast %broadcast_in_dim3A_229 : i32 to vector<16xi32>
          %add3A_231 = vector.broadcast %add3A_228 : i32 to vector<16xi32>
          %add3A_232 = arith.addi %broadcast_in_dim3A_230, %add3A_231 : vector<16xi32>
          %gather3A = arith.constant 0 : i32
          %gather3A_233 = tpu.memref_slice %arg11[%add3A_187, %gather3A] : memref<28x128xf32, #tpu.memory_space<vmem>> -> memref<1x128xf32, #tpu.memory_space<vmem>>
          %gather3A_234 = tpu.memref_squeeze %gather3A_233 : memref<1x128xf32, #tpu.memory_space<vmem>> -> memref<128xf32, #tpu.memory_space<vmem>>
          %gather3A_235 = tpu.vector_load_idx %gather3A_234[%add3A_232] : memref<128xf32, #tpu.memory_space<vmem>>[vector<16xi32>], vector<16xf32>,
          %get3A = arith.index_cast %add3A_228 : i32 to index
          %get3A_236 = arith.constant 0 : index
          %get3A_237 = tpu.vector_load %arg14[%get3A, %get3A_236] {strides = array<i32>} : memref<128x32xf32, #tpu.memory_space<vmem>>, vector<16xf32>,
          %mul3A_238 = arith.mulf %get3A_237, %gather3A_235 : vector<16xf32>
          %swap3A = arith.index_cast %add3A_228 : i32 to index
          %swap3A_239 = arith.constant 0 : index
          %swap3A_240 = tpu.vector_load %arg14[%swap3A, %swap3A_239] {strides = array<i32>} : memref<128x32xf32, #tpu.memory_space<vmem>>, vector<16xf32>,
          tpu.vector_store %arg14[%swap3A, %swap3A_239], %mul3A_238 {strides = array<i32>} : memref<128x32xf32, #tpu.memory_space<vmem>>, vector<16xf32>,
          %get3A_241 = arith.index_cast %add3A_228 : i32 to index
          %get3A_242 = arith.constant 16 : index
          %get3A_243 = tpu.vector_load %arg14[%get3A_241, %get3A_242] {strides = array<i32>} : memref<128x32xf32, #tpu.memory_space<vmem>>, vector<16xf32>,
          %mul3A_244 = arith.mulf %get3A_243, %gather3A_235 : vector<16xf32>
          %swap3A_245 = arith.index_cast %add3A_228 : i32 to index
          %swap3A_246 = arith.constant 16 : index
          %swap3A_247 = tpu.vector_load %arg14[%swap3A_245, %swap3A_246] {strides = array<i32>} : memref<128x32xf32, #tpu.memory_space<vmem>>, vector<16xf32>,
          tpu.vector_store %arg14[%swap3A_245, %swap3A_246], %mul3A_244 {strides = array<i32>} : memref<128x32xf32, #tpu.memory_space<vmem>>, vector<16xf32>,
          %scan3A_248 = arith.constant 1 : i32
          %scan3A_249 = arith.addi %scan3A_224, %scan3A_248 : i32
          %mul3A_250 = arith.constant 1 : i32
          %mul3A_251 = arith.muli %scan3A_249, %mul3A_250 : i32
          %add3A_252 = arith.constant 0 : i32
          %add3A_253 = arith.addi %add3A_252, %mul3A_251 : i32
          %broadcast_in_dim3A_254 = arith.constant 0 : i32
          %broadcast_in_dim3A_255 = vector.broadcast %broadcast_in_dim3A_254 : i32 to vector<16xi32>
          %add3A_256 = vector.broadcast %add3A_253 : i32 to vector<16xi32>
          %add3A_257 = arith.addi %broadcast_in_dim3A_255, %add3A_256 : vector<16xi32>
          %gather3A_258 = arith.constant 0 : i32
          %gather3A_259 = tpu.memref_slice %arg11[%add3A_187, %gather3A_258] : memref<28x128xf32, #tpu.memory_space<vmem>> -> memref<1x128xf32, #tpu.memory_space<vmem>>
          %gather3A_260 = tpu.memref_squeeze %gather3A_259 : memref<1x128xf32, #tpu.memory_space<vmem>> -> memref<128xf32, #tpu.memory_space<vmem>>
          %gather3A_261 = tpu.vector_load_idx %gather3A_260[%add3A_257] : memref<128xf32, #tpu.memory_space<vmem>>[vector<16xi32>], vector<16xf32>,
          %get3A_262 = arith.index_cast %add3A_253 : i32 to index
          %get3A_263 = arith.constant 0 : index
          %get3A_264 = tpu.vector_load %arg14[%get3A_262, %get3A_263] {strides = array<i32>} : memref<128x32xf32, #tpu.memory_space<vmem>>, vector<16xf32>,
          %mul3A_265 = arith.mulf %get3A_264, %gather3A_261 : vector<16xf32>
          %swap3A_266 = arith.index_cast %add3A_253 : i32 to index
          %swap3A_267 = arith.constant 0 : index
          %swap3A_268 = tpu.vector_load %arg14[%swap3A_266, %swap3A_267] {strides = array<i32>} : memref<128x32xf32, #tpu.memory_space<vmem>>, vector<16xf32>,
          tpu.vector_store %arg14[%swap3A_266, %swap3A_267], %mul3A_265 {strides = array<i32>} : memref<128x32xf32, #tpu.memory_space<vmem>>, vector<16xf32>,
          %get3A_269 = arith.index_cast %add3A_253 : i32 to index
          %get3A_270 = arith.constant 16 : index
          %get3A_271 = tpu.vector_load %arg14[%get3A_269, %get3A_270] {strides = array<i32>} : memref<128x32xf32, #tpu.memory_space<vmem>>, vector<16xf32>,
          %mul3A_272 = arith.mulf %get3A_271, %gather3A_261 : vector<16xf32>
          %swap3A_273 = arith.index_cast %add3A_253 : i32 to index
          %swap3A_274 = arith.constant 16 : index
          %swap3A_275 = tpu.vector_load %arg14[%swap3A_273, %swap3A_274] {strides = array<i32>} : memref<128x32xf32, #tpu.memory_space<vmem>>, vector<16xf32>,
          tpu.vector_store %arg14[%swap3A_273, %swap3A_274], %mul3A_272 {strides = array<i32>} : memref<128x32xf32, #tpu.memory_space<vmem>>, vector<16xf32>,
          %scan3A_276 = arith.constant 2 : i32
          %scan3A_277 = arith.addi %scan3A_224, %scan3A_276 : i32
          %mul3A_278 = arith.constant 1 : i32
          %mul3A_279 = arith.muli %scan3A_277, %mul3A_278 : i32
          %add3A_280 = arith.constant 0 : i32
          %add3A_281 = arith.addi %add3A_280, %mul3A_279 : i32
          %broadcast_in_dim3A_282 = arith.constant 0 : i32
          %broadcast_in_dim3A_283 = vector.broadcast %broadcast_in_dim3A_282 : i32 to vector<16xi32>
          %add3A_284 = vector.broadcast %add3A_281 : i32 to vector<16xi32>
          %add3A_285 = arith.addi %broadcast_in_dim3A_283, %add3A_284 : vector<16xi32>
          %gather3A_286 = arith.constant 0 : i32
          %gather3A_287 = tpu.memref_slice %arg11[%add3A_187, %gather3A_286] : memref<28x128xf32, #tpu.memory_space<vmem>> -> memref<1x128xf32, #tpu.memory_space<vmem>>
          %gather3A_288 = tpu.memref_squeeze %gather3A_287 : memref<1x128xf32, #tpu.memory_space<vmem>> -> memref<128xf32, #tpu.memory_space<vmem>>
          %gather3A_289 = tpu.vector_load_idx %gather3A_288[%add3A_285] : memref<128xf32, #tpu.memory_space<vmem>>[vector<16xi32>], vector<16xf32>,
          %get3A_290 = arith.index_cast %add3A_281 : i32 to index
          %get3A_291 = arith.constant 0 : index
          %get3A_292 = tpu.vector_load %arg14[%get3A_290, %get3A_291] {strides = array<i32>} : memref<128x32xf32, #tpu.memory_space<vmem>>, vector<16xf32>,
          %mul3A_293 = arith.mulf %get3A_292, %gather3A_289 : vector<16xf32>
          %swap3A_294 = arith.index_cast %add3A_281 : i32 to index
          %swap3A_295 = arith.constant 0 : index
          %swap3A_296 = tpu.vector_load %arg14[%swap3A_294, %swap3A_295] {strides = array<i32>} : memref<128x32xf32, #tpu.memory_space<vmem>>, vector<16xf32>,
          tpu.vector_store %arg14[%swap3A_294, %swap3A_295], %mul3A_293 {strides = array<i32>} : memref<128x32xf32, #tpu.memory_space<vmem>>, vector<16xf32>,
          %get3A_297 = arith.index_cast %add3A_281 : i32 to index
          %get3A_298 = arith.constant 16 : index
          %get3A_299 = tpu.vector_load %arg14[%get3A_297, %get3A_298] {strides = array<i32>} : memref<128x32xf32, #tpu.memory_space<vmem>>, vector<16xf32>,
          %mul3A_300 = arith.mulf %get3A_299, %gather3A_289 : vector<16xf32>
          %swap3A_301 = arith.index_cast %add3A_281 : i32 to index
          %swap3A_302 = arith.constant 16 : index
          %swap3A_303 = tpu.vector_load %arg14[%swap3A_301, %swap3A_302] {strides = array<i32>} : memref<128x32xf32, #tpu.memory_space<vmem>>, vector<16xf32>,
          tpu.vector_store %arg14[%swap3A_301, %swap3A_302], %mul3A_300 {strides = array<i32>} : memref<128x32xf32, #tpu.memory_space<vmem>>, vector<16xf32>,
          %scan3A_304 = arith.constant 3 : i32
          %scan3A_305 = arith.addi %scan3A_224, %scan3A_304 : i32
          %mul3A_306 = arith.constant 1 : i32
          %mul3A_307 = arith.muli %scan3A_305, %mul3A_306 : i32
          %add3A_308 = arith.constant 0 : i32
          %add3A_309 = arith.addi %add3A_308, %mul3A_307 : i32
          %broadcast_in_dim3A_310 = arith.constant 0 : i32
          %broadcast_in_dim3A_311 = vector.broadcast %broadcast_in_dim3A_310 : i32 to vector<16xi32>
          %add3A_312 = vector.broadcast %add3A_309 : i32 to vector<16xi32>
          %add3A_313 = arith.addi %broadcast_in_dim3A_311, %add3A_312 : vector<16xi32>
          %gather3A_314 = arith.constant 0 : i32
          %gather3A_315 = tpu.memref_slice %arg11[%add3A_187, %gather3A_314] : memref<28x128xf32, #tpu.memory_space<vmem>> -> memref<1x128xf32, #tpu.memory_space<vmem>>
          %gather3A_316 = tpu.memref_squeeze %gather3A_315 : memref<1x128xf32, #tpu.memory_space<vmem>> -> memref<128xf32, #tpu.memory_space<vmem>>
          %gather3A_317 = tpu.vector_load_idx %gather3A_316[%add3A_313] : memref<128xf32, #tpu.memory_space<vmem>>[vector<16xi32>], vector<16xf32>,
          %get3A_318 = arith.index_cast %add3A_309 : i32 to index
          %get3A_319 = arith.constant 0 : index
          %get3A_320 = tpu.vector_load %arg14[%get3A_318, %get3A_319] {strides = array<i32>} : memref<128x32xf32, #tpu.memory_space<vmem>>, vector<16xf32>,
          %mul3A_321 = arith.mulf %get3A_320, %gather3A_317 : vector<16xf32>
          %swap3A_322 = arith.index_cast %add3A_309 : i32 to index
          %swap3A_323 = arith.constant 0 : index
          %swap3A_324 = tpu.vector_load %arg14[%swap3A_322, %swap3A_323] {strides = array<i32>} : memref<128x32xf32, #tpu.memory_space<vmem>>, vector<16xf32>,
          tpu.vector_store %arg14[%swap3A_322, %swap3A_323], %mul3A_321 {strides = array<i32>} : memref<128x32xf32, #tpu.memory_space<vmem>>, vector<16xf32>,
          %get3A_325 = arith.index_cast %add3A_309 : i32 to index
          %get3A_326 = arith.constant 16 : index
          %get3A_327 = tpu.vector_load %arg14[%get3A_325, %get3A_326] {strides = array<i32>} : memref<128x32xf32, #tpu.memory_space<vmem>>, vector<16xf32>,
          %mul3A_328 = arith.mulf %get3A_327, %gather3A_317 : vector<16xf32>
          %swap3A_329 = arith.index_cast %add3A_309 : i32 to index
          %swap3A_330 = arith.constant 16 : index
          %swap3A_331 = tpu.vector_load %arg14[%swap3A_329, %swap3A_330] {strides = array<i32>} : memref<128x32xf32, #tpu.memory_space<vmem>>, vector<16xf32>,
          tpu.vector_store %arg14[%swap3A_329, %swap3A_330], %mul3A_328 {strides = array<i32>} : memref<128x32xf32, #tpu.memory_space<vmem>>, vector<16xf32>,
        }
        %scan3A_192 = arith.constant 128 : i32
        %dma_wait3A_193 = arith.constant 0 : i32
        %dma_wait3A_194 = tpu.memref_slice %arg10[%add3A_171, %dma_wait3A_193] : memref<28x128xi32, #tpu.memory_space<vmem>> -> memref<1x128xi32, #tpu.memory_space<vmem>>
        %dma_wait3A_195 = tpu.memref_squeeze %dma_wait3A_194 : memref<1x128xi32, #tpu.memory_space<vmem>> -> memref<128xi32, #tpu.memory_space<vmem>>
        %dma_wait3A_196 = arith.constant 0 : i32
        %dma_wait3A_197 = arith.constant 0 : i32
        %dma_wait3A_198 = tpu.memref_slice %arg15[%dma_wait3A_196, %dma_wait3A_197] : memref<50176x32xf32, #tpu.memory_space<vmem_shared>> -> memref<50176x32xf32, #tpu.memory_space<vmem_shared>>
        tpu.wait_indirect_dma semaphore(%arg20 : memref<!tpu.dma_semaphore, #tpu.memory_space<semaphore_mem>>) src(%arg13 : memref<128x32xf32, #tpu.memory_space<vmem>>) dst(%dma_wait3A_198 : memref<50176x32xf32, #tpu.memory_space<vmem_shared>>)
        %add3A_199 = arith.constant 4 : i32
        %add3A_200 = arith.addi %add3A_123, %add3A_199 : i32
        %lt3A = arith.constant 28 : i32
        %lt3A_201 = arith.cmpi slt, %add3A_200, %lt3A : i32
        %convert_element_type3A = arith.extui %lt3A_201 : i1 to i32
        %cond3A = arith.constant 0 : i32
        %cond3A_202 = arith.cmpi ne, %convert_element_type3A, %cond3A : i32
        scf.if %cond3A_202 {
          %add3A_224 = arith.constant 4 : i32
          %add3A_225 = arith.addi %add3A_123, %add3A_224 : i32
          %dma_start3A_226 = arith.constant 0 : i32
          %dma_start3A_227 = tpu.memref_slice %arg9[%add3A_225, %dma_start3A_226] : memref<28x128xi32, #tpu.memory_space<vmem>> -> memref<1x128xi32, #tpu.memory_space<vmem>>
          %dma_start3A_228 = tpu.memref_squeeze %dma_start3A_227 : memref<1x128xi32, #tpu.memory_space<vmem>> -> memref<128xi32, #tpu.memory_space<vmem>>
          %dma_start3A_229 = arith.constant 0 : i32
          %dma_start3A_230 = arith.constant 0 : i32
          %dma_start3A_231 = tpu.memref_slice %arg6[%dma_start3A_229, %dma_start3A_230] : memref<100352x32xf32, #tpu.memory_space<hbm>> -> memref<100352x32xf32, #tpu.memory_space<hbm>>
          tpu.enqueue_indirect_dma source(%dma_start3A_231 : memref<100352x32xf32, #tpu.memory_space<hbm>>) target(%arg13 : memref<128x32xf32, #tpu.memory_space<vmem>>) offsets(%dma_start3A_228 : memref<128xi32, #tpu.memory_space<vmem>>) semaphore(%arg17 : memref<!tpu.dma_semaphore, #tpu.memory_space<semaphore_mem>>)
        } else {
        }
        %add3A_203 = arith.constant 2 : i32
        %add3A_204 = arith.addi %add3A_123, %add3A_203 : i32
        %dma_start3A_205 = arith.constant 0 : i32
        %dma_start3A_206 = tpu.memref_slice %arg10[%add3A_204, %dma_start3A_205] : memref<28x128xi32, #tpu.memory_space<vmem>> -> memref<1x128xi32, #tpu.memory_space<vmem>>
        %dma_start3A_207 = tpu.memref_squeeze %dma_start3A_206 : memref<1x128xi32, #tpu.memory_space<vmem>> -> memref<128xi32, #tpu.memory_space<vmem>>
        %dma_start3A_208 = arith.constant 0 : i32
        %dma_start3A_209 = arith.constant 0 : i32
        %dma_start3A_210 = tpu.memref_slice %arg15[%dma_start3A_208, %dma_start3A_209] : memref<50176x32xf32, #tpu.memory_space<vmem_shared>> -> memref<50176x32xf32, #tpu.memory_space<vmem_shared>>
        tpu.enqueue_indirect_dma source(%arg14 : memref<128x32xf32, #tpu.memory_space<vmem>>) target(%dma_start3A_210 : memref<50176x32xf32, #tpu.memory_space<vmem_shared>>) offsets(%dma_start3A_207 : memref<128xi32, #tpu.memory_space<vmem>>) semaphore(%arg21 : memref<!tpu.dma_semaphore, #tpu.memory_space<semaphore_mem>>) {add = true}
        %dma_wait3A_211 = arith.constant 0 : i32
        %dma_wait3A_212 = tpu.memref_slice %arg10[%add3A_204, %dma_wait3A_211] : memref<28x128xi32, #tpu.memory_space<vmem>> -> memref<1x128xi32, #tpu.memory_space<vmem>>
        %dma_wait3A_213 = tpu.memref_squeeze %dma_wait3A_212 : memref<1x128xi32, #tpu.memory_space<vmem>> -> memref<128xi32, #tpu.memory_space<vmem>>
        %dma_wait3A_214 = arith.constant 0 : i32
        %dma_wait3A_215 = arith.constant 0 : i32
        %dma_wait3A_216 = tpu.memref_slice %arg15[%dma_wait3A_214, %dma_wait3A_215] : memref<50176x32xf32, #tpu.memory_space<vmem_shared>> -> memref<50176x32xf32, #tpu.memory_space<vmem_shared>>
        tpu.wait_indirect_dma semaphore(%arg21 : memref<!tpu.dma_semaphore, #tpu.memory_space<semaphore_mem>>) src(%arg14 : memref<128x32xf32, #tpu.memory_space<vmem>>) dst(%dma_wait3A_216 : memref<50176x32xf32, #tpu.memory_space<vmem_shared>>)
        %add3A_217 = arith.constant 5 : i32
        %add3A_218 = arith.addi %add3A_123, %add3A_217 : i32
        %lt3A_219 = arith.constant 28 : i32
        %lt3A_220 = arith.cmpi slt, %add3A_218, %lt3A_219 : i32
        %convert_element_type3A_221 = arith.extui %lt3A_220 : i1 to i32
        %cond3A_222 = arith.constant 0 : i32
        %cond3A_223 = arith.cmpi ne, %convert_element_type3A_221, %cond3A_222 : i32
        scf.if %cond3A_223 {
          %add3A_224 = arith.constant 5 : i32
          %add3A_225 = arith.addi %add3A_123, %add3A_224 : i32
          %dma_start3A_226 = arith.constant 0 : i32
          %dma_start3A_227 = tpu.memref_slice %arg9[%add3A_225, %dma_start3A_226] : memref<28x128xi32, #tpu.memory_space<vmem>> -> memref<1x128xi32, #tpu.memory_space<vmem>>
          %dma_start3A_228 = tpu.memref_squeeze %dma_start3A_227 : memref<1x128xi32, #tpu.memory_space<vmem>> -> memref<128xi32, #tpu.memory_space<vmem>>
          %dma_start3A_229 = arith.constant 0 : i32
          %dma_start3A_230 = arith.constant 0 : i32
          %dma_start3A_231 = tpu.memref_slice %arg6[%dma_start3A_229, %dma_start3A_230] : memref<100352x32xf32, #tpu.memory_space<hbm>> -> memref<100352x32xf32, #tpu.memory_space<hbm>>
          tpu.enqueue_indirect_dma source(%dma_start3A_231 : memref<100352x32xf32, #tpu.memory_space<hbm>>) target(%arg14 : memref<128x32xf32, #tpu.memory_space<vmem>>) offsets(%dma_start3A_228 : memref<128xi32, #tpu.memory_space<vmem>>) semaphore(%arg18 : memref<!tpu.dma_semaphore, #tpu.memory_space<semaphore_mem>>)
        } else {
        }
      }
      %scan3A_92 = arith.constant 9 : i32
      %dma_wait3A = arith.constant 27 : i32
      %dma_wait3A_93 = arith.constant 0 : i32
      %dma_wait3A_94 = tpu.memref_slice %arg9[%dma_wait3A, %dma_wait3A_93] : memref<28x128xi32, #tpu.memory_space<vmem>> -> memref<1x128xi32, #tpu.memory_space<vmem>>
      %dma_wait3A_95 = tpu.memref_squeeze %dma_wait3A_94 : memref<1x128xi32, #tpu.memory_space<vmem>> -> memref<128xi32, #tpu.memory_space<vmem>>
      %dma_wait3A_96 = arith.constant 0 : i32
      %dma_wait3A_97 = arith.constant 0 : i32
      %dma_wait3A_98 = tpu.memref_slice %arg6[%dma_wait3A_96, %dma_wait3A_97] : memref<100352x32xf32, #tpu.memory_space<hbm>> -> memref<100352x32xf32, #tpu.memory_space<hbm>>
      tpu.wait_indirect_dma semaphore(%arg16 : memref<!tpu.dma_semaphore, #tpu.memory_space<semaphore_mem>>) src(%dma_wait3A_98 : memref<100352x32xf32, #tpu.memory_space<hbm>>) dst(%arg12 : memref<128x32xf32, #tpu.memory_space<vmem>>)
      %scan3A_99 = arith.constant 27 : i32
      %scan3A_100 = arith.constant 0 : i32
      %scan3A_101 = arith.constant 128 : i32
      %scan3A_102 = arith.addi %scan3A_100, %scan3A_101 : i32
      %scan3A_103 = arith.constant 4 : i32
      scf.for %scan3A_119 = %scan3A_100 to %scan3A_102 step %scan3A_103  : i32 {
        %mul3A_120 = arith.constant 1 : i32
        %mul3A_121 = arith.muli %scan3A_119, %mul3A_120 : i32
        %add3A_122 = arith.constant 0 : i32
        %add3A_123 = arith.addi %add3A_122, %mul3A_121 : i32
        %broadcast_in_dim3A_124 = arith.constant 0 : i32
        %broadcast_in_dim3A_125 = vector.broadcast %broadcast_in_dim3A_124 : i32 to vector<16xi32>
        %add3A_126 = vector.broadcast %add3A_123 : i32 to vector<16xi32>
        %add3A_127 = arith.addi %broadcast_in_dim3A_125, %add3A_126 : vector<16xi32>
        %gather3A = arith.constant 0 : i32
        %gather3A_128 = tpu.memref_slice %arg11[%scan3A_99, %gather3A] : memref<28x128xf32, #tpu.memory_space<vmem>> -> memref<1x128xf32, #tpu.memory_space<vmem>>
        %gather3A_129 = tpu.memref_squeeze %gather3A_128 : memref<1x128xf32, #tpu.memory_space<vmem>> -> memref<128xf32, #tpu.memory_space<vmem>>
        %gather3A_130 = tpu.vector_load_idx %gather3A_129[%add3A_127] : memref<128xf32, #tpu.memory_space<vmem>>[vector<16xi32>], vector<16xf32>,
        %get3A = arith.index_cast %add3A_123 : i32 to index
        %get3A_131 = arith.constant 0 : index
        %get3A_132 = tpu.vector_load %arg12[%get3A, %get3A_131] {strides = array<i32>} : memref<128x32xf32, #tpu.memory_space<vmem>>, vector<16xf32>,
        %mul3A_133 = arith.mulf %get3A_132, %gather3A_130 : vector<16xf32>
        %swap3A = arith.index_cast %add3A_123 : i32 to index
        %swap3A_134 = arith.constant 0 : index
        %swap3A_135 = tpu.vector_load %arg12[%swap3A, %swap3A_134] {strides = array<i32>} : memref<128x32xf32, #tpu.memory_space<vmem>>, vector<16xf32>,
        tpu.vector_store %arg12[%swap3A, %swap3A_134], %mul3A_133 {strides = array<i32>} : memref<128x32xf32, #tpu.memory_space<vmem>>, vector<16xf32>,
        %get3A_136 = arith.index_cast %add3A_123 : i32 to index
        %get3A_137 = arith.constant 16 : index
        %get3A_138 = tpu.vector_load %arg12[%get3A_136, %get3A_137] {strides = array<i32>} : memref<128x32xf32, #tpu.memory_space<vmem>>, vector<16xf32>,
        %mul3A_139 = arith.mulf %get3A_138, %gather3A_130 : vector<16xf32>
        %swap3A_140 = arith.index_cast %add3A_123 : i32 to index
        %swap3A_141 = arith.constant 16 : index
        %swap3A_142 = tpu.vector_load %arg12[%swap3A_140, %swap3A_141] {strides = array<i32>} : memref<128x32xf32, #tpu.memory_space<vmem>>, vector<16xf32>,
        tpu.vector_store %arg12[%swap3A_140, %swap3A_141], %mul3A_139 {strides = array<i32>} : memref<128x32xf32, #tpu.memory_space<vmem>>, vector<16xf32>,
        %scan3A_143 = arith.constant 1 : i32
        %scan3A_144 = arith.addi %scan3A_119, %scan3A_143 : i32
        %mul3A_145 = arith.constant 1 : i32
        %mul3A_146 = arith.muli %scan3A_144, %mul3A_145 : i32
        %add3A_147 = arith.constant 0 : i32
        %add3A_148 = arith.addi %add3A_147, %mul3A_146 : i32
        %broadcast_in_dim3A_149 = arith.constant 0 : i32
        %broadcast_in_dim3A_150 = vector.broadcast %broadcast_in_dim3A_149 : i32 to vector<16xi32>
        %add3A_151 = vector.broadcast %add3A_148 : i32 to vector<16xi32>
        %add3A_152 = arith.addi %broadcast_in_dim3A_150, %add3A_151 : vector<16xi32>
        %gather3A_153 = arith.constant 0 : i32
        %gather3A_154 = tpu.memref_slice %arg11[%scan3A_99, %gather3A_153] : memref<28x128xf32, #tpu.memory_space<vmem>> -> memref<1x128xf32, #tpu.memory_space<vmem>>
        %gather3A_155 = tpu.memref_squeeze %gather3A_154 : memref<1x128xf32, #tpu.memory_space<vmem>> -> memref<128xf32, #tpu.memory_space<vmem>>
        %gather3A_156 = tpu.vector_load_idx %gather3A_155[%add3A_152] : memref<128xf32, #tpu.memory_space<vmem>>[vector<16xi32>], vector<16xf32>,
        %get3A_157 = arith.index_cast %add3A_148 : i32 to index
        %get3A_158 = arith.constant 0 : index
        %get3A_159 = tpu.vector_load %arg12[%get3A_157, %get3A_158] {strides = array<i32>} : memref<128x32xf32, #tpu.memory_space<vmem>>, vector<16xf32>,
        %mul3A_160 = arith.mulf %get3A_159, %gather3A_156 : vector<16xf32>
        %swap3A_161 = arith.index_cast %add3A_148 : i32 to index
        %swap3A_162 = arith.constant 0 : index
        %swap3A_163 = tpu.vector_load %arg12[%swap3A_161, %swap3A_162] {strides = array<i32>} : memref<128x32xf32, #tpu.memory_space<vmem>>, vector<16xf32>,
        tpu.vector_store %arg12[%swap3A_161, %swap3A_162], %mul3A_160 {strides = array<i32>} : memref<128x32xf32, #tpu.memory_space<vmem>>, vector<16xf32>,
        %get3A_164 = arith.index_cast %add3A_148 : i32 to index
        %get3A_165 = arith.constant 16 : index
        %get3A_166 = tpu.vector_load %arg12[%get3A_164, %get3A_165] {strides = array<i32>} : memref<128x32xf32, #tpu.memory_space<vmem>>, vector<16xf32>,
        %mul3A_167 = arith.mulf %get3A_166, %gather3A_156 : vector<16xf32>
        %swap3A_168 = arith.index_cast %add3A_148 : i32 to index
        %swap3A_169 = arith.constant 16 : index
        %swap3A_170 = tpu.vector_load %arg12[%swap3A_168, %swap3A_169] {strides = array<i32>} : memref<128x32xf32, #tpu.memory_space<vmem>>, vector<16xf32>,
        tpu.vector_store %arg12[%swap3A_168, %swap3A_169], %mul3A_167 {strides = array<i32>} : memref<128x32xf32, #tpu.memory_space<vmem>>, vector<16xf32>,
        %scan3A_171 = arith.constant 2 : i32
        %scan3A_172 = arith.addi %scan3A_119, %scan3A_171 : i32
        %mul3A_173 = arith.constant 1 : i32
        %mul3A_174 = arith.muli %scan3A_172, %mul3A_173 : i32
        %add3A_175 = arith.constant 0 : i32
        %add3A_176 = arith.addi %add3A_175, %mul3A_174 : i32
        %broadcast_in_dim3A_177 = arith.constant 0 : i32
        %broadcast_in_dim3A_178 = vector.broadcast %broadcast_in_dim3A_177 : i32 to vector<16xi32>
        %add3A_179 = vector.broadcast %add3A_176 : i32 to vector<16xi32>
        %add3A_180 = arith.addi %broadcast_in_dim3A_178, %add3A_179 : vector<16xi32>
        %gather3A_181 = arith.constant 0 : i32
        %gather3A_182 = tpu.memref_slice %arg11[%scan3A_99, %gather3A_181] : memref<28x128xf32, #tpu.memory_space<vmem>> -> memref<1x128xf32, #tpu.memory_space<vmem>>
        %gather3A_183 = tpu.memref_squeeze %gather3A_182 : memref<1x128xf32, #tpu.memory_space<vmem>> -> memref<128xf32, #tpu.memory_space<vmem>>
        %gather3A_184 = tpu.vector_load_idx %gather3A_183[%add3A_180] : memref<128xf32, #tpu.memory_space<vmem>>[vector<16xi32>], vector<16xf32>,
        %get3A_185 = arith.index_cast %add3A_176 : i32 to index
        %get3A_186 = arith.constant 0 : index
        %get3A_187 = tpu.vector_load %arg12[%get3A_185, %get3A_186] {strides = array<i32>} : memref<128x32xf32, #tpu.memory_space<vmem>>, vector<16xf32>,
        %mul3A_188 = arith.mulf %get3A_187, %gather3A_184 : vector<16xf32>
        %swap3A_189 = arith.index_cast %add3A_176 : i32 to index
        %swap3A_190 = arith.constant 0 : index
        %swap3A_191 = tpu.vector_load %arg12[%swap3A_189, %swap3A_190] {strides = array<i32>} : memref<128x32xf32, #tpu.memory_space<vmem>>, vector<16xf32>,
        tpu.vector_store %arg12[%swap3A_189, %swap3A_190], %mul3A_188 {strides = array<i32>} : memref<128x32xf32, #tpu.memory_space<vmem>>, vector<16xf32>,
        %get3A_192 = arith.index_cast %add3A_176 : i32 to index
        %get3A_193 = arith.constant 16 : index
        %get3A_194 = tpu.vector_load %arg12[%get3A_192, %get3A_193] {strides = array<i32>} : memref<128x32xf32, #tpu.memory_space<vmem>>, vector<16xf32>,
        %mul3A_195 = arith.mulf %get3A_194, %gather3A_184 : vector<16xf32>
        %swap3A_196 = arith.index_cast %add3A_176 : i32 to index
        %swap3A_197 = arith.constant 16 : index
        %swap3A_198 = tpu.vector_load %arg12[%swap3A_196, %swap3A_197] {strides = array<i32>} : memref<128x32xf32, #tpu.memory_space<vmem>>, vector<16xf32>,
        tpu.vector_store %arg12[%swap3A_196, %swap3A_197], %mul3A_195 {strides = array<i32>} : memref<128x32xf32, #tpu.memory_space<vmem>>, vector<16xf32>,
        %scan3A_199 = arith.constant 3 : i32
        %scan3A_200 = arith.addi %scan3A_119, %scan3A_199 : i32
        %mul3A_201 = arith.constant 1 : i32
        %mul3A_202 = arith.muli %scan3A_200, %mul3A_201 : i32
        %add3A_203 = arith.constant 0 : i32
        %add3A_204 = arith.addi %add3A_203, %mul3A_202 : i32
        %broadcast_in_dim3A_205 = arith.constant 0 : i32
        %broadcast_in_dim3A_206 = vector.broadcast %broadcast_in_dim3A_205 : i32 to vector<16xi32>
        %add3A_207 = vector.broadcast %add3A_204 : i32 to vector<16xi32>
        %add3A_208 = arith.addi %broadcast_in_dim3A_206, %add3A_207 : vector<16xi32>
        %gather3A_209 = arith.constant 0 : i32
        %gather3A_210 = tpu.memref_slice %arg11[%scan3A_99, %gather3A_209] : memref<28x128xf32, #tpu.memory_space<vmem>> -> memref<1x128xf32, #tpu.memory_space<vmem>>
        %gather3A_211 = tpu.memref_squeeze %gather3A_210 : memref<1x128xf32, #tpu.memory_space<vmem>> -> memref<128xf32, #tpu.memory_space<vmem>>
        %gather3A_212 = tpu.vector_load_idx %gather3A_211[%add3A_208] : memref<128xf32, #tpu.memory_space<vmem>>[vector<16xi32>], vector<16xf32>,
        %get3A_213 = arith.index_cast %add3A_204 : i32 to index
        %get3A_214 = arith.constant 0 : index
        %get3A_215 = tpu.vector_load %arg12[%get3A_213, %get3A_214] {strides = array<i32>} : memref<128x32xf32, #tpu.memory_space<vmem>>, vector<16xf32>,
        %mul3A_216 = arith.mulf %get3A_215, %gather3A_212 : vector<16xf32>
        %swap3A_217 = arith.index_cast %add3A_204 : i32 to index
        %swap3A_218 = arith.constant 0 : index
        %swap3A_219 = tpu.vector_load %arg12[%swap3A_217, %swap3A_218] {strides = array<i32>} : memref<128x32xf32, #tpu.memory_space<vmem>>, vector<16xf32>,
        tpu.vector_store %arg12[%swap3A_217, %swap3A_218], %mul3A_216 {strides = array<i32>} : memref<128x32xf32, #tpu.memory_space<vmem>>, vector<16xf32>,
        %get3A_220 = arith.index_cast %add3A_204 : i32 to index
        %get3A_221 = arith.constant 16 : index
        %get3A_222 = tpu.vector_load %arg12[%get3A_220, %get3A_221] {strides = array<i32>} : memref<128x32xf32, #tpu.memory_space<vmem>>, vector<16xf32>,
        %mul3A_223 = arith.mulf %get3A_222, %gather3A_212 : vector<16xf32>
        %swap3A_224 = arith.index_cast %add3A_204 : i32 to index
        %swap3A_225 = arith.constant 16 : index
        %swap3A_226 = tpu.vector_load %arg12[%swap3A_224, %swap3A_225] {strides = array<i32>} : memref<128x32xf32, #tpu.memory_space<vmem>>, vector<16xf32>,
        tpu.vector_store %arg12[%swap3A_224, %swap3A_225], %mul3A_223 {strides = array<i32>} : memref<128x32xf32, #tpu.memory_space<vmem>>, vector<16xf32>,
      }
      %scan3A_104 = arith.constant 128 : i32
      %dma_start3A_105 = arith.constant 27 : i32
      %dma_start3A_106 = arith.constant 0 : i32
      %dma_start3A_107 = tpu.memref_slice %arg10[%dma_start3A_105, %dma_start3A_106] : memref<28x128xi32, #tpu.memory_space<vmem>> -> memref<1x128xi32, #tpu.memory_space<vmem>>
      %dma_start3A_108 = tpu.memref_squeeze %dma_start3A_107 : memref<1x128xi32, #tpu.memory_space<vmem>> -> memref<128xi32, #tpu.memory_space<vmem>>
      %dma_start3A_109 = arith.constant 0 : i32
      %dma_start3A_110 = arith.constant 0 : i32
      %dma_start3A_111 = tpu.memref_slice %arg15[%dma_start3A_109, %dma_start3A_110] : memref<50176x32xf32, #tpu.memory_space<vmem_shared>> -> memref<50176x32xf32, #tpu.memory_space<vmem_shared>>
      tpu.enqueue_indirect_dma source(%arg12 : memref<128x32xf32, #tpu.memory_space<vmem>>) target(%dma_start3A_111 : memref<50176x32xf32, #tpu.memory_space<vmem_shared>>) offsets(%dma_start3A_108 : memref<128xi32, #tpu.memory_space<vmem>>) semaphore(%arg19 : memref<!tpu.dma_semaphore, #tpu.memory_space<semaphore_mem>>) {add = true}
      %dma_wait3A_112 = arith.constant 27 : i32
      %dma_wait3A_113 = arith.constant 0 : i32
      %dma_wait3A_114 = tpu.memref_slice %arg10[%dma_wait3A_112, %dma_wait3A_113] : memref<28x128xi32, #tpu.memory_space<vmem>> -> memref<1x128xi32, #tpu.memory_space<vmem>>
      %dma_wait3A_115 = tpu.memref_squeeze %dma_wait3A_114 : memref<1x128xi32, #tpu.memory_space<vmem>> -> memref<128xi32, #tpu.memory_space<vmem>>
      %dma_wait3A_116 = arith.constant 0 : i32
      %dma_wait3A_117 = arith.constant 0 : i32
      %dma_wait3A_118 = tpu.memref_slice %arg15[%dma_wait3A_116, %dma_wait3A_117] : memref<50176x32xf32, #tpu.memory_space<vmem_shared>> -> memref<50176x32xf32, #tpu.memory_space<vmem_shared>>
      tpu.wait_indirect_dma semaphore(%arg19 : memref<!tpu.dma_semaphore, #tpu.memory_space<semaphore_mem>>) src(%arg12 : memref<128x32xf32, #tpu.memory_space<vmem>>) dst(%dma_wait3A_118 : memref<50176x32xf32, #tpu.memory_space<vmem_shared>>)
    }
    %scan3A_32 = arith.constant 14 : i32
    %barrier3A_33 = arith.constant 0 : index
    tpu.barrier barrier_id(%barrier3A_33)
    %scan3A_34 = arith.constant 0 : i32
    %scan3A_35 = arith.constant 112 : i32
    %scan3A_36 = arith.addi %scan3A_34, %scan3A_35 : i32
    %scan3A_37 = arith.constant 1 : i32
    scf.for %scan3A_56 = %scan3A_34 to %scan3A_36 step %scan3A_37  : i32 {
      %mul3A_57 = arith.constant 1 : i32
      %mul3A_58 = arith.muli %scan3A_56, %mul3A_57 : i32
      %add3A = arith.constant 0 : i32
      %add3A_59 = arith.addi %add3A, %mul3A_58 : i32
      %swap3A = arith.index_cast %add3A_59 : i32 to index
      %swap3A_60 = arith.constant 0 : index
      %swap3A_61 = tpu.vector_load %arg13[%swap3A, %swap3A_60] {strides = array<i32>} : memref<128x32xf32, #tpu.memory_space<vmem>>, vector<16xf32>,
      tpu.vector_store %arg13[%swap3A, %swap3A_60], %broadcast_in_dim3A_0 {strides = array<i32>} : memref<128x32xf32, #tpu.memory_space<vmem>>, vector<16xf32>,
      %swap3A_62 = arith.index_cast %add3A_59 : i32 to index
      %swap3A_63 = arith.constant 16 : index
      %swap3A_64 = tpu.vector_load %arg13[%swap3A_62, %swap3A_63] {strides = array<i32>} : memref<128x32xf32, #tpu.memory_space<vmem>>, vector<16xf32>,
      tpu.vector_store %arg13[%swap3A_62, %swap3A_63], %broadcast_in_dim3A_0 {strides = array<i32>} : memref<128x32xf32, #tpu.memory_space<vmem>>, vector<16xf32>,
    }
    %scan3A_38 = arith.constant 112 : i32
    %scan3A_39 = arith.constant 0 : i32
    %scan3A_40 = arith.constant 28 : i32
    %scan3A_41 = arith.addi %scan3A_39, %scan3A_40 : i32
    %scan3A_42 = arith.constant 1 : i32
    scf.for %scan3A_56 = %scan3A_39 to %scan3A_41 step %scan3A_42  : i32 {
      %mul3A_57 = arith.constant 1 : i32
      %mul3A_58 = arith.muli %scan3A_56, %mul3A_57 : i32
      %add3A = arith.constant 0 : i32
      %add3A_59 = arith.addi %add3A, %mul3A_58 : i32
      %mul3A_60 = arith.constant 112 : i32
      %mul3A_61 = arith.muli %add3A_59, %mul3A_60 : i32
      %add3A_62 = arith.addi %mul3A_1, %mul3A_61 : i32
      "tpu.region"() ({
        %run_scoped3A = tpu.sem_alloc : memref<!tpu.dma_semaphore, #tpu.memory_space<semaphore_mem>>
        %dma_start3A = arith.constant 0 : i32
        %dma_start3A_69 = arith.constant 0 : i32
        %dma_start3A_70 = tpu.memref_slice %arg12[%dma_start3A, %dma_start3A_69] : memref<128x32xf32, #tpu.memory_space<vmem>> -> memref<112x32xf32, #tpu.memory_space<vmem>>
        %dma_start3A_71 = arith.constant 0 : i32
        %dma_start3A_72 = tpu.memref_slice %arg15[%add3A_62, %dma_start3A_71] : memref<50176x32xf32, #tpu.memory_space<vmem_shared>> -> memref<112x32xf32, #tpu.memory_space<vmem_shared>>
        %dma_start3A_73 = arith.constant 0 : i32
        %dma_start3A_74 = arith.constant 0 : i32
        %dma_start3A_75 = tpu.memref_slice %arg12[%dma_start3A_73, %dma_start3A_74] : memref<128x32xf32, #tpu.memory_space<vmem>> -> memref<112x32xf32, #tpu.memory_space<vmem>>
        %dma_start3A_76 = arith.constant 0 : i32
        %dma_start3A_77 = tpu.memref_slice %arg15[%add3A_62, %dma_start3A_76] : memref<50176x32xf32, #tpu.memory_space<vmem_shared>> -> memref<112x32xf32, #tpu.memory_space<vmem_shared>>
        tpu.enqueue_dma source(%dma_start3A_77 : memref<112x32xf32, #tpu.memory_space<vmem_shared>>) target(%dma_start3A_75 : memref<112x32xf32, #tpu.memory_space<vmem>>) target_semaphore(%run_scoped3A : memref<!tpu.dma_semaphore, #tpu.memory_space<semaphore_mem>>)
        %dma_wait3A = arith.constant 0 : i32
        %dma_wait3A_78 = arith.constant 0 : i32
        %dma_wait3A_79 = tpu.memref_slice %arg12[%dma_wait3A, %dma_wait3A_78] : memref<128x32xf32, #tpu.memory_space<vmem>> -> memref<112x32xf32, #tpu.memory_space<vmem>>
        %dma_wait3A_80 = arith.constant 0 : i32
        %dma_wait3A_81 = tpu.memref_slice %arg15[%add3A_62, %dma_wait3A_80] : memref<50176x32xf32, #tpu.memory_space<vmem_shared>> -> memref<112x32xf32, #tpu.memory_space<vmem_shared>>
        %dma_wait3A_82 = arith.constant 0 : i32
        %dma_wait3A_83 = arith.constant 0 : i32
        %dma_wait3A_84 = tpu.memref_slice %arg12[%dma_wait3A_82, %dma_wait3A_83] : memref<128x32xf32, #tpu.memory_space<vmem>> -> memref<112x32xf32, #tpu.memory_space<vmem>>
        %dma_wait3A_85 = arith.constant 0 : i32
        %dma_wait3A_86 = tpu.memref_slice %arg15[%add3A_62, %dma_wait3A_85] : memref<50176x32xf32, #tpu.memory_space<vmem_shared>> -> memref<112x32xf32, #tpu.memory_space<vmem_shared>>
        tpu.wait_dma2 semaphore(%run_scoped3A : memref<!tpu.dma_semaphore, #tpu.memory_space<semaphore_mem>>) src(%dma_wait3A_86 : memref<112x32xf32, #tpu.memory_space<vmem_shared>>) dst(%dma_wait3A_84 : memref<112x32xf32, #tpu.memory_space<vmem>>)
        tpu.yield
      }) : () -> ()
      %mul3A_63 = arith.constant 50176 : i32
      %mul3A_64 = arith.muli %arg0, %mul3A_63 : i32
      %add3A_65 = arith.addi %mul3A_64, %mul3A_1 : i32
      %mul3A_66 = arith.constant 112 : i32
      %mul3A_67 = arith.muli %add3A_59, %mul3A_66 : i32
      %add3A_68 = arith.addi %add3A_65, %mul3A_67 : i32
      "tpu.region"() ({
        %run_scoped3A = tpu.sem_alloc : memref<!tpu.dma_semaphore, #tpu.memory_space<semaphore_mem>>
        %dma_start3A = arith.constant 0 : i32
        %dma_start3A_69 = arith.constant 0 : i32
        %dma_start3A_70 = tpu.memref_slice %arg12[%dma_start3A, %dma_start3A_69] : memref<128x32xf32, #tpu.memory_space<vmem>> -> memref<112x32xf32, #tpu.memory_space<vmem>>
        %dma_start3A_71 = arith.constant 0 : i32
        %dma_start3A_72 = tpu.memref_slice %arg7[%add3A_68, %dma_start3A_71] : memref<100352x32xf32, #tpu.memory_space<hbm>> -> memref<112x32xf32, #tpu.memory_space<hbm>>
        %dma_start3A_73 = arith.constant 0 : i32
        %dma_start3A_74 = tpu.memref_slice %arg7[%add3A_68, %dma_start3A_73] : memref<100352x32xf32, #tpu.memory_space<hbm>> -> memref<112x32xf32, #tpu.memory_space<hbm>>
        %dma_start3A_75 = arith.constant 0 : i32
        %dma_start3A_76 = arith.constant 0 : i32
        %dma_start3A_77 = tpu.memref_slice %arg12[%dma_start3A_75, %dma_start3A_76] : memref<128x32xf32, #tpu.memory_space<vmem>> -> memref<112x32xf32, #tpu.memory_space<vmem>>
        tpu.enqueue_dma source(%dma_start3A_77 : memref<112x32xf32, #tpu.memory_space<vmem>>) target(%dma_start3A_74 : memref<112x32xf32, #tpu.memory_space<hbm>>) target_semaphore(%run_scoped3A : memref<!tpu.dma_semaphore, #tpu.memory_space<semaphore_mem>>)
        %dma_wait3A = arith.constant 0 : i32
        %dma_wait3A_78 = arith.constant 0 : i32
        %dma_wait3A_79 = tpu.memref_slice %arg12[%dma_wait3A, %dma_wait3A_78] : memref<128x32xf32, #tpu.memory_space<vmem>> -> memref<112x32xf32, #tpu.memory_space<vmem>>
        %dma_wait3A_80 = arith.constant 0 : i32
        %dma_wait3A_81 = tpu.memref_slice %arg7[%add3A_68, %dma_wait3A_80] : memref<100352x32xf32, #tpu.memory_space<hbm>> -> memref<112x32xf32, #tpu.memory_space<hbm>>
        %dma_wait3A_82 = arith.constant 0 : i32
        %dma_wait3A_83 = tpu.memref_slice %arg7[%add3A_68, %dma_wait3A_82] : memref<100352x32xf32, #tpu.memory_space<hbm>> -> memref<112x32xf32, #tpu.memory_space<hbm>>
        %dma_wait3A_84 = arith.constant 0 : i32
        %dma_wait3A_85 = arith.constant 0 : i32
        %dma_wait3A_86 = tpu.memref_slice %arg12[%dma_wait3A_84, %dma_wait3A_85] : memref<128x32xf32, #tpu.memory_space<vmem>> -> memref<112x32xf32, #tpu.memory_space<vmem>>
        tpu.wait_dma2 semaphore(%run_scoped3A : memref<!tpu.dma_semaphore, #tpu.memory_space<semaphore_mem>>) src(%dma_wait3A_86 : memref<112x32xf32, #tpu.memory_space<vmem>>) dst(%dma_wait3A_83 : memref<112x32xf32, #tpu.memory_space<hbm>>)
        tpu.yield
      }) : () -> ()
      "tpu.region"() ({
        %run_scoped3A = tpu.sem_alloc : memref<!tpu.dma_semaphore, #tpu.memory_space<semaphore_mem>>
        %dma_start3A = arith.constant 0 : i32
        %dma_start3A_69 = arith.constant 0 : i32
        %dma_start3A_70 = tpu.memref_slice %arg13[%dma_start3A, %dma_start3A_69] : memref<128x32xf32, #tpu.memory_space<vmem>> -> memref<112x32xf32, #tpu.memory_space<vmem>>
        %dma_start3A_71 = arith.constant 0 : i32
        %dma_start3A_72 = tpu.memref_slice %arg15[%add3A_62, %dma_start3A_71] : memref<50176x32xf32, #tpu.memory_space<vmem_shared>> -> memref<112x32xf32, #tpu.memory_space<vmem_shared>>
        %dma_start3A_73 = arith.constant 0 : i32
        %dma_start3A_74 = tpu.memref_slice %arg15[%add3A_62, %dma_start3A_73] : memref<50176x32xf32, #tpu.memory_space<vmem_shared>> -> memref<112x32xf32, #tpu.memory_space<vmem_shared>>
        %dma_start3A_75 = arith.constant 0 : i32
        %dma_start3A_76 = arith.constant 0 : i32
        %dma_start3A_77 = tpu.memref_slice %arg13[%dma_start3A_75, %dma_start3A_76] : memref<128x32xf32, #tpu.memory_space<vmem>> -> memref<112x32xf32, #tpu.memory_space<vmem>>
        tpu.enqueue_dma source(%dma_start3A_77 : memref<112x32xf32, #tpu.memory_space<vmem>>) target(%dma_start3A_74 : memref<112x32xf32, #tpu.memory_space<vmem_shared>>) target_semaphore(%run_scoped3A : memref<!tpu.dma_semaphore, #tpu.memory_space<semaphore_mem>>)
        %dma_wait3A = arith.constant 0 : i32
        %dma_wait3A_78 = arith.constant 0 : i32
        %dma_wait3A_79 = tpu.memref_slice %arg13[%dma_wait3A, %dma_wait3A_78] : memref<128x32xf32, #tpu.memory_space<vmem>> -> memref<112x32xf32, #tpu.memory_space<vmem>>
        %dma_wait3A_80 = arith.constant 0 : i32
        %dma_wait3A_81 = tpu.memref_slice %arg15[%add3A_62, %dma_wait3A_80] : memref<50176x32xf32, #tpu.memory_space<vmem_shared>> -> memref<112x32xf32, #tpu.memory_space<vmem_shared>>
        %dma_wait3A_82 = arith.constant 0 : i32
        %dma_wait3A_83 = tpu.memref_slice %arg15[%add3A_62, %dma_wait3A_82] : memref<50176x32xf32, #tpu.memory_space<vmem_shared>> -> memref<112x32xf32, #tpu.memory_space<vmem_shared>>
        %dma_wait3A_84 = arith.constant 0 : i32
        %dma_wait3A_85 = arith.constant 0 : i32
        %dma_wait3A_86 = tpu.memref_slice %arg13[%dma_wait3A_84, %dma_wait3A_85] : memref<128x32xf32, #tpu.memory_space<vmem>> -> memref<112x32xf32, #tpu.memory_space<vmem>>
        tpu.wait_dma2 semaphore(%run_scoped3A : memref<!tpu.dma_semaphore, #tpu.memory_space<semaphore_mem>>) src(%dma_wait3A_86 : memref<112x32xf32, #tpu.memory_space<vmem>>) dst(%dma_wait3A_83 : memref<112x32xf32, #tpu.memory_space<vmem_shared>>)
        tpu.yield
      }) : () -> ()
    }
    %scan3A_43 = arith.constant 28 : i32
    %barrier3A_44 = arith.constant 0 : index
    tpu.barrier barrier_id(%barrier3A_44)
    %scan3A_45 = arith.constant 0 : i32
    %scan3A_46 = arith.constant 14 : i32
    %scan3A_47 = arith.addi %scan3A_45, %scan3A_46 : i32
    %scan3A_48 = arith.constant 1 : i32
    scf.for %scan3A_56 = %scan3A_45 to %scan3A_47 step %scan3A_48  : i32 {
      %mul3A_57 = arith.constant 1 : i32
      %mul3A_58 = arith.muli %scan3A_56, %mul3A_57 : i32
      %add3A = arith.constant 0 : i32
      %add3A_59 = arith.addi %add3A, %mul3A_58 : i32
      %mul3A_60 = arith.constant 392 : i32
      %mul3A_61 = arith.muli %arg1, %mul3A_60 : i32
      %mul3A_62 = arith.constant 28 : i32
      %mul3A_63 = arith.muli %add3A_59, %mul3A_62 : i32
      %add3A_64 = arith.addi %mul3A_61, %mul3A_63 : i32
      %mul3A_65 = arith.constant 6272 : i32
      %mul3A_66 = arith.muli %arg0, %mul3A_65 : i32
      %add3A_67 = arith.addi %mul3A_66, %add3A_64 : i32
      "tpu.region"() ({
        %run_scoped3A = tpu.sem_alloc : memref<!tpu.dma_semaphore, #tpu.memory_space<semaphore_mem>>
        %dma_start3A_119 = arith.constant 0 : i32
        %dma_start3A_120 = tpu.memref_slice %arg3[%add3A_67, %dma_start3A_119] : memref<12544x128xi32, #tpu.memory_space<hbm>> -> memref<28x128xi32, #tpu.memory_space<hbm>>
        %dma_start3A_121 = arith.constant 0 : i32
        %dma_start3A_122 = tpu.memref_slice %arg3[%add3A_67, %dma_start3A_121] : memref<12544x128xi32, #tpu.memory_space<hbm>> -> memref<28x128xi32, #tpu.memory_space<hbm>>
        tpu.enqueue_dma source(%dma_start3A_122 : memref<28x128xi32, #tpu.memory_space<hbm>>) target(%arg9 : memref<28x128xi32, #tpu.memory_space<vmem>>) target_semaphore(%run_scoped3A : memref<!tpu.dma_semaphore, #tpu.memory_space<semaphore_mem>>)
        %dma_wait3A_123 = arith.constant 0 : i32
        %dma_wait3A_124 = tpu.memref_slice %arg3[%add3A_67, %dma_wait3A_123] : memref<12544x128xi32, #tpu.memory_space<hbm>> -> memref<28x128xi32, #tpu.memory_space<hbm>>
        %dma_wait3A_125 = arith.constant 0 : i32
        %dma_wait3A_126 = tpu.memref_slice %arg3[%add3A_67, %dma_wait3A_125] : memref<12544x128xi32, #tpu.memory_space<hbm>> -> memref<28x128xi32, #tpu.memory_space<hbm>>
        tpu.wait_dma2 semaphore(%run_scoped3A : memref<!tpu.dma_semaphore, #tpu.memory_space<semaphore_mem>>) src(%dma_wait3A_126 : memref<28x128xi32, #tpu.memory_space<hbm>>) dst(%arg9 : memref<28x128xi32, #tpu.memory_space<vmem>>)
        tpu.yield
      }) : () -> ()
      "tpu.region"() ({
        %run_scoped3A = tpu.sem_alloc : memref<!tpu.dma_semaphore, #tpu.memory_space<semaphore_mem>>
        %dma_start3A_119 = arith.constant 0 : i32
        %dma_start3A_120 = tpu.memref_slice %arg4[%add3A_64, %dma_start3A_119] : memref<6272x128xi32, #tpu.memory_space<hbm>> -> memref<28x128xi32, #tpu.memory_space<hbm>>
        %dma_start3A_121 = arith.constant 0 : i32
        %dma_start3A_122 = tpu.memref_slice %arg4[%add3A_64, %dma_start3A_121] : memref<6272x128xi32, #tpu.memory_space<hbm>> -> memref<28x128xi32, #tpu.memory_space<hbm>>
        tpu.enqueue_dma source(%dma_start3A_122 : memref<28x128xi32, #tpu.memory_space<hbm>>) target(%arg10 : memref<28x128xi32, #tpu.memory_space<vmem>>) target_semaphore(%run_scoped3A : memref<!tpu.dma_semaphore, #tpu.memory_space<semaphore_mem>>)
        %dma_wait3A_123 = arith.constant 0 : i32
        %dma_wait3A_124 = tpu.memref_slice %arg4[%add3A_64, %dma_wait3A_123] : memref<6272x128xi32, #tpu.memory_space<hbm>> -> memref<28x128xi32, #tpu.memory_space<hbm>>
        %dma_wait3A_125 = arith.constant 0 : i32
        %dma_wait3A_126 = tpu.memref_slice %arg4[%add3A_64, %dma_wait3A_125] : memref<6272x128xi32, #tpu.memory_space<hbm>> -> memref<28x128xi32, #tpu.memory_space<hbm>>
        tpu.wait_dma2 semaphore(%run_scoped3A : memref<!tpu.dma_semaphore, #tpu.memory_space<semaphore_mem>>) src(%dma_wait3A_126 : memref<28x128xi32, #tpu.memory_space<hbm>>) dst(%arg10 : memref<28x128xi32, #tpu.memory_space<vmem>>)
        tpu.yield
      }) : () -> ()
      "tpu.region"() ({
        %run_scoped3A = tpu.sem_alloc : memref<!tpu.dma_semaphore, #tpu.memory_space<semaphore_mem>>
        %dma_start3A_119 = arith.constant 0 : i32
        %dma_start3A_120 = tpu.memref_slice %arg5[%add3A_64, %dma_start3A_119] : memref<6272x128xf32, #tpu.memory_space<hbm>> -> memref<28x128xf32, #tpu.memory_space<hbm>>
        %dma_start3A_121 = arith.constant 0 : i32
        %dma_start3A_122 = tpu.memref_slice %arg5[%add3A_64, %dma_start3A_121] : memref<6272x128xf32, #tpu.memory_space<hbm>> -> memref<28x128xf32, #tpu.memory_space<hbm>>
        tpu.enqueue_dma source(%dma_start3A_122 : memref<28x128xf32, #tpu.memory_space<hbm>>) target(%arg11 : memref<28x128xf32, #tpu.memory_space<vmem>>) target_semaphore(%run_scoped3A : memref<!tpu.dma_semaphore, #tpu.memory_space<semaphore_mem>>)
        %dma_wait3A_123 = arith.constant 0 : i32
        %dma_wait3A_124 = tpu.memref_slice %arg5[%add3A_64, %dma_wait3A_123] : memref<6272x128xf32, #tpu.memory_space<hbm>> -> memref<28x128xf32, #tpu.memory_space<hbm>>
        %dma_wait3A_125 = arith.constant 0 : i32
        %dma_wait3A_126 = tpu.memref_slice %arg5[%add3A_64, %dma_wait3A_125] : memref<6272x128xf32, #tpu.memory_space<hbm>> -> memref<28x128xf32, #tpu.memory_space<hbm>>
        tpu.wait_dma2 semaphore(%run_scoped3A : memref<!tpu.dma_semaphore, #tpu.memory_space<semaphore_mem>>) src(%dma_wait3A_126 : memref<28x128xf32, #tpu.memory_space<hbm>>) dst(%arg11 : memref<28x128xf32, #tpu.memory_space<vmem>>)
        tpu.yield
      }) : () -> ()
      %dma_start3A = arith.constant 0 : i32
      %dma_start3A_68 = arith.constant 0 : i32
      %dma_start3A_69 = tpu.memref_slice %arg9[%dma_start3A, %dma_start3A_68] : memref<28x128xi32, #tpu.memory_space<vmem>> -> memref<1x128xi32, #tpu.memory_space<vmem>>
      %dma_start3A_70 = tpu.memref_squeeze %dma_start3A_69 : memref<1x128xi32, #tpu.memory_space<vmem>> -> memref<128xi32, #tpu.memory_space<vmem>>
      %dma_start3A_71 = arith.constant 0 : i32
      %dma_start3A_72 = arith.constant 0 : i32
      %dma_start3A_73 = tpu.memref_slice %arg7[%dma_start3A_71, %dma_start3A_72] : memref<100352x32xf32, #tpu.memory_space<hbm>> -> memref<100352x32xf32, #tpu.memory_space<hbm>>
      tpu.enqueue_indirect_dma source(%dma_start3A_73 : memref<100352x32xf32, #tpu.memory_space<hbm>>) target(%arg12 : memref<128x32xf32, #tpu.memory_space<vmem>>) offsets(%dma_start3A_70 : memref<128xi32, #tpu.memory_space<vmem>>) semaphore(%arg16 : memref<!tpu.dma_semaphore, #tpu.memory_space<semaphore_mem>>)
      %dma_start3A_74 = arith.constant 1 : i32
      %dma_start3A_75 = arith.constant 0 : i32
      %dma_start3A_76 = tpu.memref_slice %arg9[%dma_start3A_74, %dma_start3A_75] : memref<28x128xi32, #tpu.memory_space<vmem>> -> memref<1x128xi32, #tpu.memory_space<vmem>>
      %dma_start3A_77 = tpu.memref_squeeze %dma_start3A_76 : memref<1x128xi32, #tpu.memory_space<vmem>> -> memref<128xi32, #tpu.memory_space<vmem>>
      %dma_start3A_78 = arith.constant 0 : i32
      %dma_start3A_79 = arith.constant 0 : i32
      %dma_start3A_80 = tpu.memref_slice %arg7[%dma_start3A_78, %dma_start3A_79] : memref<100352x32xf32, #tpu.memory_space<hbm>> -> memref<100352x32xf32, #tpu.memory_space<hbm>>
      tpu.enqueue_indirect_dma source(%dma_start3A_80 : memref<100352x32xf32, #tpu.memory_space<hbm>>) target(%arg13 : memref<128x32xf32, #tpu.memory_space<vmem>>) offsets(%dma_start3A_77 : memref<128xi32, #tpu.memory_space<vmem>>) semaphore(%arg17 : memref<!tpu.dma_semaphore, #tpu.memory_space<semaphore_mem>>)
      %dma_start3A_81 = arith.constant 2 : i32
      %dma_start3A_82 = arith.constant 0 : i32
      %dma_start3A_83 = tpu.memref_slice %arg9[%dma_start3A_81, %dma_start3A_82] : memref<28x128xi32, #tpu.memory_space<vmem>> -> memref<1x128xi32, #tpu.memory_space<vmem>>
      %dma_start3A_84 = tpu.memref_squeeze %dma_start3A_83 : memref<1x128xi32, #tpu.memory_space<vmem>> -> memref<128xi32, #tpu.memory_space<vmem>>
      %dma_start3A_85 = arith.constant 0 : i32
      %dma_start3A_86 = arith.constant 0 : i32
      %dma_start3A_87 = tpu.memref_slice %arg7[%dma_start3A_85, %dma_start3A_86] : memref<100352x32xf32, #tpu.memory_space<hbm>> -> memref<100352x32xf32, #tpu.memory_space<hbm>>
      tpu.enqueue_indirect_dma source(%dma_start3A_87 : memref<100352x32xf32, #tpu.memory_space<hbm>>) target(%arg14 : memref<128x32xf32, #tpu.memory_space<vmem>>) offsets(%dma_start3A_84 : memref<128xi32, #tpu.memory_space<vmem>>) semaphore(%arg18 : memref<!tpu.dma_semaphore, #tpu.memory_space<semaphore_mem>>)
      %scan3A_88 = arith.constant 0 : i32
      %scan3A_89 = arith.constant 9 : i32
      %scan3A_90 = arith.addi %scan3A_88, %scan3A_89 : i32
      %scan3A_91 = arith.constant 1 : i32
      scf.for %scan3A_119 = %scan3A_88 to %scan3A_90 step %scan3A_91  : i32 {
        %mul3A_120 = arith.constant 3 : i32
        %mul3A_121 = arith.muli %scan3A_119, %mul3A_120 : i32
        %add3A_122 = arith.constant 0 : i32
        %add3A_123 = arith.addi %add3A_122, %mul3A_121 : i32
        %dma_wait3A_124 = arith.constant 0 : i32
        %dma_wait3A_125 = tpu.memref_slice %arg9[%add3A_123, %dma_wait3A_124] : memref<28x128xi32, #tpu.memory_space<vmem>> -> memref<1x128xi32, #tpu.memory_space<vmem>>
        %dma_wait3A_126 = tpu.memref_squeeze %dma_wait3A_125 : memref<1x128xi32, #tpu.memory_space<vmem>> -> memref<128xi32, #tpu.memory_space<vmem>>
        %dma_wait3A_127 = arith.constant 0 : i32
        %dma_wait3A_128 = arith.constant 0 : i32
        %dma_wait3A_129 = tpu.memref_slice %arg7[%dma_wait3A_127, %dma_wait3A_128] : memref<100352x32xf32, #tpu.memory_space<hbm>> -> memref<100352x32xf32, #tpu.memory_space<hbm>>
        tpu.wait_indirect_dma semaphore(%arg16 : memref<!tpu.dma_semaphore, #tpu.memory_space<semaphore_mem>>) src(%dma_wait3A_129 : memref<100352x32xf32, #tpu.memory_space<hbm>>) dst(%arg12 : memref<128x32xf32, #tpu.memory_space<vmem>>)
        %scan3A_130 = arith.constant 0 : i32
        %scan3A_131 = arith.constant 128 : i32
        %scan3A_132 = arith.addi %scan3A_130, %scan3A_131 : i32
        %scan3A_133 = arith.constant 4 : i32
        scf.for %scan3A_224 = %scan3A_130 to %scan3A_132 step %scan3A_133  : i32 {
          %mul3A_225 = arith.constant 1 : i32
          %mul3A_226 = arith.muli %scan3A_224, %mul3A_225 : i32
          %add3A_227 = arith.constant 0 : i32
          %add3A_228 = arith.addi %add3A_227, %mul3A_226 : i32
          %broadcast_in_dim3A_229 = arith.constant 0 : i32
          %broadcast_in_dim3A_230 = vector.broadcast %broadcast_in_dim3A_229 : i32 to vector<16xi32>
          %add3A_231 = vector.broadcast %add3A_228 : i32 to vector<16xi32>
          %add3A_232 = arith.addi %broadcast_in_dim3A_230, %add3A_231 : vector<16xi32>
          %gather3A = arith.constant 0 : i32
          %gather3A_233 = tpu.memref_slice %arg11[%add3A_123, %gather3A] : memref<28x128xf32, #tpu.memory_space<vmem>> -> memref<1x128xf32, #tpu.memory_space<vmem>>
          %gather3A_234 = tpu.memref_squeeze %gather3A_233 : memref<1x128xf32, #tpu.memory_space<vmem>> -> memref<128xf32, #tpu.memory_space<vmem>>
          %gather3A_235 = tpu.vector_load_idx %gather3A_234[%add3A_232] : memref<128xf32, #tpu.memory_space<vmem>>[vector<16xi32>], vector<16xf32>,
          %get3A = arith.index_cast %add3A_228 : i32 to index
          %get3A_236 = arith.constant 0 : index
          %get3A_237 = tpu.vector_load %arg12[%get3A, %get3A_236] {strides = array<i32>} : memref<128x32xf32, #tpu.memory_space<vmem>>, vector<16xf32>,
          %mul3A_238 = arith.mulf %get3A_237, %gather3A_235 : vector<16xf32>
          %swap3A = arith.index_cast %add3A_228 : i32 to index
          %swap3A_239 = arith.constant 0 : index
          %swap3A_240 = tpu.vector_load %arg12[%swap3A, %swap3A_239] {strides = array<i32>} : memref<128x32xf32, #tpu.memory_space<vmem>>, vector<16xf32>,
          tpu.vector_store %arg12[%swap3A, %swap3A_239], %mul3A_238 {strides = array<i32>} : memref<128x32xf32, #tpu.memory_space<vmem>>, vector<16xf32>,
          %get3A_241 = arith.index_cast %add3A_228 : i32 to index
          %get3A_242 = arith.constant 16 : index
          %get3A_243 = tpu.vector_load %arg12[%get3A_241, %get3A_242] {strides = array<i32>} : memref<128x32xf32, #tpu.memory_space<vmem>>, vector<16xf32>,
          %mul3A_244 = arith.mulf %get3A_243, %gather3A_235 : vector<16xf32>
          %swap3A_245 = arith.index_cast %add3A_228 : i32 to index
          %swap3A_246 = arith.constant 16 : index
          %swap3A_247 = tpu.vector_load %arg12[%swap3A_245, %swap3A_246] {strides = array<i32>} : memref<128x32xf32, #tpu.memory_space<vmem>>, vector<16xf32>,
          tpu.vector_store %arg12[%swap3A_245, %swap3A_246], %mul3A_244 {strides = array<i32>} : memref<128x32xf32, #tpu.memory_space<vmem>>, vector<16xf32>,
          %scan3A_248 = arith.constant 1 : i32
          %scan3A_249 = arith.addi %scan3A_224, %scan3A_248 : i32
          %mul3A_250 = arith.constant 1 : i32
          %mul3A_251 = arith.muli %scan3A_249, %mul3A_250 : i32
          %add3A_252 = arith.constant 0 : i32
          %add3A_253 = arith.addi %add3A_252, %mul3A_251 : i32
          %broadcast_in_dim3A_254 = arith.constant 0 : i32
          %broadcast_in_dim3A_255 = vector.broadcast %broadcast_in_dim3A_254 : i32 to vector<16xi32>
          %add3A_256 = vector.broadcast %add3A_253 : i32 to vector<16xi32>
          %add3A_257 = arith.addi %broadcast_in_dim3A_255, %add3A_256 : vector<16xi32>
          %gather3A_258 = arith.constant 0 : i32
          %gather3A_259 = tpu.memref_slice %arg11[%add3A_123, %gather3A_258] : memref<28x128xf32, #tpu.memory_space<vmem>> -> memref<1x128xf32, #tpu.memory_space<vmem>>
          %gather3A_260 = tpu.memref_squeeze %gather3A_259 : memref<1x128xf32, #tpu.memory_space<vmem>> -> memref<128xf32, #tpu.memory_space<vmem>>
          %gather3A_261 = tpu.vector_load_idx %gather3A_260[%add3A_257] : memref<128xf32, #tpu.memory_space<vmem>>[vector<16xi32>], vector<16xf32>,
          %get3A_262 = arith.index_cast %add3A_253 : i32 to index
          %get3A_263 = arith.constant 0 : index
          %get3A_264 = tpu.vector_load %arg12[%get3A_262, %get3A_263] {strides = array<i32>} : memref<128x32xf32, #tpu.memory_space<vmem>>, vector<16xf32>,
          %mul3A_265 = arith.mulf %get3A_264, %gather3A_261 : vector<16xf32>
          %swap3A_266 = arith.index_cast %add3A_253 : i32 to index
          %swap3A_267 = arith.constant 0 : index
          %swap3A_268 = tpu.vector_load %arg12[%swap3A_266, %swap3A_267] {strides = array<i32>} : memref<128x32xf32, #tpu.memory_space<vmem>>, vector<16xf32>,
          tpu.vector_store %arg12[%swap3A_266, %swap3A_267], %mul3A_265 {strides = array<i32>} : memref<128x32xf32, #tpu.memory_space<vmem>>, vector<16xf32>,
          %get3A_269 = arith.index_cast %add3A_253 : i32 to index
          %get3A_270 = arith.constant 16 : index
          %get3A_271 = tpu.vector_load %arg12[%get3A_269, %get3A_270] {strides = array<i32>} : memref<128x32xf32, #tpu.memory_space<vmem>>, vector<16xf32>,
          %mul3A_272 = arith.mulf %get3A_271, %gather3A_261 : vector<16xf32>
          %swap3A_273 = arith.index_cast %add3A_253 : i32 to index
          %swap3A_274 = arith.constant 16 : index
          %swap3A_275 = tpu.vector_load %arg12[%swap3A_273, %swap3A_274] {strides = array<i32>} : memref<128x32xf32, #tpu.memory_space<vmem>>, vector<16xf32>,
          tpu.vector_store %arg12[%swap3A_273, %swap3A_274], %mul3A_272 {strides = array<i32>} : memref<128x32xf32, #tpu.memory_space<vmem>>, vector<16xf32>,
          %scan3A_276 = arith.constant 2 : i32
          %scan3A_277 = arith.addi %scan3A_224, %scan3A_276 : i32
          %mul3A_278 = arith.constant 1 : i32
          %mul3A_279 = arith.muli %scan3A_277, %mul3A_278 : i32
          %add3A_280 = arith.constant 0 : i32
          %add3A_281 = arith.addi %add3A_280, %mul3A_279 : i32
          %broadcast_in_dim3A_282 = arith.constant 0 : i32
          %broadcast_in_dim3A_283 = vector.broadcast %broadcast_in_dim3A_282 : i32 to vector<16xi32>
          %add3A_284 = vector.broadcast %add3A_281 : i32 to vector<16xi32>
          %add3A_285 = arith.addi %broadcast_in_dim3A_283, %add3A_284 : vector<16xi32>
          %gather3A_286 = arith.constant 0 : i32
          %gather3A_287 = tpu.memref_slice %arg11[%add3A_123, %gather3A_286] : memref<28x128xf32, #tpu.memory_space<vmem>> -> memref<1x128xf32, #tpu.memory_space<vmem>>
          %gather3A_288 = tpu.memref_squeeze %gather3A_287 : memref<1x128xf32, #tpu.memory_space<vmem>> -> memref<128xf32, #tpu.memory_space<vmem>>
          %gather3A_289 = tpu.vector_load_idx %gather3A_288[%add3A_285] : memref<128xf32, #tpu.memory_space<vmem>>[vector<16xi32>], vector<16xf32>,
          %get3A_290 = arith.index_cast %add3A_281 : i32 to index
          %get3A_291 = arith.constant 0 : index
          %get3A_292 = tpu.vector_load %arg12[%get3A_290, %get3A_291] {strides = array<i32>} : memref<128x32xf32, #tpu.memory_space<vmem>>, vector<16xf32>,
          %mul3A_293 = arith.mulf %get3A_292, %gather3A_289 : vector<16xf32>
          %swap3A_294 = arith.index_cast %add3A_281 : i32 to index
          %swap3A_295 = arith.constant 0 : index
          %swap3A_296 = tpu.vector_load %arg12[%swap3A_294, %swap3A_295] {strides = array<i32>} : memref<128x32xf32, #tpu.memory_space<vmem>>, vector<16xf32>,
          tpu.vector_store %arg12[%swap3A_294, %swap3A_295], %mul3A_293 {strides = array<i32>} : memref<128x32xf32, #tpu.memory_space<vmem>>, vector<16xf32>,
          %get3A_297 = arith.index_cast %add3A_281 : i32 to index
          %get3A_298 = arith.constant 16 : index
          %get3A_299 = tpu.vector_load %arg12[%get3A_297, %get3A_298] {strides = array<i32>} : memref<128x32xf32, #tpu.memory_space<vmem>>, vector<16xf32>,
          %mul3A_300 = arith.mulf %get3A_299, %gather3A_289 : vector<16xf32>
          %swap3A_301 = arith.index_cast %add3A_281 : i32 to index
          %swap3A_302 = arith.constant 16 : index
          %swap3A_303 = tpu.vector_load %arg12[%swap3A_301, %swap3A_302] {strides = array<i32>} : memref<128x32xf32, #tpu.memory_space<vmem>>, vector<16xf32>,
          tpu.vector_store %arg12[%swap3A_301, %swap3A_302], %mul3A_300 {strides = array<i32>} : memref<128x32xf32, #tpu.memory_space<vmem>>, vector<16xf32>,
          %scan3A_304 = arith.constant 3 : i32
          %scan3A_305 = arith.addi %scan3A_224, %scan3A_304 : i32
          %mul3A_306 = arith.constant 1 : i32
          %mul3A_307 = arith.muli %scan3A_305, %mul3A_306 : i32
          %add3A_308 = arith.constant 0 : i32
          %add3A_309 = arith.addi %add3A_308, %mul3A_307 : i32
          %broadcast_in_dim3A_310 = arith.constant 0 : i32
          %broadcast_in_dim3A_311 = vector.broadcast %broadcast_in_dim3A_310 : i32 to vector<16xi32>
          %add3A_312 = vector.broadcast %add3A_309 : i32 to vector<16xi32>
          %add3A_313 = arith.addi %broadcast_in_dim3A_311, %add3A_312 : vector<16xi32>
          %gather3A_314 = arith.constant 0 : i32
          %gather3A_315 = tpu.memref_slice %arg11[%add3A_123, %gather3A_314] : memref<28x128xf32, #tpu.memory_space<vmem>> -> memref<1x128xf32, #tpu.memory_space<vmem>>
          %gather3A_316 = tpu.memref_squeeze %gather3A_315 : memref<1x128xf32, #tpu.memory_space<vmem>> -> memref<128xf32, #tpu.memory_space<vmem>>
          %gather3A_317 = tpu.vector_load_idx %gather3A_316[%add3A_313] : memref<128xf32, #tpu.memory_space<vmem>>[vector<16xi32>], vector<16xf32>,
          %get3A_318 = arith.index_cast %add3A_309 : i32 to index
          %get3A_319 = arith.constant 0 : index
          %get3A_320 = tpu.vector_load %arg12[%get3A_318, %get3A_319] {strides = array<i32>} : memref<128x32xf32, #tpu.memory_space<vmem>>, vector<16xf32>,
          %mul3A_321 = arith.mulf %get3A_320, %gather3A_317 : vector<16xf32>
          %swap3A_322 = arith.index_cast %add3A_309 : i32 to index
          %swap3A_323 = arith.constant 0 : index
          %swap3A_324 = tpu.vector_load %arg12[%swap3A_322, %swap3A_323] {strides = array<i32>} : memref<128x32xf32, #tpu.memory_space<vmem>>, vector<16xf32>,
          tpu.vector_store %arg12[%swap3A_322, %swap3A_323], %mul3A_321 {strides = array<i32>} : memref<128x32xf32, #tpu.memory_space<vmem>>, vector<16xf32>,
          %get3A_325 = arith.index_cast %add3A_309 : i32 to index
          %get3A_326 = arith.constant 16 : index
          %get3A_327 = tpu.vector_load %arg12[%get3A_325, %get3A_326] {strides = array<i32>} : memref<128x32xf32, #tpu.memory_space<vmem>>, vector<16xf32>,
          %mul3A_328 = arith.mulf %get3A_327, %gather3A_317 : vector<16xf32>
          %swap3A_329 = arith.index_cast %add3A_309 : i32 to index
          %swap3A_330 = arith.constant 16 : index
          %swap3A_331 = tpu.vector_load %arg12[%swap3A_329, %swap3A_330] {strides = array<i32>} : memref<128x32xf32, #tpu.memory_space<vmem>>, vector<16xf32>,
          tpu.vector_store %arg12[%swap3A_329, %swap3A_330], %mul3A_328 {strides = array<i32>} : memref<128x32xf32, #tpu.memory_space<vmem>>, vector<16xf32>,
        }
        %scan3A_134 = arith.constant 128 : i32
        %dma_start3A_135 = arith.constant 0 : i32
        %dma_start3A_136 = tpu.memref_slice %arg10[%add3A_123, %dma_start3A_135] : memref<28x128xi32, #tpu.memory_space<vmem>> -> memref<1x128xi32, #tpu.memory_space<vmem>>
        %dma_start3A_137 = tpu.memref_squeeze %dma_start3A_136 : memref<1x128xi32, #tpu.memory_space<vmem>> -> memref<128xi32, #tpu.memory_space<vmem>>
        %dma_start3A_138 = arith.constant 0 : i32
        %dma_start3A_139 = arith.constant 0 : i32
        %dma_start3A_140 = tpu.memref_slice %arg15[%dma_start3A_138, %dma_start3A_139] : memref<50176x32xf32, #tpu.memory_space<vmem_shared>> -> memref<50176x32xf32, #tpu.memory_space<vmem_shared>>
        tpu.enqueue_indirect_dma source(%arg12 : memref<128x32xf32, #tpu.memory_space<vmem>>) target(%dma_start3A_140 : memref<50176x32xf32, #tpu.memory_space<vmem_shared>>) offsets(%dma_start3A_137 : memref<128xi32, #tpu.memory_space<vmem>>) semaphore(%arg19 : memref<!tpu.dma_semaphore, #tpu.memory_space<semaphore_mem>>) {add = true}
        %add3A_141 = arith.constant 1 : i32
        %add3A_142 = arith.addi %add3A_123, %add3A_141 : i32
        %dma_wait3A_143 = arith.constant 0 : i32
        %dma_wait3A_144 = tpu.memref_slice %arg9[%add3A_142, %dma_wait3A_143] : memref<28x128xi32, #tpu.memory_space<vmem>> -> memref<1x128xi32, #tpu.memory_space<vmem>>
        %dma_wait3A_145 = tpu.memref_squeeze %dma_wait3A_144 : memref<1x128xi32, #tpu.memory_space<vmem>> -> memref<128xi32, #tpu.memory_space<vmem>>
        %dma_wait3A_146 = arith.constant 0 : i32
        %dma_wait3A_147 = arith.constant 0 : i32
        %dma_wait3A_148 = tpu.memref_slice %arg7[%dma_wait3A_146, %dma_wait3A_147] : memref<100352x32xf32, #tpu.memory_space<hbm>> -> memref<100352x32xf32, #tpu.memory_space<hbm>>
        tpu.wait_indirect_dma semaphore(%arg17 : memref<!tpu.dma_semaphore, #tpu.memory_space<semaphore_mem>>) src(%dma_wait3A_148 : memref<100352x32xf32, #tpu.memory_space<hbm>>) dst(%arg13 : memref<128x32xf32, #tpu.memory_space<vmem>>)
        %add3A_149 = arith.constant 1 : i32
        %add3A_150 = arith.addi %add3A_123, %add3A_149 : i32
        %scan3A_151 = arith.constant 0 : i32
        %scan3A_152 = arith.constant 128 : i32
        %scan3A_153 = arith.addi %scan3A_151, %scan3A_152 : i32
        %scan3A_154 = arith.constant 4 : i32
        scf.for %scan3A_224 = %scan3A_151 to %scan3A_153 step %scan3A_154  : i32 {
          %mul3A_225 = arith.constant 1 : i32
          %mul3A_226 = arith.muli %scan3A_224, %mul3A_225 : i32
          %add3A_227 = arith.constant 0 : i32
          %add3A_228 = arith.addi %add3A_227, %mul3A_226 : i32
          %broadcast_in_dim3A_229 = arith.constant 0 : i32
          %broadcast_in_dim3A_230 = vector.broadcast %broadcast_in_dim3A_229 : i32 to vector<16xi32>
          %add3A_231 = vector.broadcast %add3A_228 : i32 to vector<16xi32>
          %add3A_232 = arith.addi %broadcast_in_dim3A_230, %add3A_231 : vector<16xi32>
          %gather3A = arith.constant 0 : i32
          %gather3A_233 = tpu.memref_slice %arg11[%add3A_150, %gather3A] : memref<28x128xf32, #tpu.memory_space<vmem>> -> memref<1x128xf32, #tpu.memory_space<vmem>>
          %gather3A_234 = tpu.memref_squeeze %gather3A_233 : memref<1x128xf32, #tpu.memory_space<vmem>> -> memref<128xf32, #tpu.memory_space<vmem>>
          %gather3A_235 = tpu.vector_load_idx %gather3A_234[%add3A_232] : memref<128xf32, #tpu.memory_space<vmem>>[vector<16xi32>], vector<16xf32>,
          %get3A = arith.index_cast %add3A_228 : i32 to index
          %get3A_236 = arith.constant 0 : index
          %get3A_237 = tpu.vector_load %arg13[%get3A, %get3A_236] {strides = array<i32>} : memref<128x32xf32, #tpu.memory_space<vmem>>, vector<16xf32>,
          %mul3A_238 = arith.mulf %get3A_237, %gather3A_235 : vector<16xf32>
          %swap3A = arith.index_cast %add3A_228 : i32 to index
          %swap3A_239 = arith.constant 0 : index
          %swap3A_240 = tpu.vector_load %arg13[%swap3A, %swap3A_239] {strides = array<i32>} : memref<128x32xf32, #tpu.memory_space<vmem>>, vector<16xf32>,
          tpu.vector_store %arg13[%swap3A, %swap3A_239], %mul3A_238 {strides = array<i32>} : memref<128x32xf32, #tpu.memory_space<vmem>>, vector<16xf32>,
          %get3A_241 = arith.index_cast %add3A_228 : i32 to index
          %get3A_242 = arith.constant 16 : index
          %get3A_243 = tpu.vector_load %arg13[%get3A_241, %get3A_242] {strides = array<i32>} : memref<128x32xf32, #tpu.memory_space<vmem>>, vector<16xf32>,
          %mul3A_244 = arith.mulf %get3A_243, %gather3A_235 : vector<16xf32>
          %swap3A_245 = arith.index_cast %add3A_228 : i32 to index
          %swap3A_246 = arith.constant 16 : index
          %swap3A_247 = tpu.vector_load %arg13[%swap3A_245, %swap3A_246] {strides = array<i32>} : memref<128x32xf32, #tpu.memory_space<vmem>>, vector<16xf32>,
          tpu.vector_store %arg13[%swap3A_245, %swap3A_246], %mul3A_244 {strides = array<i32>} : memref<128x32xf32, #tpu.memory_space<vmem>>, vector<16xf32>,
          %scan3A_248 = arith.constant 1 : i32
          %scan3A_249 = arith.addi %scan3A_224, %scan3A_248 : i32
          %mul3A_250 = arith.constant 1 : i32
          %mul3A_251 = arith.muli %scan3A_249, %mul3A_250 : i32
          %add3A_252 = arith.constant 0 : i32
          %add3A_253 = arith.addi %add3A_252, %mul3A_251 : i32
          %broadcast_in_dim3A_254 = arith.constant 0 : i32
          %broadcast_in_dim3A_255 = vector.broadcast %broadcast_in_dim3A_254 : i32 to vector<16xi32>
          %add3A_256 = vector.broadcast %add3A_253 : i32 to vector<16xi32>
          %add3A_257 = arith.addi %broadcast_in_dim3A_255, %add3A_256 : vector<16xi32>
          %gather3A_258 = arith.constant 0 : i32
          %gather3A_259 = tpu.memref_slice %arg11[%add3A_150, %gather3A_258] : memref<28x128xf32, #tpu.memory_space<vmem>> -> memref<1x128xf32, #tpu.memory_space<vmem>>
          %gather3A_260 = tpu.memref_squeeze %gather3A_259 : memref<1x128xf32, #tpu.memory_space<vmem>> -> memref<128xf32, #tpu.memory_space<vmem>>
          %gather3A_261 = tpu.vector_load_idx %gather3A_260[%add3A_257] : memref<128xf32, #tpu.memory_space<vmem>>[vector<16xi32>], vector<16xf32>,
          %get3A_262 = arith.index_cast %add3A_253 : i32 to index
          %get3A_263 = arith.constant 0 : index
          %get3A_264 = tpu.vector_load %arg13[%get3A_262, %get3A_263] {strides = array<i32>} : memref<128x32xf32, #tpu.memory_space<vmem>>, vector<16xf32>,
          %mul3A_265 = arith.mulf %get3A_264, %gather3A_261 : vector<16xf32>
          %swap3A_266 = arith.index_cast %add3A_253 : i32 to index
          %swap3A_267 = arith.constant 0 : index
          %swap3A_268 = tpu.vector_load %arg13[%swap3A_266, %swap3A_267] {strides = array<i32>} : memref<128x32xf32, #tpu.memory_space<vmem>>, vector<16xf32>,
          tpu.vector_store %arg13[%swap3A_266, %swap3A_267], %mul3A_265 {strides = array<i32>} : memref<128x32xf32, #tpu.memory_space<vmem>>, vector<16xf32>,
          %get3A_269 = arith.index_cast %add3A_253 : i32 to index
          %get3A_270 = arith.constant 16 : index
          %get3A_271 = tpu.vector_load %arg13[%get3A_269, %get3A_270] {strides = array<i32>} : memref<128x32xf32, #tpu.memory_space<vmem>>, vector<16xf32>,
          %mul3A_272 = arith.mulf %get3A_271, %gather3A_261 : vector<16xf32>
          %swap3A_273 = arith.index_cast %add3A_253 : i32 to index
          %swap3A_274 = arith.constant 16 : index
          %swap3A_275 = tpu.vector_load %arg13[%swap3A_273, %swap3A_274] {strides = array<i32>} : memref<128x32xf32, #tpu.memory_space<vmem>>, vector<16xf32>,
          tpu.vector_store %arg13[%swap3A_273, %swap3A_274], %mul3A_272 {strides = array<i32>} : memref<128x32xf32, #tpu.memory_space<vmem>>, vector<16xf32>,
          %scan3A_276 = arith.constant 2 : i32
          %scan3A_277 = arith.addi %scan3A_224, %scan3A_276 : i32
          %mul3A_278 = arith.constant 1 : i32
          %mul3A_279 = arith.muli %scan3A_277, %mul3A_278 : i32
          %add3A_280 = arith.constant 0 : i32
          %add3A_281 = arith.addi %add3A_280, %mul3A_279 : i32
          %broadcast_in_dim3A_282 = arith.constant 0 : i32
          %broadcast_in_dim3A_283 = vector.broadcast %broadcast_in_dim3A_282 : i32 to vector<16xi32>
          %add3A_284 = vector.broadcast %add3A_281 : i32 to vector<16xi32>
          %add3A_285 = arith.addi %broadcast_in_dim3A_283, %add3A_284 : vector<16xi32>
          %gather3A_286 = arith.constant 0 : i32
          %gather3A_287 = tpu.memref_slice %arg11[%add3A_150, %gather3A_286] : memref<28x128xf32, #tpu.memory_space<vmem>> -> memref<1x128xf32, #tpu.memory_space<vmem>>
          %gather3A_288 = tpu.memref_squeeze %gather3A_287 : memref<1x128xf32, #tpu.memory_space<vmem>> -> memref<128xf32, #tpu.memory_space<vmem>>
          %gather3A_289 = tpu.vector_load_idx %gather3A_288[%add3A_285] : memref<128xf32, #tpu.memory_space<vmem>>[vector<16xi32>], vector<16xf32>,
          %get3A_290 = arith.index_cast %add3A_281 : i32 to index
          %get3A_291 = arith.constant 0 : index
          %get3A_292 = tpu.vector_load %arg13[%get3A_290, %get3A_291] {strides = array<i32>} : memref<128x32xf32, #tpu.memory_space<vmem>>, vector<16xf32>,
          %mul3A_293 = arith.mulf %get3A_292, %gather3A_289 : vector<16xf32>
          %swap3A_294 = arith.index_cast %add3A_281 : i32 to index
          %swap3A_295 = arith.constant 0 : index
          %swap3A_296 = tpu.vector_load %arg13[%swap3A_294, %swap3A_295] {strides = array<i32>} : memref<128x32xf32, #tpu.memory_space<vmem>>, vector<16xf32>,
          tpu.vector_store %arg13[%swap3A_294, %swap3A_295], %mul3A_293 {strides = array<i32>} : memref<128x32xf32, #tpu.memory_space<vmem>>, vector<16xf32>,
          %get3A_297 = arith.index_cast %add3A_281 : i32 to index
          %get3A_298 = arith.constant 16 : index
          %get3A_299 = tpu.vector_load %arg13[%get3A_297, %get3A_298] {strides = array<i32>} : memref<128x32xf32, #tpu.memory_space<vmem>>, vector<16xf32>,
          %mul3A_300 = arith.mulf %get3A_299, %gather3A_289 : vector<16xf32>
          %swap3A_301 = arith.index_cast %add3A_281 : i32 to index
          %swap3A_302 = arith.constant 16 : index
          %swap3A_303 = tpu.vector_load %arg13[%swap3A_301, %swap3A_302] {strides = array<i32>} : memref<128x32xf32, #tpu.memory_space<vmem>>, vector<16xf32>,
          tpu.vector_store %arg13[%swap3A_301, %swap3A_302], %mul3A_300 {strides = array<i32>} : memref<128x32xf32, #tpu.memory_space<vmem>>, vector<16xf32>,
          %scan3A_304 = arith.constant 3 : i32
          %scan3A_305 = arith.addi %scan3A_224, %scan3A_304 : i32
          %mul3A_306 = arith.constant 1 : i32
          %mul3A_307 = arith.muli %scan3A_305, %mul3A_306 : i32
          %add3A_308 = arith.constant 0 : i32
          %add3A_309 = arith.addi %add3A_308, %mul3A_307 : i32
          %broadcast_in_dim3A_310 = arith.constant 0 : i32
          %broadcast_in_dim3A_311 = vector.broadcast %broadcast_in_dim3A_310 : i32 to vector<16xi32>
          %add3A_312 = vector.broadcast %add3A_309 : i32 to vector<16xi32>
          %add3A_313 = arith.addi %broadcast_in_dim3A_311, %add3A_312 : vector<16xi32>
          %gather3A_314 = arith.constant 0 : i32
          %gather3A_315 = tpu.memref_slice %arg11[%add3A_150, %gather3A_314] : memref<28x128xf32, #tpu.memory_space<vmem>> -> memref<1x128xf32, #tpu.memory_space<vmem>>
          %gather3A_316 = tpu.memref_squeeze %gather3A_315 : memref<1x128xf32, #tpu.memory_space<vmem>> -> memref<128xf32, #tpu.memory_space<vmem>>
          %gather3A_317 = tpu.vector_load_idx %gather3A_316[%add3A_313] : memref<128xf32, #tpu.memory_space<vmem>>[vector<16xi32>], vector<16xf32>,
          %get3A_318 = arith.index_cast %add3A_309 : i32 to index
          %get3A_319 = arith.constant 0 : index
          %get3A_320 = tpu.vector_load %arg13[%get3A_318, %get3A_319] {strides = array<i32>} : memref<128x32xf32, #tpu.memory_space<vmem>>, vector<16xf32>,
          %mul3A_321 = arith.mulf %get3A_320, %gather3A_317 : vector<16xf32>
          %swap3A_322 = arith.index_cast %add3A_309 : i32 to index
          %swap3A_323 = arith.constant 0 : index
          %swap3A_324 = tpu.vector_load %arg13[%swap3A_322, %swap3A_323] {strides = array<i32>} : memref<128x32xf32, #tpu.memory_space<vmem>>, vector<16xf32>,
          tpu.vector_store %arg13[%swap3A_322, %swap3A_323], %mul3A_321 {strides = array<i32>} : memref<128x32xf32, #tpu.memory_space<vmem>>, vector<16xf32>,
          %get3A_325 = arith.index_cast %add3A_309 : i32 to index
          %get3A_326 = arith.constant 16 : index
          %get3A_327 = tpu.vector_load %arg13[%get3A_325, %get3A_326] {strides = array<i32>} : memref<128x32xf32, #tpu.memory_space<vmem>>, vector<16xf32>,
          %mul3A_328 = arith.mulf %get3A_327, %gather3A_317 : vector<16xf32>
          %swap3A_329 = arith.index_cast %add3A_309 : i32 to index
          %swap3A_330 = arith.constant 16 : index
          %swap3A_331 = tpu.vector_load %arg13[%swap3A_329, %swap3A_330] {strides = array<i32>} : memref<128x32xf32, #tpu.memory_space<vmem>>, vector<16xf32>,
          tpu.vector_store %arg13[%swap3A_329, %swap3A_330], %mul3A_328 {strides = array<i32>} : memref<128x32xf32, #tpu.memory_space<vmem>>, vector<16xf32>,
        }
        %scan3A_155 = arith.constant 128 : i32
        %dma_wait3A_156 = arith.constant 0 : i32
        %dma_wait3A_157 = tpu.memref_slice %arg10[%add3A_123, %dma_wait3A_156] : memref<28x128xi32, #tpu.memory_space<vmem>> -> memref<1x128xi32, #tpu.memory_space<vmem>>
        %dma_wait3A_158 = tpu.memref_squeeze %dma_wait3A_157 : memref<1x128xi32, #tpu.memory_space<vmem>> -> memref<128xi32, #tpu.memory_space<vmem>>
        %dma_wait3A_159 = arith.constant 0 : i32
        %dma_wait3A_160 = arith.constant 0 : i32
        %dma_wait3A_161 = tpu.memref_slice %arg15[%dma_wait3A_159, %dma_wait3A_160] : memref<50176x32xf32, #tpu.memory_space<vmem_shared>> -> memref<50176x32xf32, #tpu.memory_space<vmem_shared>>
        tpu.wait_indirect_dma semaphore(%arg19 : memref<!tpu.dma_semaphore, #tpu.memory_space<semaphore_mem>>) src(%arg12 : memref<128x32xf32, #tpu.memory_space<vmem>>) dst(%dma_wait3A_161 : memref<50176x32xf32, #tpu.memory_space<vmem_shared>>)
        %add3A_162 = arith.constant 3 : i32
        %add3A_163 = arith.addi %add3A_123, %add3A_162 : i32
        %dma_start3A_164 = arith.constant 0 : i32
        %dma_start3A_165 = tpu.memref_slice %arg9[%add3A_163, %dma_start3A_164] : memref<28x128xi32, #tpu.memory_space<vmem>> -> memref<1x128xi32, #tpu.memory_space<vmem>>
        %dma_start3A_166 = tpu.memref_squeeze %dma_start3A_165 : memref<1x128xi32, #tpu.memory_space<vmem>> -> memref<128xi32, #tpu.memory_space<vmem>>
        %dma_start3A_167 = arith.constant 0 : i32
        %dma_start3A_168 = arith.constant 0 : i32
        %dma_start3A_169 = tpu.memref_slice %arg7[%dma_start3A_167, %dma_start3A_168] : memref<100352x32xf32, #tpu.memory_space<hbm>> -> memref<100352x32xf32, #tpu.memory_space<hbm>>
        tpu.enqueue_indirect_dma source(%dma_start3A_169 : memref<100352x32xf32, #tpu.memory_space<hbm>>) target(%arg12 : memref<128x32xf32, #tpu.memory_space<vmem>>) offsets(%dma_start3A_166 : memref<128xi32, #tpu.memory_space<vmem>>) semaphore(%arg16 : memref<!tpu.dma_semaphore, #tpu.memory_space<semaphore_mem>>)
        %add3A_170 = arith.constant 1 : i32
        %add3A_171 = arith.addi %add3A_123, %add3A_170 : i32
        %dma_start3A_172 = arith.constant 0 : i32
        %dma_start3A_173 = tpu.memref_slice %arg10[%add3A_171, %dma_start3A_172] : memref<28x128xi32, #tpu.memory_space<vmem>> -> memref<1x128xi32, #tpu.memory_space<vmem>>
        %dma_start3A_174 = tpu.memref_squeeze %dma_start3A_173 : memref<1x128xi32, #tpu.memory_space<vmem>> -> memref<128xi32, #tpu.memory_space<vmem>>
        %dma_start3A_175 = arith.constant 0 : i32
        %dma_start3A_176 = arith.constant 0 : i32
        %dma_start3A_177 = tpu.memref_slice %arg15[%dma_start3A_175, %dma_start3A_176] : memref<50176x32xf32, #tpu.memory_space<vmem_shared>> -> memref<50176x32xf32, #tpu.memory_space<vmem_shared>>
        tpu.enqueue_indirect_dma source(%arg13 : memref<128x32xf32, #tpu.memory_space<vmem>>) target(%dma_start3A_177 : memref<50176x32xf32, #tpu.memory_space<vmem_shared>>) offsets(%dma_start3A_174 : memref<128xi32, #tpu.memory_space<vmem>>) semaphore(%arg20 : memref<!tpu.dma_semaphore, #tpu.memory_space<semaphore_mem>>) {add = true}
        %add3A_178 = arith.constant 2 : i32
        %add3A_179 = arith.addi %add3A_123, %add3A_178 : i32
        %dma_wait3A_180 = arith.constant 0 : i32
        %dma_wait3A_181 = tpu.memref_slice %arg9[%add3A_179, %dma_wait3A_180] : memref<28x128xi32, #tpu.memory_space<vmem>> -> memref<1x128xi32, #tpu.memory_space<vmem>>
        %dma_wait3A_182 = tpu.memref_squeeze %dma_wait3A_181 : memref<1x128xi32, #tpu.memory_space<vmem>> -> memref<128xi32, #tpu.memory_space<vmem>>
        %dma_wait3A_183 = arith.constant 0 : i32
        %dma_wait3A_184 = arith.constant 0 : i32
        %dma_wait3A_185 = tpu.memref_slice %arg7[%dma_wait3A_183, %dma_wait3A_184] : memref<100352x32xf32, #tpu.memory_space<hbm>> -> memref<100352x32xf32, #tpu.memory_space<hbm>>
        tpu.wait_indirect_dma semaphore(%arg18 : memref<!tpu.dma_semaphore, #tpu.memory_space<semaphore_mem>>) src(%dma_wait3A_185 : memref<100352x32xf32, #tpu.memory_space<hbm>>) dst(%arg14 : memref<128x32xf32, #tpu.memory_space<vmem>>)
        %add3A_186 = arith.constant 2 : i32
        %add3A_187 = arith.addi %add3A_123, %add3A_186 : i32
        %scan3A_188 = arith.constant 0 : i32
        %scan3A_189 = arith.constant 128 : i32
        %scan3A_190 = arith.addi %scan3A_188, %scan3A_189 : i32
        %scan3A_191 = arith.constant 4 : i32
        scf.for %scan3A_224 = %scan3A_188 to %scan3A_190 step %scan3A_191  : i32 {
          %mul3A_225 = arith.constant 1 : i32
          %mul3A_226 = arith.muli %scan3A_224, %mul3A_225 : i32
          %add3A_227 = arith.constant 0 : i32
          %add3A_228 = arith.addi %add3A_227, %mul3A_226 : i32
          %broadcast_in_dim3A_229 = arith.constant 0 : i32
          %broadcast_in_dim3A_230 = vector.broadcast %broadcast_in_dim3A_229 : i32 to vector<16xi32>
          %add3A_231 = vector.broadcast %add3A_228 : i32 to vector<16xi32>
          %add3A_232 = arith.addi %broadcast_in_dim3A_230, %add3A_231 : vector<16xi32>
          %gather3A = arith.constant 0 : i32
          %gather3A_233 = tpu.memref_slice %arg11[%add3A_187, %gather3A] : memref<28x128xf32, #tpu.memory_space<vmem>> -> memref<1x128xf32, #tpu.memory_space<vmem>>
          %gather3A_234 = tpu.memref_squeeze %gather3A_233 : memref<1x128xf32, #tpu.memory_space<vmem>> -> memref<128xf32, #tpu.memory_space<vmem>>
          %gather3A_235 = tpu.vector_load_idx %gather3A_234[%add3A_232] : memref<128xf32, #tpu.memory_space<vmem>>[vector<16xi32>], vector<16xf32>,
          %get3A = arith.index_cast %add3A_228 : i32 to index
          %get3A_236 = arith.constant 0 : index
          %get3A_237 = tpu.vector_load %arg14[%get3A, %get3A_236] {strides = array<i32>} : memref<128x32xf32, #tpu.memory_space<vmem>>, vector<16xf32>,
          %mul3A_238 = arith.mulf %get3A_237, %gather3A_235 : vector<16xf32>
          %swap3A = arith.index_cast %add3A_228 : i32 to index
          %swap3A_239 = arith.constant 0 : index
          %swap3A_240 = tpu.vector_load %arg14[%swap3A, %swap3A_239] {strides = array<i32>} : memref<128x32xf32, #tpu.memory_space<vmem>>, vector<16xf32>,
          tpu.vector_store %arg14[%swap3A, %swap3A_239], %mul3A_238 {strides = array<i32>} : memref<128x32xf32, #tpu.memory_space<vmem>>, vector<16xf32>,
          %get3A_241 = arith.index_cast %add3A_228 : i32 to index
          %get3A_242 = arith.constant 16 : index
          %get3A_243 = tpu.vector_load %arg14[%get3A_241, %get3A_242] {strides = array<i32>} : memref<128x32xf32, #tpu.memory_space<vmem>>, vector<16xf32>,
          %mul3A_244 = arith.mulf %get3A_243, %gather3A_235 : vector<16xf32>
          %swap3A_245 = arith.index_cast %add3A_228 : i32 to index
          %swap3A_246 = arith.constant 16 : index
          %swap3A_247 = tpu.vector_load %arg14[%swap3A_245, %swap3A_246] {strides = array<i32>} : memref<128x32xf32, #tpu.memory_space<vmem>>, vector<16xf32>,
          tpu.vector_store %arg14[%swap3A_245, %swap3A_246], %mul3A_244 {strides = array<i32>} : memref<128x32xf32, #tpu.memory_space<vmem>>, vector<16xf32>,
          %scan3A_248 = arith.constant 1 : i32
          %scan3A_249 = arith.addi %scan3A_224, %scan3A_248 : i32
          %mul3A_250 = arith.constant 1 : i32
          %mul3A_251 = arith.muli %scan3A_249, %mul3A_250 : i32
          %add3A_252 = arith.constant 0 : i32
          %add3A_253 = arith.addi %add3A_252, %mul3A_251 : i32
          %broadcast_in_dim3A_254 = arith.constant 0 : i32
          %broadcast_in_dim3A_255 = vector.broadcast %broadcast_in_dim3A_254 : i32 to vector<16xi32>
          %add3A_256 = vector.broadcast %add3A_253 : i32 to vector<16xi32>
          %add3A_257 = arith.addi %broadcast_in_dim3A_255, %add3A_256 : vector<16xi32>
          %gather3A_258 = arith.constant 0 : i32
          %gather3A_259 = tpu.memref_slice %arg11[%add3A_187, %gather3A_258] : memref<28x128xf32, #tpu.memory_space<vmem>> -> memref<1x128xf32, #tpu.memory_space<vmem>>
          %gather3A_260 = tpu.memref_squeeze %gather3A_259 : memref<1x128xf32, #tpu.memory_space<vmem>> -> memref<128xf32, #tpu.memory_space<vmem>>
          %gather3A_261 = tpu.vector_load_idx %gather3A_260[%add3A_257] : memref<128xf32, #tpu.memory_space<vmem>>[vector<16xi32>], vector<16xf32>,
          %get3A_262 = arith.index_cast %add3A_253 : i32 to index
          %get3A_263 = arith.constant 0 : index
          %get3A_264 = tpu.vector_load %arg14[%get3A_262, %get3A_263] {strides = array<i32>} : memref<128x32xf32, #tpu.memory_space<vmem>>, vector<16xf32>,
          %mul3A_265 = arith.mulf %get3A_264, %gather3A_261 : vector<16xf32>
          %swap3A_266 = arith.index_cast %add3A_253 : i32 to index
          %swap3A_267 = arith.constant 0 : index
          %swap3A_268 = tpu.vector_load %arg14[%swap3A_266, %swap3A_267] {strides = array<i32>} : memref<128x32xf32, #tpu.memory_space<vmem>>, vector<16xf32>,
          tpu.vector_store %arg14[%swap3A_266, %swap3A_267], %mul3A_265 {strides = array<i32>} : memref<128x32xf32, #tpu.memory_space<vmem>>, vector<16xf32>,
          %get3A_269 = arith.index_cast %add3A_253 : i32 to index
          %get3A_270 = arith.constant 16 : index
          %get3A_271 = tpu.vector_load %arg14[%get3A_269, %get3A_270] {strides = array<i32>} : memref<128x32xf32, #tpu.memory_space<vmem>>, vector<16xf32>,
          %mul3A_272 = arith.mulf %get3A_271, %gather3A_261 : vector<16xf32>
          %swap3A_273 = arith.index_cast %add3A_253 : i32 to index
          %swap3A_274 = arith.constant 16 : index
          %swap3A_275 = tpu.vector_load %arg14[%swap3A_273, %swap3A_274] {strides = array<i32>} : memref<128x32xf32, #tpu.memory_space<vmem>>, vector<16xf32>,
          tpu.vector_store %arg14[%swap3A_273, %swap3A_274], %mul3A_272 {strides = array<i32>} : memref<128x32xf32, #tpu.memory_space<vmem>>, vector<16xf32>,
          %scan3A_276 = arith.constant 2 : i32
          %scan3A_277 = arith.addi %scan3A_224, %scan3A_276 : i32
          %mul3A_278 = arith.constant 1 : i32
          %mul3A_279 = arith.muli %scan3A_277, %mul3A_278 : i32
          %add3A_280 = arith.constant 0 : i32
          %add3A_281 = arith.addi %add3A_280, %mul3A_279 : i32
          %broadcast_in_dim3A_282 = arith.constant 0 : i32
          %broadcast_in_dim3A_283 = vector.broadcast %broadcast_in_dim3A_282 : i32 to vector<16xi32>
          %add3A_284 = vector.broadcast %add3A_281 : i32 to vector<16xi32>
          %add3A_285 = arith.addi %broadcast_in_dim3A_283, %add3A_284 : vector<16xi32>
          %gather3A_286 = arith.constant 0 : i32
          %gather3A_287 = tpu.memref_slice %arg11[%add3A_187, %gather3A_286] : memref<28x128xf32, #tpu.memory_space<vmem>> -> memref<1x128xf32, #tpu.memory_space<vmem>>
          %gather3A_288 = tpu.memref_squeeze %gather3A_287 : memref<1x128xf32, #tpu.memory_space<vmem>> -> memref<128xf32, #tpu.memory_space<vmem>>
          %gather3A_289 = tpu.vector_load_idx %gather3A_288[%add3A_285] : memref<128xf32, #tpu.memory_space<vmem>>[vector<16xi32>], vector<16xf32>,
          %get3A_290 = arith.index_cast %add3A_281 : i32 to index
          %get3A_291 = arith.constant 0 : index
          %get3A_292 = tpu.vector_load %arg14[%get3A_290, %get3A_291] {strides = array<i32>} : memref<128x32xf32, #tpu.memory_space<vmem>>, vector<16xf32>,
          %mul3A_293 = arith.mulf %get3A_292, %gather3A_289 : vector<16xf32>
          %swap3A_294 = arith.index_cast %add3A_281 : i32 to index
          %swap3A_295 = arith.constant 0 : index
          %swap3A_296 = tpu.vector_load %arg14[%swap3A_294, %swap3A_295] {strides = array<i32>} : memref<128x32xf32, #tpu.memory_space<vmem>>, vector<16xf32>,
          tpu.vector_store %arg14[%swap3A_294, %swap3A_295], %mul3A_293 {strides = array<i32>} : memref<128x32xf32, #tpu.memory_space<vmem>>, vector<16xf32>,
          %get3A_297 = arith.index_cast %add3A_281 : i32 to index
          %get3A_298 = arith.constant 16 : index
          %get3A_299 = tpu.vector_load %arg14[%get3A_297, %get3A_298] {strides = array<i32>} : memref<128x32xf32, #tpu.memory_space<vmem>>, vector<16xf32>,
          %mul3A_300 = arith.mulf %get3A_299, %gather3A_289 : vector<16xf32>
          %swap3A_301 = arith.index_cast %add3A_281 : i32 to index
          %swap3A_302 = arith.constant 16 : index
          %swap3A_303 = tpu.vector_load %arg14[%swap3A_301, %swap3A_302] {strides = array<i32>} : memref<128x32xf32, #tpu.memory_space<vmem>>, vector<16xf32>,
          tpu.vector_store %arg14[%swap3A_301, %swap3A_302], %mul3A_300 {strides = array<i32>} : memref<128x32xf32, #tpu.memory_space<vmem>>, vector<16xf32>,
          %scan3A_304 = arith.constant 3 : i32
          %scan3A_305 = arith.addi %scan3A_224, %scan3A_304 : i32
          %mul3A_306 = arith.constant 1 : i32
          %mul3A_307 = arith.muli %scan3A_305, %mul3A_306 : i32
          %add3A_308 = arith.constant 0 : i32
          %add3A_309 = arith.addi %add3A_308, %mul3A_307 : i32
          %broadcast_in_dim3A_310 = arith.constant 0 : i32
          %broadcast_in_dim3A_311 = vector.broadcast %broadcast_in_dim3A_310 : i32 to vector<16xi32>
          %add3A_312 = vector.broadcast %add3A_309 : i32 to vector<16xi32>
          %add3A_313 = arith.addi %broadcast_in_dim3A_311, %add3A_312 : vector<16xi32>
          %gather3A_314 = arith.constant 0 : i32
          %gather3A_315 = tpu.memref_slice %arg11[%add3A_187, %gather3A_314] : memref<28x128xf32, #tpu.memory_space<vmem>> -> memref<1x128xf32, #tpu.memory_space<vmem>>
          %gather3A_316 = tpu.memref_squeeze %gather3A_315 : memref<1x128xf32, #tpu.memory_space<vmem>> -> memref<128xf32, #tpu.memory_space<vmem>>
          %gather3A_317 = tpu.vector_load_idx %gather3A_316[%add3A_313] : memref<128xf32, #tpu.memory_space<vmem>>[vector<16xi32>], vector<16xf32>,
          %get3A_318 = arith.index_cast %add3A_309 : i32 to index
          %get3A_319 = arith.constant 0 : index
          %get3A_320 = tpu.vector_load %arg14[%get3A_318, %get3A_319] {strides = array<i32>} : memref<128x32xf32, #tpu.memory_space<vmem>>, vector<16xf32>,
          %mul3A_321 = arith.mulf %get3A_320, %gather3A_317 : vector<16xf32>
          %swap3A_322 = arith.index_cast %add3A_309 : i32 to index
          %swap3A_323 = arith.constant 0 : index
          %swap3A_324 = tpu.vector_load %arg14[%swap3A_322, %swap3A_323] {strides = array<i32>} : memref<128x32xf32, #tpu.memory_space<vmem>>, vector<16xf32>,
          tpu.vector_store %arg14[%swap3A_322, %swap3A_323], %mul3A_321 {strides = array<i32>} : memref<128x32xf32, #tpu.memory_space<vmem>>, vector<16xf32>,
          %get3A_325 = arith.index_cast %add3A_309 : i32 to index
          %get3A_326 = arith.constant 16 : index
          %get3A_327 = tpu.vector_load %arg14[%get3A_325, %get3A_326] {strides = array<i32>} : memref<128x32xf32, #tpu.memory_space<vmem>>, vector<16xf32>,
          %mul3A_328 = arith.mulf %get3A_327, %gather3A_317 : vector<16xf32>
          %swap3A_329 = arith.index_cast %add3A_309 : i32 to index
          %swap3A_330 = arith.constant 16 : index
          %swap3A_331 = tpu.vector_load %arg14[%swap3A_329, %swap3A_330] {strides = array<i32>} : memref<128x32xf32, #tpu.memory_space<vmem>>, vector<16xf32>,
          tpu.vector_store %arg14[%swap3A_329, %swap3A_330], %mul3A_328 {strides = array<i32>} : memref<128x32xf32, #tpu.memory_space<vmem>>, vector<16xf32>,
        }
        %scan3A_192 = arith.constant 128 : i32
        %dma_wait3A_193 = arith.constant 0 : i32
        %dma_wait3A_194 = tpu.memref_slice %arg10[%add3A_171, %dma_wait3A_193] : memref<28x128xi32, #tpu.memory_space<vmem>> -> memref<1x128xi32, #tpu.memory_space<vmem>>
        %dma_wait3A_195 = tpu.memref_squeeze %dma_wait3A_194 : memref<1x128xi32, #tpu.memory_space<vmem>> -> memref<128xi32, #tpu.memory_space<vmem>>
        %dma_wait3A_196 = arith.constant 0 : i32
        %dma_wait3A_197 = arith.constant 0 : i32
        %dma_wait3A_198 = tpu.memref_slice %arg15[%dma_wait3A_196, %dma_wait3A_197] : memref<50176x32xf32, #tpu.memory_space<vmem_shared>> -> memref<50176x32xf32, #tpu.memory_space<vmem_shared>>
        tpu.wait_indirect_dma semaphore(%arg20 : memref<!tpu.dma_semaphore, #tpu.memory_space<semaphore_mem>>) src(%arg13 : memref<128x32xf32, #tpu.memory_space<vmem>>) dst(%dma_wait3A_198 : memref<50176x32xf32, #tpu.memory_space<vmem_shared>>)
        %add3A_199 = arith.constant 4 : i32
        %add3A_200 = arith.addi %add3A_123, %add3A_199 : i32
        %lt3A = arith.constant 28 : i32
        %lt3A_201 = arith.cmpi slt, %add3A_200, %lt3A : i32
        %convert_element_type3A = arith.extui %lt3A_201 : i1 to i32
        %cond3A = arith.constant 0 : i32
        %cond3A_202 = arith.cmpi ne, %convert_element_type3A, %cond3A : i32
        scf.if %cond3A_202 {
          %add3A_224 = arith.constant 4 : i32
          %add3A_225 = arith.addi %add3A_123, %add3A_224 : i32
          %dma_start3A_226 = arith.constant 0 : i32
          %dma_start3A_227 = tpu.memref_slice %arg9[%add3A_225, %dma_start3A_226] : memref<28x128xi32, #tpu.memory_space<vmem>> -> memref<1x128xi32, #tpu.memory_space<vmem>>
          %dma_start3A_228 = tpu.memref_squeeze %dma_start3A_227 : memref<1x128xi32, #tpu.memory_space<vmem>> -> memref<128xi32, #tpu.memory_space<vmem>>
          %dma_start3A_229 = arith.constant 0 : i32
          %dma_start3A_230 = arith.constant 0 : i32
          %dma_start3A_231 = tpu.memref_slice %arg7[%dma_start3A_229, %dma_start3A_230] : memref<100352x32xf32, #tpu.memory_space<hbm>> -> memref<100352x32xf32, #tpu.memory_space<hbm>>
          tpu.enqueue_indirect_dma source(%dma_start3A_231 : memref<100352x32xf32, #tpu.memory_space<hbm>>) target(%arg13 : memref<128x32xf32, #tpu.memory_space<vmem>>) offsets(%dma_start3A_228 : memref<128xi32, #tpu.memory_space<vmem>>) semaphore(%arg17 : memref<!tpu.dma_semaphore, #tpu.memory_space<semaphore_mem>>)
        } else {
        }
        %add3A_203 = arith.constant 2 : i32
        %add3A_204 = arith.addi %add3A_123, %add3A_203 : i32
        %dma_start3A_205 = arith.constant 0 : i32
        %dma_start3A_206 = tpu.memref_slice %arg10[%add3A_204, %dma_start3A_205] : memref<28x128xi32, #tpu.memory_space<vmem>> -> memref<1x128xi32, #tpu.memory_space<vmem>>
        %dma_start3A_207 = tpu.memref_squeeze %dma_start3A_206 : memref<1x128xi32, #tpu.memory_space<vmem>> -> memref<128xi32, #tpu.memory_space<vmem>>
        %dma_start3A_208 = arith.constant 0 : i32
        %dma_start3A_209 = arith.constant 0 : i32
        %dma_start3A_210 = tpu.memref_slice %arg15[%dma_start3A_208, %dma_start3A_209] : memref<50176x32xf32, #tpu.memory_space<vmem_shared>> -> memref<50176x32xf32, #tpu.memory_space<vmem_shared>>
        tpu.enqueue_indirect_dma source(%arg14 : memref<128x32xf32, #tpu.memory_space<vmem>>) target(%dma_start3A_210 : memref<50176x32xf32, #tpu.memory_space<vmem_shared>>) offsets(%dma_start3A_207 : memref<128xi32, #tpu.memory_space<vmem>>) semaphore(%arg21 : memref<!tpu.dma_semaphore, #tpu.memory_space<semaphore_mem>>) {add = true}
        %dma_wait3A_211 = arith.constant 0 : i32
        %dma_wait3A_212 = tpu.memref_slice %arg10[%add3A_204, %dma_wait3A_211] : memref<28x128xi32, #tpu.memory_space<vmem>> -> memref<1x128xi32, #tpu.memory_space<vmem>>
        %dma_wait3A_213 = tpu.memref_squeeze %dma_wait3A_212 : memref<1x128xi32, #tpu.memory_space<vmem>> -> memref<128xi32, #tpu.memory_space<vmem>>
        %dma_wait3A_214 = arith.constant 0 : i32
        %dma_wait3A_215 = arith.constant 0 : i32
        %dma_wait3A_216 = tpu.memref_slice %arg15[%dma_wait3A_214, %dma_wait3A_215] : memref<50176x32xf32, #tpu.memory_space<vmem_shared>> -> memref<50176x32xf32, #tpu.memory_space<vmem_shared>>
        tpu.wait_indirect_dma semaphore(%arg21 : memref<!tpu.dma_semaphore, #tpu.memory_space<semaphore_mem>>) src(%arg14 : memref<128x32xf32, #tpu.memory_space<vmem>>) dst(%dma_wait3A_216 : memref<50176x32xf32, #tpu.memory_space<vmem_shared>>)
        %add3A_217 = arith.constant 5 : i32
        %add3A_218 = arith.addi %add3A_123, %add3A_217 : i32
        %lt3A_219 = arith.constant 28 : i32
        %lt3A_220 = arith.cmpi slt, %add3A_218, %lt3A_219 : i32
        %convert_element_type3A_221 = arith.extui %lt3A_220 : i1 to i32
        %cond3A_222 = arith.constant 0 : i32
        %cond3A_223 = arith.cmpi ne, %convert_element_type3A_221, %cond3A_222 : i32
        scf.if %cond3A_223 {
          %add3A_224 = arith.constant 5 : i32
          %add3A_225 = arith.addi %add3A_123, %add3A_224 : i32
          %dma_start3A_226 = arith.constant 0 : i32
          %dma_start3A_227 = tpu.memref_slice %arg9[%add3A_225, %dma_start3A_226] : memref<28x128xi32, #tpu.memory_space<vmem>> -> memref<1x128xi32, #tpu.memory_space<vmem>>
          %dma_start3A_228 = tpu.memref_squeeze %dma_start3A_227 : memref<1x128xi32, #tpu.memory_space<vmem>> -> memref<128xi32, #tpu.memory_space<vmem>>
          %dma_start3A_229 = arith.constant 0 : i32
          %dma_start3A_230 = arith.constant 0 : i32
          %dma_start3A_231 = tpu.memref_slice %arg7[%dma_start3A_229, %dma_start3A_230] : memref<100352x32xf32, #tpu.memory_space<hbm>> -> memref<100352x32xf32, #tpu.memory_space<hbm>>
          tpu.enqueue_indirect_dma source(%dma_start3A_231 : memref<100352x32xf32, #tpu.memory_space<hbm>>) target(%arg14 : memref<128x32xf32, #tpu.memory_space<vmem>>) offsets(%dma_start3A_228 : memref<128xi32, #tpu.memory_space<vmem>>) semaphore(%arg18 : memref<!tpu.dma_semaphore, #tpu.memory_space<semaphore_mem>>)
        } else {
        }
      }
      %scan3A_92 = arith.constant 9 : i32
      %dma_wait3A = arith.constant 27 : i32
      %dma_wait3A_93 = arith.constant 0 : i32
      %dma_wait3A_94 = tpu.memref_slice %arg9[%dma_wait3A, %dma_wait3A_93] : memref<28x128xi32, #tpu.memory_space<vmem>> -> memref<1x128xi32, #tpu.memory_space<vmem>>
      %dma_wait3A_95 = tpu.memref_squeeze %dma_wait3A_94 : memref<1x128xi32, #tpu.memory_space<vmem>> -> memref<128xi32, #tpu.memory_space<vmem>>
      %dma_wait3A_96 = arith.constant 0 : i32
      %dma_wait3A_97 = arith.constant 0 : i32
      %dma_wait3A_98 = tpu.memref_slice %arg7[%dma_wait3A_96, %dma_wait3A_97] : memref<100352x32xf32, #tpu.memory_space<hbm>> -> memref<100352x32xf32, #tpu.memory_space<hbm>>
      tpu.wait_indirect_dma semaphore(%arg16 : memref<!tpu.dma_semaphore, #tpu.memory_space<semaphore_mem>>) src(%dma_wait3A_98 : memref<100352x32xf32, #tpu.memory_space<hbm>>) dst(%arg12 : memref<128x32xf32, #tpu.memory_space<vmem>>)
      %scan3A_99 = arith.constant 27 : i32
      %scan3A_100 = arith.constant 0 : i32
      %scan3A_101 = arith.constant 128 : i32
      %scan3A_102 = arith.addi %scan3A_100, %scan3A_101 : i32
      %scan3A_103 = arith.constant 4 : i32
      scf.for %scan3A_119 = %scan3A_100 to %scan3A_102 step %scan3A_103  : i32 {
        %mul3A_120 = arith.constant 1 : i32
        %mul3A_121 = arith.muli %scan3A_119, %mul3A_120 : i32
        %add3A_122 = arith.constant 0 : i32
        %add3A_123 = arith.addi %add3A_122, %mul3A_121 : i32
        %broadcast_in_dim3A_124 = arith.constant 0 : i32
        %broadcast_in_dim3A_125 = vector.broadcast %broadcast_in_dim3A_124 : i32 to vector<16xi32>
        %add3A_126 = vector.broadcast %add3A_123 : i32 to vector<16xi32>
        %add3A_127 = arith.addi %broadcast_in_dim3A_125, %add3A_126 : vector<16xi32>
        %gather3A = arith.constant 0 : i32
        %gather3A_128 = tpu.memref_slice %arg11[%scan3A_99, %gather3A] : memref<28x128xf32, #tpu.memory_space<vmem>> -> memref<1x128xf32, #tpu.memory_space<vmem>>
        %gather3A_129 = tpu.memref_squeeze %gather3A_128 : memref<1x128xf32, #tpu.memory_space<vmem>> -> memref<128xf32, #tpu.memory_space<vmem>>
        %gather3A_130 = tpu.vector_load_idx %gather3A_129[%add3A_127] : memref<128xf32, #tpu.memory_space<vmem>>[vector<16xi32>], vector<16xf32>,
        %get3A = arith.index_cast %add3A_123 : i32 to index
        %get3A_131 = arith.constant 0 : index
        %get3A_132 = tpu.vector_load %arg12[%get3A, %get3A_131] {strides = array<i32>} : memref<128x32xf32, #tpu.memory_space<vmem>>, vector<16xf32>,
        %mul3A_133 = arith.mulf %get3A_132, %gather3A_130 : vector<16xf32>
        %swap3A = arith.index_cast %add3A_123 : i32 to index
        %swap3A_134 = arith.constant 0 : index
        %swap3A_135 = tpu.vector_load %arg12[%swap3A, %swap3A_134] {strides = array<i32>} : memref<128x32xf32, #tpu.memory_space<vmem>>, vector<16xf32>,
        tpu.vector_store %arg12[%swap3A, %swap3A_134], %mul3A_133 {strides = array<i32>} : memref<128x32xf32, #tpu.memory_space<vmem>>, vector<16xf32>,
        %get3A_136 = arith.index_cast %add3A_123 : i32 to index
        %get3A_137 = arith.constant 16 : index
        %get3A_138 = tpu.vector_load %arg12[%get3A_136, %get3A_137] {strides = array<i32>} : memref<128x32xf32, #tpu.memory_space<vmem>>, vector<16xf32>,
        %mul3A_139 = arith.mulf %get3A_138, %gather3A_130 : vector<16xf32>
        %swap3A_140 = arith.index_cast %add3A_123 : i32 to index
        %swap3A_141 = arith.constant 16 : index
        %swap3A_142 = tpu.vector_load %arg12[%swap3A_140, %swap3A_141] {strides = array<i32>} : memref<128x32xf32, #tpu.memory_space<vmem>>, vector<16xf32>,
        tpu.vector_store %arg12[%swap3A_140, %swap3A_141], %mul3A_139 {strides = array<i32>} : memref<128x32xf32, #tpu.memory_space<vmem>>, vector<16xf32>,
        %scan3A_143 = arith.constant 1 : i32
        %scan3A_144 = arith.addi %scan3A_119, %scan3A_143 : i32
        %mul3A_145 = arith.constant 1 : i32
        %mul3A_146 = arith.muli %scan3A_144, %mul3A_145 : i32
        %add3A_147 = arith.constant 0 : i32
        %add3A_148 = arith.addi %add3A_147, %mul3A_146 : i32
        %broadcast_in_dim3A_149 = arith.constant 0 : i32
        %broadcast_in_dim3A_150 = vector.broadcast %broadcast_in_dim3A_149 : i32 to vector<16xi32>
        %add3A_151 = vector.broadcast %add3A_148 : i32 to vector<16xi32>
        %add3A_152 = arith.addi %broadcast_in_dim3A_150, %add3A_151 : vector<16xi32>
        %gather3A_153 = arith.constant 0 : i32
        %gather3A_154 = tpu.memref_slice %arg11[%scan3A_99, %gather3A_153] : memref<28x128xf32, #tpu.memory_space<vmem>> -> memref<1x128xf32, #tpu.memory_space<vmem>>
        %gather3A_155 = tpu.memref_squeeze %gather3A_154 : memref<1x128xf32, #tpu.memory_space<vmem>> -> memref<128xf32, #tpu.memory_space<vmem>>
        %gather3A_156 = tpu.vector_load_idx %gather3A_155[%add3A_152] : memref<128xf32, #tpu.memory_space<vmem>>[vector<16xi32>], vector<16xf32>,
        %get3A_157 = arith.index_cast %add3A_148 : i32 to index
        %get3A_158 = arith.constant 0 : index
        %get3A_159 = tpu.vector_load %arg12[%get3A_157, %get3A_158] {strides = array<i32>} : memref<128x32xf32, #tpu.memory_space<vmem>>, vector<16xf32>,
        %mul3A_160 = arith.mulf %get3A_159, %gather3A_156 : vector<16xf32>
        %swap3A_161 = arith.index_cast %add3A_148 : i32 to index
        %swap3A_162 = arith.constant 0 : index
        %swap3A_163 = tpu.vector_load %arg12[%swap3A_161, %swap3A_162] {strides = array<i32>} : memref<128x32xf32, #tpu.memory_space<vmem>>, vector<16xf32>,
        tpu.vector_store %arg12[%swap3A_161, %swap3A_162], %mul3A_160 {strides = array<i32>} : memref<128x32xf32, #tpu.memory_space<vmem>>, vector<16xf32>,
        %get3A_164 = arith.index_cast %add3A_148 : i32 to index
        %get3A_165 = arith.constant 16 : index
        %get3A_166 = tpu.vector_load %arg12[%get3A_164, %get3A_165] {strides = array<i32>} : memref<128x32xf32, #tpu.memory_space<vmem>>, vector<16xf32>,
        %mul3A_167 = arith.mulf %get3A_166, %gather3A_156 : vector<16xf32>
        %swap3A_168 = arith.index_cast %add3A_148 : i32 to index
        %swap3A_169 = arith.constant 16 : index
        %swap3A_170 = tpu.vector_load %arg12[%swap3A_168, %swap3A_169] {strides = array<i32>} : memref<128x32xf32, #tpu.memory_space<vmem>>, vector<16xf32>,
        tpu.vector_store %arg12[%swap3A_168, %swap3A_169], %mul3A_167 {strides = array<i32>} : memref<128x32xf32, #tpu.memory_space<vmem>>, vector<16xf32>,
        %scan3A_171 = arith.constant 2 : i32
        %scan3A_172 = arith.addi %scan3A_119, %scan3A_171 : i32
        %mul3A_173 = arith.constant 1 : i32
        %mul3A_174 = arith.muli %scan3A_172, %mul3A_173 : i32
        %add3A_175 = arith.constant 0 : i32
        %add3A_176 = arith.addi %add3A_175, %mul3A_174 : i32
        %broadcast_in_dim3A_177 = arith.constant 0 : i32
        %broadcast_in_dim3A_178 = vector.broadcast %broadcast_in_dim3A_177 : i32 to vector<16xi32>
        %add3A_179 = vector.broadcast %add3A_176 : i32 to vector<16xi32>
        %add3A_180 = arith.addi %broadcast_in_dim3A_178, %add3A_179 : vector<16xi32>
        %gather3A_181 = arith.constant 0 : i32
        %gather3A_182 = tpu.memref_slice %arg11[%scan3A_99, %gather3A_181] : memref<28x128xf32, #tpu.memory_space<vmem>> -> memref<1x128xf32, #tpu.memory_space<vmem>>
        %gather3A_183 = tpu.memref_squeeze %gather3A_182 : memref<1x128xf32, #tpu.memory_space<vmem>> -> memref<128xf32, #tpu.memory_space<vmem>>
        %gather3A_184 = tpu.vector_load_idx %gather3A_183[%add3A_180] : memref<128xf32, #tpu.memory_space<vmem>>[vector<16xi32>], vector<16xf32>,
        %get3A_185 = arith.index_cast %add3A_176 : i32 to index
        %get3A_186 = arith.constant 0 : index
        %get3A_187 = tpu.vector_load %arg12[%get3A_185, %get3A_186] {strides = array<i32>} : memref<128x32xf32, #tpu.memory_space<vmem>>, vector<16xf32>,
        %mul3A_188 = arith.mulf %get3A_187, %gather3A_184 : vector<16xf32>
        %swap3A_189 = arith.index_cast %add3A_176 : i32 to index
        %swap3A_190 = arith.constant 0 : index
        %swap3A_191 = tpu.vector_load %arg12[%swap3A_189, %swap3A_190] {strides = array<i32>} : memref<128x32xf32, #tpu.memory_space<vmem>>, vector<16xf32>,
        tpu.vector_store %arg12[%swap3A_189, %swap3A_190], %mul3A_188 {strides = array<i32>} : memref<128x32xf32, #tpu.memory_space<vmem>>, vector<16xf32>,
        %get3A_192 = arith.index_cast %add3A_176 : i32 to index
        %get3A_193 = arith.constant 16 : index
        %get3A_194 = tpu.vector_load %arg12[%get3A_192, %get3A_193] {strides = array<i32>} : memref<128x32xf32, #tpu.memory_space<vmem>>, vector<16xf32>,
        %mul3A_195 = arith.mulf %get3A_194, %gather3A_184 : vector<16xf32>
        %swap3A_196 = arith.index_cast %add3A_176 : i32 to index
        %swap3A_197 = arith.constant 16 : index
        %swap3A_198 = tpu.vector_load %arg12[%swap3A_196, %swap3A_197] {strides = array<i32>} : memref<128x32xf32, #tpu.memory_space<vmem>>, vector<16xf32>,
        tpu.vector_store %arg12[%swap3A_196, %swap3A_197], %mul3A_195 {strides = array<i32>} : memref<128x32xf32, #tpu.memory_space<vmem>>, vector<16xf32>,
        %scan3A_199 = arith.constant 3 : i32
        %scan3A_200 = arith.addi %scan3A_119, %scan3A_199 : i32
        %mul3A_201 = arith.constant 1 : i32
        %mul3A_202 = arith.muli %scan3A_200, %mul3A_201 : i32
        %add3A_203 = arith.constant 0 : i32
        %add3A_204 = arith.addi %add3A_203, %mul3A_202 : i32
        %broadcast_in_dim3A_205 = arith.constant 0 : i32
        %broadcast_in_dim3A_206 = vector.broadcast %broadcast_in_dim3A_205 : i32 to vector<16xi32>
        %add3A_207 = vector.broadcast %add3A_204 : i32 to vector<16xi32>
        %add3A_208 = arith.addi %broadcast_in_dim3A_206, %add3A_207 : vector<16xi32>
        %gather3A_209 = arith.constant 0 : i32
        %gather3A_210 = tpu.memref_slice %arg11[%scan3A_99, %gather3A_209] : memref<28x128xf32, #tpu.memory_space<vmem>> -> memref<1x128xf32, #tpu.memory_space<vmem>>
        %gather3A_211 = tpu.memref_squeeze %gather3A_210 : memref<1x128xf32, #tpu.memory_space<vmem>> -> memref<128xf32, #tpu.memory_space<vmem>>
        %gather3A_212 = tpu.vector_load_idx %gather3A_211[%add3A_208] : memref<128xf32, #tpu.memory_space<vmem>>[vector<16xi32>], vector<16xf32>,
        %get3A_213 = arith.index_cast %add3A_204 : i32 to index
        %get3A_214 = arith.constant 0 : index
        %get3A_215 = tpu.vector_load %arg12[%get3A_213, %get3A_214] {strides = array<i32>} : memref<128x32xf32, #tpu.memory_space<vmem>>, vector<16xf32>,
        %mul3A_216 = arith.mulf %get3A_215, %gather3A_212 : vector<16xf32>
        %swap3A_217 = arith.index_cast %add3A_204 : i32 to index
        %swap3A_218 = arith.constant 0 : index
        %swap3A_219 = tpu.vector_load %arg12[%swap3A_217, %swap3A_218] {strides = array<i32>} : memref<128x32xf32, #tpu.memory_space<vmem>>, vector<16xf32>,
        tpu.vector_store %arg12[%swap3A_217, %swap3A_218], %mul3A_216 {strides = array<i32>} : memref<128x32xf32, #tpu.memory_space<vmem>>, vector<16xf32>,
        %get3A_220 = arith.index_cast %add3A_204 : i32 to index
        %get3A_221 = arith.constant 16 : index
        %get3A_222 = tpu.vector_load %arg12[%get3A_220, %get3A_221] {strides = array<i32>} : memref<128x32xf32, #tpu.memory_space<vmem>>, vector<16xf32>,
        %mul3A_223 = arith.mulf %get3A_222, %gather3A_212 : vector<16xf32>
        %swap3A_224 = arith.index_cast %add3A_204 : i32 to index
        %swap3A_225 = arith.constant 16 : index
        %swap3A_226 = tpu.vector_load %arg12[%swap3A_224, %swap3A_225] {strides = array<i32>} : memref<128x32xf32, #tpu.memory_space<vmem>>, vector<16xf32>,
        tpu.vector_store %arg12[%swap3A_224, %swap3A_225], %mul3A_223 {strides = array<i32>} : memref<128x32xf32, #tpu.memory_space<vmem>>, vector<16xf32>,
      }
      %scan3A_104 = arith.constant 128 : i32
      %dma_start3A_105 = arith.constant 27 : i32
      %dma_start3A_106 = arith.constant 0 : i32
      %dma_start3A_107 = tpu.memref_slice %arg10[%dma_start3A_105, %dma_start3A_106] : memref<28x128xi32, #tpu.memory_space<vmem>> -> memref<1x128xi32, #tpu.memory_space<vmem>>
      %dma_start3A_108 = tpu.memref_squeeze %dma_start3A_107 : memref<1x128xi32, #tpu.memory_space<vmem>> -> memref<128xi32, #tpu.memory_space<vmem>>
      %dma_start3A_109 = arith.constant 0 : i32
      %dma_start3A_110 = arith.constant 0 : i32
      %dma_start3A_111 = tpu.memref_slice %arg15[%dma_start3A_109, %dma_start3A_110] : memref<50176x32xf32, #tpu.memory_space<vmem_shared>> -> memref<50176x32xf32, #tpu.memory_space<vmem_shared>>
      tpu.enqueue_indirect_dma source(%arg12 : memref<128x32xf32, #tpu.memory_space<vmem>>) target(%dma_start3A_111 : memref<50176x32xf32, #tpu.memory_space<vmem_shared>>) offsets(%dma_start3A_108 : memref<128xi32, #tpu.memory_space<vmem>>) semaphore(%arg19 : memref<!tpu.dma_semaphore, #tpu.memory_space<semaphore_mem>>) {add = true}
      %dma_wait3A_112 = arith.constant 27 : i32
      %dma_wait3A_113 = arith.constant 0 : i32
      %dma_wait3A_114 = tpu.memref_slice %arg10[%dma_wait3A_112, %dma_wait3A_113] : memref<28x128xi32, #tpu.memory_space<vmem>> -> memref<1x128xi32, #tpu.memory_space<vmem>>
      %dma_wait3A_115 = tpu.memref_squeeze %dma_wait3A_114 : memref<1x128xi32, #tpu.memory_space<vmem>> -> memref<128xi32, #tpu.memory_space<vmem>>
      %dma_wait3A_116 = arith.constant 0 : i32
      %dma_wait3A_117 = arith.constant 0 : i32
      %dma_wait3A_118 = tpu.memref_slice %arg15[%dma_wait3A_116, %dma_wait3A_117] : memref<50176x32xf32, #tpu.memory_space<vmem_shared>> -> memref<50176x32xf32, #tpu.memory_space<vmem_shared>>
      tpu.wait_indirect_dma semaphore(%arg19 : memref<!tpu.dma_semaphore, #tpu.memory_space<semaphore_mem>>) src(%arg12 : memref<128x32xf32, #tpu.memory_space<vmem>>) dst(%dma_wait3A_118 : memref<50176x32xf32, #tpu.memory_space<vmem_shared>>)
    }
    %scan3A_49 = arith.constant 14 : i32
    %barrier3A_50 = arith.constant 0 : index
    tpu.barrier barrier_id(%barrier3A_50)
    %scan3A_51 = arith.constant 0 : i32
    %scan3A_52 = arith.constant 28 : i32
    %scan3A_53 = arith.addi %scan3A_51, %scan3A_52 : i32
    %scan3A_54 = arith.constant 1 : i32
    scf.for %scan3A_56 = %scan3A_51 to %scan3A_53 step %scan3A_54  : i32 {
      %mul3A_57 = arith.constant 1 : i32
      %mul3A_58 = arith.muli %scan3A_56, %mul3A_57 : i32
      %add3A = arith.constant 0 : i32
      %add3A_59 = arith.addi %add3A, %mul3A_58 : i32
      %mul3A_60 = arith.constant 112 : i32
      %mul3A_61 = arith.muli %add3A_59, %mul3A_60 : i32
      %add3A_62 = arith.addi %mul3A_1, %mul3A_61 : i32
      %mul3A_63 = arith.constant 50176 : i32
      %mul3A_64 = arith.muli %arg0, %mul3A_63 : i32
      %add3A_65 = arith.addi %mul3A_64, %mul3A_1 : i32
      %mul3A_66 = arith.constant 112 : i32
      %mul3A_67 = arith.muli %add3A_59, %mul3A_66 : i32
      %add3A_68 = arith.addi %add3A_65, %mul3A_67 : i32
      "tpu.region"() ({
        %run_scoped3A = tpu.sem_alloc : memref<!tpu.dma_semaphore, #tpu.memory_space<semaphore_mem>>
        %dma_start3A = arith.constant 0 : i32
        %dma_start3A_89 = arith.constant 0 : i32
        %dma_start3A_90 = tpu.memref_slice %arg12[%dma_start3A, %dma_start3A_89] : memref<128x32xf32, #tpu.memory_space<vmem>> -> memref<112x32xf32, #tpu.memory_space<vmem>>
        %dma_start3A_91 = arith.constant 0 : i32
        %dma_start3A_92 = tpu.memref_slice %arg15[%add3A_62, %dma_start3A_91] : memref<50176x32xf32, #tpu.memory_space<vmem_shared>> -> memref<112x32xf32, #tpu.memory_space<vmem_shared>>
        %dma_start3A_93 = arith.constant 0 : i32
        %dma_start3A_94 = arith.constant 0 : i32
        %dma_start3A_95 = tpu.memref_slice %arg12[%dma_start3A_93, %dma_start3A_94] : memref<128x32xf32, #tpu.memory_space<vmem>> -> memref<112x32xf32, #tpu.memory_space<vmem>>
        %dma_start3A_96 = arith.constant 0 : i32
        %dma_start3A_97 = tpu.memref_slice %arg15[%add3A_62, %dma_start3A_96] : memref<50176x32xf32, #tpu.memory_space<vmem_shared>> -> memref<112x32xf32, #tpu.memory_space<vmem_shared>>
        tpu.enqueue_dma source(%dma_start3A_97 : memref<112x32xf32, #tpu.memory_space<vmem_shared>>) target(%dma_start3A_95 : memref<112x32xf32, #tpu.memory_space<vmem>>) target_semaphore(%run_scoped3A : memref<!tpu.dma_semaphore, #tpu.memory_space<semaphore_mem>>)
        %dma_wait3A = arith.constant 0 : i32
        %dma_wait3A_98 = arith.constant 0 : i32
        %dma_wait3A_99 = tpu.memref_slice %arg12[%dma_wait3A, %dma_wait3A_98] : memref<128x32xf32, #tpu.memory_space<vmem>> -> memref<112x32xf32, #tpu.memory_space<vmem>>
        %dma_wait3A_100 = arith.constant 0 : i32
        %dma_wait3A_101 = tpu.memref_slice %arg15[%add3A_62, %dma_wait3A_100] : memref<50176x32xf32, #tpu.memory_space<vmem_shared>> -> memref<112x32xf32, #tpu.memory_space<vmem_shared>>
        %dma_wait3A_102 = arith.constant 0 : i32
        %dma_wait3A_103 = arith.constant 0 : i32
        %dma_wait3A_104 = tpu.memref_slice %arg12[%dma_wait3A_102, %dma_wait3A_103] : memref<128x32xf32, #tpu.memory_space<vmem>> -> memref<112x32xf32, #tpu.memory_space<vmem>>
        %dma_wait3A_105 = arith.constant 0 : i32
        %dma_wait3A_106 = tpu.memref_slice %arg15[%add3A_62, %dma_wait3A_105] : memref<50176x32xf32, #tpu.memory_space<vmem_shared>> -> memref<112x32xf32, #tpu.memory_space<vmem_shared>>
        tpu.wait_dma2 semaphore(%run_scoped3A : memref<!tpu.dma_semaphore, #tpu.memory_space<semaphore_mem>>) src(%dma_wait3A_106 : memref<112x32xf32, #tpu.memory_space<vmem_shared>>) dst(%dma_wait3A_104 : memref<112x32xf32, #tpu.memory_space<vmem>>)
        tpu.yield
      }) : () -> ()
      "tpu.region"() ({
        %run_scoped3A = tpu.sem_alloc : memref<!tpu.dma_semaphore, #tpu.memory_space<semaphore_mem>>
        %dma_start3A = arith.constant 0 : i32
        %dma_start3A_89 = arith.constant 0 : i32
        %dma_start3A_90 = tpu.memref_slice %arg13[%dma_start3A, %dma_start3A_89] : memref<128x32xf32, #tpu.memory_space<vmem>> -> memref<112x32xf32, #tpu.memory_space<vmem>>
        %dma_start3A_91 = arith.constant 0 : i32
        %dma_start3A_92 = tpu.memref_slice %arg2[%add3A_68, %dma_start3A_91] : memref<100352x32xf32, #tpu.memory_space<hbm>> -> memref<112x32xf32, #tpu.memory_space<hbm>>
        %dma_start3A_93 = arith.constant 0 : i32
        %dma_start3A_94 = arith.constant 0 : i32
        %dma_start3A_95 = tpu.memref_slice %arg13[%dma_start3A_93, %dma_start3A_94] : memref<128x32xf32, #tpu.memory_space<vmem>> -> memref<112x32xf32, #tpu.memory_space<vmem>>
        %dma_start3A_96 = arith.constant 0 : i32
        %dma_start3A_97 = tpu.memref_slice %arg2[%add3A_68, %dma_start3A_96] : memref<100352x32xf32, #tpu.memory_space<hbm>> -> memref<112x32xf32, #tpu.memory_space<hbm>>
        tpu.enqueue_dma source(%dma_start3A_97 : memref<112x32xf32, #tpu.memory_space<hbm>>) target(%dma_start3A_95 : memref<112x32xf32, #tpu.memory_space<vmem>>) target_semaphore(%run_scoped3A : memref<!tpu.dma_semaphore, #tpu.memory_space<semaphore_mem>>)
        %dma_wait3A = arith.constant 0 : i32
        %dma_wait3A_98 = arith.constant 0 : i32
        %dma_wait3A_99 = tpu.memref_slice %arg13[%dma_wait3A, %dma_wait3A_98] : memref<128x32xf32, #tpu.memory_space<vmem>> -> memref<112x32xf32, #tpu.memory_space<vmem>>
        %dma_wait3A_100 = arith.constant 0 : i32
        %dma_wait3A_101 = tpu.memref_slice %arg2[%add3A_68, %dma_wait3A_100] : memref<100352x32xf32, #tpu.memory_space<hbm>> -> memref<112x32xf32, #tpu.memory_space<hbm>>
        %dma_wait3A_102 = arith.constant 0 : i32
        %dma_wait3A_103 = arith.constant 0 : i32
        %dma_wait3A_104 = tpu.memref_slice %arg13[%dma_wait3A_102, %dma_wait3A_103] : memref<128x32xf32, #tpu.memory_space<vmem>> -> memref<112x32xf32, #tpu.memory_space<vmem>>
        %dma_wait3A_105 = arith.constant 0 : i32
        %dma_wait3A_106 = tpu.memref_slice %arg2[%add3A_68, %dma_wait3A_105] : memref<100352x32xf32, #tpu.memory_space<hbm>> -> memref<112x32xf32, #tpu.memory_space<hbm>>
        tpu.wait_dma2 semaphore(%run_scoped3A : memref<!tpu.dma_semaphore, #tpu.memory_space<semaphore_mem>>) src(%dma_wait3A_106 : memref<112x32xf32, #tpu.memory_space<hbm>>) dst(%dma_wait3A_104 : memref<112x32xf32, #tpu.memory_space<vmem>>)
        tpu.yield
      }) : () -> ()
      %scan3A_69 = arith.constant 0 : i32
      %scan3A_70 = arith.constant 112 : i32
      %scan3A_71 = arith.addi %scan3A_69, %scan3A_70 : i32
      %scan3A_72 = arith.constant 1 : i32
      scf.for %scan3A_89 = %scan3A_69 to %scan3A_71 step %scan3A_72  : i32 {
        %mul3A_90 = arith.constant 1 : i32
        %mul3A_91 = arith.muli %scan3A_89, %mul3A_90 : i32
        %add3A_92 = arith.constant 0 : i32
        %add3A_93 = arith.addi %add3A_92, %mul3A_91 : i32
        %get3A = arith.index_cast %add3A_93 : i32 to index
        %get3A_94 = arith.constant 0 : index
        %get3A_95 = tpu.vector_load %arg12[%get3A, %get3A_94] {strides = array<i32>} : memref<128x32xf32, #tpu.memory_space<vmem>>, vector<16xf32>,
        %get3A_96 = arith.index_cast %add3A_93 : i32 to index
        %get3A_97 = arith.constant 0 : index
        %get3A_98 = tpu.vector_load %arg13[%get3A_96, %get3A_97] {strides = array<i32>} : memref<128x32xf32, #tpu.memory_space<vmem>>, vector<16xf32>,
        %add3A_99 = arith.addf %get3A_95, %get3A_98 : vector<16xf32>
        %swap3A = arith.index_cast %add3A_93 : i32 to index
        %swap3A_100 = arith.constant 0 : index
        %swap3A_101 = tpu.vector_load %arg12[%swap3A, %swap3A_100] {strides = array<i32>} : memref<128x32xf32, #tpu.memory_space<vmem>>, vector<16xf32>,
        tpu.vector_store %arg12[%swap3A, %swap3A_100], %add3A_99 {strides = array<i32>} : memref<128x32xf32, #tpu.memory_space<vmem>>, vector<16xf32>,
        %get3A_102 = arith.index_cast %add3A_93 : i32 to index
        %get3A_103 = arith.constant 16 : index
        %get3A_104 = tpu.vector_load %arg12[%get3A_102, %get3A_103] {strides = array<i32>} : memref<128x32xf32, #tpu.memory_space<vmem>>, vector<16xf32>,
        %get3A_105 = arith.index_cast %add3A_93 : i32 to index
        %get3A_106 = arith.constant 16 : index
        %get3A_107 = tpu.vector_load %arg13[%get3A_105, %get3A_106] {strides = array<i32>} : memref<128x32xf32, #tpu.memory_space<vmem>>, vector<16xf32>,
        %add3A_108 = arith.addf %get3A_104, %get3A_107 : vector<16xf32>
        %swap3A_109 = arith.index_cast %add3A_93 : i32 to index
        %swap3A_110 = arith.constant 16 : index
        %swap3A_111 = tpu.vector_load %arg12[%swap3A_109, %swap3A_110] {strides = array<i32>} : memref<128x32xf32, #tpu.memory_space<vmem>>, vector<16xf32>,
        tpu.vector_store %arg12[%swap3A_109, %swap3A_110], %add3A_108 {strides = array<i32>} : memref<128x32xf32, #tpu.memory_space<vmem>>, vector<16xf32>,
      }
      %scan3A_73 = arith.constant 112 : i32
      "tpu.region"() ({
        %run_scoped3A = tpu.sem_alloc : memref<!tpu.dma_semaphore, #tpu.memory_space<semaphore_mem>>
        %dma_start3A = arith.constant 0 : i32
        %dma_start3A_89 = arith.constant 0 : i32
        %dma_start3A_90 = tpu.memref_slice %arg13[%dma_start3A, %dma_start3A_89] : memref<128x32xf32, #tpu.memory_space<vmem>> -> memref<112x32xf32, #tpu.memory_space<vmem>>
        %dma_start3A_91 = arith.constant 0 : i32
        %dma_start3A_92 = tpu.memref_slice %arg6[%add3A_68, %dma_start3A_91] : memref<100352x32xf32, #tpu.memory_space<hbm>> -> memref<112x32xf32, #tpu.memory_space<hbm>>
        %dma_start3A_93 = arith.constant 0 : i32
        %dma_start3A_94 = arith.constant 0 : i32
        %dma_start3A_95 = tpu.memref_slice %arg13[%dma_start3A_93, %dma_start3A_94] : memref<128x32xf32, #tpu.memory_space<vmem>> -> memref<112x32xf32, #tpu.memory_space<vmem>>
        %dma_start3A_96 = arith.constant 0 : i32
        %dma_start3A_97 = tpu.memref_slice %arg6[%add3A_68, %dma_start3A_96] : memref<100352x32xf32, #tpu.memory_space<hbm>> -> memref<112x32xf32, #tpu.memory_space<hbm>>
        tpu.enqueue_dma source(%dma_start3A_97 : memref<112x32xf32, #tpu.memory_space<hbm>>) target(%dma_start3A_95 : memref<112x32xf32, #tpu.memory_space<vmem>>) target_semaphore(%run_scoped3A : memref<!tpu.dma_semaphore, #tpu.memory_space<semaphore_mem>>)
        %dma_wait3A = arith.constant 0 : i32
        %dma_wait3A_98 = arith.constant 0 : i32
        %dma_wait3A_99 = tpu.memref_slice %arg13[%dma_wait3A, %dma_wait3A_98] : memref<128x32xf32, #tpu.memory_space<vmem>> -> memref<112x32xf32, #tpu.memory_space<vmem>>
        %dma_wait3A_100 = arith.constant 0 : i32
        %dma_wait3A_101 = tpu.memref_slice %arg6[%add3A_68, %dma_wait3A_100] : memref<100352x32xf32, #tpu.memory_space<hbm>> -> memref<112x32xf32, #tpu.memory_space<hbm>>
        %dma_wait3A_102 = arith.constant 0 : i32
        %dma_wait3A_103 = arith.constant 0 : i32
        %dma_wait3A_104 = tpu.memref_slice %arg13[%dma_wait3A_102, %dma_wait3A_103] : memref<128x32xf32, #tpu.memory_space<vmem>> -> memref<112x32xf32, #tpu.memory_space<vmem>>
        %dma_wait3A_105 = arith.constant 0 : i32
        %dma_wait3A_106 = tpu.memref_slice %arg6[%add3A_68, %dma_wait3A_105] : memref<100352x32xf32, #tpu.memory_space<hbm>> -> memref<112x32xf32, #tpu.memory_space<hbm>>
        tpu.wait_dma2 semaphore(%run_scoped3A : memref<!tpu.dma_semaphore, #tpu.memory_space<semaphore_mem>>) src(%dma_wait3A_106 : memref<112x32xf32, #tpu.memory_space<hbm>>) dst(%dma_wait3A_104 : memref<112x32xf32, #tpu.memory_space<vmem>>)
        tpu.yield
      }) : () -> ()
      %scan3A_74 = arith.constant 0 : i32
      %scan3A_75 = arith.constant 112 : i32
      %scan3A_76 = arith.addi %scan3A_74, %scan3A_75 : i32
      %scan3A_77 = arith.constant 1 : i32
      scf.for %scan3A_89 = %scan3A_74 to %scan3A_76 step %scan3A_77  : i32 {
        %mul3A_90 = arith.constant 1 : i32
        %mul3A_91 = arith.muli %scan3A_89, %mul3A_90 : i32
        %add3A_92 = arith.constant 0 : i32
        %add3A_93 = arith.addi %add3A_92, %mul3A_91 : i32
        %get3A = arith.index_cast %add3A_93 : i32 to index
        %get3A_94 = arith.constant 0 : index
        %get3A_95 = tpu.vector_load %arg12[%get3A, %get3A_94] {strides = array<i32>} : memref<128x32xf32, #tpu.memory_space<vmem>>, vector<16xf32>,
        %get3A_96 = arith.index_cast %add3A_93 : i32 to index
        %get3A_97 = arith.constant 0 : index
        %get3A_98 = tpu.vector_load %arg13[%get3A_96, %get3A_97] {strides = array<i32>} : memref<128x32xf32, #tpu.memory_space<vmem>>, vector<16xf32>,
        %add3A_99 = arith.addf %get3A_95, %get3A_98 : vector<16xf32>
        %swap3A = arith.index_cast %add3A_93 : i32 to index
        %swap3A_100 = arith.constant 0 : index
        %swap3A_101 = tpu.vector_load %arg12[%swap3A, %swap3A_100] {strides = array<i32>} : memref<128x32xf32, #tpu.memory_space<vmem>>, vector<16xf32>,
        tpu.vector_store %arg12[%swap3A, %swap3A_100], %add3A_99 {strides = array<i32>} : memref<128x32xf32, #tpu.memory_space<vmem>>, vector<16xf32>,
        %get3A_102 = arith.index_cast %add3A_93 : i32 to index
        %get3A_103 = arith.constant 16 : index
        %get3A_104 = tpu.vector_load %arg12[%get3A_102, %get3A_103] {strides = array<i32>} : memref<128x32xf32, #tpu.memory_space<vmem>>, vector<16xf32>,
        %get3A_105 = arith.index_cast %add3A_93 : i32 to index
        %get3A_106 = arith.constant 16 : index
        %get3A_107 = tpu.vector_load %arg13[%get3A_105, %get3A_106] {strides = array<i32>} : memref<128x32xf32, #tpu.memory_space<vmem>>, vector<16xf32>,
        %add3A_108 = arith.addf %get3A_104, %get3A_107 : vector<16xf32>
        %swap3A_109 = arith.index_cast %add3A_93 : i32 to index
        %swap3A_110 = arith.constant 16 : index
        %swap3A_111 = tpu.vector_load %arg12[%swap3A_109, %swap3A_110] {strides = array<i32>} : memref<128x32xf32, #tpu.memory_space<vmem>>, vector<16xf32>,
        tpu.vector_store %arg12[%swap3A_109, %swap3A_110], %add3A_108 {strides = array<i32>} : memref<128x32xf32, #tpu.memory_space<vmem>>, vector<16xf32>,
      }
      %scan3A_78 = arith.constant 112 : i32
      "tpu.region"() ({
        %run_scoped3A = tpu.sem_alloc : memref<!tpu.dma_semaphore, #tpu.memory_space<semaphore_mem>>
        %dma_start3A = arith.constant 0 : i32
        %dma_start3A_89 = arith.constant 0 : i32
        %dma_start3A_90 = tpu.memref_slice %arg13[%dma_start3A, %dma_start3A_89] : memref<128x32xf32, #tpu.memory_space<vmem>> -> memref<112x32xf32, #tpu.memory_space<vmem>>
        %dma_start3A_91 = arith.constant 0 : i32
        %dma_start3A_92 = tpu.memref_slice %arg7[%add3A_68, %dma_start3A_91] : memref<100352x32xf32, #tpu.memory_space<hbm>> -> memref<112x32xf32, #tpu.memory_space<hbm>>
        %dma_start3A_93 = arith.constant 0 : i32
        %dma_start3A_94 = arith.constant 0 : i32
        %dma_start3A_95 = tpu.memref_slice %arg13[%dma_start3A_93, %dma_start3A_94] : memref<128x32xf32, #tpu.memory_space<vmem>> -> memref<112x32xf32, #tpu.memory_space<vmem>>
        %dma_start3A_96 = arith.constant 0 : i32
        %dma_start3A_97 = tpu.memref_slice %arg7[%add3A_68, %dma_start3A_96] : memref<100352x32xf32, #tpu.memory_space<hbm>> -> memref<112x32xf32, #tpu.memory_space<hbm>>
        tpu.enqueue_dma source(%dma_start3A_97 : memref<112x32xf32, #tpu.memory_space<hbm>>) target(%dma_start3A_95 : memref<112x32xf32, #tpu.memory_space<vmem>>) target_semaphore(%run_scoped3A : memref<!tpu.dma_semaphore, #tpu.memory_space<semaphore_mem>>)
        %dma_wait3A = arith.constant 0 : i32
        %dma_wait3A_98 = arith.constant 0 : i32
        %dma_wait3A_99 = tpu.memref_slice %arg13[%dma_wait3A, %dma_wait3A_98] : memref<128x32xf32, #tpu.memory_space<vmem>> -> memref<112x32xf32, #tpu.memory_space<vmem>>
        %dma_wait3A_100 = arith.constant 0 : i32
        %dma_wait3A_101 = tpu.memref_slice %arg7[%add3A_68, %dma_wait3A_100] : memref<100352x32xf32, #tpu.memory_space<hbm>> -> memref<112x32xf32, #tpu.memory_space<hbm>>
        %dma_wait3A_102 = arith.constant 0 : i32
        %dma_wait3A_103 = arith.constant 0 : i32
        %dma_wait3A_104 = tpu.memref_slice %arg13[%dma_wait3A_102, %dma_wait3A_103] : memref<128x32xf32, #tpu.memory_space<vmem>> -> memref<112x32xf32, #tpu.memory_space<vmem>>
        %dma_wait3A_105 = arith.constant 0 : i32
        %dma_wait3A_106 = tpu.memref_slice %arg7[%add3A_68, %dma_wait3A_105] : memref<100352x32xf32, #tpu.memory_space<hbm>> -> memref<112x32xf32, #tpu.memory_space<hbm>>
        tpu.wait_dma2 semaphore(%run_scoped3A : memref<!tpu.dma_semaphore, #tpu.memory_space<semaphore_mem>>) src(%dma_wait3A_106 : memref<112x32xf32, #tpu.memory_space<hbm>>) dst(%dma_wait3A_104 : memref<112x32xf32, #tpu.memory_space<vmem>>)
        tpu.yield
      }) : () -> ()
      %scan3A_79 = arith.constant 0 : i32
      %scan3A_80 = arith.constant 112 : i32
      %scan3A_81 = arith.addi %scan3A_79, %scan3A_80 : i32
      %scan3A_82 = arith.constant 1 : i32
      scf.for %scan3A_89 = %scan3A_79 to %scan3A_81 step %scan3A_82  : i32 {
        %mul3A_90 = arith.constant 1 : i32
        %mul3A_91 = arith.muli %scan3A_89, %mul3A_90 : i32
        %add3A_92 = arith.constant 0 : i32
        %add3A_93 = arith.addi %add3A_92, %mul3A_91 : i32
        %get3A = arith.index_cast %add3A_93 : i32 to index
        %get3A_94 = arith.constant 0 : index
        %get3A_95 = tpu.vector_load %arg12[%get3A, %get3A_94] {strides = array<i32>} : memref<128x32xf32, #tpu.memory_space<vmem>>, vector<16xf32>,
        %get3A_96 = arith.index_cast %add3A_93 : i32 to index
        %get3A_97 = arith.constant 0 : index
        %get3A_98 = tpu.vector_load %arg13[%get3A_96, %get3A_97] {strides = array<i32>} : memref<128x32xf32, #tpu.memory_space<vmem>>, vector<16xf32>,
        %add3A_99 = arith.addf %get3A_95, %get3A_98 : vector<16xf32>
        %swap3A = arith.index_cast %add3A_93 : i32 to index
        %swap3A_100 = arith.constant 0 : index
        %swap3A_101 = tpu.vector_load %arg12[%swap3A, %swap3A_100] {strides = array<i32>} : memref<128x32xf32, #tpu.memory_space<vmem>>, vector<16xf32>,
        tpu.vector_store %arg12[%swap3A, %swap3A_100], %add3A_99 {strides = array<i32>} : memref<128x32xf32, #tpu.memory_space<vmem>>, vector<16xf32>,
        %get3A_102 = arith.index_cast %add3A_93 : i32 to index
        %get3A_103 = arith.constant 16 : index
        %get3A_104 = tpu.vector_load %arg12[%get3A_102, %get3A_103] {strides = array<i32>} : memref<128x32xf32, #tpu.memory_space<vmem>>, vector<16xf32>,
        %get3A_105 = arith.index_cast %add3A_93 : i32 to index
        %get3A_106 = arith.constant 16 : index
        %get3A_107 = tpu.vector_load %arg13[%get3A_105, %get3A_106] {strides = array<i32>} : memref<128x32xf32, #tpu.memory_space<vmem>>, vector<16xf32>,
        %add3A_108 = arith.addf %get3A_104, %get3A_107 : vector<16xf32>
        %swap3A_109 = arith.index_cast %add3A_93 : i32 to index
        %swap3A_110 = arith.constant 16 : index
        %swap3A_111 = tpu.vector_load %arg12[%swap3A_109, %swap3A_110] {strides = array<i32>} : memref<128x32xf32, #tpu.memory_space<vmem>>, vector<16xf32>,
        tpu.vector_store %arg12[%swap3A_109, %swap3A_110], %add3A_108 {strides = array<i32>} : memref<128x32xf32, #tpu.memory_space<vmem>>, vector<16xf32>,
      }
      %scan3A_83 = arith.constant 112 : i32
      %scan3A_84 = arith.constant 0 : i32
      %scan3A_85 = arith.constant 112 : i32
      %scan3A_86 = arith.addi %scan3A_84, %scan3A_85 : i32
      %scan3A_87 = arith.constant 1 : i32
      scf.for %scan3A_89 = %scan3A_84 to %scan3A_86 step %scan3A_87  : i32 {
        %mul3A_90 = arith.constant 1 : i32
        %mul3A_91 = arith.muli %scan3A_89, %mul3A_90 : i32
        %add3A_92 = arith.constant 0 : i32
        %add3A_93 = arith.addi %add3A_92, %mul3A_91 : i32
        %get3A = arith.index_cast %add3A_93 : i32 to index
        %get3A_94 = arith.constant 0 : index
        %get3A_95 = tpu.vector_load %arg12[%get3A, %get3A_94] {strides = array<i32>} : memref<128x32xf32, #tpu.memory_space<vmem>>, vector<16xf32>,
        %mul3A_96 = arith.constant 2.500000e-01 : f32
        %mul3A_97 = vector.broadcast %mul3A_96 : f32 to vector<16xf32>
        %mul3A_98 = arith.mulf %get3A_95, %mul3A_97 : vector<16xf32>
        %swap3A = arith.index_cast %add3A_93 : i32 to index
        %swap3A_99 = arith.constant 0 : index
        %swap3A_100 = tpu.vector_load %arg12[%swap3A, %swap3A_99] {strides = array<i32>} : memref<128x32xf32, #tpu.memory_space<vmem>>, vector<16xf32>,
        tpu.vector_store %arg12[%swap3A, %swap3A_99], %mul3A_98 {strides = array<i32>} : memref<128x32xf32, #tpu.memory_space<vmem>>, vector<16xf32>,
        %get3A_101 = arith.index_cast %add3A_93 : i32 to index
        %get3A_102 = arith.constant 16 : index
        %get3A_103 = tpu.vector_load %arg12[%get3A_101, %get3A_102] {strides = array<i32>} : memref<128x32xf32, #tpu.memory_space<vmem>>, vector<16xf32>,
        %mul3A_104 = arith.constant 2.500000e-01 : f32
        %mul3A_105 = vector.broadcast %mul3A_104 : f32 to vector<16xf32>
        %mul3A_106 = arith.mulf %get3A_103, %mul3A_105 : vector<16xf32>
        %swap3A_107 = arith.index_cast %add3A_93 : i32 to index
        %swap3A_108 = arith.constant 16 : index
        %swap3A_109 = tpu.vector_load %arg12[%swap3A_107, %swap3A_108] {strides = array<i32>} : memref<128x32xf32, #tpu.memory_space<vmem>>, vector<16xf32>,
        tpu.vector_store %arg12[%swap3A_107, %swap3A_108], %mul3A_106 {strides = array<i32>} : memref<128x32xf32, #tpu.memory_space<vmem>>, vector<16xf32>,
      }
      %scan3A_88 = arith.constant 112 : i32
      "tpu.region"() ({
        %run_scoped3A = tpu.sem_alloc : memref<!tpu.dma_semaphore, #tpu.memory_space<semaphore_mem>>
        %dma_start3A = arith.constant 0 : i32
        %dma_start3A_89 = arith.constant 0 : i32
        %dma_start3A_90 = tpu.memref_slice %arg12[%dma_start3A, %dma_start3A_89] : memref<128x32xf32, #tpu.memory_space<vmem>> -> memref<112x32xf32, #tpu.memory_space<vmem>>
        %dma_start3A_91 = arith.constant 0 : i32
        %dma_start3A_92 = tpu.memref_slice %arg8[%add3A_68, %dma_start3A_91] : memref<100352x32xf32, #tpu.memory_space<hbm>> -> memref<112x32xf32, #tpu.memory_space<hbm>>
        %dma_start3A_93 = arith.constant 0 : i32
        %dma_start3A_94 = tpu.memref_slice %arg8[%add3A_68, %dma_start3A_93] : memref<100352x32xf32, #tpu.memory_space<hbm>> -> memref<112x32xf32, #tpu.memory_space<hbm>>
        %dma_start3A_95 = arith.constant 0 : i32
        %dma_start3A_96 = arith.constant 0 : i32
        %dma_start3A_97 = tpu.memref_slice %arg12[%dma_start3A_95, %dma_start3A_96] : memref<128x32xf32, #tpu.memory_space<vmem>> -> memref<112x32xf32, #tpu.memory_space<vmem>>
        tpu.enqueue_dma source(%dma_start3A_97 : memref<112x32xf32, #tpu.memory_space<vmem>>) target(%dma_start3A_94 : memref<112x32xf32, #tpu.memory_space<hbm>>) target_semaphore(%run_scoped3A : memref<!tpu.dma_semaphore, #tpu.memory_space<semaphore_mem>>)
        %dma_wait3A = arith.constant 0 : i32
        %dma_wait3A_98 = arith.constant 0 : i32
        %dma_wait3A_99 = tpu.memref_slice %arg12[%dma_wait3A, %dma_wait3A_98] : memref<128x32xf32, #tpu.memory_space<vmem>> -> memref<112x32xf32, #tpu.memory_space<vmem>>
        %dma_wait3A_100 = arith.constant 0 : i32
        %dma_wait3A_101 = tpu.memref_slice %arg8[%add3A_68, %dma_wait3A_100] : memref<100352x32xf32, #tpu.memory_space<hbm>> -> memref<112x32xf32, #tpu.memory_space<hbm>>
        %dma_wait3A_102 = arith.constant 0 : i32
        %dma_wait3A_103 = tpu.memref_slice %arg8[%add3A_68, %dma_wait3A_102] : memref<100352x32xf32, #tpu.memory_space<hbm>> -> memref<112x32xf32, #tpu.memory_space<hbm>>
        %dma_wait3A_104 = arith.constant 0 : i32
        %dma_wait3A_105 = arith.constant 0 : i32
        %dma_wait3A_106 = tpu.memref_slice %arg12[%dma_wait3A_104, %dma_wait3A_105] : memref<128x32xf32, #tpu.memory_space<vmem>> -> memref<112x32xf32, #tpu.memory_space<vmem>>
        tpu.wait_dma2 semaphore(%run_scoped3A : memref<!tpu.dma_semaphore, #tpu.memory_space<semaphore_mem>>) src(%dma_wait3A_106 : memref<112x32xf32, #tpu.memory_space<vmem>>) dst(%dma_wait3A_103 : memref<112x32xf32, #tpu.memory_space<hbm>>)
        tpu.yield
      }) : () -> ()
    }
    %scan3A_55 = arith.constant 28 : i32
    return
  }
}

</mosaic_0001>

<sc_bundles>
// kernel: kernel.4.cloned.1.call-start
scs
__scs_entry_jumppad:
0x0: {  	(pc) =	sbr.rel $0x88, $3  }
0x1: {  	(tag) =	ssettag $0x0;
	lr =	simm.s32 $0x1  }
0x2: {  	[smem:$0x3F9D] =	sst lr;
	_ =	strace $0xD0000000  }
0x3: {  	_ = 	snop  }
0x4: {  	_ = 	snop  }
0x5: {  	_ = 	snop  }
0x6: {  	_ = 	snop  }
0x7: {  	_ = 	snop  }
__scs_overlays_trampoline_lowered:
0x8: {  	[smem:$0x3FAC] =	sst s0  }
0x9: {  	[smem:$0x3FAD] =	sst s1  }
0xa: {  	[smem:$0x3FAE] =	sst s2  }
0xb: {  	[smem:$0x3FAF] =	sst s3  }
0xc: {  	[smem:$0x3FB0] =	sst s4  }
0xd: {  	[smem:$0x3FB1] =	sst s5  }
0xe: {  	[smem:$0x3FB2] =	sst s6  }
0xf: {  	[smem:$0x3FB3] =	sst s7  }
0x10: {  	[smem:$0x3FB4] =	sst s8  }
0x11: {  	[smem:$0x3FB5] =	sst s9;
	s0 =	simm.s32 @!p0 $0x0  }
0x12: {  	s1 =	sld [smem:$0x3F9B];
	s0 =	simm.s32 @p0 $0x1  }
0x13: {  	[smem:$0x3FB6] =	sst s0;
	s0 =	simm.s32 @!p1 $0x0  }
0x14: {  	s2 =	sld [smem:$0x3F9A];
	s0 =	simm.s32 @p1 $0x1  }
0x15: {  	[smem:$0x3FB7] =	sst s0;
	s0 =	simm.s32 @!p2 $0x0  }
0x16: {  	s3 =	sld [smem:$0x3FDB];
	s0 =	simm.s32 @p2 $0x1  }
0x17: {  	s4 =	simm.s32 $0x1BF5;
	[smem:$0x3FB9] =	sst s0  }
0x18: {  	s0 =	sld [smem:$0x3F9C];
	_ =	swait.ge [sflag:s4], $0x0  }
0x19: {  	s7 =	sld [smem:$0x3F9D]  }
0x1a: {  	s8 =	sadd.s32 $0xFFFFE003, lr  }
0x1b: {  	s9 =	sadd.s32 $0xFFFFFEF7, lr;
	s5 =	simm.s32 $0xFFFFFFFF;
	p2 =	slt.u32 s8, $0xFFFFF086  }
0x1c: {  	p1 =	slt.u32 s9, $0xF7A;
	s5 =	simm.s32 @!p2 $0x0  }
0x1d: {  	s5 =	simm.s32 @p1 $0x1;
	p0 =	seq.s32 s7, s2  }
0x1e: {  	s7 =	smul.u32 @!p0 $0xF7A, s2;
	p2 =	seq.s32 @!p0 s5, $0x0  }
0x1f: {  	s9 =	smul.u32 $0xF7A, s1;
	s8 =	simm.s32 @!p0 $0x1BF5;
	p2 =	por !p2, p0  }
0x20: {  	[sflag:s8] =	ssyncset.s32 @!p0 $0xFFFFF086;
	s6 =	sadd.s32 @!p0 s3, s7;
	s7 =	simm.s32 @!p0 $0x108  }
0x21: {  	s3 =	sadd.s32 s3, s9;
	s6 =	sadd.s32 @!p0 $0x88, s6;
	s7 =	simm.s32 @p2 $0x1082  }
0x22: {  	[simem:s7], [sflag:s8] =	dma.local @!p0 [hbm:s6], $0xF7A  }
0x23: {  	s9 =	sor.u32 $0xD0000000, s2;
	s6 =	simm.s32 $0x108;
	_ =	swait.ge @!p0 [sflag:s8], $0x0  }
0x24: {  	s3 =	sadd.s32 $0x88, s3;
	s6 =	simm.s32 @!p1 $0x1082;
	[sflag:s4] =	ssyncset.s32 $0xFFFFF086  }
0x25: {  	[simem:s6], [sflag:s4] =	dma.local [hbm:s3], $0xF7A  }
0x26: {  	[smem:$0x3F9D] =	sst s1;
	(tag) =	ssettag s2;
	_ =	strace s9  }
0x27: {  	s1 =	sld [smem:$0x3FAD]  }
0x28: {  	s2 =	sld [smem:$0x3FAE]  }
0x29: {  	s4 =	sld [smem:$0x3FB0]  }
0x2a: {  	p0 =	seq.s32 s5, $0x0;
	s5 =	sld [smem:$0x3FB1]  }
0x2b: {  	s6 =	sld [smem:$0x3FB2]  }
0x2c: {  	s7 =	sld [smem:$0x3FB3]  }
0x2d: {  	s3 =	simm.s32 $0x108;
	s8 =	sld [smem:$0x3FB4]  }
0x2e: {  	s3 =	simm.s32 @!p0 $0x1082;
	s9 =	sld [smem:$0x3FB5]  }
0x2f: {  	lr =	sadd.s32 s0, s3;
	s0 =	sld [smem:$0x3FAC]  }
0x30: {  	s3 =	sld [smem:$0x3FAF]  }
0x31: {  	[smem:$0x3FB8] =	sst s10  }
0x32: {  	s10 =	sld [smem:$0x3FB6];
	_ =	sdelay $0x3  }
0x33: {  	p0 =	seq.s32 s10, $0x1;
	s10 =	sld [smem:$0x3FB8];
	_ =	sdelay $0x3  }
0x34: {  	[smem:$0x3FB8] =	sst s10  }
0x35: {  	s10 =	sld [smem:$0x3FB7];
	_ =	sdelay $0x3  }
0x36: {  	p1 =	seq.s32 s10, $0x1;
	s10 =	sld [smem:$0x3FB8];
	_ =	sdelay $0x3  }
0x37: {  	[smem:$0x3FB8] =	sst s10  }
0x38: {  	s10 =	sld [smem:$0x3FB9]  }
0x39: {  	_ = 	snop;
	(pc) =	sbr.ind lr, $3  }
0x3a: {  	_ = 	snop  }
0x3b: {  	_ = 	snop  }
0x3c: {  	p2 =	seq.s32 s10, $0x1;
	s10 =	sld [smem:$0x3FB8]  }
0x3d: {  	_ =	shalt  }
0x3e: {  	_ =	shalt  }
0x3f: {  	_ =	shalt  }
0x40: {  	_ =	shalt  }
0x41: {  	_ =	shalt  }
0x42: {  	_ =	shalt  }
0x43: {  	_ =	shalt  }
0x44: {  	_ =	shalt  }
0x45: {  	_ =	shalt  }
0x46: {  	_ =	shalt  }
0x47: {  	_ =	shalt  }
0x48: {  	_ =	shalt  }
0x49: {  	_ =	shalt  }
0x4a: {  	_ =	shalt  }
0x4b: {  	_ =	shalt  }
0x4c: {  	_ =	shalt  }
0x4d: {  	_ =	shalt  }
0x4e: {  	_ =	shalt  }
0x4f: {  	_ =	shalt  }
0x50: {  	_ =	shalt  }
0x51: {  	_ =	shalt  }
0x52: {  	_ =	shalt  }
0x53: {  	_ =	shalt  }
0x54: {  	_ =	shalt  }
0x55: {  	_ =	shalt  }
0x56: {  	_ =	shalt  }
0x57: {  	_ =	shalt  }
0x58: {  	_ =	shalt  }
0x59: {  	_ =	shalt  }
0x5a: {  	_ =	shalt  }
0x5b: {  	_ =	shalt  }
0x5c: {  	_ =	shalt  }
0x5d: {  	_ =	shalt  }
0x5e: {  	_ =	shalt  }
0x5f: {  	_ =	shalt  }
0x60: {  	_ =	shalt  }
0x61: {  	_ =	shalt  }
0x62: {  	_ =	shalt  }
0x63: {  	_ =	shalt  }
0x64: {  	_ =	shalt  }
0x65: {  	_ =	shalt  }
0x66: {  	_ =	shalt  }
0x67: {  	_ =	shalt  }
0x68: {  	_ =	shalt  }
0x69: {  	_ =	shalt  }
0x6a: {  	_ =	shalt  }
0x6b: {  	_ =	shalt  }
0x6c: {  	_ =	shalt  }
0x6d: {  	_ =	shalt  }
0x6e: {  	_ =	shalt  }
0x6f: {  	_ =	shalt  }
0x70: {  	_ =	shalt  }
0x71: {  	_ =	shalt  }
0x72: {  	_ =	shalt  }
0x73: {  	_ =	shalt  }
0x74: {  	_ =	shalt  }
0x75: {  	_ =	shalt  }
0x76: {  	_ =	shalt  }
0x77: {  	_ =	shalt  }
0x78: {  	_ =	shalt  }
0x79: {  	_ =	shalt  }
0x7a: {  	_ =	shalt  }
0x7b: {  	_ =	shalt  }
0x7c: {  	_ =	shalt  }
0x7d: {  	_ =	shalt  }
0x7e: {  	_ =	shalt  }
0x7f: {  	_ =	shalt  }
0x80: {  	_ =	shalt  }
0x81: {  	_ =	shalt  }
0x82: {  	_ =	shalt  }
0x83: {  	_ =	shalt  }
0x84: {  	_ =	shalt  }
0x85: {  	_ =	shalt  }
0x86: {  	_ =	shalt  }
0x87: {  	_ =	shalt  }
.Lfunc_end0:
.L_simem_size_0:
called_computation_lowered:
.L_overlay_start_0:
0x88: {  	s2 =	sld [smem:$0x3FD9]  }
0x89: {  	s3 =	sld [smem:$0x3FFE];
	_ =	sdelay $0x1  }
0x8a: {  	s1 =	srdreg.scid  }
0x8b: {  	s0 =	sand.u32 $0x1, s1  }
0x8c: {  	s14 =	sshll.u32 s0, $0xA;
	s2 =	sadd.s32 s3, s2  }
0x8d: {  	s2 =	sadd.s32 s2, s14  }
0x8e: {  	[smem:$0x3FC4] =	sst s2  }
0x8f: {  	_ = 	snop  }
0x90: {  	s2 =	sld [smem:$0x3FD0];
	_ =	sdelay $0x2  }
0x91: {  	s15 =	simm.s32 $0xA;
	s4 =	simm.s32 $0x10  }
0x92: {  	[smem:s4], [sflag:s15] =	dma.local [hbm:s2], $0x1  }
0x93: {  	_ =	swait.eq [sflag:s15], $0x1  }
0x94: {  	[sflag:s15] =	ssyncset.done $0x0  }
0x95: {  	s16 =	sld [smem:$0x10];
	[sflag:s15] =	ssyncadd.s32 $0xFFFFFFFF  }
0x96: {  	s17 =	sld [smem:$0x11];
	(tm) =	ssettm $0x1  }
0x97: {  	s18 =	sld [smem:$0x3FFB];
	_ =	sdelay $0x3  }
0x98: {  	_ =	strace s18  }
0x99: {  	s4 =	sld [smem:$0x3FFC];
	_ =	sdelay $0x3  }
0x9a: {  	_ =	strace s4  }
0x9b: {  	s4 =	sld [smem:$0x3FFD];
	_ =	sdelay $0x3  }
0x9c: {  	_ =	strace s4  }
0x9d: {  	_ =	strace $0x8FFFFFFF  }
0x9e: {  	s19 =	sld [smem:$0x3FDB];
	_ =	sdelay $0x1  }
0x9f: {  	s5 =	simm.s32 $_scs_section_size  }
0xa0: {  	s6 =	simm.s32 $_size__tile_overlayer_lowered;
	s7 =	simm.s32 $_tile_overlayer_lowered  }
0xa1: {  	s22 =	simm.s32 $0x1BFF;
	s21 =	sshll.u32 s7, $0x1;
	s4 =	sadd.s32 s5, s19  }
0xa2: {  	s8 =	simm.s32 $0x0;
	s20 =	sshll.u32 s6, $0x1;
	s6 =	sadd.s32 s21, s4  }
0xa3: {  	[timem:s8], [sflag:s22] =	dma.local [hbm:s6], s20  }
0xa4: {  	_ =	swait.ge [sflag:s22], s20  }
0xa5: {  	s5 =	ssub.s32 $0x0, s20;
	[sflag:s22] =	ssyncset.done $0x0  }
0xa6: {  	[sflag:s22] =	ssyncadd.s32 s5;
	_ =	sdelay $0x1  }
0xa7: {  	s23 =	simm.s32 $0x1B8B  }
0xa8: {  	_ =	swait.ge [sflag:s23], $0x1  }
0xa9: {  	[sflag:s23] =	ssyncset.done $0x0  }
0xaa: {  	s25 =	simm.s32 $0x1B8E;
	s24 =	sld [smem:$0x3FFE];
	[sflag:s23] =	ssyncadd.s32 $0xFFFFFFFF  }
0xab: {  	s26 =	simm.s32 $execute0_lowered;
	[smem:$0x3FD2] =	sst s25  }
0xac: {  	s6 =	sshll.u32 s26, $0x1;
	_ =	strace $0x80000046;
	[dreg:$0x1] =	wrdreg $0xFFFFFFFF  }
0xad: {  	s28 =	simm.s32 $_size_execute0_lowered;
	s4 =	sadd.s32 s4, s6;
	[dreg:$0x0] =	wrdreg $0x0  }
0xae: {  	s6 =	sshll.u32 s28, $0x1;
	[dreg:$0x2] =	wrdreg s4  }
0xaf: {  	[dreg:$0x3] =	wrdreg s6  }
0xb0: {  	[dreg:$0x4] =	wrdreg $0xC0  }
0xb1: {  	_ =	task [dreg:s8], $0x5FFFF  }
0xb2: {  	[dreg:$0x1] =	wrdreg $0xFFFFFFFF  }
0xb3: {  	[dreg:$0x0] =	wrdreg $0x60  }
0xb4: {  	[dreg:$0x2] =	wrdreg s17  }
0xb5: {  	[dreg:$0x3] =	wrdreg s16  }
0xb6: {  	[dreg:$0x4] =	wrdreg s24  }
0xb7: {  	[dreg:$0x5] =	wrdreg $0x114000  }
0xb8: {  	[dreg:$0x6] =	wrdreg $0x1D8000  }
0xb9: {  	[dreg:$0x7] =	wrdreg $0x9  }
0xba: {  	_ =	task.clear_ibuf [dreg:s8], $0x8FFFF;
	_ =	strace $0x90000046  }
0xbb: {  	s29 =	simm.s32 $0x9;
	_ =	strace $0x80000048  }
0xbc: {  	_ =	swait.ge [sflag:s29], $0x1  }
0xbd: {  	[sflag:s29] =	ssyncadd.s32 $0xFFFFFFFF  }
0xbe: {  	_ =	strace $0x90000048  }
0xbf: {  	_ =	sfence  }
0xc0: {  	s30 =	sld [smem:$0x0];
	_ =	sdelay $0x2  }
0xc1: {  	s31 =	sshll.u32 s1, $0xD;
	s1 =	sshrl.u32 s1, $0x2  }
0xc2: {  	s3 =	sand.u32 $0x4000, s31;
	s1 =	sadd.s32 s1, s30  }
0xc3: {  	s0 =	sor.u32 s3, s0;
	s1 =	sshll.u32 s1, $0x11  }
0xc4: {  	s0 =	sor.u32 s1, s0  }
0xc5: {  	s0 =	sadd.s32 $0x8F2B, s0  }
0xc6: {  	[sflag:s0] =	ssyncadd.remote.s32 $0x1  }
0xc7: {  	_ =	sfence.sel $0xFFFF  }
0xc8: {  	[dreg:$0x0] =	wrdreg $0xFFFFFFFF;
	(pc) =	sbr.abs _section_cstart, $3  }
0xc9: {  	[dreg:$0x1] =	wrdreg $0xFFFFFFFF  }
0xca: {  	_ =	task.clear_ibuf [dreg:s8], $0x2FFFF;
	_ =	strace $0x9FFFFFFF  }
0xcb: {  	(tm) =	ssettm $0x7FFFFFFF  }
tec
execute0_lowered:
.L_overlay_start_1:
0x0: {  	(tag) =	ssettag $0x1  }
0x1: {  	s2 =	rddreg [dreg:$0x1]  }
0x2: {  	s0 =	rddreg [dreg:$0x2]  }
0x3: {  	s3 =	rddreg [dreg:$0x3]  }
0x4: {  	s11 =	rddreg [dreg:$0x4]  }
0x5: {  	s6 =	simm.s32 $0x0;
	s1 =	srdreg.scid;
	s12 =	stileid.u32  }
0x6: {  	s16 =	simm.s32 $0xC400;
	s17 =	simm.s32 $0x4;
	s18 =	simm.s32 $0xEA00  }
0x7: {  	s19 =	simm.s32 $0xF800;
	s20 =	simm.s32 $0x80;
	s21 =	simm.s32 $0x1  }
0x8: {  	s22 =	simm.s32 $0xCC00;
	s23 =	simm.s32 $0x2;
	s24 =	simm.s32 $0xD400  }
0x9: {  	s25 =	simm.s32 $0x3;
	s30 =	simm.s32 $0x10600;
	s8 =	smul.u32 $0xC40, s12  }
0xa: {  	[smem:$0x7FF] =	sst s6;
	s7 =	sadd.s32 $0x1E00, s0;
	s10 =	smul.u32 $0x188, s12  }
0xb: {  	s1 =	sand.u32 $0x1, s1;
	s9 =	sadd.s32 $0x1A600, s0;
	s5 =	smul.u32 $0x31000, s12  }
0xc: {  	s28 =	smul.u32 $0x3100, s12;
	s26 =	ssub.s32 $0x2, s1;
	s1 =	sshll.u32 s1, $0x4  }
0xd: {  	_ =	strace $0x80000047;
	s4 =	sshrl.u32 s26, $0x1;
	s1 =	sor.u32 s12, s1  }
0xe: {  	s11 =	sadd.s32 s8, s11;
	s29 =	sshrl.u32 s5, $0x2;
	s31 =	sshrl.u32 s28, $0x2  }
0xf: {  	s0 =	ssub.s32 s26, s4;
	[dreg:$0x6] =	wrdreg s11;
	s12 =	smul.u32 $0xC4, s1  }
0x10: {  	v1 =	vlaneseq.u32;
	s14 =	sadd.s32 s29, s3;
	[dreg:$0x8] =	wrdreg s31;
	s0 =	smax.u32 s0, $0x1  }
0x11: {  	v0 =	vimm.f32 $0.0e+00;
	v1 =	vmul.u32 $0x10, v1;
	s26 =	simm.s32 $0x10580;
	s1 =	simm.s32 $0x0;
	[dreg:$0x7] =	wrdreg s0  }
.LBB2_1:
0x12: {  	[dreg:$0x9] =	wrdreg s1;
	s0 =	simm.s32 $0x0  }
.LBB2_2:
0x13: {  	p0 =	sne.s32 s0, $0x1BC0  }
.Ltmp0:
0x14: {  	_ = 	snop;
	(pc) =	sbr.rel @p0 .LBB2_2-.Ltmp0, $3  }
0x15: {  	_ =	sdelay $0x1  }
0x16: {  	s1 =	sshra.s32 s0, $0x2  }
0x17: {  	s0 =	sadd.s32 $0x40, s0;
	[tilespmem:s1+$0xC400] =	vst v0  }
0x18: {  	s0 =	sadd.s32 $0x0, s14  }
0x19: {  	[spmem:s0] =	stream.linear.scatter [tilespmem:s16], [sflag:$0x4], $0x700, $0x38;
	[tilespmem:$0x1E440] =	vst v63  }
0x1a: {  	s0 =	simm.s32 $0x1C00;
	_ =	swait.ge [sflag:s17], $0x700  }
.LBB2_4:
0x1b: {  	s1 =	sshra.s32 s0, $0x2;
	[sflag:s17] =	ssyncset.done $0x0;
	p0 =	sne.s32 s0, $0x2F400  }
.Ltmp1:
0x1c: {  	s1 =	sadd.s32 s1, s14;
	[sflag:s17] =	ssyncadd.s32 $0xFFFFF900;
	(pc) =	sbr.rel @p0 .LBB2_4-.Ltmp1, $3  }
0x1d: {  	[spmem:s1] =	stream.linear.scatter [tilespmem:s16], [sflag:$0x4], $0x700, $0x38;
	[tilespmem:$0x1E440] =	vst v63  }
0x1e: {  	s0 =	sadd.s32 $0x1C00, s0;
	_ =	sdelay $0x1  }
0x1f: {  	_ =	swait.ge [sflag:s17], $0x700  }
0x20: {  	[sflag:s17] =	ssyncset.done $0x0  }
0x21: {  	[sflag:s17] =	ssyncadd.s32 $0xFFFFF900  }
0x22: {  	s0 =	simm.s32 $0x0;
	s5 =	simm.s32 $0x0;
	[bflag:$0x0] =	sbarrier.arrive $0xFFFF  }
.LBB2_6:
0x23: {  	s1 =	smul.u32 $0x1C, s5;
	_ =	sdelay $0x1  }
0x24: {  	s1 =	sadd.s32 s10, s1  }
0x25: {  	s1 =	sshll.u32 s1, $0x4  }
0x26: {  	s4 =	sadd.s32 s2, s1  }
0x27: {  	[tilespmem:s18], [sflag:$0x4] =	stream.linear.gather [hbm4b:s4+s0], $0xE00, $0x38;
	[tilespmem:$0x1E440] =	vst v63  }
0x28: {  	_ =	swait.ge [sflag:s17], $0xE00  }
0x29: {  	[sflag:s17] =	ssyncset.done $0x0  }
0x2a: {  	s1 =	sadd.s32 s7, s1;
	[sflag:s17] =	ssyncadd.s32 $0xFFFFF200  }
0x2b: {  	[tilespmem:s19], [sflag:$0x4] =	stream.linear.gather [hbm4b:s1+s0], $0xE00, $0x38;
	[tilespmem:$0x1E440] =	vst v63  }
0x2c: {  	_ =	swait.ge [sflag:s17], $0xE00  }
0x2d: {  	[sflag:s17] =	ssyncset.done $0x0  }
0x2e: {  	s4 =	simm.s32 $0x0;
	[sflag:s17] =	ssyncadd.s32 $0xFFFFF200  }
.LBB2_7:
0x2f: {  	s1 =	simm.s32 $0x0  }
0x30: {  	v2 =	vmov s1  }
0x31: {  	v2 =	vand.u32 $0xFFFFFFFC, v2  }
0x32: {  	v2 =	vbroadcast v2, $0x0;
	_ =	sdelay $0x1  }
0x33: {  	s11 =	smul.u32 $0x600, s4  }
0x34: {  	s15 =	simm.s32 $0x1  }
0x35: {  	v3 =	vmov s15;
	s13 =	sshra.s32 s11, $0x2  }
0x36: {  	v3 =	vand.u32 $0xFFFFFFFD, v3;
	s15 =	sadd.s32 $0xF800, s13  }
0x37: {  	v3 =	vbroadcast v3, $0x0;
	v2 =	vld.idx.msk [tilespmem:v2+s15+$0x0], $0xffff;
	_ =	sdelay $0x2  }
0x38: {  	s29 =	simm.s32 $0x2  }
0x39: {  	s31 =	simm.s32 $0xC420;
	v4 =	vmov s29  }
0x3a: {  	[tilespmem:s31+$0xFFFFFFE0] =	vst v2;
	v2 =	vand.u32 $0xFFFFFFFE, v4  }
0x3b: {  	v3 =	vld.idx.msk [tilespmem:v3+s15+$0x0], $0xffff;
	v2 =	vbroadcast v2, $0x0;
	_ =	sdelay $0x4  }
0x3c: {  	[tilespmem:s31+$0xFFFFFFF0] =	vst v3  }
0x3d: {  	s28 =	simm.s32 $0x3;
	v4 =	vld.idx.msk [tilespmem:v2+s15+$0x0], $0xffff  }
0x3e: {  	v2 =	vmov s28;
	_ =	sdelay $0x2  }
0x3f: {  	s1 =	simm.s32 $0x4  }
0x40: {  	v3 =	vmov s1;
	s28 =	simm.s32 $0x8;
	[tilespmem:s31+$0x0] =	vst v4  }
.LBB2_8:
0x41: {  	p0 =	slt.u32 s28, $0x7C;
	v3 =	vand.u32 $0xFFFFFFFC, v3;
	v2 =	vld.idx.msk [tilespmem:v2+s15+$0x0], $0xffff  }
0x42: {  	v3 =	vbroadcast v3, $0x0;
	_ =	sdelay $0x3  }
0x43: {  	s29 =	sadd.s32 $0x1, s1  }
0x44: {  	v4 =	vmov s29;
	[tilespmem:s31+$0x10] =	vst v2  }
0x45: {  	v2 =	vld.idx.msk [tilespmem:v3+s15+$0x0], $0xffff;
	v3 =	vand.u32 $0xFFFFFFFD, v4  }
0x46: {  	v3 =	vbroadcast v3, $0x0;
	_ =	sdelay $0x3  }
0x47: {  	s29 =	sadd.s32 $0x2, s1;
	s31 =	sadd.s32 $0x40, s31  }
0x48: {  	[tilespmem:s31+$0xFFFFFFE0] =	vst v2;
	v2 =	vmov s29  }
0x49: {  	v3 =	vld.idx.msk [tilespmem:v3+s15+$0x0], $0xffff;
	v2 =	vand.u32 $0xFFFFFFFE, v2  }
0x4a: {  	v2 =	vbroadcast v2, $0x0;
	_ =	sdelay $0x4  }
0x4b: {  	[tilespmem:s31+$0xFFFFFFF0] =	vst v3  }
0x4c: {  	v4 =	vld.idx.msk [tilespmem:v2+s15+$0x0], $0xffff  }
0x4d: {  	s29 =	sadd.s32 $0x3, s1;
	s1 =	smov.u32 s28  }
.Ltmp2:
0x4e: {  	v2 =	vmov s29;
	(pc) =	sbr.rel @p0 .LBB2_8-.Ltmp2, $2  }
0x4f: {  	_ =	sdelay $0x2  }
0x50: {  	s28 =	sadd.s32 $0x4, s28;
	v3 =	vmov s1;
	[tilespmem:s31+$0x0] =	vst v4  }
0x51: {  	_ =	sdelay $0x2  }
0x52: {  	v3 =	vand.u32 $0xFFFFFFFC, v3  }
0x53: {  	v2 =	vld.idx.msk [tilespmem:v2+s15+$0x0], $0xffff;
	v3 =	vbroadcast v3, $0x0;
	_ =	sdelay $0x2  }
0x54: {  	s28 =	sadd.s32 $0x1, s1  }
0x55: {  	v4 =	vmov s28  }
0x56: {  	[tilespmem:s31+$0x10] =	vst v2;
	v2 =	vand.u32 $0xFFFFFFFD, v4  }
0x57: {  	v2 =	vbroadcast v2, $0x0;
	v3 =	vld.idx.msk [tilespmem:v3+s15+$0x0], $0xffff;
	_ =	sdelay $0x2  }
0x58: {  	s28 =	sadd.s32 $0x2, s1  }
0x59: {  	s29 =	sadd.s32 $0x40, s31;
	v4 =	vmov s28  }
0x5a: {  	[tilespmem:s29+$0xFFFFFFE0] =	vst v3;
	v3 =	vand.u32 $0xFFFFFFFE, v4  }
0x5b: {  	v2 =	vld.idx.msk [tilespmem:v2+s15+$0x0], $0xffff;
	v3 =	vbroadcast v3, $0x0;
	_ =	sdelay $0x4  }
0x5c: {  	[tilespmem:s29+$0xFFFFFFF0] =	vst v2  }
0x5d: {  	s1 =	sadd.s32 $0x3, s1;
	v2 =	vld.idx.msk [tilespmem:v3+s15+$0x0], $0xffff  }
0x5e: {  	v3 =	vmov s1;
	_ =	sdelay $0x3  }
0x5f: {  	[tilespmem:s29+$0x0] =	vst v2  }
0x60: {  	v2 =	vld.idx.msk [tilespmem:v3+s15+$0x0], $0xffff;
	s15 =	simm.s32 $0x0  }
0x61: {  	v3 =	vmov s15  }
0x62: {  	v3 =	vand.u32 $0xFFFFFFFC, v3  }
0x63: {  	v3 =	vbroadcast v3, $0x0;
	_ =	sdelay $0x1  }
0x64: {  	s13 =	sadd.s32 $0xEA00, s13;
	s15 =	sadd.s32 $0x200, s11;
	[tilespmem:s29+$0x10] =	vst v2;
	s29 =	simm.s32 $0x1  }
0x65: {  	[spmem:s3] =	stream.indirect.scatter.add.f32 [tilespmem:s16], [sflag:$0x1], $0x10, s13, s20, $0xb8;
	[tilespmem:$0x1E440] =	vst v63  }
0x66: {  	s13 =	sshra.s32 s15, $0x2;
	v2 =	vmov s29  }
0x67: {  	s15 =	sadd.s32 $0xF800, s13;
	v2 =	vand.u32 $0xFFFFFFFD, v2  }
0x68: {  	v2 =	vbroadcast v2, $0x0;
	v3 =	vld.idx.msk [tilespmem:v3+s15+$0x0], $0xffff;
	_ =	sdelay $0x2  }
0x69: {  	s29 =	simm.s32 $0x2  }
0x6a: {  	s31 =	simm.s32 $0xCC20;
	v4 =	vmov s29  }
0x6b: {  	[tilespmem:s31+$0xFFFFFFE0] =	vst v3;
	v3 =	vand.u32 $0xFFFFFFFE, v4  }
0x6c: {  	v2 =	vld.idx.msk [tilespmem:v2+s15+$0x0], $0xffff;
	v3 =	vbroadcast v3, $0x0;
	_ =	sdelay $0x4  }
0x6d: {  	[tilespmem:s31+$0xFFFFFFF0] =	vst v2  }
0x6e: {  	s28 =	simm.s32 $0x3;
	v4 =	vld.idx.msk [tilespmem:v3+s15+$0x0], $0xffff  }
0x6f: {  	v2 =	vmov s28;
	_ =	sdelay $0x2  }
0x70: {  	s1 =	simm.s32 $0x4  }
0x71: {  	s28 =	simm.s32 $0x8;
	v3 =	vmov s1;
	[tilespmem:s31+$0x0] =	vst v4  }
.LBB2_10:
0x72: {  	p0 =	slt.u32 s28, $0x7C;
	v3 =	vand.u32 $0xFFFFFFFC, v3;
	v2 =	vld.idx.msk [tilespmem:v2+s15+$0x0], $0xffff  }
0x73: {  	v3 =	vbroadcast v3, $0x0;
	_ =	sdelay $0x3  }
0x74: {  	s29 =	sadd.s32 $0x1, s1  }
0x75: {  	v4 =	vmov s29;
	[tilespmem:s31+$0x10] =	vst v2  }
0x76: {  	v2 =	vld.idx.msk [tilespmem:v3+s15+$0x0], $0xffff;
	v3 =	vand.u32 $0xFFFFFFFD, v4  }
0x77: {  	v3 =	vbroadcast v3, $0x0;
	_ =	sdelay $0x3  }
0x78: {  	s29 =	sadd.s32 $0x2, s1;
	s31 =	sadd.s32 $0x40, s31  }
0x79: {  	[tilespmem:s31+$0xFFFFFFE0] =	vst v2;
	v2 =	vmov s29  }
0x7a: {  	v3 =	vld.idx.msk [tilespmem:v3+s15+$0x0], $0xffff;
	v2 =	vand.u32 $0xFFFFFFFE, v2  }
0x7b: {  	v2 =	vbroadcast v2, $0x0;
	_ =	sdelay $0x4  }
0x7c: {  	[tilespmem:s31+$0xFFFFFFF0] =	vst v3  }
0x7d: {  	v4 =	vld.idx.msk [tilespmem:v2+s15+$0x0], $0xffff  }
0x7e: {  	s29 =	sadd.s32 $0x3, s1;
	s1 =	smov.u32 s28  }
.Ltmp3:
0x7f: {  	v2 =	vmov s29;
	(pc) =	sbr.rel @p0 .LBB2_10-.Ltmp3, $2  }
0x80: {  	_ =	sdelay $0x2  }
0x81: {  	s28 =	sadd.s32 $0x4, s28;
	v3 =	vmov s1;
	[tilespmem:s31+$0x0] =	vst v4  }
0x82: {  	_ =	sdelay $0x2  }
0x83: {  	v3 =	vand.u32 $0xFFFFFFFC, v3  }
0x84: {  	v2 =	vld.idx.msk [tilespmem:v2+s15+$0x0], $0xffff;
	v3 =	vbroadcast v3, $0x0;
	_ =	sdelay $0x2  }
0x85: {  	s28 =	sadd.s32 $0x1, s1  }
0x86: {  	v4 =	vmov s28  }
0x87: {  	[tilespmem:s31+$0x10] =	vst v2;
	v2 =	vand.u32 $0xFFFFFFFD, v4  }
0x88: {  	v2 =	vbroadcast v2, $0x0;
	v3 =	vld.idx.msk [tilespmem:v3+s15+$0x0], $0xffff;
	_ =	sdelay $0x2  }
0x89: {  	s28 =	sadd.s32 $0x2, s1  }
0x8a: {  	s29 =	sadd.s32 $0x40, s31;
	v4 =	vmov s28  }
0x8b: {  	[tilespmem:s29+$0xFFFFFFE0] =	vst v3;
	v3 =	vand.u32 $0xFFFFFFFE, v4  }
0x8c: {  	v2 =	vld.idx.msk [tilespmem:v2+s15+$0x0], $0xffff;
	v3 =	vbroadcast v3, $0x0;
	_ =	sdelay $0x4  }
0x8d: {  	[tilespmem:s29+$0xFFFFFFF0] =	vst v2  }
0x8e: {  	s31 =	sadd.s32 $0x3, s1;
	v2 =	vld.idx.msk [tilespmem:v3+s15+$0x0], $0xffff  }
0x8f: {  	v3 =	vmov s31;
	_ =	sdelay $0x3  }
0x90: {  	[tilespmem:s29+$0x0] =	vst v2  }
0x91: {  	v2 =	vld.idx.msk [tilespmem:v3+s15+$0x0], $0xffff;
	_ =	sdelay $0x3  }
0x92: {  	s31 =	simm.s32 $0x0  }
0x93: {  	[tilespmem:s29+$0x10] =	vst v2;
	v2 =	vmov s31  }
0x94: {  	v2 =	vand.u32 $0xFFFFFFFC, v2  }
0x95: {  	v2 =	vbroadcast v2, $0x0  }
0x96: {  	_ =	swait.ge [sflag:s21], $0x800  }
0x97: {  	s13 =	sadd.s32 $0xEA00, s13;
	s15 =	sadd.s32 $0x400, s11;
	[sflag:s21] =	ssyncset.done $0x0  }
0x98: {  	s11 =	sshra.s32 s15, $0x2;
	s29 =	simm.s32 $0x1;
	[sflag:s21] =	ssyncadd.s32 $0xFFFFF800  }
0x99: {  	v3 =	vmov s29;
	[spmem:s3] =	stream.indirect.scatter.add.f32 [tilespmem:s22], [sflag:$0x2], $0x10, s13, s20, $0xb8;
	[tilespmem:$0x1E440] =	vst v63  }
0x9a: {  	v3 =	vand.u32 $0xFFFFFFFD, v3;
	s13 =	sadd.s32 $0xF800, s11  }
0x9b: {  	v3 =	vbroadcast v3, $0x0;
	v2 =	vld.idx.msk [tilespmem:v2+s13+$0x0], $0xffff;
	_ =	sdelay $0x2  }
0x9c: {  	s31 =	simm.s32 $0x2  }
0x9d: {  	s15 =	simm.s32 $0xD420;
	v4 =	vmov s31  }
0x9e: {  	[tilespmem:s15+$0xFFFFFFE0] =	vst v2;
	v2 =	vand.u32 $0xFFFFFFFE, v4  }
0x9f: {  	v3 =	vld.idx.msk [tilespmem:v3+s13+$0x0], $0xffff;
	v2 =	vbroadcast v2, $0x0;
	_ =	sdelay $0x4  }
0xa0: {  	[tilespmem:s15+$0xFFFFFFF0] =	vst v3  }
0xa1: {  	s28 =	simm.s32 $0x3;
	v4 =	vld.idx.msk [tilespmem:v2+s13+$0x0], $0xffff  }
0xa2: {  	v2 =	vmov s28;
	_ =	sdelay $0x2  }
0xa3: {  	s1 =	simm.s32 $0x4  }
0xa4: {  	v3 =	vmov s1;
	s28 =	simm.s32 $0x8;
	[tilespmem:s15+$0x0] =	vst v4  }
.LBB2_12:
0xa5: {  	p0 =	slt.u32 s28, $0x7C;
	v3 =	vand.u32 $0xFFFFFFFC, v3;
	v2 =	vld.idx.msk [tilespmem:v2+s13+$0x0], $0xffff  }
0xa6: {  	v3 =	vbroadcast v3, $0x0;
	_ =	sdelay $0x3  }
0xa7: {  	s29 =	sadd.s32 $0x1, s1  }
0xa8: {  	v4 =	vmov s29;
	[tilespmem:s15+$0x10] =	vst v2  }
0xa9: {  	v2 =	vld.idx.msk [tilespmem:v3+s13+$0x0], $0xffff;
	v3 =	vand.u32 $0xFFFFFFFD, v4  }
0xaa: {  	v3 =	vbroadcast v3, $0x0;
	_ =	sdelay $0x3  }
0xab: {  	s29 =	sadd.s32 $0x2, s1;
	s15 =	sadd.s32 $0x40, s15  }
0xac: {  	[tilespmem:s15+$0xFFFFFFE0] =	vst v2;
	v2 =	vmov s29  }
0xad: {  	v3 =	vld.idx.msk [tilespmem:v3+s13+$0x0], $0xffff;
	v2 =	vand.u32 $0xFFFFFFFE, v2  }
0xae: {  	v2 =	vbroadcast v2, $0x0;
	_ =	sdelay $0x4  }
0xaf: {  	[tilespmem:s15+$0xFFFFFFF0] =	vst v3  }
0xb0: {  	v4 =	vld.idx.msk [tilespmem:v2+s13+$0x0], $0xffff  }
0xb1: {  	s29 =	sadd.s32 $0x3, s1;
	s1 =	smov.u32 s28  }
.Ltmp4:
0xb2: {  	v2 =	vmov s29;
	(pc) =	sbr.rel @p0 .LBB2_12-.Ltmp4, $2  }
0xb3: {  	_ =	sdelay $0x2  }
0xb4: {  	s28 =	sadd.s32 $0x4, s28;
	v3 =	vmov s1;
	[tilespmem:s15+$0x0] =	vst v4  }
0xb5: {  	_ =	sdelay $0x2  }
0xb6: {  	v3 =	vand.u32 $0xFFFFFFFC, v3  }
0xb7: {  	v2 =	vld.idx.msk [tilespmem:v2+s13+$0x0], $0xffff;
	v3 =	vbroadcast v3, $0x0;
	_ =	sdelay $0x2  }
0xb8: {  	s28 =	sadd.s32 $0x1, s1  }
0xb9: {  	v4 =	vmov s28  }
0xba: {  	[tilespmem:s15+$0x10] =	vst v2;
	v2 =	vand.u32 $0xFFFFFFFD, v4  }
0xbb: {  	v2 =	vbroadcast v2, $0x0;
	v3 =	vld.idx.msk [tilespmem:v3+s13+$0x0], $0xffff;
	_ =	sdelay $0x2  }
0xbc: {  	s29 =	sadd.s32 $0x2, s1  }
0xbd: {  	s31 =	sadd.s32 $0x40, s15;
	v63 =	vmov s29  }
0xbe: {  	[tilespmem:s31+$0xFFFFFFE0] =	vst v3;
	v3 =	vand.u32 $0xFFFFFFFE, v63  }
0xbf: {  	v2 =	vld.idx.msk [tilespmem:v2+s13+$0x0], $0xffff;
	v3 =	vbroadcast v3, $0x0;
	_ =	sdelay $0x4  }
0xc0: {  	[tilespmem:s31+$0xFFFFFFF0] =	vst v2  }
0xc1: {  	s29 =	sadd.s32 $0x3, s1;
	v2 =	vld.idx.msk [tilespmem:v3+s13+$0x0], $0xffff  }
0xc2: {  	v3 =	vmov s29;
	_ =	sdelay $0x3  }
0xc3: {  	[tilespmem:s31+$0x0] =	vst v2  }
0xc4: {  	v2 =	vld.idx.msk [tilespmem:v3+s13+$0x0], $0xffff;
	_ =	sdelay $0x4  }
0xc5: {  	[tilespmem:s31+$0x10] =	vst v2  }
0xc6: {  	s4 =	sadd.s32 $0x1, s4;
	_ =	swait.ge [sflag:s23], $0x800  }
0xc7: {  	p0 =	sne.s32 s4, $0x9;
	[sflag:s23] =	ssyncset.done $0x0  }
.Ltmp5:
0xc8: {  	s31 =	sadd.s32 $0xEA00, s11;
	[sflag:s23] =	ssyncadd.s32 $0xFFFFF800;
	(pc) =	sbr.rel @p0 .LBB2_7-.Ltmp5, $4  }
0xc9: {  	[spmem:s3] =	stream.indirect.scatter.add.f32 [tilespmem:s24], [sflag:$0x3], $0x10, s31, s20, $0xb8;
	[tilespmem:$0x1E440] =	vst v63  }
0xca: {  	_ =	swait.ge [sflag:s25], $0x800  }
0xcb: {  	[sflag:s25] =	ssyncset.done $0x0  }
0xcc: {  	[sflag:s25] =	ssyncadd.s32 $0xFFFFF800  }
0xcd: {  	s1 =	simm.s32 $0x0  }
0xce: {  	v2 =	vmov s1  }
0xcf: {  	v2 =	vand.u32 $0xFFFFFFFC, v2  }
0xd0: {  	v2 =	vbroadcast v2, $0x0;
	_ =	sdelay $0x2  }
0xd1: {  	s29 =	simm.s32 $0x1  }
0xd2: {  	v3 =	vmov s29  }
0xd3: {  	v3 =	vand.u32 $0xFFFFFFFD, v3  }
0xd4: {  	v3 =	vbroadcast v3, $0x0;
	v2 =	vld.idx.msk [tilespmem:v2+s26+$0x0], $0xffff;
	_ =	sdelay $0x2  }
0xd5: {  	s31 =	simm.s32 $0x2  }
0xd6: {  	s4 =	simm.s32 $0xC420;
	v4 =	vmov s31  }
0xd7: {  	[tilespmem:s4+$0xFFFFFFE0] =	vst v2;
	v2 =	vand.u32 $0xFFFFFFFE, v4  }
0xd8: {  	v3 =	vld.idx.msk [tilespmem:v3+s26+$0x0], $0xffff;
	v2 =	vbroadcast v2, $0x0;
	_ =	sdelay $0x4  }
0xd9: {  	[tilespmem:s4+$0xFFFFFFF0] =	vst v3  }
0xda: {  	s11 =	simm.s32 $0x3;
	v4 =	vld.idx.msk [tilespmem:v2+s26+$0x0], $0xffff  }
0xdb: {  	v2 =	vmov s11;
	_ =	sdelay $0x2  }
0xdc: {  	s1 =	simm.s32 $0x4  }
0xdd: {  	v3 =	vmov s1;
	s11 =	simm.s32 $0x8;
	[tilespmem:s4+$0x0] =	vst v4  }
.LBB2_15:
0xde: {  	p0 =	slt.u32 s11, $0x7C;
	v3 =	vand.u32 $0xFFFFFFFC, v3;
	v2 =	vld.idx.msk [tilespmem:v2+s26+$0x0], $0xffff  }
0xdf: {  	v3 =	vbroadcast v3, $0x0;
	_ =	sdelay $0x3  }
0xe0: {  	s13 =	sadd.s32 $0x1, s1  }
0xe1: {  	v4 =	vmov s13;
	[tilespmem:s4+$0x10] =	vst v2  }
0xe2: {  	v2 =	vld.idx.msk [tilespmem:v3+s26+$0x0], $0xffff;
	v3 =	vand.u32 $0xFFFFFFFD, v4  }
0xe3: {  	v3 =	vbroadcast v3, $0x0;
	_ =	sdelay $0x3  }
0xe4: {  	s13 =	sadd.s32 $0x2, s1;
	s4 =	sadd.s32 $0x40, s4  }
0xe5: {  	[tilespmem:s4+$0xFFFFFFE0] =	vst v2;
	v2 =	vmov s13  }
0xe6: {  	v3 =	vld.idx.msk [tilespmem:v3+s26+$0x0], $0xffff;
	v2 =	vand.u32 $0xFFFFFFFE, v2  }
0xe7: {  	v2 =	vbroadcast v2, $0x0;
	_ =	sdelay $0x4  }
0xe8: {  	[tilespmem:s4+$0xFFFFFFF0] =	vst v3  }
0xe9: {  	v4 =	vld.idx.msk [tilespmem:v2+s26+$0x0], $0xffff  }
0xea: {  	s13 =	sadd.s32 $0x3, s1;
	s1 =	smov.u32 s11  }
.Ltmp6:
0xeb: {  	v2 =	vmov s13;
	(pc) =	sbr.rel @p0 .LBB2_15-.Ltmp6, $2  }
0xec: {  	_ =	sdelay $0x2  }
0xed: {  	s11 =	sadd.s32 $0x4, s11;
	v3 =	vmov s1;
	[tilespmem:s4+$0x0] =	vst v4  }
0xee: {  	_ =	sdelay $0x2  }
0xef: {  	v3 =	vand.u32 $0xFFFFFFFC, v3  }
0xf0: {  	v2 =	vld.idx.msk [tilespmem:v2+s26+$0x0], $0xffff;
	v3 =	vbroadcast v3, $0x0;
	_ =	sdelay $0x2  }
0xf1: {  	s11 =	sadd.s32 $0x1, s1  }
0xf2: {  	v4 =	vmov s11  }
0xf3: {  	[tilespmem:s4+$0x10] =	vst v2;
	v2 =	vand.u32 $0xFFFFFFFD, v4  }
0xf4: {  	v2 =	vbroadcast v2, $0x0;
	v3 =	vld.idx.msk [tilespmem:v3+s26+$0x0], $0xffff;
	_ =	sdelay $0x2  }
0xf5: {  	s15 =	sadd.s32 $0x2, s1  }
0xf6: {  	s28 =	sadd.s32 $0x40, s4;
	v63 =	vmov s15  }
0xf7: {  	[tilespmem:s28+$0xFFFFFFE0] =	vst v3;
	v3 =	vand.u32 $0xFFFFFFFE, v63  }
0xf8: {  	v2 =	vld.idx.msk [tilespmem:v2+s26+$0x0], $0xffff;
	v3 =	vbroadcast v3, $0x0;
	_ =	sdelay $0x4  }
0xf9: {  	[tilespmem:s28+$0xFFFFFFF0] =	vst v2  }
0xfa: {  	s29 =	sadd.s32 $0x3, s1;
	v2 =	vld.idx.msk [tilespmem:v3+s26+$0x0], $0xffff  }
0xfb: {  	v3 =	vmov s29;
	_ =	sdelay $0x3  }
0xfc: {  	[tilespmem:s28+$0x0] =	vst v2  }
0xfd: {  	v2 =	vld.idx.msk [tilespmem:v3+s26+$0x0], $0xffff;
	_ =	sdelay $0x2  }
0xfe: {  	s5 =	sadd.s32 $0x1, s5  }
0xff: {  	p0 =	sne.s32 s5, $0xE  }
.Ltmp7:
0x100: {  	s31 =	simm.s32 $0xF780;
	[tilespmem:s28+$0x10] =	vst v2;
	(pc) =	sbr.rel @p0 .LBB2_6-.Ltmp7, $4  }
0x101: {  	[spmem:s3] =	stream.indirect.scatter.add.f32 [tilespmem:s16], [sflag:$0x1], $0x10, s31, s20, $0xb8;
	[tilespmem:$0x1E440] =	vst v63  }
0x102: {  	_ =	swait.ge [sflag:s21], $0x800  }
0x103: {  	[sflag:s21] =	ssyncset.done $0x0  }
0x104: {  	[sflag:s21] =	ssyncadd.s32 $0xFFFFF800  }
0x105: {  	[bflag:$0x0] =	sbarrier.arrive $0xFFFF  }
0x106: {  	s0 =	simm.s32 $0x0;
	s4 =	rddreg [dreg:$0x8]  }
0x107: {  	s5 =	simm.s32 $0x0;
	s29 =	simm.s32 $0xDC00;
	s28 =	rddreg [dreg:$0x0]  }
.LBB2_18:
0x108: {  	s1 =	smul.u32 $0x70, s5;
	_ =	sdelay $0x1  }
0x109: {  	s1 =	sadd.s32 s8, s1  }
0x10a: {  	v2 =	vmov s0;
	s1 =	sshll.u32 s1, $0x4  }
0x10b: {  	v2 =	vshll.u32 v2, $0x4;
	s1 =	sand.u32 $0x3FFFFFF0, s1  }
0x10c: {  	v2 =	vor.u32 v1, v2;
	s1 =	sadd.s32 s1, s3  }
0x10d: {  	[tilespmem:s16], [sflag:$0x4] =	stream.linear.gather [spmem:s1], $0x700, $0x38;
	[tilespmem:$0x1E440] =	vst v63  }
0x10e: {  	_ =	swait.ge [sflag:s17], $0x700  }
0x10f: {  	[sflag:s17] =	ssyncset.done $0x0  }
0x110: {  	[sflag:s17] =	ssyncadd.s32 $0xFFFFF900  }
0x111: {  	v2 =	vld.idx.msk [tilespmem:v2+s16+$0x0], $0xffff;
	_ =	sdelay $0x4  }
0x112: {  	v3 =	vshra.s32 v2, $0x1;
	v4 =	vmul.f32 $5.000000000e-01, v2  }
0x113: {  	v3 =	vsub.s32 $0x5F3759DF, v3  }
0x114: {  	v5 =	vmul.f32 v3, v4;
	_ =	sdelay $0x1  }
0x115: {  	v5 =	vmul.f32 v3, v5;
	_ =	sdelay $0x1  }
0x116: {  	v5 =	vsub.f32 $1.500000000e+00, v5;
	_ =	sdelay $0x1  }
0x117: {  	v3 =	vmul.f32 v3, v5;
	_ =	sdelay $0x1  }
0x118: {  	v5 =	vmul.f32 v3, v4;
	_ =	sdelay $0x1  }
0x119: {  	v5 =	vmul.f32 v5, v3;
	_ =	sdelay $0x1  }
0x11a: {  	v5 =	vsub.f32 $1.500000000e+00, v5;
	_ =	sdelay $0x1  }
0x11b: {  	v3 =	vmul.f32 v5, v3;
	_ =	sdelay $0x1  }
0x11c: {  	v4 =	vmul.f32 v3, v4;
	_ =	sdelay $0x1  }
0x11d: {  	s15 =	simm.s32 $0x10;
	v4 =	vmul.f32 v4, v3  }
0x11e: {  	v5 =	vmov s15  }
0x11f: {  	v5 =	vshll.u32 v5, $0x4;
	v4 =	vsub.f32 $1.500000000e+00, v4  }
0x120: {  	v5 =	vor.u32 v1, v5  }
0x121: {  	v3 =	vmul.f32 v4, v3  }
0x122: {  	vm0 =	vgt.f32 v2, $0.0e+00  }
0x123: {  	v2 =	vnsel vm0, $0x0, v3  }
0x124: {  	[tilespmem:s4+$0x0] =	vst v2  }
0x125: {  	v2 =	vld.idx.msk [tilespmem:v5+s16+$0x0], $0xffff;
	_ =	sdelay $0x4  }
0x126: {  	v3 =	vshra.s32 v2, $0x1;
	v4 =	vmul.f32 $5.000000000e-01, v2  }
0x127: {  	v3 =	vsub.s32 $0x5F3759DF, v3  }
0x128: {  	v5 =	vmul.f32 v3, v4;
	_ =	sdelay $0x1  }
0x129: {  	v5 =	vmul.f32 v3, v5;
	_ =	sdelay $0x1  }
0x12a: {  	v5 =	vsub.f32 $1.500000000e+00, v5;
	_ =	sdelay $0x1  }
0x12b: {  	v3 =	vmul.f32 v3, v5;
	_ =	sdelay $0x1  }
0x12c: {  	v5 =	vmul.f32 v3, v4;
	_ =	sdelay $0x1  }
0x12d: {  	v5 =	vmul.f32 v5, v3;
	_ =	sdelay $0x1  }
0x12e: {  	v5 =	vsub.f32 $1.500000000e+00, v5;
	_ =	sdelay $0x1  }
0x12f: {  	v3 =	vmul.f32 v5, v3;
	_ =	sdelay $0x1  }
0x130: {  	v4 =	vmul.f32 v3, v4;
	_ =	sdelay $0x1  }
0x131: {  	s31 =	simm.s32 $0x20;
	v4 =	vmul.f32 v4, v3  }
0x132: {  	s11 =	simm.s32 $0x30;
	s1 =	smov.u32 s4;
	v5 =	vmov s31  }
.LBB2_19:
0x133: {  	p0 =	sne.s32 s11, $0x60;
	v5 =	vshll.u32 v5, $0x4;
	v4 =	vsub.f32 $1.500000000e+00, v4  }
0x134: {  	v5 =	vor.u32 v1, v5  }
0x135: {  	v3 =	vmul.f32 v4, v3  }
0x136: {  	vm0 =	vgt.f32 v2, $0.0e+00  }
0x137: {  	s1 =	sadd.s32 $0x10, s1;
	v2 =	vnsel vm0, $0x0, v3  }
0x138: {  	[tilespmem:s1+$0x0] =	vst v2  }
0x139: {  	v2 =	vld.idx.msk [tilespmem:v5+s16+$0x0], $0xffff;
	_ =	sdelay $0x5  }
0x13a: {  	v3 =	vshra.s32 v2, $0x1;
	v4 =	vmul.f32 $5.000000000e-01, v2  }
0x13b: {  	v3 =	vsub.s32 $0x5F3759DF, v3  }
0x13c: {  	v5 =	vmul.f32 v3, v4;
	_ =	sdelay $0x1  }
0x13d: {  	v5 =	vmul.f32 v3, v5;
	_ =	sdelay $0x1  }
0x13e: {  	v5 =	vsub.f32 $1.500000000e+00, v5;
	_ =	sdelay $0x1  }
0x13f: {  	v3 =	vmul.f32 v3, v5;
	_ =	sdelay $0x1  }
0x140: {  	v5 =	vmul.f32 v3, v4;
	_ =	sdelay $0x1  }
0x141: {  	v5 =	vmul.f32 v5, v3;
	_ =	sdelay $0x1  }
0x142: {  	v5 =	vsub.f32 $1.500000000e+00, v5;
	_ =	sdelay $0x1  }
0x143: {  	v3 =	vmul.f32 v5, v3  }
.Ltmp8:
0x144: {  	(pc) =	sbr.rel @p0 .LBB2_19-.Ltmp8, $3  }
0x145: {  	v4 =	vmul.f32 v3, v4;
	_ =	sdelay $0x1  }
0x146: {  	v4 =	vmul.f32 v4, v3  }
0x147: {  	v5 =	vmov s11;
	s11 =	sadd.s32 $0x10, s11  }
0x148: {  	v5 =	vshll.u32 v5, $0x4;
	v4 =	vsub.f32 $1.500000000e+00, v4  }
0x149: {  	v5 =	vor.u32 v1, v5  }
0x14a: {  	v3 =	vmul.f32 v4, v3  }
0x14b: {  	vm0 =	vgt.f32 v2, $0.0e+00  }
0x14c: {  	s1 =	sadd.s32 $0x10, s1;
	v2 =	vnsel vm0, $0x0, v3  }
0x14d: {  	[tilespmem:s1+$0x0] =	vst v2  }
0x14e: {  	v2 =	vld.idx.msk [tilespmem:v5+s16+$0x0], $0xffff;
	_ =	sdelay $0x4  }
0x14f: {  	v3 =	vshra.s32 v2, $0x1;
	v62 =	vmul.f32 $5.000000000e-01, v2  }
0x150: {  	v3 =	vsub.s32 $0x5F3759DF, v3  }
0x151: {  	v63 =	vmul.f32 v3, v62;
	_ =	sdelay $0x1  }
0x152: {  	v5 =	vmul.f32 v3, v63;
	_ =	sdelay $0x1  }
0x153: {  	v5 =	vsub.f32 $1.500000000e+00, v5;
	_ =	sdelay $0x1  }
0x154: {  	v3 =	vmul.f32 v3, v5;
	_ =	sdelay $0x1  }
0x155: {  	v5 =	vmul.f32 v3, v62;
	_ =	sdelay $0x1  }
0x156: {  	v5 =	vmul.f32 v5, v3;
	_ =	sdelay $0x1  }
0x157: {  	v5 =	vsub.f32 $1.500000000e+00, v5;
	_ =	sdelay $0x1  }
0x158: {  	v3 =	vmul.f32 v5, v3;
	_ =	sdelay $0x1  }
0x159: {  	v4 =	vmul.f32 v3, v62;
	_ =	sdelay $0x1  }
0x15a: {  	v4 =	vmul.f32 v4, v3  }
0x15b: {  	s5 =	sadd.s32 $0x1, s5  }
0x15c: {  	p0 =	sne.s32 s5, $0x1C;
	v4 =	vsub.f32 $1.500000000e+00, v4  }
.Ltmp9:
0x15d: {  	_ = 	snop;
	(pc) =	sbr.rel @p0 .LBB2_18-.Ltmp9, $4  }
0x15e: {  	v3 =	vmul.f32 v4, v3  }
0x15f: {  	vm15 =	vgt.f32 v2, $0.0e+00  }
0x160: {  	s1 =	sadd.s32 $0x10, s1;
	v2 =	vnsel vm15, $0x0, v3  }
0x161: {  	s4 =	sadd.s32 $0x70, s4;
	[tilespmem:s1+$0x0] =	vst v2  }
0x162: {  	s0 =	rddreg [dreg:$0x6]  }
0x163: {  	[spmem:s0] =	stream.linear.scatter [tilespmem:s8], [sflag:$0x4], $0xC40, $0x38;
	[tilespmem:$0x1E440] =	vst v63  }
0x164: {  	_ =	swait.ge [sflag:s17], $0xC40  }
0x165: {  	[sflag:s17] =	ssyncset.done $0x0  }
0x166: {  	[sflag:s17] =	ssyncadd.s32 $0xFFFFF3C0  }
0x167: {  	[bflag:$0x0] =	sbarrier.arrive $0xFFFF  }
0x168: {  	s0 =	simm.s32 $0x0;
	s1 =	rddreg [dreg:$0x4]  }
0x169: {  	[tilespmem:s0], [sflag:$0x4] =	stream.linear.gather [spmem:s1], $0xC400, $0x38;
	[tilespmem:$0x1E440] =	vst v63  }
0x16a: {  	_ =	swait.ge [sflag:s17], $0xC400  }
0x16b: {  	[sflag:s17] =	ssyncset.done $0x0  }
0x16c: {  	[sflag:s17] =	ssyncadd.s32 $0xFFFF3C00  }
.LBB2_22:
0x16d: {  	s1 =	smul.u32 $0x1C, s0;
	_ =	sdelay $0x1  }
0x16e: {  	s1 =	sadd.s32 s12, s1  }
0x16f: {  	s1 =	sshll.u32 s1, $0x4  }
0x170: {  	s4 =	sadd.s32 s28, s1  }
0x171: {  	[tilespmem:s29], [sflag:$0x4] =	stream.linear.gather [hbm4b:s4+s6], $0xE00, $0x38;
	[tilespmem:$0x1E440] =	vst v63  }
0x172: {  	_ =	swait.ge [sflag:s17], $0xE00  }
0x173: {  	[sflag:s17] =	ssyncset.done $0x0  }
0x174: {  	s15 =	sadd.s32 s2, s1;
	[sflag:s17] =	ssyncadd.s32 $0xFFFFF200  }
0x175: {  	[tilespmem:s18], [sflag:$0x4] =	stream.linear.gather [hbm4b:s15+s6], $0xE00, $0x38;
	[tilespmem:$0x1E440] =	vst v63  }
0x176: {  	_ =	swait.ge [sflag:s17], $0xE00  }
0x177: {  	[sflag:s17] =	ssyncset.done $0x0  }
0x178: {  	s31 =	sadd.s32 s7, s1;
	[sflag:s17] =	ssyncadd.s32 $0xFFFFF200  }
0x179: {  	[tilespmem:s19], [sflag:$0x4] =	stream.linear.gather [hbm4b:s31+s6], $0xE00, $0x38;
	[tilespmem:$0x1E440] =	vst v63  }
0x17a: {  	s5 =	simm.s32 $0x10610;
	_ =	swait.ge [sflag:s17], $0xE00  }
0x17b: {  	s11 =	simm.s32 $0xF810;
	s13 =	simm.s32 $0xEA10;
	[sflag:s17] =	ssyncset.done $0x0  }
0x17c: {  	s4 =	simm.s32 $0xFFFFFFFE;
	s15 =	simm.s32 $0xDC10;
	[sflag:s17] =	ssyncadd.s32 $0xFFFFF200  }
.LBB2_23:
0x17d: {  	v2 =	vld [tilespmem:s15+$0xFFFFFFF0];
	_ =	sdelay $0x1  }
0x17e: {  	v3 =	vld [tilespmem:s13+$0xFFFFFFF0];
	_ =	sdelay $0x4  }
0x17f: {  	v4 =	vld [tilespmem:s11+$0xFFFFFFF0]  }
0x180: {  	v2 =	vld.idx.msk [tilespmem:v2+s6+$0x0], $0xffff;
	_ =	sdelay $0x1  }
0x181: {  	v3 =	vld.idx.msk [tilespmem:v3+s6+$0x0], $0xffff;
	_ =	sdelay $0x2  }
0x182: {  	v2 =	vmul.f32 v4, v2;
	_ =	sdelay $0x1  }
0x183: {  	v2 =	vmul.f32 v2, v3;
	_ =	sdelay $0x1  }
0x184: {  	[tilespmem:s5+$0xFFFFFFF0] =	vst v2  }
0x185: {  	v2 =	vld [tilespmem:s15+$0x0];
	_ =	sdelay $0x1  }
0x186: {  	v3 =	vld [tilespmem:s13+$0x0];
	_ =	sdelay $0x4  }
0x187: {  	v63 =	vld [tilespmem:s11+$0x0]  }
0x188: {  	v2 =	vld.idx.msk [tilespmem:v2+s6+$0x0], $0xffff;
	_ =	sdelay $0x1  }
0x189: {  	v3 =	vld.idx.msk [tilespmem:v3+s6+$0x0], $0xffff  }
0x18a: {  	s4 =	sadd.s32 $0x2, s4  }
0x18b: {  	p0 =	slt.u32 s4, $0xDE  }
.Ltmp10:
0x18c: {  	v2 =	vmul.f32 v63, v2;
	(pc) =	sbr.rel @p0 .LBB2_23-.Ltmp10, $4  }
0x18d: {  	_ = 	snop  }
0x18e: {  	v2 =	vmul.f32 v2, v3  }
0x18f: {  	s11 =	sadd.s32 $0x20, s11  }
0x190: {  	s13 =	sadd.s32 $0x20, s13;
	s15 =	sadd.s32 $0x20, s15;
	[tilespmem:s5+$0x0] =	vst v2;
	s5 =	sadd.s32 $0x20, s5  }
0x191: {  	s0 =	sadd.s32 $0x1, s0  }
0x192: {  	p0 =	sne.s32 s0, $0x7  }
.Ltmp11:
0x193: {  	s1 =	sadd.s32 s9, s1;
	(pc) =	sbr.rel @p0 .LBB2_22-.Ltmp11, $4  }
0x194: {  	[hbm4b:s1+s6] =	stream.linear.scatter [tilespmem:s30], [sflag:$0x4], $0xE00, $0x38;
	[tilespmem:$0x1E440] =	vst v63  }
0x195: {  	_ =	swait.ge [sflag:s17], $0xE00  }
0x196: {  	[sflag:s17] =	ssyncset.done $0x0  }
0x197: {  	[sflag:s17] =	ssyncadd.s32 $0xFFFFF200  }
0x198: {  	s1 =	rddreg [dreg:$0x9]  }
0x199: {  	s0 =	rddreg [dreg:$0x7];
	s1 =	sadd.s32 $0x1, s1  }
0x19a: {  	p0 =	sne.s32 s1, s0  }
.Ltmp12:
0x19b: {  	_ = 	snop;
	(pc) =	sbr.rel @p0 .LBB2_1-.Ltmp12, $1  }
0x19c: {  	_ =	sdelay $0x3  }
0x19d: {  	_ =	sfence.sel $0x180000  }
0x19e: {  	[bflag:$0x0] =	sbarrier.arrive $0xFFFF  }
0x19f: {  	_ =	strace $0x90000047  }
0x1a0: {  	s0 =	stileid.u32;
	[bflag:$0x2] =	sbarrier.arrive $0xFFFF  }
0x1a1: {  	p0 =	sne.s32 s0, $0x0;
	s0 =	rddreg [dreg:$0x5]  }
0x1a2: {  	s0 =	sadd.s32 @!p0 $0x100000, s0  }
0x1a3: {  	[sflag:s0] =	ssyncadd.tile.s32 @!p0 $0x1;
	_ =	shalt  }
.Lfunc_end2:
_tile_overlayer_lowered:
.L_overlay_start_2:
0x1a4: {  	(tag) =	ssettag $0x2  }
0x1a5: {  	s0 =	rddreg [dreg:$0x0];
	s2 =	stileid.u32  }
0x1a6: {  	s1 =	rddreg [dreg:$0x1];
	p0 =	sne.s32 s2, $0x0  }
0x1a7: {  	s3 =	rddreg [dreg:$0x2];
	[bflag:$0x3] =	sbarrier.arrive $0xFFFF;
	s2 =	simm.s32 @!p0 $0x1C04  }
0x1a8: {  	[timem:s3], [sflag:s2] =	dma.local @!p0 [hbm:s0], s1  }
0x1a9: {  	s0 =	simm.s32 @!p0 $0x4  }
0x1aa: {  	_ =	swait.ge @!p0 [sflag:s0], s1  }
0x1ab: {  	s1 =	ssub.s32 @!p0 $0x0, s1;
	[sflag:s0] =	ssyncset.done @!p0 $0x0  }
0x1ac: {  	[sflag:s0] =	ssyncadd.s32 @!p0 s1  }
0x1ad: {  	[bflag:$0x3] =	sbarrier.arrive $0xFFFF  }
0x1ae: {  	_ =	shalt  }

// kernel: kernel.7.cloned.1.call-start
scs
__scs_entry_jumppad:
0x0: {  	(pc) =	sbr.rel $0x88, $3  }
0x1: {  	(tag) =	ssettag $0x0;
	lr =	simm.s32 $0x1  }
0x2: {  	[smem:$0x3F9D] =	sst lr;
	_ =	strace $0xD0000000  }
0x3: {  	_ = 	snop  }
0x4: {  	_ = 	snop  }
0x5: {  	_ = 	snop  }
0x6: {  	_ = 	snop  }
0x7: {  	_ = 	snop  }
__scs_overlays_trampoline_lowered:
0x8: {  	[smem:$0x3FAC] =	sst s0  }
0x9: {  	[smem:$0x3FAD] =	sst s1  }
0xa: {  	[smem:$0x3FAE] =	sst s2  }
0xb: {  	[smem:$0x3FAF] =	sst s3  }
0xc: {  	[smem:$0x3FB0] =	sst s4  }
0xd: {  	[smem:$0x3FB1] =	sst s5  }
0xe: {  	[smem:$0x3FB2] =	sst s6  }
0xf: {  	[smem:$0x3FB3] =	sst s7  }
0x10: {  	[smem:$0x3FB4] =	sst s8  }
0x11: {  	[smem:$0x3FB5] =	sst s9;
	s0 =	simm.s32 @!p0 $0x0  }
0x12: {  	s1 =	sld [smem:$0x3F9B];
	s0 =	simm.s32 @p0 $0x1  }
0x13: {  	[smem:$0x3FB6] =	sst s0;
	s0 =	simm.s32 @!p1 $0x0  }
0x14: {  	s2 =	sld [smem:$0x3F9A];
	s0 =	simm.s32 @p1 $0x1  }
0x15: {  	[smem:$0x3FB7] =	sst s0;
	s0 =	simm.s32 @!p2 $0x0  }
0x16: {  	s3 =	sld [smem:$0x3FDB];
	s0 =	simm.s32 @p2 $0x1  }
0x17: {  	s4 =	simm.s32 $0x1BF5;
	[smem:$0x3FB9] =	sst s0  }
0x18: {  	s0 =	sld [smem:$0x3F9C];
	_ =	swait.ge [sflag:s4], $0x0  }
0x19: {  	s7 =	sld [smem:$0x3F9D]  }
0x1a: {  	s8 =	sadd.s32 $0xFFFFE003, lr  }
0x1b: {  	s9 =	sadd.s32 $0xFFFFFEF7, lr;
	s5 =	simm.s32 $0xFFFFFFFF;
	p2 =	slt.u32 s8, $0xFFFFF086  }
0x1c: {  	p1 =	slt.u32 s9, $0xF7A;
	s5 =	simm.s32 @!p2 $0x0  }
0x1d: {  	s5 =	simm.s32 @p1 $0x1;
	p0 =	seq.s32 s7, s2  }
0x1e: {  	s7 =	smul.u32 @!p0 $0xF7A, s2;
	p2 =	seq.s32 @!p0 s5, $0x0  }
0x1f: {  	s9 =	smul.u32 $0xF7A, s1;
	s8 =	simm.s32 @!p0 $0x1BF5;
	p2 =	por !p2, p0  }
0x20: {  	[sflag:s8] =	ssyncset.s32 @!p0 $0xFFFFF086;
	s6 =	sadd.s32 @!p0 s3, s7;
	s7 =	simm.s32 @!p0 $0x108  }
0x21: {  	s3 =	sadd.s32 s3, s9;
	s6 =	sadd.s32 @!p0 $0x88, s6;
	s7 =	simm.s32 @p2 $0x1082  }
0x22: {  	[simem:s7], [sflag:s8] =	dma.local @!p0 [hbm:s6], $0xF7A  }
0x23: {  	s9 =	sor.u32 $0xD0000000, s2;
	s6 =	simm.s32 $0x108;
	_ =	swait.ge @!p0 [sflag:s8], $0x0  }
0x24: {  	s3 =	sadd.s32 $0x88, s3;
	s6 =	simm.s32 @!p1 $0x1082;
	[sflag:s4] =	ssyncset.s32 $0xFFFFF086  }
0x25: {  	[simem:s6], [sflag:s4] =	dma.local [hbm:s3], $0xF7A  }
0x26: {  	[smem:$0x3F9D] =	sst s1;
	(tag) =	ssettag s2;
	_ =	strace s9  }
0x27: {  	s1 =	sld [smem:$0x3FAD]  }
0x28: {  	s2 =	sld [smem:$0x3FAE]  }
0x29: {  	s4 =	sld [smem:$0x3FB0]  }
0x2a: {  	p0 =	seq.s32 s5, $0x0;
	s5 =	sld [smem:$0x3FB1]  }
0x2b: {  	s6 =	sld [smem:$0x3FB2]  }
0x2c: {  	s7 =	sld [smem:$0x3FB3]  }
0x2d: {  	s3 =	simm.s32 $0x108;
	s8 =	sld [smem:$0x3FB4]  }
0x2e: {  	s3 =	simm.s32 @!p0 $0x1082;
	s9 =	sld [smem:$0x3FB5]  }
0x2f: {  	lr =	sadd.s32 s0, s3;
	s0 =	sld [smem:$0x3FAC]  }
0x30: {  	s3 =	sld [smem:$0x3FAF]  }
0x31: {  	[smem:$0x3FB8] =	sst s10  }
0x32: {  	s10 =	sld [smem:$0x3FB6];
	_ =	sdelay $0x3  }
0x33: {  	p0 =	seq.s32 s10, $0x1;
	s10 =	sld [smem:$0x3FB8];
	_ =	sdelay $0x3  }
0x34: {  	[smem:$0x3FB8] =	sst s10  }
0x35: {  	s10 =	sld [smem:$0x3FB7];
	_ =	sdelay $0x3  }
0x36: {  	p1 =	seq.s32 s10, $0x1;
	s10 =	sld [smem:$0x3FB8];
	_ =	sdelay $0x3  }
0x37: {  	[smem:$0x3FB8] =	sst s10  }
0x38: {  	s10 =	sld [smem:$0x3FB9]  }
0x39: {  	_ = 	snop;
	(pc) =	sbr.ind lr, $3  }
0x3a: {  	_ = 	snop  }
0x3b: {  	_ = 	snop  }
0x3c: {  	p2 =	seq.s32 s10, $0x1;
	s10 =	sld [smem:$0x3FB8]  }
0x3d: {  	_ =	shalt  }
0x3e: {  	_ =	shalt  }
0x3f: {  	_ =	shalt  }
0x40: {  	_ =	shalt  }
0x41: {  	_ =	shalt  }
0x42: {  	_ =	shalt  }
0x43: {  	_ =	shalt  }
0x44: {  	_ =	shalt  }
0x45: {  	_ =	shalt  }
0x46: {  	_ =	shalt  }
0x47: {  	_ =	shalt  }
0x48: {  	_ =	shalt  }
0x49: {  	_ =	shalt  }
0x4a: {  	_ =	shalt  }
0x4b: {  	_ =	shalt  }
0x4c: {  	_ =	shalt  }
0x4d: {  	_ =	shalt  }
0x4e: {  	_ =	shalt  }
0x4f: {  	_ =	shalt  }
0x50: {  	_ =	shalt  }
0x51: {  	_ =	shalt  }
0x52: {  	_ =	shalt  }
0x53: {  	_ =	shalt  }
0x54: {  	_ =	shalt  }
0x55: {  	_ =	shalt  }
0x56: {  	_ =	shalt  }
0x57: {  	_ =	shalt  }
0x58: {  	_ =	shalt  }
0x59: {  	_ =	shalt  }
0x5a: {  	_ =	shalt  }
0x5b: {  	_ =	shalt  }
0x5c: {  	_ =	shalt  }
0x5d: {  	_ =	shalt  }
0x5e: {  	_ =	shalt  }
0x5f: {  	_ =	shalt  }
0x60: {  	_ =	shalt  }
0x61: {  	_ =	shalt  }
0x62: {  	_ =	shalt  }
0x63: {  	_ =	shalt  }
0x64: {  	_ =	shalt  }
0x65: {  	_ =	shalt  }
0x66: {  	_ =	shalt  }
0x67: {  	_ =	shalt  }
0x68: {  	_ =	shalt  }
0x69: {  	_ =	shalt  }
0x6a: {  	_ =	shalt  }
0x6b: {  	_ =	shalt  }
0x6c: {  	_ =	shalt  }
0x6d: {  	_ =	shalt  }
0x6e: {  	_ =	shalt  }
0x6f: {  	_ =	shalt  }
0x70: {  	_ =	shalt  }
0x71: {  	_ =	shalt  }
0x72: {  	_ =	shalt  }
0x73: {  	_ =	shalt  }
0x74: {  	_ =	shalt  }
0x75: {  	_ =	shalt  }
0x76: {  	_ =	shalt  }
0x77: {  	_ =	shalt  }
0x78: {  	_ =	shalt  }
0x79: {  	_ =	shalt  }
0x7a: {  	_ =	shalt  }
0x7b: {  	_ =	shalt  }
0x7c: {  	_ =	shalt  }
0x7d: {  	_ =	shalt  }
0x7e: {  	_ =	shalt  }
0x7f: {  	_ =	shalt  }
0x80: {  	_ =	shalt  }
0x81: {  	_ =	shalt  }
0x82: {  	_ =	shalt  }
0x83: {  	_ =	shalt  }
0x84: {  	_ =	shalt  }
0x85: {  	_ =	shalt  }
0x86: {  	_ =	shalt  }
0x87: {  	_ =	shalt  }
.Lfunc_end0:
.L_simem_size_0:
called_computation.1_lowered:
.L_overlay_start_0:
0x88: {  	s2 =	sld [smem:$0x3FD9]  }
0x89: {  	s3 =	sld [smem:$0x3FFE];
	_ =	sdelay $0x1  }
0x8a: {  	s1 =	srdreg.scid  }
0x8b: {  	s0 =	sand.u32 $0x1, s1  }
0x8c: {  	s14 =	sshll.u32 s0, $0xA;
	s2 =	sadd.s32 s3, s2  }
0x8d: {  	s2 =	sadd.s32 s2, s14  }
0x8e: {  	[smem:$0x3FC4] =	sst s2  }
0x8f: {  	_ = 	snop  }
0x90: {  	s2 =	sld [smem:$0x3FD0];
	_ =	sdelay $0x2  }
0x91: {  	s15 =	simm.s32 $0xA;
	s4 =	simm.s32 $0x10  }
0x92: {  	[smem:s4], [sflag:s15] =	dma.local [hbm:s2], $0x1  }
0x93: {  	_ =	swait.eq [sflag:s15], $0x1  }
0x94: {  	[sflag:s15] =	ssyncset.done $0x0  }
0x95: {  	s16 =	sld [smem:$0x10];
	[sflag:s15] =	ssyncadd.s32 $0xFFFFFFFF  }
0x96: {  	s17 =	sld [smem:$0x11];
	(tm) =	ssettm $0x1  }
0x97: {  	s18 =	sld [smem:$0x3FFB];
	_ =	sdelay $0x3  }
0x98: {  	_ =	strace s18  }
0x99: {  	s4 =	sld [smem:$0x3FFC];
	_ =	sdelay $0x3  }
0x9a: {  	_ =	strace s4  }
0x9b: {  	s4 =	sld [smem:$0x3FFD];
	_ =	sdelay $0x3  }
0x9c: {  	_ =	strace s4  }
0x9d: {  	_ =	strace $0x8FFFFFFF  }
0x9e: {  	s19 =	sld [smem:$0x3FDB];
	_ =	sdelay $0x1  }
0x9f: {  	s5 =	simm.s32 $_scs_section_size  }
0xa0: {  	s6 =	simm.s32 $_size__tile_overlayer_lowered;
	s7 =	simm.s32 $_tile_overlayer_lowered  }
0xa1: {  	s22 =	simm.s32 $0x1BFF;
	s21 =	sshll.u32 s7, $0x1;
	s4 =	sadd.s32 s5, s19  }
0xa2: {  	s8 =	simm.s32 $0x0;
	s20 =	sshll.u32 s6, $0x1;
	s6 =	sadd.s32 s21, s4  }
0xa3: {  	[timem:s8], [sflag:s22] =	dma.local [hbm:s6], s20  }
0xa4: {  	_ =	swait.ge [sflag:s22], s20  }
0xa5: {  	s5 =	ssub.s32 $0x0, s20;
	[sflag:s22] =	ssyncset.done $0x0  }
0xa6: {  	[sflag:s22] =	ssyncadd.s32 s5;
	_ =	sdelay $0x1  }
0xa7: {  	s23 =	simm.s32 $0x1B8B  }
0xa8: {  	_ =	swait.ge [sflag:s23], $0x1  }
0xa9: {  	[sflag:s23] =	ssyncset.done $0x0  }
0xaa: {  	s25 =	simm.s32 $0x1B8E;
	s24 =	sld [smem:$0x3FFE];
	[sflag:s23] =	ssyncadd.s32 $0xFFFFFFFF  }
0xab: {  	s26 =	simm.s32 $execute0_lowered;
	[smem:$0x3FD2] =	sst s25  }
0xac: {  	s6 =	sshll.u32 s26, $0x1;
	_ =	strace $0x80000049;
	[dreg:$0x1] =	wrdreg $0xFFFFFFFF  }
0xad: {  	s28 =	simm.s32 $_size_execute0_lowered;
	s4 =	sadd.s32 s4, s6;
	[dreg:$0x0] =	wrdreg $0x0  }
0xae: {  	s6 =	sshll.u32 s28, $0x1;
	[dreg:$0x2] =	wrdreg s4  }
0xaf: {  	[dreg:$0x3] =	wrdreg s6  }
0xb0: {  	[dreg:$0x4] =	wrdreg $0xC0  }
0xb1: {  	_ =	task [dreg:s8], $0x5FFFF  }
0xb2: {  	[dreg:$0x1] =	wrdreg $0xFFFFFFFF  }
0xb3: {  	[dreg:$0x0] =	wrdreg $0x60  }
0xb4: {  	[dreg:$0x2] =	wrdreg s24  }
0xb5: {  	[dreg:$0x3] =	wrdreg s17  }
0xb6: {  	[dreg:$0x4] =	wrdreg s16  }
0xb7: {  	[dreg:$0x5] =	wrdreg $0x5A000  }
0xb8: {  	[dreg:$0x6] =	wrdreg $0x9  }
0xb9: {  	_ =	task.clear_ibuf [dreg:s8], $0x7FFFF;
	_ =	strace $0x90000049  }
0xba: {  	s29 =	simm.s32 $0x9;
	_ =	strace $0x8000004B  }
0xbb: {  	_ =	swait.ge [sflag:s29], $0x1  }
0xbc: {  	[sflag:s29] =	ssyncadd.s32 $0xFFFFFFFF  }
0xbd: {  	_ =	strace $0x9000004B  }
0xbe: {  	_ =	sfence  }
0xbf: {  	s30 =	sld [smem:$0x0];
	_ =	sdelay $0x2  }
0xc0: {  	s31 =	sshll.u32 s1, $0xD;
	s1 =	sshrl.u32 s1, $0x2  }
0xc1: {  	s3 =	sand.u32 $0x4000, s31;
	s1 =	sadd.s32 s1, s30  }
0xc2: {  	s0 =	sor.u32 s3, s0;
	s1 =	sshll.u32 s1, $0x11  }
0xc3: {  	s0 =	sor.u32 s1, s0  }
0xc4: {  	s0 =	sadd.s32 $0x8F2B, s0  }
0xc5: {  	[sflag:s0] =	ssyncadd.remote.s32 $0x1  }
0xc6: {  	_ =	sfence.sel $0xFFFF  }
0xc7: {  	[dreg:$0x0] =	wrdreg $0xFFFFFFFF;
	(pc) =	sbr.abs _section_cstart, $3  }
0xc8: {  	[dreg:$0x1] =	wrdreg $0xFFFFFFFF  }
0xc9: {  	_ =	task.clear_ibuf [dreg:s8], $0x2FFFF;
	_ =	strace $0x9FFFFFFF  }
0xca: {  	(tm) =	ssettm $0x7FFFFFFF  }
0xcb: {  	_ =	shalt  }
tec
execute0_lowered:
.L_overlay_start_1:
0x0: {  	(tag) =	ssettag $0x1  }
0x1: {  	s0 =	rddreg [dreg:$0x0]  }
0x2: {  	s4 =	rddreg [dreg:$0x3];
	s5 =	simm.s32 $0x0  }
0x3: {  	s9 =	stileid.u32;
	s1 =	srdreg.scid;
	s28 =	simm.s32 $0x1  }
0x4: {  	s29 =	simm.s32 $0x2;
	s30 =	simm.s32 $0x4;
	s31 =	simm.s32 $0x3  }
0x5: {  	s15 =	simm.s32 $0x6;
	[smem:$0x7FF] =	sst s5;
	s14 =	smul.u32 $0xC40, s9  }
0x6: {  	s1 =	sand.u32 $0x1, s1;
	s2 =	smul.u32 $0x188, s9;
	s8 =	sadd.s32 $0x1BAE00, s0  }
0x7: {  	s19 =	sadd.s32 $0x1A600, s0;
	s11 =	sadd.s32 $0x32E00, s0;
	s7 =	smul.u32 $0x62000, s9  }
0x8: {  	s12 =	sadd.s32 $0x94E00, s0;
	s0 =	sadd.s32 $0xF6E00, s0;
	s24 =	smul.u32 $0x3100, s9  }
0x9: {  	_ =	strace $0x8000004A;
	[dreg:$0x7] =	wrdreg s19;
	s20 =	smul.u32 $0x1880, s1  }
0xa: {  	s21 =	ssub.s32 $0x2, s1;
	s3 =	smul.u32 $0xC400, s1;
	[dreg:$0x9] =	wrdreg s0  }
0xb: {  	s1 =	smul.u32 $0x31000, s1;
	s19 =	simm.s32 $0x3A00;
	[dreg:$0x6] =	wrdreg s2  }
0xc: {  	s6 =	sshrl.u32 s21, $0x1;
	s25 =	sshrl.u32 s7, $0x2;
	[dreg:$0x5] =	wrdreg s14  }
0xd: {  	s2 =	simm.s32 $0x0;
	[dreg:$0x8] =	wrdreg s20;
	s22 =	ssub.s32 s21, s6  }
0xe: {  	s23 =	sadd.s32 s3, s14;
	s26 =	sadd.s32 s1, s11;
	s1 =	sadd.s32 s1, s12  }
0xf: {  	s16 =	sadd.s32 s25, s4;
	s20 =	simm.s32 $0x7;
	s6 =	simm.s32 $0x2980  }
0x10: {  	[dreg:$0xa] =	wrdreg s23;
	s0 =	smax.u32 s22, $0x1;
	s17 =	sadd.s32 s24, s26  }
0x11: {  	s18 =	sadd.s32 s24, s1;
	s23 =	simm.s32 $0x80;
	s24 =	simm.s32 $0x2A00  }
0x12: {  	v0 =	vimm.f32 $0.0e+00;
	s26 =	simm.s32 $0x4A00;
	[dreg:$0xb] =	wrdreg s0;
	s0 =	simm.s32 $0x5  }
.LBB2_1:
0x13: {  	[dreg:$0xc] =	wrdreg s2;
	s1 =	simm.s32 $0x0  }
.LBB2_2:
0x14: {  	p0 =	sne.s32 s1, $0x3780  }
.Ltmp0:
0x15: {  	_ = 	snop;
	(pc) =	sbr.rel @p0 .LBB2_2-.Ltmp0, $4  }
0x16: {  	_ = 	snop  }
0x17: {  	s2 =	sshra.s32 s1, $0x2  }
0x18: {  	[tilespmem:s2+$0x3A00] =	vst v0  }
0x19: {  	s1 =	sadd.s32 $0x80, s1;
	[tilespmem:s2+$0x3A10] =	vst v0  }
0x1a: {  	s1 =	sadd.s32 $0x0, s16  }
0x1b: {  	[spmem:s1] =	stream.linear.scatter [tilespmem:s19], [sflag:$0x7], $0xE00, $0x38;
	[tilespmem:$0x1E200] =	vst v63  }
0x1c: {  	s1 =	simm.s32 $0x3800;
	_ =	swait.ge [sflag:s20], $0xE00  }
.LBB2_4:
0x1d: {  	s2 =	sshra.s32 s1, $0x2;
	[sflag:s20] =	ssyncset.done $0x0;
	p0 =	sne.s32 s1, $0x5E800  }
.Ltmp1:
0x1e: {  	s2 =	sadd.s32 s2, s16;
	[sflag:s20] =	ssyncadd.s32 $0xFFFFF200;
	(pc) =	sbr.rel @p0 .LBB2_4-.Ltmp1, $3  }
0x1f: {  	[spmem:s2] =	stream.linear.scatter [tilespmem:s19], [sflag:$0x7], $0xE00, $0x38;
	[tilespmem:$0x1E200] =	vst v63  }
0x20: {  	s1 =	sadd.s32 $0x3800, s1;
	_ =	sdelay $0x1  }
0x21: {  	_ =	swait.ge [sflag:s20], $0xE00  }
0x22: {  	[sflag:s20] =	ssyncset.done $0x0  }
0x23: {  	[sflag:s20] =	ssyncadd.s32 $0xFFFFF200  }
0x24: {  	s14 =	simm.s32 $0x0;
	s1 =	simm.s32 $0x0;
	[bflag:$0x0] =	sbarrier.arrive $0xFFFF  }
.LBB2_6:
0x25: {  	s2 =	smul.u32 $0x1C, s1  }
0x26: {  	s3 =	rddreg [dreg:$0x6]  }
0x27: {  	s9 =	rddreg [dreg:$0x8];
	s2 =	sadd.s32 s3, s2  }
0x28: {  	s3 =	sadd.s32 s9, s2  }
0x29: {  	s7 =	rddreg [dreg:$0x1];
	s3 =	sshll.u32 s3, $0x4  }
0x2a: {  	s3 =	sadd.s32 s7, s3  }
0x2b: {  	[tilespmem:s14], [sflag:$0x7] =	stream.linear.gather [hbm4b:s3+s14], $0xE00, $0x38;
	[tilespmem:$0x1E200] =	vst v63  }
0x2c: {  	_ =	swait.ge [sflag:s20], $0xE00  }
0x2d: {  	[sflag:s20] =	ssyncset.done $0x0  }
0x2e: {  	[sflag:s20] =	ssyncadd.s32 $0xFFFFF200  }
0x2f: {  	s2 =	sshll.u32 s2, $0x4;
	s10 =	rddreg [dreg:$0x2]  }
0x30: {  	s13 =	simm.s32 $0xE00;
	s3 =	sadd.s32 s10, s2  }
0x31: {  	[tilespmem:s13], [sflag:$0x7] =	stream.linear.gather [hbm4b:s3+s14], $0xE00, $0x38;
	[tilespmem:$0x1E200] =	vst v63  }
0x32: {  	_ =	swait.ge [sflag:s20], $0xE00  }
0x33: {  	[sflag:s20] =	ssyncset.done $0x0;
	s21 =	rddreg [dreg:$0x7]  }
0x34: {  	s22 =	simm.s32 $0x1C00;
	[sflag:s20] =	ssyncadd.s32 $0xFFFFF200;
	s2 =	sadd.s32 s21, s2  }
0x35: {  	[tilespmem:s22], [sflag:$0x7] =	stream.linear.gather [hbm4b:s2+s14], $0xE00, $0x38;
	[tilespmem:$0x1E200] =	vst v63  }
0x36: {  	_ =	swait.ge [sflag:s20], $0xE00  }
0x37: {  	[sflag:s20] =	ssyncset.done $0x0  }
0x38: {  	[sflag:s20] =	ssyncadd.s32 $0xFFFFF200  }
0x39: {  	[tilespmem:s24], [sflag:$0x1] =	stream.indirect.gather [hbm4b:s8+s23], $0x20, s14, s23, $0xb8;
	[tilespmem:$0x1E200] =	vst v63  }
0x3a: {  	_ = 	snop  }
0x3b: {  	[tilespmem:s19], [sflag:$0x2] =	stream.indirect.gather [hbm4b:s8+s23], $0x20, s23, s23, $0xb8;
	[tilespmem:$0x1E200] =	vst v63  }
0x3c: {  	s25 =	simm.s32 $0x100;
	s2 =	simm.s32 $0x0  }
0x3d: {  	[tilespmem:s26], [sflag:$0x3] =	stream.indirect.gather [hbm4b:s8+s23], $0x20, s25, s23, $0xb8;
	[tilespmem:$0x1E200] =	vst v63  }
.LBB2_7:
0x3e: {  	s3 =	simm.s32 $0x0  }
0x3f: {  	v1 =	vmov s3  }
0x40: {  	v1 =	vand.u32 $0xFFFFFFFC, v1  }
0x41: {  	v1 =	vbroadcast v1, $0x0;
	_ =	sdelay $0x1  }
0x42: {  	s22 =	smul.u32 $0x600, s2;
	_ =	swait.ge [sflag:s28], $0x1000  }
0x43: {  	[sflag:s28] =	ssyncset.done $0x0  }
0x44: {  	s3 =	simm.s32 $0x2A40;
	s21 =	sshra.s32 s22, $0x2;
	[sflag:s28] =	ssyncadd.s32 $0xFFFFF000  }
0x45: {  	s25 =	sadd.s32 $0x1C00, s21;
	v2 =	vld [tilespmem:s3+$0xFFFFFFC0]  }
0x46: {  	s7 =	simm.s32 $0x1;
	v1 =	vld.idx.msk [tilespmem:v1+s25+$0x0], $0xffff  }
0x47: {  	v4 =	vmov s7;
	v3 =	vld [tilespmem:s3+$0xFFFFFFD0]  }
0x48: {  	v4 =	vand.u32 $0xFFFFFFFD, v4  }
0x49: {  	v4 =	vbroadcast v4, $0x0;
	_ =	sdelay $0x1  }
0x4a: {  	v2 =	vmul.f32 v2, v1  }
0x4b: {  	v1 =	vmul.f32 v3, v1  }
0x4c: {  	[tilespmem:s3+$0xFFFFFFC0] =	vst v2  }
0x4d: {  	[tilespmem:s3+$0xFFFFFFD0] =	vst v1;
	v2 =	vld [tilespmem:s3+$0xFFFFFFE0]  }
0x4e: {  	s10 =	simm.s32 $0x2;
	v1 =	vld.idx.msk [tilespmem:v4+s25+$0x0], $0xffff  }
0x4f: {  	v3 =	vld [tilespmem:s3+$0xFFFFFFF0];
	v4 =	vmov s10  }
0x50: {  	v4 =	vand.u32 $0xFFFFFFFE, v4  }
0x51: {  	v4 =	vbroadcast v4, $0x0;
	_ =	sdelay $0x1  }
0x52: {  	v2 =	vmul.f32 v2, v1  }
0x53: {  	v1 =	vmul.f32 v3, v1  }
0x54: {  	[tilespmem:s3+$0xFFFFFFE0] =	vst v2  }
0x55: {  	[tilespmem:s3+$0xFFFFFFF0] =	vst v1;
	v1 =	vld [tilespmem:s3+$0x10]  }
0x56: {  	v2 =	vld.idx.msk [tilespmem:v4+s25+$0x0], $0xffff  }
0x57: {  	v3 =	vld [tilespmem:s3+$0x0];
	_ =	sdelay $0x1  }
0x58: {  	s13 =	simm.s32 $0x3  }
0x59: {  	v4 =	vmov s13  }
0x5a: {  	v1 =	vmul.f32 v1, v2  }
0x5b: {  	v2 =	vmul.f32 v3, v2  }
0x5c: {  	[tilespmem:s3+$0x10] =	vst v1  }
0x5d: {  	[tilespmem:s3+$0x0] =	vst v2;
	v1 =	vld [tilespmem:s3+$0x30]  }
0x5e: {  	v2 =	vld.idx.msk [tilespmem:v4+s25+$0x0], $0xffff  }
0x5f: {  	s13 =	simm.s32 $0x4;
	v4 =	vld [tilespmem:s3+$0x20]  }
0x60: {  	v3 =	vmov s13  }
0x61: {  	v3 =	vand.u32 $0xFFFFFFFC, v3  }
0x62: {  	s7 =	simm.s32 $0x8;
	v3 =	vbroadcast v3, $0x0  }
.LBB2_8:
0x63: {  	p0 =	slt.u32 s7, $0x7C  }
0x64: {  	v1 =	vmul.f32 v1, v2;
	v4 =	vmul.f32 v4, v2;
	_ =	sdelay $0x1  }
0x65: {  	[tilespmem:s3+$0x20] =	vst v4  }
0x66: {  	[tilespmem:s3+$0x30] =	vst v1  }
0x67: {  	s3 =	sadd.s32 $0x80, s3;
	v1 =	vld.idx.msk [tilespmem:v3+s25+$0x0], $0xffff  }
0x68: {  	s9 =	sadd.s32 $0x1, s13;
	v2 =	vld [tilespmem:s3+$0xFFFFFFC0]  }
0x69: {  	v4 =	vmov s9;
	v3 =	vld [tilespmem:s3+$0xFFFFFFD0]  }
0x6a: {  	v4 =	vand.u32 $0xFFFFFFFD, v4  }
0x6b: {  	v4 =	vbroadcast v4, $0x0;
	_ =	sdelay $0x1  }
0x6c: {  	v2 =	vmul.f32 v2, v1  }
0x6d: {  	v1 =	vmul.f32 v3, v1  }
0x6e: {  	[tilespmem:s3+$0xFFFFFFC0] =	vst v2  }
0x6f: {  	[tilespmem:s3+$0xFFFFFFD0] =	vst v1  }
0x70: {  	v1 =	vld.idx.msk [tilespmem:v4+s25+$0x0], $0xffff  }
0x71: {  	s9 =	sadd.s32 $0x2, s13;
	v2 =	vld [tilespmem:s3+$0xFFFFFFE0]  }
0x72: {  	v4 =	vmov s9;
	v3 =	vld [tilespmem:s3+$0xFFFFFFF0]  }
0x73: {  	v4 =	vand.u32 $0xFFFFFFFE, v4  }
0x74: {  	v4 =	vbroadcast v4, $0x0;
	_ =	sdelay $0x1  }
0x75: {  	v2 =	vmul.f32 v2, v1  }
0x76: {  	v1 =	vmul.f32 v3, v1  }
0x77: {  	[tilespmem:s3+$0xFFFFFFE0] =	vst v2  }
0x78: {  	[tilespmem:s3+$0xFFFFFFF0] =	vst v1;
	v1 =	vld [tilespmem:s3+$0x10]  }
0x79: {  	v2 =	vld.idx.msk [tilespmem:v4+s25+$0x0], $0xffff  }
0x7a: {  	v3 =	vld [tilespmem:s3+$0x0];
	_ =	sdelay $0x2  }
0x7b: {  	s9 =	sadd.s32 $0x3, s13;
	s13 =	smov.u32 s7  }
0x7c: {  	v4 =	vmov s9  }
0x7d: {  	v1 =	vmul.f32 v1, v2;
	v3 =	vmul.f32 v3, v2;
	_ =	sdelay $0x1  }
0x7e: {  	[tilespmem:s3+$0x10] =	vst v1  }
0x7f: {  	[tilespmem:s3+$0x0] =	vst v3;
	v1 =	vld [tilespmem:s3+$0x30]  }
.Ltmp2:
0x80: {  	v2 =	vld.idx.msk [tilespmem:v4+s25+$0x0], $0xffff;
	(pc) =	sbr.rel @p0 .LBB2_8-.Ltmp2, $4  }
0x81: {  	v4 =	vld [tilespmem:s3+$0x20]  }
0x82: {  	v3 =	vmov s7  }
0x83: {  	v3 =	vand.u32 $0xFFFFFFFC, v3  }
0x84: {  	s7 =	sadd.s32 $0x4, s7;
	v3 =	vbroadcast v3, $0x0  }
0x85: {  	_ = 	snop  }
0x86: {  	v1 =	vmul.f32 v1, v2  }
0x87: {  	v4 =	vmul.f32 v4, v2  }
0x88: {  	s9 =	sadd.s32 $0x80, s3;
	[tilespmem:s3+$0x30] =	vst v1  }
0x89: {  	v2 =	vld [tilespmem:s9+$0xFFFFFFC0];
	[tilespmem:s3+$0x20] =	vst v4  }
0x8a: {  	s7 =	sadd.s32 $0x1, s13;
	v1 =	vld.idx.msk [tilespmem:v3+s25+$0x0], $0xffff  }
0x8b: {  	v4 =	vmov s7;
	v3 =	vld [tilespmem:s9+$0xFFFFFFD0]  }
0x8c: {  	v4 =	vand.u32 $0xFFFFFFFD, v4  }
0x8d: {  	v4 =	vbroadcast v4, $0x0;
	_ =	sdelay $0x1  }
0x8e: {  	v2 =	vmul.f32 v2, v1  }
0x8f: {  	v1 =	vmul.f32 v3, v1  }
0x90: {  	[tilespmem:s9+$0xFFFFFFC0] =	vst v2  }
0x91: {  	[tilespmem:s9+$0xFFFFFFD0] =	vst v1;
	v2 =	vld [tilespmem:s9+$0xFFFFFFE0]  }
0x92: {  	s10 =	sadd.s32 $0x2, s13;
	v1 =	vld.idx.msk [tilespmem:v4+s25+$0x0], $0xffff  }
0x93: {  	v3 =	vld [tilespmem:s9+$0xFFFFFFF0];
	v4 =	vmov s10  }
0x94: {  	v4 =	vand.u32 $0xFFFFFFFE, v4  }
0x95: {  	v4 =	vbroadcast v4, $0x0;
	_ =	sdelay $0x1  }
0x96: {  	v2 =	vmul.f32 v2, v1  }
0x97: {  	v1 =	vmul.f32 v3, v1  }
0x98: {  	[tilespmem:s9+$0xFFFFFFE0] =	vst v2  }
0x99: {  	[tilespmem:s9+$0xFFFFFFF0] =	vst v1;
	v1 =	vld [tilespmem:s9+$0x10]  }
0x9a: {  	v2 =	vld.idx.msk [tilespmem:v4+s25+$0x0], $0xffff  }
0x9b: {  	v3 =	vld [tilespmem:s9+$0x0];
	_ =	sdelay $0x1  }
0x9c: {  	s13 =	sadd.s32 $0x3, s13  }
0x9d: {  	v4 =	vmov s13  }
0x9e: {  	v1 =	vmul.f32 v1, v2  }
0x9f: {  	v2 =	vmul.f32 v3, v2  }
0xa0: {  	[tilespmem:s9+$0x10] =	vst v1  }
0xa1: {  	[tilespmem:s9+$0x0] =	vst v2;
	v2 =	vld [tilespmem:s9+$0x20]  }
0xa2: {  	v1 =	vld.idx.msk [tilespmem:v4+s25+$0x0], $0xffff  }
0xa3: {  	v3 =	vld [tilespmem:s9+$0x30];
	_ =	sdelay $0x2  }
0xa4: {  	s25 =	simm.s32 $0x0  }
0xa5: {  	v4 =	vmov s25;
	v2 =	vmul.f32 v2, v1  }
0xa6: {  	v1 =	vmul.f32 v3, v1;
	v3 =	vand.u32 $0xFFFFFFFC, v4  }
0xa7: {  	[tilespmem:s9+$0x20] =	vst v2;
	v2 =	vbroadcast v3, $0x0  }
0xa8: {  	s7 =	sadd.s32 $0xE00, s21;
	[tilespmem:s9+$0x30] =	vst v1  }
0xa9: {  	[spmem:s4] =	stream.indirect.scatter.add.f32 [tilespmem:s24], [sflag:$0x4], $0x20, s7, s23, $0xb8;
	[tilespmem:$0x1E200] =	vst v63  }
0xaa: {  	s9 =	sadd.s32 $0x200, s22;
	_ =	swait.ge [sflag:s29], $0x1000  }
0xab: {  	s25 =	sshra.s32 s9, $0x2;
	[sflag:s29] =	ssyncset.done $0x0  }
0xac: {  	s3 =	sadd.s32 $0x1C00, s25;
	[sflag:s29] =	ssyncadd.s32 $0xFFFFF000  }
0xad: {  	s13 =	simm.s32 $0x3A40;
	v1 =	vld.idx.msk [tilespmem:v2+s3+$0x0], $0xffff  }
0xae: {  	s10 =	simm.s32 $0x1;
	v2 =	vld [tilespmem:s13+$0xFFFFFFC0]  }
0xaf: {  	v4 =	vmov s10;
	v3 =	vld [tilespmem:s13+$0xFFFFFFD0]  }
0xb0: {  	v4 =	vand.u32 $0xFFFFFFFD, v4  }
0xb1: {  	v4 =	vbroadcast v4, $0x0;
	_ =	sdelay $0x1  }
0xb2: {  	v2 =	vmul.f32 v2, v1  }
0xb3: {  	v1 =	vmul.f32 v3, v1  }
0xb4: {  	[tilespmem:s13+$0xFFFFFFC0] =	vst v2  }
0xb5: {  	[tilespmem:s13+$0xFFFFFFD0] =	vst v1;
	v2 =	vld [tilespmem:s13+$0xFFFFFFE0]  }
0xb6: {  	s9 =	simm.s32 $0x2;
	v1 =	vld.idx.msk [tilespmem:v4+s3+$0x0], $0xffff  }
0xb7: {  	v3 =	vld [tilespmem:s13+$0xFFFFFFF0];
	v4 =	vmov s9  }
0xb8: {  	v4 =	vand.u32 $0xFFFFFFFE, v4  }
0xb9: {  	v4 =	vbroadcast v4, $0x0;
	_ =	sdelay $0x1  }
0xba: {  	v2 =	vmul.f32 v2, v1  }
0xbb: {  	v1 =	vmul.f32 v3, v1  }
0xbc: {  	[tilespmem:s13+$0xFFFFFFE0] =	vst v2  }
0xbd: {  	[tilespmem:s13+$0xFFFFFFF0] =	vst v1;
	v1 =	vld [tilespmem:s13+$0x10]  }
0xbe: {  	v2 =	vld.idx.msk [tilespmem:v4+s3+$0x0], $0xffff  }
0xbf: {  	v3 =	vld [tilespmem:s13+$0x0];
	_ =	sdelay $0x1  }
0xc0: {  	s10 =	simm.s32 $0x3  }
0xc1: {  	v4 =	vmov s10  }
0xc2: {  	v1 =	vmul.f32 v1, v2  }
0xc3: {  	v2 =	vmul.f32 v3, v2  }
0xc4: {  	[tilespmem:s13+$0x10] =	vst v1  }
0xc5: {  	[tilespmem:s13+$0x0] =	vst v2;
	v1 =	vld [tilespmem:s13+$0x30]  }
0xc6: {  	v2 =	vld.idx.msk [tilespmem:v4+s3+$0x0], $0xffff  }
0xc7: {  	s7 =	simm.s32 $0x4;
	v4 =	vld [tilespmem:s13+$0x20]  }
0xc8: {  	v3 =	vmov s7  }
0xc9: {  	v3 =	vand.u32 $0xFFFFFFFC, v3  }
0xca: {  	s9 =	simm.s32 $0x8;
	v3 =	vbroadcast v3, $0x0  }
.LBB2_10:
0xcb: {  	p0 =	slt.u32 s9, $0x7C  }
0xcc: {  	v1 =	vmul.f32 v1, v2;
	v4 =	vmul.f32 v4, v2;
	_ =	sdelay $0x1  }
0xcd: {  	[tilespmem:s13+$0x20] =	vst v4  }
0xce: {  	[tilespmem:s13+$0x30] =	vst v1  }
0xcf: {  	s13 =	sadd.s32 $0x80, s13;
	v1 =	vld.idx.msk [tilespmem:v3+s3+$0x0], $0xffff  }
0xd0: {  	s10 =	sadd.s32 $0x1, s7;
	v2 =	vld [tilespmem:s13+$0xFFFFFFC0]  }
0xd1: {  	v4 =	vmov s10;
	v3 =	vld [tilespmem:s13+$0xFFFFFFD0]  }
0xd2: {  	v4 =	vand.u32 $0xFFFFFFFD, v4  }
0xd3: {  	v4 =	vbroadcast v4, $0x0;
	_ =	sdelay $0x1  }
0xd4: {  	v2 =	vmul.f32 v2, v1  }
0xd5: {  	v1 =	vmul.f32 v3, v1  }
0xd6: {  	[tilespmem:s13+$0xFFFFFFC0] =	vst v2  }
0xd7: {  	[tilespmem:s13+$0xFFFFFFD0] =	vst v1  }
0xd8: {  	v1 =	vld.idx.msk [tilespmem:v4+s3+$0x0], $0xffff  }
0xd9: {  	s10 =	sadd.s32 $0x2, s7;
	v2 =	vld [tilespmem:s13+$0xFFFFFFE0]  }
0xda: {  	v4 =	vmov s10;
	v3 =	vld [tilespmem:s13+$0xFFFFFFF0]  }
0xdb: {  	v4 =	vand.u32 $0xFFFFFFFE, v4  }
0xdc: {  	v4 =	vbroadcast v4, $0x0;
	_ =	sdelay $0x1  }
0xdd: {  	v2 =	vmul.f32 v2, v1  }
0xde: {  	v1 =	vmul.f32 v3, v1  }
0xdf: {  	[tilespmem:s13+$0xFFFFFFE0] =	vst v2  }
0xe0: {  	[tilespmem:s13+$0xFFFFFFF0] =	vst v1;
	v1 =	vld [tilespmem:s13+$0x10]  }
0xe1: {  	v2 =	vld.idx.msk [tilespmem:v4+s3+$0x0], $0xffff  }
0xe2: {  	v3 =	vld [tilespmem:s13+$0x0];
	_ =	sdelay $0x2  }
0xe3: {  	s10 =	sadd.s32 $0x3, s7;
	s7 =	smov.u32 s9  }
0xe4: {  	v4 =	vmov s10  }
0xe5: {  	v1 =	vmul.f32 v1, v2;
	v3 =	vmul.f32 v3, v2;
	_ =	sdelay $0x1  }
0xe6: {  	[tilespmem:s13+$0x10] =	vst v1  }
0xe7: {  	[tilespmem:s13+$0x0] =	vst v3;
	v1 =	vld [tilespmem:s13+$0x30]  }
.Ltmp3:
0xe8: {  	v2 =	vld.idx.msk [tilespmem:v4+s3+$0x0], $0xffff;
	(pc) =	sbr.rel @p0 .LBB2_10-.Ltmp3, $4  }
0xe9: {  	v4 =	vld [tilespmem:s13+$0x20]  }
0xea: {  	v3 =	vmov s9  }
0xeb: {  	v3 =	vand.u32 $0xFFFFFFFC, v3  }
0xec: {  	s9 =	sadd.s32 $0x4, s9;
	v3 =	vbroadcast v3, $0x0  }
0xed: {  	_ = 	snop  }
0xee: {  	v1 =	vmul.f32 v1, v2  }
0xef: {  	v4 =	vmul.f32 v4, v2  }
0xf0: {  	s9 =	sadd.s32 $0x80, s13;
	[tilespmem:s13+$0x30] =	vst v1  }
0xf1: {  	v2 =	vld [tilespmem:s9+$0xFFFFFFC0];
	[tilespmem:s13+$0x20] =	vst v4  }
0xf2: {  	s10 =	sadd.s32 $0x1, s7;
	v1 =	vld.idx.msk [tilespmem:v3+s3+$0x0], $0xffff  }
0xf3: {  	v4 =	vmov s10;
	v3 =	vld [tilespmem:s9+$0xFFFFFFD0]  }
0xf4: {  	v4 =	vand.u32 $0xFFFFFFFD, v4  }
0xf5: {  	v4 =	vbroadcast v4, $0x0;
	_ =	sdelay $0x1  }
0xf6: {  	v2 =	vmul.f32 v2, v1  }
0xf7: {  	v1 =	vmul.f32 v3, v1  }
0xf8: {  	[tilespmem:s9+$0xFFFFFFC0] =	vst v2  }
0xf9: {  	[tilespmem:s9+$0xFFFFFFD0] =	vst v1;
	v2 =	vld [tilespmem:s9+$0xFFFFFFE0]  }
0xfa: {  	s13 =	sadd.s32 $0x2, s7;
	v1 =	vld.idx.msk [tilespmem:v4+s3+$0x0], $0xffff  }
0xfb: {  	v3 =	vld [tilespmem:s9+$0xFFFFFFF0];
	v4 =	vmov s13  }
0xfc: {  	v4 =	vand.u32 $0xFFFFFFFE, v4  }
0xfd: {  	v4 =	vbroadcast v4, $0x0;
	_ =	sdelay $0x1  }
0xfe: {  	v2 =	vmul.f32 v2, v1  }
0xff: {  	v1 =	vmul.f32 v3, v1  }
0x100: {  	[tilespmem:s9+$0xFFFFFFE0] =	vst v2  }
0x101: {  	[tilespmem:s9+$0xFFFFFFF0] =	vst v1;
	v1 =	vld [tilespmem:s9+$0x10]  }
0x102: {  	v2 =	vld.idx.msk [tilespmem:v4+s3+$0x0], $0xffff  }
0x103: {  	v3 =	vld [tilespmem:s9+$0x0];
	_ =	sdelay $0x1  }
0x104: {  	s13 =	sadd.s32 $0x3, s7  }
0x105: {  	v4 =	vmov s13  }
0x106: {  	v1 =	vmul.f32 v1, v2  }
0x107: {  	v2 =	vmul.f32 v3, v2  }
0x108: {  	[tilespmem:s9+$0x10] =	vst v1  }
0x109: {  	[tilespmem:s9+$0x0] =	vst v2;
	v2 =	vld [tilespmem:s9+$0x20]  }
0x10a: {  	v1 =	vld.idx.msk [tilespmem:v4+s3+$0x0], $0xffff  }
0x10b: {  	v3 =	vld [tilespmem:s9+$0x30];
	_ =	sdelay $0x3  }
0x10c: {  	v2 =	vmul.f32 v2, v1  }
0x10d: {  	v1 =	vmul.f32 v3, v1  }
0x10e: {  	[tilespmem:s9+$0x20] =	vst v2  }
0x10f: {  	[tilespmem:s9+$0x30] =	vst v1  }
0x110: {  	s10 =	simm.s32 $0x0;
	_ =	swait.ge [sflag:s30], $0x1000  }
0x111: {  	v1 =	vmov s10;
	[sflag:s30] =	ssyncset.done $0x0  }
0x112: {  	s13 =	sadd.s32 $0x180, s21;
	v1 =	vand.u32 $0xFFFFFFFC, v1;
	[sflag:s30] =	ssyncadd.s32 $0xFFFFF000  }
0x113: {  	v1 =	vbroadcast v1, $0x0;
	[tilespmem:s24], [sflag:$0x1] =	stream.indirect.gather [hbm4b:s8+s23], $0x20, s13, s23, $0xb8;
	[tilespmem:$0x1E200] =	vst v63  }
0x114: {  	s25 =	sadd.s32 $0xE00, s25  }
0x115: {  	[spmem:s4] =	stream.indirect.scatter.add.f32 [tilespmem:s19], [sflag:$0x5], $0x20, s25, s23, $0xb8;
	[tilespmem:$0x1E200] =	vst v63  }
0x116: {  	s7 =	sadd.s32 $0x400, s22;
	_ =	swait.ge [sflag:s31], $0x1000  }
0x117: {  	s22 =	sshra.s32 s7, $0x2;
	[sflag:s31] =	ssyncset.done $0x0  }
0x118: {  	s3 =	sadd.s32 $0x1C00, s22;
	[sflag:s31] =	ssyncadd.s32 $0xFFFFF000  }
0x119: {  	s13 =	simm.s32 $0x4A40;
	v1 =	vld.idx.msk [tilespmem:v1+s3+$0x0], $0xffff  }
0x11a: {  	s9 =	simm.s32 $0x1;
	v2 =	vld [tilespmem:s13+$0xFFFFFFC0]  }
0x11b: {  	v4 =	vmov s9;
	v3 =	vld [tilespmem:s13+$0xFFFFFFD0]  }
0x11c: {  	v4 =	vand.u32 $0xFFFFFFFD, v4  }
0x11d: {  	v4 =	vbroadcast v4, $0x0;
	_ =	sdelay $0x1  }
0x11e: {  	v2 =	vmul.f32 v2, v1  }
0x11f: {  	v1 =	vmul.f32 v3, v1  }
0x120: {  	[tilespmem:s13+$0xFFFFFFC0] =	vst v2  }
0x121: {  	[tilespmem:s13+$0xFFFFFFD0] =	vst v1;
	v2 =	vld [tilespmem:s13+$0xFFFFFFE0]  }
0x122: {  	s10 =	simm.s32 $0x2;
	v1 =	vld.idx.msk [tilespmem:v4+s3+$0x0], $0xffff  }
0x123: {  	v3 =	vld [tilespmem:s13+$0xFFFFFFF0];
	v4 =	vmov s10  }
0x124: {  	v4 =	vand.u32 $0xFFFFFFFE, v4  }
0x125: {  	v4 =	vbroadcast v4, $0x0;
	_ =	sdelay $0x1  }
0x126: {  	v2 =	vmul.f32 v2, v1  }
0x127: {  	v1 =	vmul.f32 v3, v1  }
0x128: {  	[tilespmem:s13+$0xFFFFFFE0] =	vst v2  }
0x129: {  	[tilespmem:s13+$0xFFFFFFF0] =	vst v1;
	v1 =	vld [tilespmem:s13+$0x10]  }
0x12a: {  	v2 =	vld.idx.msk [tilespmem:v4+s3+$0x0], $0xffff  }
0x12b: {  	v3 =	vld [tilespmem:s13+$0x0];
	_ =	sdelay $0x1  }
0x12c: {  	s25 =	simm.s32 $0x3  }
0x12d: {  	v4 =	vmov s25  }
0x12e: {  	v1 =	vmul.f32 v1, v2  }
0x12f: {  	v2 =	vmul.f32 v3, v2  }
0x130: {  	[tilespmem:s13+$0x10] =	vst v1  }
0x131: {  	[tilespmem:s13+$0x0] =	vst v2;
	v1 =	vld [tilespmem:s13+$0x30]  }
0x132: {  	v2 =	vld.idx.msk [tilespmem:v4+s3+$0x0], $0xffff  }
0x133: {  	s7 =	simm.s32 $0x4;
	v4 =	vld [tilespmem:s13+$0x20]  }
0x134: {  	v3 =	vmov s7  }
0x135: {  	v3 =	vand.u32 $0xFFFFFFFC, v3  }
0x136: {  	s9 =	simm.s32 $0x8;
	v3 =	vbroadcast v3, $0x0  }
.LBB2_12:
0x137: {  	p0 =	slt.u32 s9, $0x7C  }
0x138: {  	v1 =	vmul.f32 v1, v2;
	v4 =	vmul.f32 v4, v2;
	_ =	sdelay $0x1  }
0x139: {  	[tilespmem:s13+$0x20] =	vst v4  }
0x13a: {  	[tilespmem:s13+$0x30] =	vst v1  }
0x13b: {  	s13 =	sadd.s32 $0x80, s13;
	v1 =	vld.idx.msk [tilespmem:v3+s3+$0x0], $0xffff  }
0x13c: {  	s10 =	sadd.s32 $0x1, s7;
	v2 =	vld [tilespmem:s13+$0xFFFFFFC0]  }
0x13d: {  	v4 =	vmov s10;
	v3 =	vld [tilespmem:s13+$0xFFFFFFD0]  }
0x13e: {  	v4 =	vand.u32 $0xFFFFFFFD, v4  }
0x13f: {  	v4 =	vbroadcast v4, $0x0;
	_ =	sdelay $0x1  }
0x140: {  	v2 =	vmul.f32 v2, v1  }
0x141: {  	v1 =	vmul.f32 v3, v1  }
0x142: {  	[tilespmem:s13+$0xFFFFFFC0] =	vst v2  }
0x143: {  	[tilespmem:s13+$0xFFFFFFD0] =	vst v1  }
0x144: {  	v1 =	vld.idx.msk [tilespmem:v4+s3+$0x0], $0xffff  }
0x145: {  	s10 =	sadd.s32 $0x2, s7;
	v2 =	vld [tilespmem:s13+$0xFFFFFFE0]  }
0x146: {  	v4 =	vmov s10;
	v3 =	vld [tilespmem:s13+$0xFFFFFFF0]  }
0x147: {  	v4 =	vand.u32 $0xFFFFFFFE, v4  }
0x148: {  	v4 =	vbroadcast v4, $0x0;
	_ =	sdelay $0x1  }
0x149: {  	v2 =	vmul.f32 v2, v1  }
0x14a: {  	v1 =	vmul.f32 v3, v1  }
0x14b: {  	[tilespmem:s13+$0xFFFFFFE0] =	vst v2  }
0x14c: {  	[tilespmem:s13+$0xFFFFFFF0] =	vst v1;
	v1 =	vld [tilespmem:s13+$0x10]  }
0x14d: {  	v2 =	vld.idx.msk [tilespmem:v4+s3+$0x0], $0xffff  }
0x14e: {  	v3 =	vld [tilespmem:s13+$0x0];
	_ =	sdelay $0x2  }
0x14f: {  	s10 =	sadd.s32 $0x3, s7;
	s7 =	smov.u32 s9  }
0x150: {  	v4 =	vmov s10  }
0x151: {  	v1 =	vmul.f32 v1, v2;
	v3 =	vmul.f32 v3, v2;
	_ =	sdelay $0x1  }
0x152: {  	[tilespmem:s13+$0x10] =	vst v1  }
0x153: {  	[tilespmem:s13+$0x0] =	vst v3;
	v1 =	vld [tilespmem:s13+$0x30]  }
.Ltmp4:
0x154: {  	v2 =	vld.idx.msk [tilespmem:v4+s3+$0x0], $0xffff;
	(pc) =	sbr.rel @p0 .LBB2_12-.Ltmp4, $4  }
0x155: {  	v4 =	vld [tilespmem:s13+$0x20]  }
0x156: {  	v3 =	vmov s9  }
0x157: {  	v3 =	vand.u32 $0xFFFFFFFC, v3  }
0x158: {  	s9 =	sadd.s32 $0x4, s9;
	v3 =	vbroadcast v3, $0x0  }
0x159: {  	_ = 	snop  }
0x15a: {  	v1 =	vmul.f32 v1, v2  }
0x15b: {  	v4 =	vmul.f32 v4, v2  }
0x15c: {  	s9 =	sadd.s32 $0x80, s13;
	[tilespmem:s13+$0x30] =	vst v1  }
0x15d: {  	v2 =	vld [tilespmem:s9+$0xFFFFFFC0];
	[tilespmem:s13+$0x20] =	vst v4  }
0x15e: {  	s10 =	sadd.s32 $0x1, s7;
	v1 =	vld.idx.msk [tilespmem:v3+s3+$0x0], $0xffff  }
0x15f: {  	v61 =	vmov s10;
	v3 =	vld [tilespmem:s9+$0xFFFFFFD0]  }
0x160: {  	v4 =	vand.u32 $0xFFFFFFFD, v61  }
0x161: {  	v4 =	vbroadcast v4, $0x0;
	_ =	sdelay $0x1  }
0x162: {  	v2 =	vmul.f32 v2, v1  }
0x163: {  	v1 =	vmul.f32 v3, v1  }
0x164: {  	[tilespmem:s9+$0xFFFFFFC0] =	vst v2  }
0x165: {  	[tilespmem:s9+$0xFFFFFFD0] =	vst v1;
	v2 =	vld [tilespmem:s9+$0xFFFFFFE0]  }
0x166: {  	s13 =	sadd.s32 $0x2, s7;
	v1 =	vld.idx.msk [tilespmem:v4+s3+$0x0], $0xffff  }
0x167: {  	v62 =	vmov s13;
	v3 =	vld [tilespmem:s9+$0xFFFFFFF0]  }
0x168: {  	v4 =	vand.u32 $0xFFFFFFFE, v62  }
0x169: {  	v4 =	vbroadcast v4, $0x0;
	_ =	sdelay $0x1  }
0x16a: {  	v2 =	vmul.f32 v2, v1  }
0x16b: {  	v1 =	vmul.f32 v3, v1  }
0x16c: {  	[tilespmem:s9+$0xFFFFFFE0] =	vst v2  }
0x16d: {  	[tilespmem:s9+$0xFFFFFFF0] =	vst v1;
	v1 =	vld [tilespmem:s9+$0x10]  }
0x16e: {  	v2 =	vld.idx.msk [tilespmem:v4+s3+$0x0], $0xffff  }
0x16f: {  	v3 =	vld [tilespmem:s9+$0x0];
	_ =	sdelay $0x1  }
0x170: {  	s25 =	sadd.s32 $0x3, s7  }
0x171: {  	v63 =	vmov s25  }
0x172: {  	v1 =	vmul.f32 v1, v2  }
0x173: {  	v2 =	vmul.f32 v3, v2  }
0x174: {  	[tilespmem:s9+$0x10] =	vst v1  }
0x175: {  	[tilespmem:s9+$0x0] =	vst v2;
	v2 =	vld [tilespmem:s9+$0x20]  }
0x176: {  	v1 =	vld.idx.msk [tilespmem:v63+s3+$0x0], $0xffff  }
0x177: {  	v3 =	vld [tilespmem:s9+$0x30];
	_ =	sdelay $0x3  }
0x178: {  	v2 =	vmul.f32 v2, v1  }
0x179: {  	p0 =	seq.s32 s2, $0x8;
	v1 =	vmul.f32 v3, v1  }
.Ltmp5:
0x17a: {  	[tilespmem:s9+$0x20] =	vst v2;
	(pc) =	sbr.rel @p0 .LBB2_15-.Ltmp5, $4  }
0x17b: {  	[tilespmem:s9+$0x30] =	vst v1  }
0x17c: {  	_ =	swait.ge [sflag:s0], $0x1000  }
0x17d: {  	[sflag:s0] =	ssyncset.done $0x0  }
0x17e: {  	[sflag:s0] =	ssyncadd.s32 $0xFFFFF000  }
0x17f: {  	s3 =	sadd.s32 $0x200, s21  }
0x180: {  	[tilespmem:s19], [sflag:$0x2] =	stream.indirect.gather [hbm4b:s8+s23], $0x20, s3, s23, $0xb8;
	[tilespmem:$0x1E200] =	vst v63  }
0x181: {  	s22 =	sadd.s32 $0xE00, s22  }
0x182: {  	[spmem:s4] =	stream.indirect.scatter.add.f32 [tilespmem:s26], [sflag:$0x6], $0x20, s22, s23, $0xb8;
	[tilespmem:$0x1E200] =	vst v63  }
.Ltmp6:
0x183: {  	_ = 	snop;
	(pc) =	sbr.rel .LBB2_7-.Ltmp6, $4  }
0x184: {  	_ =	swait.ge [sflag:s15], $0x1000  }
0x185: {  	[sflag:s15] =	ssyncset.done $0x0  }
0x186: {  	s25 =	sadd.s32 $0x280, s21;
	s2 =	sadd.s32 $0x1, s2;
	[sflag:s15] =	ssyncadd.s32 $0xFFFFF000  }
0x187: {  	[tilespmem:s26], [sflag:$0x3] =	stream.indirect.gather [hbm4b:s8+s23], $0x20, s25, s23, $0xb8;
	[tilespmem:$0x1E200] =	vst v63  }
.LBB2_15:
0x188: {  	s2 =	simm.s32 $0x0;
	s21 =	simm.s32 $0x1B00  }
0x189: {  	v1 =	vmov s2;
	[spmem:s4] =	stream.indirect.scatter.add.f32 [tilespmem:s26], [sflag:$0x6], $0x20, s21, s23, $0xb8;
	[tilespmem:$0x1E200] =	vst v63  }
0x18a: {  	v1 =	vand.u32 $0xFFFFFFFC, v1;
	_ =	swait.ge [sflag:s15], $0x1000  }
0x18b: {  	v1 =	vbroadcast v1, $0x0;
	[sflag:s15] =	ssyncset.done $0x0  }
0x18c: {  	[sflag:s15] =	ssyncadd.s32 $0xFFFFF000  }
0x18d: {  	_ =	swait.ge [sflag:s28], $0x1000  }
0x18e: {  	[sflag:s28] =	ssyncset.done $0x0  }
0x18f: {  	s2 =	simm.s32 $0x2A40;
	[sflag:s28] =	ssyncadd.s32 $0xFFFFF000  }
0x190: {  	v2 =	vld [tilespmem:s2+$0xFFFFFFC0]  }
0x191: {  	s3 =	simm.s32 $0x1;
	v1 =	vld.idx.msk [tilespmem:v1+s6+$0x0], $0xffff  }
0x192: {  	v4 =	vmov s3;
	v3 =	vld [tilespmem:s2+$0xFFFFFFD0]  }
0x193: {  	v4 =	vand.u32 $0xFFFFFFFD, v4  }
0x194: {  	v4 =	vbroadcast v4, $0x0;
	_ =	sdelay $0x1  }
0x195: {  	v2 =	vmul.f32 v2, v1  }
0x196: {  	v1 =	vmul.f32 v3, v1  }
0x197: {  	[tilespmem:s2+$0xFFFFFFC0] =	vst v2  }
0x198: {  	[tilespmem:s2+$0xFFFFFFD0] =	vst v1;
	v2 =	vld [tilespmem:s2+$0xFFFFFFE0]  }
0x199: {  	s22 =	simm.s32 $0x2;
	v1 =	vld.idx.msk [tilespmem:v4+s6+$0x0], $0xffff  }
0x19a: {  	v3 =	vld [tilespmem:s2+$0xFFFFFFF0];
	v4 =	vmov s22  }
0x19b: {  	v4 =	vand.u32 $0xFFFFFFFE, v4  }
0x19c: {  	v4 =	vbroadcast v4, $0x0;
	_ =	sdelay $0x1  }
0x19d: {  	v2 =	vmul.f32 v2, v1  }
0x19e: {  	v1 =	vmul.f32 v3, v1  }
0x19f: {  	[tilespmem:s2+$0xFFFFFFE0] =	vst v2  }
0x1a0: {  	[tilespmem:s2+$0xFFFFFFF0] =	vst v1;
	v1 =	vld [tilespmem:s2+$0x10]  }
0x1a1: {  	v2 =	vld.idx.msk [tilespmem:v4+s6+$0x0], $0xffff  }
0x1a2: {  	v3 =	vld [tilespmem:s2+$0x0];
	_ =	sdelay $0x1  }
0x1a3: {  	s25 =	simm.s32 $0x3  }
0x1a4: {  	v4 =	vmov s25  }
0x1a5: {  	v1 =	vmul.f32 v1, v2  }
0x1a6: {  	v2 =	vmul.f32 v3, v2  }
0x1a7: {  	[tilespmem:s2+$0x10] =	vst v1  }
0x1a8: {  	[tilespmem:s2+$0x0] =	vst v2;
	v1 =	vld [tilespmem:s2+$0x30]  }
0x1a9: {  	v2 =	vld.idx.msk [tilespmem:v4+s6+$0x0], $0xffff  }
0x1aa: {  	s3 =	simm.s32 $0x4;
	v4 =	vld [tilespmem:s2+$0x20]  }
0x1ab: {  	v3 =	vmov s3  }
0x1ac: {  	v3 =	vand.u32 $0xFFFFFFFC, v3  }
0x1ad: {  	s7 =	simm.s32 $0x8;
	v3 =	vbroadcast v3, $0x0  }
.LBB2_16:
0x1ae: {  	p0 =	slt.u32 s7, $0x7C  }
0x1af: {  	v1 =	vmul.f32 v1, v2;
	v4 =	vmul.f32 v4, v2;
	_ =	sdelay $0x1  }
0x1b0: {  	[tilespmem:s2+$0x20] =	vst v4  }
0x1b1: {  	[tilespmem:s2+$0x30] =	vst v1  }
0x1b2: {  	s2 =	sadd.s32 $0x80, s2;
	v1 =	vld.idx.msk [tilespmem:v3+s6+$0x0], $0xffff  }
0x1b3: {  	s9 =	sadd.s32 $0x1, s3;
	v2 =	vld [tilespmem:s2+$0xFFFFFFC0]  }
0x1b4: {  	v4 =	vmov s9;
	v3 =	vld [tilespmem:s2+$0xFFFFFFD0]  }
0x1b5: {  	v4 =	vand.u32 $0xFFFFFFFD, v4  }
0x1b6: {  	v4 =	vbroadcast v4, $0x0;
	_ =	sdelay $0x1  }
0x1b7: {  	v2 =	vmul.f32 v2, v1  }
0x1b8: {  	v1 =	vmul.f32 v3, v1  }
0x1b9: {  	[tilespmem:s2+$0xFFFFFFC0] =	vst v2  }
0x1ba: {  	[tilespmem:s2+$0xFFFFFFD0] =	vst v1  }
0x1bb: {  	v1 =	vld.idx.msk [tilespmem:v4+s6+$0x0], $0xffff  }
0x1bc: {  	s9 =	sadd.s32 $0x2, s3;
	v2 =	vld [tilespmem:s2+$0xFFFFFFE0]  }
0x1bd: {  	v4 =	vmov s9;
	v3 =	vld [tilespmem:s2+$0xFFFFFFF0]  }
0x1be: {  	v4 =	vand.u32 $0xFFFFFFFE, v4  }
0x1bf: {  	v4 =	vbroadcast v4, $0x0;
	_ =	sdelay $0x1  }
0x1c0: {  	v2 =	vmul.f32 v2, v1  }
0x1c1: {  	v1 =	vmul.f32 v3, v1  }
0x1c2: {  	[tilespmem:s2+$0xFFFFFFE0] =	vst v2  }
0x1c3: {  	[tilespmem:s2+$0xFFFFFFF0] =	vst v1;
	v1 =	vld [tilespmem:s2+$0x10]  }
0x1c4: {  	v2 =	vld.idx.msk [tilespmem:v4+s6+$0x0], $0xffff  }
0x1c5: {  	v3 =	vld [tilespmem:s2+$0x0];
	_ =	sdelay $0x2  }
0x1c6: {  	s9 =	sadd.s32 $0x3, s3;
	s3 =	smov.u32 s7  }
0x1c7: {  	v4 =	vmov s9  }
0x1c8: {  	v1 =	vmul.f32 v1, v2;
	v3 =	vmul.f32 v3, v2;
	_ =	sdelay $0x1  }
0x1c9: {  	[tilespmem:s2+$0x10] =	vst v1  }
0x1ca: {  	[tilespmem:s2+$0x0] =	vst v3;
	v1 =	vld [tilespmem:s2+$0x30]  }
.Ltmp7:
0x1cb: {  	v2 =	vld.idx.msk [tilespmem:v4+s6+$0x0], $0xffff;
	(pc) =	sbr.rel @p0 .LBB2_16-.Ltmp7, $4  }
0x1cc: {  	v4 =	vld [tilespmem:s2+$0x20]  }
0x1cd: {  	v3 =	vmov s7  }
0x1ce: {  	v3 =	vand.u32 $0xFFFFFFFC, v3  }
0x1cf: {  	s7 =	sadd.s32 $0x4, s7;
	v3 =	vbroadcast v3, $0x0  }
0x1d0: {  	_ = 	snop  }
0x1d1: {  	v1 =	vmul.f32 v1, v2  }
0x1d2: {  	v4 =	vmul.f32 v4, v2  }
0x1d3: {  	s13 =	sadd.s32 $0x80, s2;
	[tilespmem:s2+$0x30] =	vst v1  }
0x1d4: {  	v2 =	vld [tilespmem:s13+$0xFFFFFFC0];
	[tilespmem:s2+$0x20] =	vst v4  }
0x1d5: {  	s7 =	sadd.s32 $0x1, s3;
	v1 =	vld.idx.msk [tilespmem:v3+s6+$0x0], $0xffff  }
0x1d6: {  	v61 =	vmov s7;
	v3 =	vld [tilespmem:s13+$0xFFFFFFD0]  }
0x1d7: {  	v4 =	vand.u32 $0xFFFFFFFD, v61  }
0x1d8: {  	v4 =	vbroadcast v4, $0x0;
	_ =	sdelay $0x1  }
0x1d9: {  	v2 =	vmul.f32 v2, v1  }
0x1da: {  	v1 =	vmul.f32 v3, v1  }
0x1db: {  	[tilespmem:s13+$0xFFFFFFC0] =	vst v2  }
0x1dc: {  	[tilespmem:s13+$0xFFFFFFD0] =	vst v1;
	v2 =	vld [tilespmem:s13+$0xFFFFFFE0]  }
0x1dd: {  	s21 =	sadd.s32 $0x2, s3;
	v1 =	vld.idx.msk [tilespmem:v4+s6+$0x0], $0xffff  }
0x1de: {  	v62 =	vmov s21;
	v3 =	vld [tilespmem:s13+$0xFFFFFFF0]  }
0x1df: {  	v4 =	vand.u32 $0xFFFFFFFE, v62  }
0x1e0: {  	v4 =	vbroadcast v4, $0x0;
	_ =	sdelay $0x1  }
0x1e1: {  	v2 =	vmul.f32 v2, v1  }
0x1e2: {  	v1 =	vmul.f32 v3, v1  }
0x1e3: {  	[tilespmem:s13+$0xFFFFFFE0] =	vst v2  }
0x1e4: {  	[tilespmem:s13+$0xFFFFFFF0] =	vst v1;
	v1 =	vld [tilespmem:s13+$0x10]  }
0x1e5: {  	v2 =	vld.idx.msk [tilespmem:v4+s6+$0x0], $0xffff  }
0x1e6: {  	v3 =	vld [tilespmem:s13+$0x0];
	_ =	sdelay $0x1  }
0x1e7: {  	s22 =	sadd.s32 $0x3, s3  }
0x1e8: {  	v63 =	vmov s22  }
0x1e9: {  	v1 =	vmul.f32 v1, v2  }
0x1ea: {  	v2 =	vmul.f32 v3, v2  }
0x1eb: {  	[tilespmem:s13+$0x10] =	vst v1  }
0x1ec: {  	[tilespmem:s13+$0x0] =	vst v2;
	v2 =	vld [tilespmem:s13+$0x20]  }
0x1ed: {  	v1 =	vld.idx.msk [tilespmem:v63+s6+$0x0], $0xffff  }
0x1ee: {  	v3 =	vld [tilespmem:s13+$0x30];
	_ =	sdelay $0x3  }
0x1ef: {  	v2 =	vmul.f32 v2, v1  }
0x1f0: {  	s1 =	sadd.s32 $0x1, s1;
	v1 =	vmul.f32 v3, v1  }
0x1f1: {  	p0 =	sne.s32 s1, $0xE;
	[tilespmem:s13+$0x20] =	vst v2  }
.Ltmp8:
0x1f2: {  	s25 =	simm.s32 $0x1B80;
	[tilespmem:s13+$0x30] =	vst v1;
	(pc) =	sbr.rel @p0 .LBB2_6-.Ltmp8, $4  }
0x1f3: {  	[spmem:s4] =	stream.indirect.scatter.add.f32 [tilespmem:s24], [sflag:$0x4], $0x20, s25, s23, $0xb8;
	[tilespmem:$0x1E200] =	vst v63  }
0x1f4: {  	_ =	swait.ge [sflag:s30], $0x1000  }
0x1f5: {  	[sflag:s30] =	ssyncset.done $0x0  }
0x1f6: {  	[sflag:s30] =	ssyncadd.s32 $0xFFFFF000  }
0x1f7: {  	[bflag:$0x0] =	sbarrier.arrive $0xFFFF;
	s1 =	simm.s32 $0x80;
	s2 =	simm.s32 $0x0  }
.LBB2_19:
0x1f8: {  	p0 =	sne.s32 s1, $0x3780;
	[tilespmem:s2+$0x3A00] =	vst v0;
	s3 =	smov.u32 s1;
	s1 =	sadd.s32 $0x80, s1  }
.Ltmp9:
0x1f9: {  	[tilespmem:s2+$0x3A10] =	vst v0;
	(pc) =	sbr.rel @p0 .LBB2_19-.Ltmp9, $2  }
0x1fa: {  	_ =	sdelay $0x2  }
0x1fb: {  	s2 =	sshra.s32 s3, $0x2  }
0x1fc: {  	[tilespmem:s2+$0x3A00] =	vst v0  }
0x1fd: {  	[tilespmem:s2+$0x3A10] =	vst v0  }
0x1fe: {  	[tilespmem:s24], [sflag:$0x7] =	stream.linear.gather [spmem:s16], $0xE00, $0x38;
	[tilespmem:$0x1E200] =	vst v63  }
0x1ff: {  	_ =	swait.ge [sflag:s20], $0xE00  }
0x200: {  	[sflag:s20] =	ssyncset.done $0x0  }
0x201: {  	s1 =	sadd.s32 $0x0, s17;
	[sflag:s20] =	ssyncadd.s32 $0xFFFFF200  }
0x202: {  	[hbm4b:s1+s5] =	stream.linear.scatter [tilespmem:s24], [sflag:$0x7], $0xE00, $0x38;
	[tilespmem:$0x1E200] =	vst v63  }
0x203: {  	_ =	swait.ge [sflag:s20], $0xE00  }
0x204: {  	[sflag:s20] =	ssyncset.done $0x0  }
0x205: {  	[sflag:s20] =	ssyncadd.s32 $0xFFFFF200  }
0x206: {  	[spmem:s16] =	stream.linear.scatter [tilespmem:s19], [sflag:$0x7], $0xE00, $0x38;
	[tilespmem:$0x1E200] =	vst v63  }
0x207: {  	_ =	swait.ge [sflag:s20], $0xE00  }
0x208: {  	s2 =	smov.u32 s16;
	s1 =	simm.s32 $0x1C0;
	[sflag:s20] =	ssyncset.done $0x0  }
.LBB2_21:
0x209: {  	p0 =	sne.s32 s1, $0x2F40;
	[sflag:s20] =	ssyncadd.s32 $0xFFFFF200;
	s2 =	sadd.s32 $0xE00, s2  }
0x20a: {  	[tilespmem:s24], [sflag:$0x7] =	stream.linear.gather [spmem:s2], $0xE00, $0x38;
	[tilespmem:$0x1E200] =	vst v63  }
0x20b: {  	s3 =	smov.u32 s1;
	s1 =	sadd.s32 $0x1C0, s1;
	_ =	swait.ge [sflag:s20], $0xE00  }
0x20c: {  	[sflag:s20] =	ssyncset.done $0x0  }
0x20d: {  	s3 =	sadd.s32 s3, s17;
	[sflag:s20] =	ssyncadd.s32 $0xFFFFF200  }
0x20e: {  	[hbm4b:s3+s5] =	stream.linear.scatter [tilespmem:s24], [sflag:$0x7], $0xE00, $0x38;
	[tilespmem:$0x1E200] =	vst v63  }
0x20f: {  	_ =	swait.ge [sflag:s20], $0xE00  }
.Ltmp10:
0x210: {  	[sflag:s20] =	ssyncset.done $0x0;
	(pc) =	sbr.rel @p0 .LBB2_21-.Ltmp10, $4  }
0x211: {  	[sflag:s20] =	ssyncadd.s32 $0xFFFFF200  }
0x212: {  	[spmem:s2] =	stream.linear.scatter [tilespmem:s19], [sflag:$0x7], $0xE00, $0x38;
	[tilespmem:$0x1E200] =	vst v63  }
0x213: {  	_ =	swait.ge [sflag:s20], $0xE00  }
0x214: {  	[sflag:s20] =	ssyncset.done $0x0  }
0x215: {  	[sflag:s20] =	ssyncadd.s32 $0xFFFFF200  }
0x216: {  	s14 =	simm.s32 $0x0;
	s1 =	simm.s32 $0x0;
	[bflag:$0x0] =	sbarrier.arrive $0xFFFF  }
.LBB2_23:
0x217: {  	s2 =	smul.u32 $0x1C, s1  }
0x218: {  	s3 =	rddreg [dreg:$0x6]  }
0x219: {  	s9 =	rddreg [dreg:$0x8];
	s2 =	sadd.s32 s3, s2  }
0x21a: {  	s3 =	sadd.s32 s9, s2  }
0x21b: {  	s7 =	rddreg [dreg:$0x1];
	s3 =	sshll.u32 s3, $0x4  }
0x21c: {  	s3 =	sadd.s32 s7, s3  }
0x21d: {  	[tilespmem:s14], [sflag:$0x7] =	stream.linear.gather [hbm4b:s3+s14], $0xE00, $0x38;
	[tilespmem:$0x1E200] =	vst v63  }
0x21e: {  	_ =	swait.ge [sflag:s20], $0xE00  }
0x21f: {  	[sflag:s20] =	ssyncset.done $0x0  }
0x220: {  	[sflag:s20] =	ssyncadd.s32 $0xFFFFF200  }
0x221: {  	s2 =	sshll.u32 s2, $0x4;
	s10 =	rddreg [dreg:$0x2]  }
0x222: {  	s13 =	simm.s32 $0xE00;
	s3 =	sadd.s32 s10, s2  }
0x223: {  	[tilespmem:s13], [sflag:$0x7] =	stream.linear.gather [hbm4b:s3+s14], $0xE00, $0x38;
	[tilespmem:$0x1E200] =	vst v63  }
0x224: {  	_ =	swait.ge [sflag:s20], $0xE00  }
0x225: {  	[sflag:s20] =	ssyncset.done $0x0;
	s21 =	rddreg [dreg:$0x7]  }
0x226: {  	s22 =	simm.s32 $0x1C00;
	[sflag:s20] =	ssyncadd.s32 $0xFFFFF200;
	s2 =	sadd.s32 s21, s2  }
0x227: {  	[tilespmem:s22], [sflag:$0x7] =	stream.linear.gather [hbm4b:s2+s14], $0xE00, $0x38;
	[tilespmem:$0x1E200] =	vst v63  }
0x228: {  	_ =	swait.ge [sflag:s20], $0xE00  }
0x229: {  	[sflag:s20] =	ssyncset.done $0x0  }
0x22a: {  	[sflag:s20] =	ssyncadd.s32 $0xFFFFF200  }
0x22b: {  	[tilespmem:s24], [sflag:$0x1] =	stream.indirect.gather [hbm4b:s11+s23], $0x20, s14, s23, $0xb8;
	[tilespmem:$0x1E200] =	vst v63  }
0x22c: {  	_ = 	snop  }
0x22d: {  	[tilespmem:s19], [sflag:$0x2] =	stream.indirect.gather [hbm4b:s11+s23], $0x20, s23, s23, $0xb8;
	[tilespmem:$0x1E200] =	vst v63  }
0x22e: {  	s25 =	simm.s32 $0x100;
	s2 =	simm.s32 $0x0  }
0x22f: {  	[tilespmem:s26], [sflag:$0x3] =	stream.indirect.gather [hbm4b:s11+s23], $0x20, s25, s23, $0xb8;
	[tilespmem:$0x1E200] =	vst v63  }
.LBB2_24:
0x230: {  	s3 =	simm.s32 $0x0  }
0x231: {  	v1 =	vmov s3  }
0x232: {  	v1 =	vand.u32 $0xFFFFFFFC, v1  }
0x233: {  	v1 =	vbroadcast v1, $0x0;
	_ =	sdelay $0x1  }
0x234: {  	s22 =	smul.u32 $0x600, s2;
	_ =	swait.ge [sflag:s28], $0x1000  }
0x235: {  	[sflag:s28] =	ssyncset.done $0x0  }
0x236: {  	s13 =	simm.s32 $0x2A40;
	s21 =	sshra.s32 s22, $0x2;
	[sflag:s28] =	ssyncadd.s32 $0xFFFFF000  }
0x237: {  	s3 =	sadd.s32 $0x1C00, s21;
	v2 =	vld [tilespmem:s13+$0xFFFFFFC0]  }
0x238: {  	s7 =	simm.s32 $0x1;
	v1 =	vld.idx.msk [tilespmem:v1+s3+$0x0], $0xffff  }
0x239: {  	v4 =	vmov s7;
	v3 =	vld [tilespmem:s13+$0xFFFFFFD0]  }
0x23a: {  	v4 =	vand.u32 $0xFFFFFFFD, v4  }
0x23b: {  	v4 =	vbroadcast v4, $0x0;
	_ =	sdelay $0x1  }
0x23c: {  	v2 =	vmul.f32 v2, v1  }
0x23d: {  	v1 =	vmul.f32 v3, v1  }
0x23e: {  	[tilespmem:s13+$0xFFFFFFC0] =	vst v2  }
0x23f: {  	[tilespmem:s13+$0xFFFFFFD0] =	vst v1;
	v2 =	vld [tilespmem:s13+$0xFFFFFFE0]  }
0x240: {  	s10 =	simm.s32 $0x2;
	v1 =	vld.idx.msk [tilespmem:v4+s3+$0x0], $0xffff  }
0x241: {  	v3 =	vld [tilespmem:s13+$0xFFFFFFF0];
	v4 =	vmov s10  }
0x242: {  	v4 =	vand.u32 $0xFFFFFFFE, v4  }
0x243: {  	v4 =	vbroadcast v4, $0x0;
	_ =	sdelay $0x1  }
0x244: {  	v2 =	vmul.f32 v2, v1  }
0x245: {  	v1 =	vmul.f32 v3, v1  }
0x246: {  	[tilespmem:s13+$0xFFFFFFE0] =	vst v2  }
0x247: {  	[tilespmem:s13+$0xFFFFFFF0] =	vst v1;
	v1 =	vld [tilespmem:s13+$0x10]  }
0x248: {  	v2 =	vld.idx.msk [tilespmem:v4+s3+$0x0], $0xffff  }
0x249: {  	v3 =	vld [tilespmem:s13+$0x0];
	_ =	sdelay $0x1  }
0x24a: {  	s25 =	simm.s32 $0x3  }
0x24b: {  	v4 =	vmov s25  }
0x24c: {  	v1 =	vmul.f32 v1, v2  }
0x24d: {  	v2 =	vmul.f32 v3, v2  }
0x24e: {  	[tilespmem:s13+$0x10] =	vst v1  }
0x24f: {  	[tilespmem:s13+$0x0] =	vst v2;
	v1 =	vld [tilespmem:s13+$0x30]  }
0x250: {  	v2 =	vld.idx.msk [tilespmem:v4+s3+$0x0], $0xffff  }
0x251: {  	s7 =	simm.s32 $0x4;
	v4 =	vld [tilespmem:s13+$0x20]  }
0x252: {  	v3 =	vmov s7  }
0x253: {  	v3 =	vand.u32 $0xFFFFFFFC, v3  }
0x254: {  	s9 =	simm.s32 $0x8;
	v3 =	vbroadcast v3, $0x0  }
.LBB2_25:
0x255: {  	p0 =	slt.u32 s9, $0x7C  }
0x256: {  	v1 =	vmul.f32 v1, v2;
	v4 =	vmul.f32 v4, v2;
	_ =	sdelay $0x1  }
0x257: {  	[tilespmem:s13+$0x20] =	vst v4  }
0x258: {  	[tilespmem:s13+$0x30] =	vst v1  }
0x259: {  	s13 =	sadd.s32 $0x80, s13;
	v1 =	vld.idx.msk [tilespmem:v3+s3+$0x0], $0xffff  }
0x25a: {  	s10 =	sadd.s32 $0x1, s7;
	v2 =	vld [tilespmem:s13+$0xFFFFFFC0]  }
0x25b: {  	v4 =	vmov s10;
	v3 =	vld [tilespmem:s13+$0xFFFFFFD0]  }
0x25c: {  	v4 =	vand.u32 $0xFFFFFFFD, v4  }
0x25d: {  	v4 =	vbroadcast v4, $0x0;
	_ =	sdelay $0x1  }
0x25e: {  	v2 =	vmul.f32 v2, v1  }
0x25f: {  	v1 =	vmul.f32 v3, v1  }
0x260: {  	[tilespmem:s13+$0xFFFFFFC0] =	vst v2  }
0x261: {  	[tilespmem:s13+$0xFFFFFFD0] =	vst v1  }
0x262: {  	v1 =	vld.idx.msk [tilespmem:v4+s3+$0x0], $0xffff  }
0x263: {  	s10 =	sadd.s32 $0x2, s7;
	v2 =	vld [tilespmem:s13+$0xFFFFFFE0]  }
0x264: {  	v4 =	vmov s10;
	v3 =	vld [tilespmem:s13+$0xFFFFFFF0]  }
0x265: {  	v4 =	vand.u32 $0xFFFFFFFE, v4  }
0x266: {  	v4 =	vbroadcast v4, $0x0;
	_ =	sdelay $0x1  }
0x267: {  	v2 =	vmul.f32 v2, v1  }
0x268: {  	v1 =	vmul.f32 v3, v1  }
0x269: {  	[tilespmem:s13+$0xFFFFFFE0] =	vst v2  }
0x26a: {  	[tilespmem:s13+$0xFFFFFFF0] =	vst v1;
	v1 =	vld [tilespmem:s13+$0x10]  }
0x26b: {  	v2 =	vld.idx.msk [tilespmem:v4+s3+$0x0], $0xffff  }
0x26c: {  	v3 =	vld [tilespmem:s13+$0x0];
	_ =	sdelay $0x2  }
0x26d: {  	s10 =	sadd.s32 $0x3, s7;
	s7 =	smov.u32 s9  }
0x26e: {  	v4 =	vmov s10  }
0x26f: {  	v1 =	vmul.f32 v1, v2;
	v3 =	vmul.f32 v3, v2;
	_ =	sdelay $0x1  }
0x270: {  	[tilespmem:s13+$0x10] =	vst v1  }
0x271: {  	[tilespmem:s13+$0x0] =	vst v3;
	v1 =	vld [tilespmem:s13+$0x30]  }
.Ltmp11:
0x272: {  	v2 =	vld.idx.msk [tilespmem:v4+s3+$0x0], $0xffff;
	(pc) =	sbr.rel @p0 .LBB2_25-.Ltmp11, $4  }
0x273: {  	v4 =	vld [tilespmem:s13+$0x20]  }
0x274: {  	v3 =	vmov s9  }
0x275: {  	v3 =	vand.u32 $0xFFFFFFFC, v3  }
0x276: {  	s9 =	sadd.s32 $0x4, s9;
	v3 =	vbroadcast v3, $0x0  }
0x277: {  	_ = 	snop  }
0x278: {  	v1 =	vmul.f32 v1, v2  }
0x279: {  	v4 =	vmul.f32 v4, v2  }
0x27a: {  	s9 =	sadd.s32 $0x80, s13;
	[tilespmem:s13+$0x30] =	vst v1  }
0x27b: {  	v2 =	vld [tilespmem:s9+$0xFFFFFFC0];
	[tilespmem:s13+$0x20] =	vst v4  }
0x27c: {  	s10 =	sadd.s32 $0x1, s7;
	v1 =	vld.idx.msk [tilespmem:v3+s3+$0x0], $0xffff  }
0x27d: {  	v4 =	vmov s10;
	v3 =	vld [tilespmem:s9+$0xFFFFFFD0]  }
0x27e: {  	v4 =	vand.u32 $0xFFFFFFFD, v4  }
0x27f: {  	v4 =	vbroadcast v4, $0x0;
	_ =	sdelay $0x1  }
0x280: {  	v2 =	vmul.f32 v2, v1  }
0x281: {  	v1 =	vmul.f32 v3, v1  }
0x282: {  	[tilespmem:s9+$0xFFFFFFC0] =	vst v2  }
0x283: {  	[tilespmem:s9+$0xFFFFFFD0] =	vst v1;
	v2 =	vld [tilespmem:s9+$0xFFFFFFE0]  }
0x284: {  	s25 =	sadd.s32 $0x2, s7;
	v1 =	vld.idx.msk [tilespmem:v4+s3+$0x0], $0xffff  }
0x285: {  	v3 =	vld [tilespmem:s9+$0xFFFFFFF0];
	v4 =	vmov s25  }
0x286: {  	v4 =	vand.u32 $0xFFFFFFFE, v4  }
0x287: {  	v4 =	vbroadcast v4, $0x0;
	_ =	sdelay $0x1  }
0x288: {  	v2 =	vmul.f32 v2, v1  }
0x289: {  	v1 =	vmul.f32 v3, v1  }
0x28a: {  	[tilespmem:s9+$0xFFFFFFE0] =	vst v2  }
0x28b: {  	[tilespmem:s9+$0xFFFFFFF0] =	vst v1;
	v1 =	vld [tilespmem:s9+$0x10]  }
0x28c: {  	v2 =	vld.idx.msk [tilespmem:v4+s3+$0x0], $0xffff  }
0x28d: {  	v3 =	vld [tilespmem:s9+$0x0];
	_ =	sdelay $0x1  }
0x28e: {  	s13 =	sadd.s32 $0x3, s7  }
0x28f: {  	v4 =	vmov s13  }
0x290: {  	v1 =	vmul.f32 v1, v2  }
0x291: {  	v2 =	vmul.f32 v3, v2  }
0x292: {  	[tilespmem:s9+$0x10] =	vst v1  }
0x293: {  	[tilespmem:s9+$0x0] =	vst v2;
	v2 =	vld [tilespmem:s9+$0x20]  }
0x294: {  	v1 =	vld.idx.msk [tilespmem:v4+s3+$0x0], $0xffff  }
0x295: {  	v3 =	vld [tilespmem:s9+$0x30];
	_ =	sdelay $0x2  }
0x296: {  	s25 =	simm.s32 $0x0  }
0x297: {  	v4 =	vmov s25;
	v2 =	vmul.f32 v2, v1  }
0x298: {  	v1 =	vmul.f32 v3, v1;
	v3 =	vand.u32 $0xFFFFFFFC, v4  }
0x299: {  	[tilespmem:s9+$0x20] =	vst v2;
	v2 =	vbroadcast v3, $0x0  }
0x29a: {  	s7 =	sadd.s32 $0xE00, s21;
	[tilespmem:s9+$0x30] =	vst v1  }
0x29b: {  	[spmem:s4] =	stream.indirect.scatter.add.f32 [tilespmem:s24], [sflag:$0x4], $0x20, s7, s23, $0xb8;
	[tilespmem:$0x1E200] =	vst v63  }
0x29c: {  	s9 =	sadd.s32 $0x200, s22;
	_ =	swait.ge [sflag:s29], $0x1000  }
0x29d: {  	s25 =	sshra.s32 s9, $0x2;
	[sflag:s29] =	ssyncset.done $0x0  }
0x29e: {  	s3 =	sadd.s32 $0x1C00, s25;
	[sflag:s29] =	ssyncadd.s32 $0xFFFFF000  }
0x29f: {  	s13 =	simm.s32 $0x3A40;
	v1 =	vld.idx.msk [tilespmem:v2+s3+$0x0], $0xffff  }
0x2a0: {  	s10 =	simm.s32 $0x1;
	v2 =	vld [tilespmem:s13+$0xFFFFFFC0]  }
0x2a1: {  	v4 =	vmov s10;
	v3 =	vld [tilespmem:s13+$0xFFFFFFD0]  }
0x2a2: {  	v4 =	vand.u32 $0xFFFFFFFD, v4  }
0x2a3: {  	v4 =	vbroadcast v4, $0x0;
	_ =	sdelay $0x1  }
0x2a4: {  	v2 =	vmul.f32 v2, v1  }
0x2a5: {  	v1 =	vmul.f32 v3, v1  }
0x2a6: {  	[tilespmem:s13+$0xFFFFFFC0] =	vst v2  }
0x2a7: {  	[tilespmem:s13+$0xFFFFFFD0] =	vst v1;
	v2 =	vld [tilespmem:s13+$0xFFFFFFE0]  }
0x2a8: {  	s9 =	simm.s32 $0x2;
	v1 =	vld.idx.msk [tilespmem:v4+s3+$0x0], $0xffff  }
0x2a9: {  	v3 =	vld [tilespmem:s13+$0xFFFFFFF0];
	v4 =	vmov s9  }
0x2aa: {  	v4 =	vand.u32 $0xFFFFFFFE, v4  }
0x2ab: {  	v4 =	vbroadcast v4, $0x0;
	_ =	sdelay $0x1  }
0x2ac: {  	v2 =	vmul.f32 v2, v1  }
0x2ad: {  	v1 =	vmul.f32 v3, v1  }
0x2ae: {  	[tilespmem:s13+$0xFFFFFFE0] =	vst v2  }
0x2af: {  	[tilespmem:s13+$0xFFFFFFF0] =	vst v1;
	v1 =	vld [tilespmem:s13+$0x10]  }
0x2b0: {  	v2 =	vld.idx.msk [tilespmem:v4+s3+$0x0], $0xffff  }
0x2b1: {  	v3 =	vld [tilespmem:s13+$0x0];
	_ =	sdelay $0x1  }
0x2b2: {  	s10 =	simm.s32 $0x3  }
0x2b3: {  	v4 =	vmov s10  }
0x2b4: {  	v1 =	vmul.f32 v1, v2  }
0x2b5: {  	v2 =	vmul.f32 v3, v2  }
0x2b6: {  	[tilespmem:s13+$0x10] =	vst v1  }
0x2b7: {  	[tilespmem:s13+$0x0] =	vst v2;
	v1 =	vld [tilespmem:s13+$0x30]  }
0x2b8: {  	v2 =	vld.idx.msk [tilespmem:v4+s3+$0x0], $0xffff  }
0x2b9: {  	s7 =	simm.s32 $0x4;
	v4 =	vld [tilespmem:s13+$0x20]  }
0x2ba: {  	v3 =	vmov s7  }
0x2bb: {  	v3 =	vand.u32 $0xFFFFFFFC, v3  }
0x2bc: {  	s9 =	simm.s32 $0x8;
	v3 =	vbroadcast v3, $0x0  }
.LBB2_27:
0x2bd: {  	p0 =	slt.u32 s9, $0x7C  }
0x2be: {  	v1 =	vmul.f32 v1, v2;
	v4 =	vmul.f32 v4, v2;
	_ =	sdelay $0x1  }
0x2bf: {  	[tilespmem:s13+$0x20] =	vst v4  }
0x2c0: {  	[tilespmem:s13+$0x30] =	vst v1  }
0x2c1: {  	s13 =	sadd.s32 $0x80, s13;
	v1 =	vld.idx.msk [tilespmem:v3+s3+$0x0], $0xffff  }
0x2c2: {  	s10 =	sadd.s32 $0x1, s7;
	v2 =	vld [tilespmem:s13+$0xFFFFFFC0]  }
0x2c3: {  	v4 =	vmov s10;
	v3 =	vld [tilespmem:s13+$0xFFFFFFD0]  }
0x2c4: {  	v4 =	vand.u32 $0xFFFFFFFD, v4  }
0x2c5: {  	v4 =	vbroadcast v4, $0x0;
	_ =	sdelay $0x1  }
0x2c6: {  	v2 =	vmul.f32 v2, v1  }
0x2c7: {  	v1 =	vmul.f32 v3, v1  }
0x2c8: {  	[tilespmem:s13+$0xFFFFFFC0] =	vst v2  }
0x2c9: {  	[tilespmem:s13+$0xFFFFFFD0] =	vst v1  }
0x2ca: {  	v1 =	vld.idx.msk [tilespmem:v4+s3+$0x0], $0xffff  }
0x2cb: {  	s10 =	sadd.s32 $0x2, s7;
	v2 =	vld [tilespmem:s13+$0xFFFFFFE0]  }
0x2cc: {  	v4 =	vmov s10;
	v3 =	vld [tilespmem:s13+$0xFFFFFFF0]  }
0x2cd: {  	v4 =	vand.u32 $0xFFFFFFFE, v4  }
0x2ce: {  	v4 =	vbroadcast v4, $0x0;
	_ =	sdelay $0x1  }
0x2cf: {  	v2 =	vmul.f32 v2, v1  }
0x2d0: {  	v1 =	vmul.f32 v3, v1  }
0x2d1: {  	[tilespmem:s13+$0xFFFFFFE0] =	vst v2  }
0x2d2: {  	[tilespmem:s13+$0xFFFFFFF0] =	vst v1;
	v1 =	vld [tilespmem:s13+$0x10]  }
0x2d3: {  	v2 =	vld.idx.msk [tilespmem:v4+s3+$0x0], $0xffff  }
0x2d4: {  	v3 =	vld [tilespmem:s13+$0x0];
	_ =	sdelay $0x2  }
0x2d5: {  	s10 =	sadd.s32 $0x3, s7;
	s7 =	smov.u32 s9  }
0x2d6: {  	v4 =	vmov s10  }
0x2d7: {  	v1 =	vmul.f32 v1, v2;
	v3 =	vmul.f32 v3, v2;
	_ =	sdelay $0x1  }
0x2d8: {  	[tilespmem:s13+$0x10] =	vst v1  }
0x2d9: {  	[tilespmem:s13+$0x0] =	vst v3;
	v1 =	vld [tilespmem:s13+$0x30]  }
.Ltmp12:
0x2da: {  	v2 =	vld.idx.msk [tilespmem:v4+s3+$0x0], $0xffff;
	(pc) =	sbr.rel @p0 .LBB2_27-.Ltmp12, $4  }
0x2db: {  	v4 =	vld [tilespmem:s13+$0x20]  }
0x2dc: {  	v3 =	vmov s9  }
0x2dd: {  	v3 =	vand.u32 $0xFFFFFFFC, v3  }
0x2de: {  	s9 =	sadd.s32 $0x4, s9;
	v3 =	vbroadcast v3, $0x0  }
0x2df: {  	_ = 	snop  }
0x2e0: {  	v1 =	vmul.f32 v1, v2  }
0x2e1: {  	v4 =	vmul.f32 v4, v2  }
0x2e2: {  	s9 =	sadd.s32 $0x80, s13;
	[tilespmem:s13+$0x30] =	vst v1  }
0x2e3: {  	v2 =	vld [tilespmem:s9+$0xFFFFFFC0];
	[tilespmem:s13+$0x20] =	vst v4  }
0x2e4: {  	s10 =	sadd.s32 $0x1, s7;
	v1 =	vld.idx.msk [tilespmem:v3+s3+$0x0], $0xffff  }
0x2e5: {  	v4 =	vmov s10;
	v3 =	vld [tilespmem:s9+$0xFFFFFFD0]  }
0x2e6: {  	v4 =	vand.u32 $0xFFFFFFFD, v4  }
0x2e7: {  	v4 =	vbroadcast v4, $0x0;
	_ =	sdelay $0x1  }
0x2e8: {  	v2 =	vmul.f32 v2, v1  }
0x2e9: {  	v1 =	vmul.f32 v3, v1  }
0x2ea: {  	[tilespmem:s9+$0xFFFFFFC0] =	vst v2  }
0x2eb: {  	[tilespmem:s9+$0xFFFFFFD0] =	vst v1;
	v2 =	vld [tilespmem:s9+$0xFFFFFFE0]  }
0x2ec: {  	s13 =	sadd.s32 $0x2, s7;
	v1 =	vld.idx.msk [tilespmem:v4+s3+$0x0], $0xffff  }
0x2ed: {  	v3 =	vld [tilespmem:s9+$0xFFFFFFF0];
	v4 =	vmov s13  }
0x2ee: {  	v4 =	vand.u32 $0xFFFFFFFE, v4  }
0x2ef: {  	v4 =	vbroadcast v4, $0x0;
	_ =	sdelay $0x1  }
0x2f0: {  	v2 =	vmul.f32 v2, v1  }
0x2f1: {  	v1 =	vmul.f32 v3, v1  }
0x2f2: {  	[tilespmem:s9+$0xFFFFFFE0] =	vst v2  }
0x2f3: {  	[tilespmem:s9+$0xFFFFFFF0] =	vst v1;
	v1 =	vld [tilespmem:s9+$0x10]  }
0x2f4: {  	v2 =	vld.idx.msk [tilespmem:v4+s3+$0x0], $0xffff  }
0x2f5: {  	v3 =	vld [tilespmem:s9+$0x0];
	_ =	sdelay $0x1  }
0x2f6: {  	s13 =	sadd.s32 $0x3, s7  }
0x2f7: {  	v4 =	vmov s13  }
0x2f8: {  	v1 =	vmul.f32 v1, v2  }
0x2f9: {  	v2 =	vmul.f32 v3, v2  }
0x2fa: {  	[tilespmem:s9+$0x10] =	vst v1  }
0x2fb: {  	[tilespmem:s9+$0x0] =	vst v2;
	v2 =	vld [tilespmem:s9+$0x20]  }
0x2fc: {  	v1 =	vld.idx.msk [tilespmem:v4+s3+$0x0], $0xffff  }
0x2fd: {  	v3 =	vld [tilespmem:s9+$0x30];
	_ =	sdelay $0x3  }
0x2fe: {  	v2 =	vmul.f32 v2, v1  }
0x2ff: {  	v1 =	vmul.f32 v3, v1  }
0x300: {  	[tilespmem:s9+$0x20] =	vst v2  }
0x301: {  	[tilespmem:s9+$0x30] =	vst v1  }
0x302: {  	s10 =	simm.s32 $0x0;
	_ =	swait.ge [sflag:s30], $0x1000  }
0x303: {  	v1 =	vmov s10;
	[sflag:s30] =	ssyncset.done $0x0  }
0x304: {  	s13 =	sadd.s32 $0x180, s21;
	v1 =	vand.u32 $0xFFFFFFFC, v1;
	[sflag:s30] =	ssyncadd.s32 $0xFFFFF000  }
0x305: {  	v1 =	vbroadcast v1, $0x0;
	[tilespmem:s24], [sflag:$0x1] =	stream.indirect.gather [hbm4b:s11+s23], $0x20, s13, s23, $0xb8;
	[tilespmem:$0x1E200] =	vst v63  }
0x306: {  	s25 =	sadd.s32 $0xE00, s25  }
0x307: {  	[spmem:s4] =	stream.indirect.scatter.add.f32 [tilespmem:s19], [sflag:$0x5], $0x20, s25, s23, $0xb8;
	[tilespmem:$0x1E200] =	vst v63  }
0x308: {  	s7 =	sadd.s32 $0x400, s22;
	_ =	swait.ge [sflag:s31], $0x1000  }
0x309: {  	s22 =	sshra.s32 s7, $0x2;
	[sflag:s31] =	ssyncset.done $0x0  }
0x30a: {  	s3 =	sadd.s32 $0x1C00, s22;
	[sflag:s31] =	ssyncadd.s32 $0xFFFFF000  }
0x30b: {  	s13 =	simm.s32 $0x4A40;
	v1 =	vld.idx.msk [tilespmem:v1+s3+$0x0], $0xffff  }
0x30c: {  	s9 =	simm.s32 $0x1;
	v2 =	vld [tilespmem:s13+$0xFFFFFFC0]  }
0x30d: {  	v4 =	vmov s9;
	v3 =	vld [tilespmem:s13+$0xFFFFFFD0]  }
0x30e: {  	v4 =	vand.u32 $0xFFFFFFFD, v4  }
0x30f: {  	v4 =	vbroadcast v4, $0x0;
	_ =	sdelay $0x1  }
0x310: {  	v2 =	vmul.f32 v2, v1  }
0x311: {  	v1 =	vmul.f32 v3, v1  }
0x312: {  	[tilespmem:s13+$0xFFFFFFC0] =	vst v2  }
0x313: {  	[tilespmem:s13+$0xFFFFFFD0] =	vst v1;
	v2 =	vld [tilespmem:s13+$0xFFFFFFE0]  }
0x314: {  	s10 =	simm.s32 $0x2;
	v1 =	vld.idx.msk [tilespmem:v4+s3+$0x0], $0xffff  }
0x315: {  	v3 =	vld [tilespmem:s13+$0xFFFFFFF0];
	v4 =	vmov s10  }
0x316: {  	v4 =	vand.u32 $0xFFFFFFFE, v4  }
0x317: {  	v4 =	vbroadcast v4, $0x0;
	_ =	sdelay $0x1  }
0x318: {  	v2 =	vmul.f32 v2, v1  }
0x319: {  	v1 =	vmul.f32 v3, v1  }
0x31a: {  	[tilespmem:s13+$0xFFFFFFE0] =	vst v2  }
0x31b: {  	[tilespmem:s13+$0xFFFFFFF0] =	vst v1;
	v1 =	vld [tilespmem:s13+$0x10]  }
0x31c: {  	v2 =	vld.idx.msk [tilespmem:v4+s3+$0x0], $0xffff  }
0x31d: {  	v3 =	vld [tilespmem:s13+$0x0];
	_ =	sdelay $0x1  }
0x31e: {  	s25 =	simm.s32 $0x3  }
0x31f: {  	v4 =	vmov s25  }
0x320: {  	v1 =	vmul.f32 v1, v2  }
0x321: {  	v2 =	vmul.f32 v3, v2  }
0x322: {  	[tilespmem:s13+$0x10] =	vst v1  }
0x323: {  	[tilespmem:s13+$0x0] =	vst v2;
	v1 =	vld [tilespmem:s13+$0x30]  }
0x324: {  	v2 =	vld.idx.msk [tilespmem:v4+s3+$0x0], $0xffff  }
0x325: {  	s7 =	simm.s32 $0x4;
	v4 =	vld [tilespmem:s13+$0x20]  }
0x326: {  	v3 =	vmov s7  }
0x327: {  	v3 =	vand.u32 $0xFFFFFFFC, v3  }
0x328: {  	s9 =	simm.s32 $0x8;
	v3 =	vbroadcast v3, $0x0  }
.LBB2_29:
0x329: {  	p0 =	slt.u32 s9, $0x7C  }
0x32a: {  	v1 =	vmul.f32 v1, v2;
	v4 =	vmul.f32 v4, v2;
	_ =	sdelay $0x1  }
0x32b: {  	[tilespmem:s13+$0x20] =	vst v4  }
0x32c: {  	[tilespmem:s13+$0x30] =	vst v1  }
0x32d: {  	s13 =	sadd.s32 $0x80, s13;
	v1 =	vld.idx.msk [tilespmem:v3+s3+$0x0], $0xffff  }
0x32e: {  	s10 =	sadd.s32 $0x1, s7;
	v2 =	vld [tilespmem:s13+$0xFFFFFFC0]  }
0x32f: {  	v4 =	vmov s10;
	v3 =	vld [tilespmem:s13+$0xFFFFFFD0]  }
0x330: {  	v4 =	vand.u32 $0xFFFFFFFD, v4  }
0x331: {  	v4 =	vbroadcast v4, $0x0;
	_ =	sdelay $0x1  }
0x332: {  	v2 =	vmul.f32 v2, v1  }
0x333: {  	v1 =	vmul.f32 v3, v1  }
0x334: {  	[tilespmem:s13+$0xFFFFFFC0] =	vst v2  }
0x335: {  	[tilespmem:s13+$0xFFFFFFD0] =	vst v1  }
0x336: {  	v1 =	vld.idx.msk [tilespmem:v4+s3+$0x0], $0xffff  }
0x337: {  	s10 =	sadd.s32 $0x2, s7;
	v2 =	vld [tilespmem:s13+$0xFFFFFFE0]  }
0x338: {  	v4 =	vmov s10;
	v3 =	vld [tilespmem:s13+$0xFFFFFFF0]  }
0x339: {  	v4 =	vand.u32 $0xFFFFFFFE, v4  }
0x33a: {  	v4 =	vbroadcast v4, $0x0;
	_ =	sdelay $0x1  }
0x33b: {  	v2 =	vmul.f32 v2, v1  }
0x33c: {  	v1 =	vmul.f32 v3, v1  }
0x33d: {  	[tilespmem:s13+$0xFFFFFFE0] =	vst v2  }
0x33e: {  	[tilespmem:s13+$0xFFFFFFF0] =	vst v1;
	v1 =	vld [tilespmem:s13+$0x10]  }
0x33f: {  	v2 =	vld.idx.msk [tilespmem:v4+s3+$0x0], $0xffff  }
0x340: {  	v3 =	vld [tilespmem:s13+$0x0];
	_ =	sdelay $0x2  }
0x341: {  	s10 =	sadd.s32 $0x3, s7;
	s7 =	smov.u32 s9  }
0x342: {  	v4 =	vmov s10  }
0x343: {  	v1 =	vmul.f32 v1, v2;
	v3 =	vmul.f32 v3, v2;
	_ =	sdelay $0x1  }
0x344: {  	[tilespmem:s13+$0x10] =	vst v1  }
0x345: {  	[tilespmem:s13+$0x0] =	vst v3;
	v1 =	vld [tilespmem:s13+$0x30]  }
.Ltmp13:
0x346: {  	v2 =	vld.idx.msk [tilespmem:v4+s3+$0x0], $0xffff;
	(pc) =	sbr.rel @p0 .LBB2_29-.Ltmp13, $4  }
0x347: {  	v4 =	vld [tilespmem:s13+$0x20]  }
0x348: {  	v3 =	vmov s9  }
0x349: {  	v3 =	vand.u32 $0xFFFFFFFC, v3  }
0x34a: {  	s9 =	sadd.s32 $0x4, s9;
	v3 =	vbroadcast v3, $0x0  }
0x34b: {  	_ = 	snop  }
0x34c: {  	v1 =	vmul.f32 v1, v2  }
0x34d: {  	v4 =	vmul.f32 v4, v2  }
0x34e: {  	s9 =	sadd.s32 $0x80, s13;
	[tilespmem:s13+$0x30] =	vst v1  }
0x34f: {  	v2 =	vld [tilespmem:s9+$0xFFFFFFC0];
	[tilespmem:s13+$0x20] =	vst v4  }
0x350: {  	s10 =	sadd.s32 $0x1, s7;
	v1 =	vld.idx.msk [tilespmem:v3+s3+$0x0], $0xffff  }
0x351: {  	v61 =	vmov s10;
	v3 =	vld [tilespmem:s9+$0xFFFFFFD0]  }
0x352: {  	v4 =	vand.u32 $0xFFFFFFFD, v61  }
0x353: {  	v4 =	vbroadcast v4, $0x0;
	_ =	sdelay $0x1  }
0x354: {  	v2 =	vmul.f32 v2, v1  }
0x355: {  	v1 =	vmul.f32 v3, v1  }
0x356: {  	[tilespmem:s9+$0xFFFFFFC0] =	vst v2  }
0x357: {  	[tilespmem:s9+$0xFFFFFFD0] =	vst v1;
	v2 =	vld [tilespmem:s9+$0xFFFFFFE0]  }
0x358: {  	s13 =	sadd.s32 $0x2, s7;
	v1 =	vld.idx.msk [tilespmem:v4+s3+$0x0], $0xffff  }
0x359: {  	v62 =	vmov s13;
	v3 =	vld [tilespmem:s9+$0xFFFFFFF0]  }
0x35a: {  	v4 =	vand.u32 $0xFFFFFFFE, v62  }
0x35b: {  	v4 =	vbroadcast v4, $0x0;
	_ =	sdelay $0x1  }
0x35c: {  	v2 =	vmul.f32 v2, v1  }
0x35d: {  	v1 =	vmul.f32 v3, v1  }
0x35e: {  	[tilespmem:s9+$0xFFFFFFE0] =	vst v2  }
0x35f: {  	[tilespmem:s9+$0xFFFFFFF0] =	vst v1;
	v1 =	vld [tilespmem:s9+$0x10]  }
0x360: {  	v2 =	vld.idx.msk [tilespmem:v4+s3+$0x0], $0xffff  }
0x361: {  	v3 =	vld [tilespmem:s9+$0x0];
	_ =	sdelay $0x1  }
0x362: {  	s25 =	sadd.s32 $0x3, s7  }
0x363: {  	v63 =	vmov s25  }
0x364: {  	v1 =	vmul.f32 v1, v2  }
0x365: {  	v2 =	vmul.f32 v3, v2  }
0x366: {  	[tilespmem:s9+$0x10] =	vst v1  }
0x367: {  	[tilespmem:s9+$0x0] =	vst v2;
	v2 =	vld [tilespmem:s9+$0x20]  }
0x368: {  	v1 =	vld.idx.msk [tilespmem:v63+s3+$0x0], $0xffff  }
0x369: {  	v3 =	vld [tilespmem:s9+$0x30];
	_ =	sdelay $0x3  }
0x36a: {  	v2 =	vmul.f32 v2, v1  }
0x36b: {  	p0 =	seq.s32 s2, $0x8;
	v1 =	vmul.f32 v3, v1  }
.Ltmp14:
0x36c: {  	[tilespmem:s9+$0x20] =	vst v2;
	(pc) =	sbr.rel @p0 .LBB2_32-.Ltmp14, $4  }
0x36d: {  	[tilespmem:s9+$0x30] =	vst v1  }
0x36e: {  	_ =	swait.ge [sflag:s0], $0x1000  }
0x36f: {  	[sflag:s0] =	ssyncset.done $0x0  }
0x370: {  	[sflag:s0] =	ssyncadd.s32 $0xFFFFF000  }
0x371: {  	s3 =	sadd.s32 $0x200, s21  }
0x372: {  	[tilespmem:s19], [sflag:$0x2] =	stream.indirect.gather [hbm4b:s11+s23], $0x20, s3, s23, $0xb8;
	[tilespmem:$0x1E200] =	vst v63  }
0x373: {  	s22 =	sadd.s32 $0xE00, s22  }
0x374: {  	[spmem:s4] =	stream.indirect.scatter.add.f32 [tilespmem:s26], [sflag:$0x6], $0x20, s22, s23, $0xb8;
	[tilespmem:$0x1E200] =	vst v63  }
.Ltmp15:
0x375: {  	_ = 	snop;
	(pc) =	sbr.rel .LBB2_24-.Ltmp15, $4  }
0x376: {  	_ =	swait.ge [sflag:s15], $0x1000  }
0x377: {  	[sflag:s15] =	ssyncset.done $0x0  }
0x378: {  	s25 =	sadd.s32 $0x280, s21;
	s2 =	sadd.s32 $0x1, s2;
	[sflag:s15] =	ssyncadd.s32 $0xFFFFF000  }
0x379: {  	[tilespmem:s26], [sflag:$0x3] =	stream.indirect.gather [hbm4b:s11+s23], $0x20, s25, s23, $0xb8;
	[tilespmem:$0x1E200] =	vst v63  }
.LBB2_32:
0x37a: {  	s2 =	simm.s32 $0x0;
	s21 =	simm.s32 $0x1B00  }
0x37b: {  	v1 =	vmov s2;
	[spmem:s4] =	stream.indirect.scatter.add.f32 [tilespmem:s26], [sflag:$0x6], $0x20, s21, s23, $0xb8;
	[tilespmem:$0x1E200] =	vst v63  }
0x37c: {  	v1 =	vand.u32 $0xFFFFFFFC, v1;
	_ =	swait.ge [sflag:s15], $0x1000  }
0x37d: {  	v1 =	vbroadcast v1, $0x0;
	[sflag:s15] =	ssyncset.done $0x0  }
0x37e: {  	[sflag:s15] =	ssyncadd.s32 $0xFFFFF000  }
0x37f: {  	_ =	swait.ge [sflag:s28], $0x1000  }
0x380: {  	[sflag:s28] =	ssyncset.done $0x0  }
0x381: {  	s2 =	simm.s32 $0x2A40;
	[sflag:s28] =	ssyncadd.s32 $0xFFFFF000  }
0x382: {  	v2 =	vld [tilespmem:s2+$0xFFFFFFC0]  }
0x383: {  	s3 =	simm.s32 $0x1;
	v1 =	vld.idx.msk [tilespmem:v1+s6+$0x0], $0xffff  }
0x384: {  	v4 =	vmov s3;
	v3 =	vld [tilespmem:s2+$0xFFFFFFD0]  }
0x385: {  	v4 =	vand.u32 $0xFFFFFFFD, v4  }
0x386: {  	v4 =	vbroadcast v4, $0x0;
	_ =	sdelay $0x1  }
0x387: {  	v2 =	vmul.f32 v2, v1  }
0x388: {  	v1 =	vmul.f32 v3, v1  }
0x389: {  	[tilespmem:s2+$0xFFFFFFC0] =	vst v2  }
0x38a: {  	[tilespmem:s2+$0xFFFFFFD0] =	vst v1;
	v2 =	vld [tilespmem:s2+$0xFFFFFFE0]  }
0x38b: {  	s22 =	simm.s32 $0x2;
	v1 =	vld.idx.msk [tilespmem:v4+s6+$0x0], $0xffff  }
0x38c: {  	v3 =	vld [tilespmem:s2+$0xFFFFFFF0];
	v4 =	vmov s22  }
0x38d: {  	v4 =	vand.u32 $0xFFFFFFFE, v4  }
0x38e: {  	v4 =	vbroadcast v4, $0x0;
	_ =	sdelay $0x1  }
0x38f: {  	v2 =	vmul.f32 v2, v1  }
0x390: {  	v1 =	vmul.f32 v3, v1  }
0x391: {  	[tilespmem:s2+$0xFFFFFFE0] =	vst v2  }
0x392: {  	[tilespmem:s2+$0xFFFFFFF0] =	vst v1;
	v1 =	vld [tilespmem:s2+$0x10]  }
0x393: {  	v2 =	vld.idx.msk [tilespmem:v4+s6+$0x0], $0xffff  }
0x394: {  	v3 =	vld [tilespmem:s2+$0x0];
	_ =	sdelay $0x1  }
0x395: {  	s25 =	simm.s32 $0x3  }
0x396: {  	v4 =	vmov s25  }
0x397: {  	v1 =	vmul.f32 v1, v2  }
0x398: {  	v2 =	vmul.f32 v3, v2  }
0x399: {  	[tilespmem:s2+$0x10] =	vst v1  }
0x39a: {  	[tilespmem:s2+$0x0] =	vst v2;
	v1 =	vld [tilespmem:s2+$0x30]  }
0x39b: {  	v2 =	vld.idx.msk [tilespmem:v4+s6+$0x0], $0xffff  }
0x39c: {  	s3 =	simm.s32 $0x4;
	v4 =	vld [tilespmem:s2+$0x20]  }
0x39d: {  	v3 =	vmov s3  }
0x39e: {  	v3 =	vand.u32 $0xFFFFFFFC, v3  }
0x39f: {  	s7 =	simm.s32 $0x8;
	v3 =	vbroadcast v3, $0x0  }
.LBB2_33:
0x3a0: {  	p0 =	slt.u32 s7, $0x7C  }
0x3a1: {  	v1 =	vmul.f32 v1, v2;
	v4 =	vmul.f32 v4, v2;
	_ =	sdelay $0x1  }
0x3a2: {  	[tilespmem:s2+$0x20] =	vst v4  }
0x3a3: {  	[tilespmem:s2+$0x30] =	vst v1  }
0x3a4: {  	s2 =	sadd.s32 $0x80, s2;
	v1 =	vld.idx.msk [tilespmem:v3+s6+$0x0], $0xffff  }
0x3a5: {  	s9 =	sadd.s32 $0x1, s3;
	v2 =	vld [tilespmem:s2+$0xFFFFFFC0]  }
0x3a6: {  	v4 =	vmov s9;
	v3 =	vld [tilespmem:s2+$0xFFFFFFD0]  }
0x3a7: {  	v4 =	vand.u32 $0xFFFFFFFD, v4  }
0x3a8: {  	v4 =	vbroadcast v4, $0x0;
	_ =	sdelay $0x1  }
0x3a9: {  	v2 =	vmul.f32 v2, v1  }
0x3aa: {  	v1 =	vmul.f32 v3, v1  }
0x3ab: {  	[tilespmem:s2+$0xFFFFFFC0] =	vst v2  }
0x3ac: {  	[tilespmem:s2+$0xFFFFFFD0] =	vst v1  }
0x3ad: {  	v1 =	vld.idx.msk [tilespmem:v4+s6+$0x0], $0xffff  }
0x3ae: {  	s9 =	sadd.s32 $0x2, s3;
	v2 =	vld [tilespmem:s2+$0xFFFFFFE0]  }
0x3af: {  	v4 =	vmov s9;
	v3 =	vld [tilespmem:s2+$0xFFFFFFF0]  }
0x3b0: {  	v4 =	vand.u32 $0xFFFFFFFE, v4  }
0x3b1: {  	v4 =	vbroadcast v4, $0x0;
	_ =	sdelay $0x1  }
0x3b2: {  	v2 =	vmul.f32 v2, v1  }
0x3b3: {  	v1 =	vmul.f32 v3, v1  }
0x3b4: {  	[tilespmem:s2+$0xFFFFFFE0] =	vst v2  }
0x3b5: {  	[tilespmem:s2+$0xFFFFFFF0] =	vst v1;
	v1 =	vld [tilespmem:s2+$0x10]  }
0x3b6: {  	v2 =	vld.idx.msk [tilespmem:v4+s6+$0x0], $0xffff  }
0x3b7: {  	v3 =	vld [tilespmem:s2+$0x0];
	_ =	sdelay $0x2  }
0x3b8: {  	s9 =	sadd.s32 $0x3, s3;
	s3 =	smov.u32 s7  }
0x3b9: {  	v4 =	vmov s9  }
0x3ba: {  	v1 =	vmul.f32 v1, v2;
	v3 =	vmul.f32 v3, v2;
	_ =	sdelay $0x1  }
0x3bb: {  	[tilespmem:s2+$0x10] =	vst v1  }
0x3bc: {  	[tilespmem:s2+$0x0] =	vst v3;
	v1 =	vld [tilespmem:s2+$0x30]  }
.Ltmp16:
0x3bd: {  	v2 =	vld.idx.msk [tilespmem:v4+s6+$0x0], $0xffff;
	(pc) =	sbr.rel @p0 .LBB2_33-.Ltmp16, $4  }
0x3be: {  	v4 =	vld [tilespmem:s2+$0x20]  }
0x3bf: {  	v3 =	vmov s7  }
0x3c0: {  	v3 =	vand.u32 $0xFFFFFFFC, v3  }
0x3c1: {  	s7 =	sadd.s32 $0x4, s7;
	v3 =	vbroadcast v3, $0x0  }
0x3c2: {  	_ = 	snop  }
0x3c3: {  	v1 =	vmul.f32 v1, v2  }
0x3c4: {  	v4 =	vmul.f32 v4, v2  }
0x3c5: {  	s13 =	sadd.s32 $0x80, s2;
	[tilespmem:s2+$0x30] =	vst v1  }
0x3c6: {  	v2 =	vld [tilespmem:s13+$0xFFFFFFC0];
	[tilespmem:s2+$0x20] =	vst v4  }
0x3c7: {  	s7 =	sadd.s32 $0x1, s3;
	v1 =	vld.idx.msk [tilespmem:v3+s6+$0x0], $0xffff  }
0x3c8: {  	v61 =	vmov s7;
	v3 =	vld [tilespmem:s13+$0xFFFFFFD0]  }
0x3c9: {  	v4 =	vand.u32 $0xFFFFFFFD, v61  }
0x3ca: {  	v4 =	vbroadcast v4, $0x0;
	_ =	sdelay $0x1  }
0x3cb: {  	v2 =	vmul.f32 v2, v1  }
0x3cc: {  	v1 =	vmul.f32 v3, v1  }
0x3cd: {  	[tilespmem:s13+$0xFFFFFFC0] =	vst v2  }
0x3ce: {  	[tilespmem:s13+$0xFFFFFFD0] =	vst v1;
	v2 =	vld [tilespmem:s13+$0xFFFFFFE0]  }
0x3cf: {  	s21 =	sadd.s32 $0x2, s3;
	v1 =	vld.idx.msk [tilespmem:v4+s6+$0x0], $0xffff  }
0x3d0: {  	v62 =	vmov s21;
	v3 =	vld [tilespmem:s13+$0xFFFFFFF0]  }
0x3d1: {  	v4 =	vand.u32 $0xFFFFFFFE, v62  }
0x3d2: {  	v4 =	vbroadcast v4, $0x0;
	_ =	sdelay $0x1  }
0x3d3: {  	v2 =	vmul.f32 v2, v1  }
0x3d4: {  	v1 =	vmul.f32 v3, v1  }
0x3d5: {  	[tilespmem:s13+$0xFFFFFFE0] =	vst v2  }
0x3d6: {  	[tilespmem:s13+$0xFFFFFFF0] =	vst v1;
	v1 =	vld [tilespmem:s13+$0x10]  }
0x3d7: {  	v2 =	vld.idx.msk [tilespmem:v4+s6+$0x0], $0xffff  }
0x3d8: {  	v3 =	vld [tilespmem:s13+$0x0];
	_ =	sdelay $0x1  }
0x3d9: {  	s22 =	sadd.s32 $0x3, s3  }
0x3da: {  	v63 =	vmov s22  }
0x3db: {  	v1 =	vmul.f32 v1, v2  }
0x3dc: {  	v2 =	vmul.f32 v3, v2  }
0x3dd: {  	[tilespmem:s13+$0x10] =	vst v1  }
0x3de: {  	[tilespmem:s13+$0x0] =	vst v2;
	v2 =	vld [tilespmem:s13+$0x20]  }
0x3df: {  	v1 =	vld.idx.msk [tilespmem:v63+s6+$0x0], $0xffff  }
0x3e0: {  	v3 =	vld [tilespmem:s13+$0x30];
	_ =	sdelay $0x3  }
0x3e1: {  	v2 =	vmul.f32 v2, v1  }
0x3e2: {  	s1 =	sadd.s32 $0x1, s1;
	v1 =	vmul.f32 v3, v1  }
0x3e3: {  	p0 =	sne.s32 s1, $0xE;
	[tilespmem:s13+$0x20] =	vst v2  }
.Ltmp17:
0x3e4: {  	s25 =	simm.s32 $0x1B80;
	[tilespmem:s13+$0x30] =	vst v1;
	(pc) =	sbr.rel @p0 .LBB2_23-.Ltmp17, $4  }
0x3e5: {  	[spmem:s4] =	stream.indirect.scatter.add.f32 [tilespmem:s24], [sflag:$0x4], $0x20, s25, s23, $0xb8;
	[tilespmem:$0x1E200] =	vst v63  }
0x3e6: {  	_ =	swait.ge [sflag:s30], $0x1000  }
0x3e7: {  	[sflag:s30] =	ssyncset.done $0x0  }
0x3e8: {  	[sflag:s30] =	ssyncadd.s32 $0xFFFFF000  }
0x3e9: {  	[bflag:$0x0] =	sbarrier.arrive $0xFFFF;
	s1 =	simm.s32 $0x80;
	s2 =	simm.s32 $0x0  }
.LBB2_36:
0x3ea: {  	p0 =	sne.s32 s1, $0x3780;
	[tilespmem:s2+$0x3A00] =	vst v0;
	s3 =	smov.u32 s1;
	s1 =	sadd.s32 $0x80, s1  }
.Ltmp18:
0x3eb: {  	[tilespmem:s2+$0x3A10] =	vst v0;
	(pc) =	sbr.rel @p0 .LBB2_36-.Ltmp18, $2  }
0x3ec: {  	_ =	sdelay $0x2  }
0x3ed: {  	s2 =	sshra.s32 s3, $0x2  }
0x3ee: {  	[tilespmem:s2+$0x3A00] =	vst v0  }
0x3ef: {  	[tilespmem:s2+$0x3A10] =	vst v0  }
0x3f0: {  	[tilespmem:s24], [sflag:$0x7] =	stream.linear.gather [spmem:s16], $0xE00, $0x38;
	[tilespmem:$0x1E200] =	vst v63  }
0x3f1: {  	_ =	swait.ge [sflag:s20], $0xE00  }
0x3f2: {  	[sflag:s20] =	ssyncset.done $0x0  }
0x3f3: {  	s1 =	sadd.s32 $0x0, s18;
	[sflag:s20] =	ssyncadd.s32 $0xFFFFF200  }
0x3f4: {  	[hbm4b:s1+s5] =	stream.linear.scatter [tilespmem:s24], [sflag:$0x7], $0xE00, $0x38;
	[tilespmem:$0x1E200] =	vst v63  }
0x3f5: {  	_ =	swait.ge [sflag:s20], $0xE00  }
0x3f6: {  	[sflag:s20] =	ssyncset.done $0x0  }
0x3f7: {  	[sflag:s20] =	ssyncadd.s32 $0xFFFFF200  }
0x3f8: {  	[spmem:s16] =	stream.linear.scatter [tilespmem:s19], [sflag:$0x7], $0xE00, $0x38;
	[tilespmem:$0x1E200] =	vst v63  }
0x3f9: {  	_ =	swait.ge [sflag:s20], $0xE00  }
0x3fa: {  	s2 =	smov.u32 s16;
	s1 =	simm.s32 $0x1C0;
	[sflag:s20] =	ssyncset.done $0x0  }
.LBB2_38:
0x3fb: {  	p0 =	sne.s32 s1, $0x2F40;
	[sflag:s20] =	ssyncadd.s32 $0xFFFFF200;
	s2 =	sadd.s32 $0xE00, s2  }
0x3fc: {  	[tilespmem:s24], [sflag:$0x7] =	stream.linear.gather [spmem:s2], $0xE00, $0x38;
	[tilespmem:$0x1E200] =	vst v63  }
0x3fd: {  	s3 =	smov.u32 s1;
	s1 =	sadd.s32 $0x1C0, s1;
	_ =	swait.ge [sflag:s20], $0xE00  }
0x3fe: {  	[sflag:s20] =	ssyncset.done $0x0  }
0x3ff: {  	s3 =	sadd.s32 s3, s18;
	[sflag:s20] =	ssyncadd.s32 $0xFFFFF200  }
0x400: {  	[hbm4b:s3+s5] =	stream.linear.scatter [tilespmem:s24], [sflag:$0x7], $0xE00, $0x38;
	[tilespmem:$0x1E200] =	vst v63  }
0x401: {  	_ =	swait.ge [sflag:s20], $0xE00  }
.Ltmp19:
0x402: {  	[sflag:s20] =	ssyncset.done $0x0;
	(pc) =	sbr.rel @p0 .LBB2_38-.Ltmp19, $4  }
0x403: {  	[sflag:s20] =	ssyncadd.s32 $0xFFFFF200  }
0x404: {  	[spmem:s2] =	stream.linear.scatter [tilespmem:s19], [sflag:$0x7], $0xE00, $0x38;
	[tilespmem:$0x1E200] =	vst v63  }
0x405: {  	_ =	swait.ge [sflag:s20], $0xE00  }
0x406: {  	[sflag:s20] =	ssyncset.done $0x0  }
0x407: {  	[sflag:s20] =	ssyncadd.s32 $0xFFFFF200  }
0x408: {  	s14 =	simm.s32 $0x0;
	s1 =	simm.s32 $0x0;
	[bflag:$0x0] =	sbarrier.arrive $0xFFFF  }
.LBB2_40:
0x409: {  	s2 =	smul.u32 $0x1C, s1  }
0x40a: {  	s3 =	rddreg [dreg:$0x6]  }
0x40b: {  	s9 =	rddreg [dreg:$0x8];
	s2 =	sadd.s32 s3, s2  }
0x40c: {  	s3 =	sadd.s32 s9, s2  }
0x40d: {  	s7 =	rddreg [dreg:$0x1];
	s3 =	sshll.u32 s3, $0x4  }
0x40e: {  	s3 =	sadd.s32 s7, s3  }
0x40f: {  	[tilespmem:s14], [sflag:$0x7] =	stream.linear.gather [hbm4b:s3+s14], $0xE00, $0x38;
	[tilespmem:$0x1E200] =	vst v63  }
0x410: {  	_ =	swait.ge [sflag:s20], $0xE00  }
0x411: {  	[sflag:s20] =	ssyncset.done $0x0  }
0x412: {  	[sflag:s20] =	ssyncadd.s32 $0xFFFFF200  }
0x413: {  	s2 =	sshll.u32 s2, $0x4;
	s10 =	rddreg [dreg:$0x2]  }
0x414: {  	s13 =	simm.s32 $0xE00;
	s3 =	sadd.s32 s10, s2  }
0x415: {  	[tilespmem:s13], [sflag:$0x7] =	stream.linear.gather [hbm4b:s3+s14], $0xE00, $0x38;
	[tilespmem:$0x1E200] =	vst v63  }
0x416: {  	_ =	swait.ge [sflag:s20], $0xE00  }
0x417: {  	[sflag:s20] =	ssyncset.done $0x0;
	s21 =	rddreg [dreg:$0x7]  }
0x418: {  	s22 =	simm.s32 $0x1C00;
	[sflag:s20] =	ssyncadd.s32 $0xFFFFF200;
	s2 =	sadd.s32 s21, s2  }
0x419: {  	[tilespmem:s22], [sflag:$0x7] =	stream.linear.gather [hbm4b:s2+s14], $0xE00, $0x38;
	[tilespmem:$0x1E200] =	vst v63  }
0x41a: {  	_ =	swait.ge [sflag:s20], $0xE00  }
0x41b: {  	[sflag:s20] =	ssyncset.done $0x0  }
0x41c: {  	[sflag:s20] =	ssyncadd.s32 $0xFFFFF200  }
0x41d: {  	[tilespmem:s24], [sflag:$0x1] =	stream.indirect.gather [hbm4b:s12+s23], $0x20, s14, s23, $0xb8;
	[tilespmem:$0x1E200] =	vst v63  }
0x41e: {  	_ = 	snop  }
0x41f: {  	[tilespmem:s19], [sflag:$0x2] =	stream.indirect.gather [hbm4b:s12+s23], $0x20, s23, s23, $0xb8;
	[tilespmem:$0x1E200] =	vst v63  }
0x420: {  	s25 =	simm.s32 $0x100;
	s2 =	simm.s32 $0x0  }
0x421: {  	[tilespmem:s26], [sflag:$0x3] =	stream.indirect.gather [hbm4b:s12+s23], $0x20, s25, s23, $0xb8;
	[tilespmem:$0x1E200] =	vst v63  }
.LBB2_41:
0x422: {  	s3 =	simm.s32 $0x0  }
0x423: {  	v1 =	vmov s3  }
0x424: {  	v1 =	vand.u32 $0xFFFFFFFC, v1  }
0x425: {  	v1 =	vbroadcast v1, $0x0;
	_ =	sdelay $0x1  }
0x426: {  	s22 =	smul.u32 $0x600, s2;
	_ =	swait.ge [sflag:s28], $0x1000  }
0x427: {  	[sflag:s28] =	ssyncset.done $0x0  }
0x428: {  	s13 =	simm.s32 $0x2A40;
	s21 =	sshra.s32 s22, $0x2;
	[sflag:s28] =	ssyncadd.s32 $0xFFFFF000  }
0x429: {  	s3 =	sadd.s32 $0x1C00, s21;
	v2 =	vld [tilespmem:s13+$0xFFFFFFC0]  }
0x42a: {  	s7 =	simm.s32 $0x1;
	v1 =	vld.idx.msk [tilespmem:v1+s3+$0x0], $0xffff  }
0x42b: {  	v4 =	vmov s7;
	v3 =	vld [tilespmem:s13+$0xFFFFFFD0]  }
0x42c: {  	v4 =	vand.u32 $0xFFFFFFFD, v4  }
0x42d: {  	v4 =	vbroadcast v4, $0x0;
	_ =	sdelay $0x1  }
0x42e: {  	v2 =	vmul.f32 v2, v1  }
0x42f: {  	v1 =	vmul.f32 v3, v1  }
0x430: {  	[tilespmem:s13+$0xFFFFFFC0] =	vst v2  }
0x431: {  	[tilespmem:s13+$0xFFFFFFD0] =	vst v1;
	v2 =	vld [tilespmem:s13+$0xFFFFFFE0]  }
0x432: {  	s10 =	simm.s32 $0x2;
	v1 =	vld.idx.msk [tilespmem:v4+s3+$0x0], $0xffff  }
0x433: {  	v3 =	vld [tilespmem:s13+$0xFFFFFFF0];
	v4 =	vmov s10  }
0x434: {  	v4 =	vand.u32 $0xFFFFFFFE, v4  }
0x435: {  	v4 =	vbroadcast v4, $0x0;
	_ =	sdelay $0x1  }
0x436: {  	v2 =	vmul.f32 v2, v1  }
0x437: {  	v1 =	vmul.f32 v3, v1  }
0x438: {  	[tilespmem:s13+$0xFFFFFFE0] =	vst v2  }
0x439: {  	[tilespmem:s13+$0xFFFFFFF0] =	vst v1;
	v1 =	vld [tilespmem:s13+$0x10]  }
0x43a: {  	v2 =	vld.idx.msk [tilespmem:v4+s3+$0x0], $0xffff  }
0x43b: {  	v3 =	vld [tilespmem:s13+$0x0];
	_ =	sdelay $0x1  }
0x43c: {  	s25 =	simm.s32 $0x3  }
0x43d: {  	v4 =	vmov s25  }
0x43e: {  	v1 =	vmul.f32 v1, v2  }
0x43f: {  	v2 =	vmul.f32 v3, v2  }
0x440: {  	[tilespmem:s13+$0x10] =	vst v1  }
0x441: {  	[tilespmem:s13+$0x0] =	vst v2;
	v1 =	vld [tilespmem:s13+$0x30]  }
0x442: {  	v2 =	vld.idx.msk [tilespmem:v4+s3+$0x0], $0xffff  }
0x443: {  	s7 =	simm.s32 $0x4;
	v4 =	vld [tilespmem:s13+$0x20]  }
0x444: {  	v3 =	vmov s7  }
0x445: {  	v3 =	vand.u32 $0xFFFFFFFC, v3  }
0x446: {  	s9 =	simm.s32 $0x8;
	v3 =	vbroadcast v3, $0x0  }
.LBB2_42:
0x447: {  	p0 =	slt.u32 s9, $0x7C  }
0x448: {  	v1 =	vmul.f32 v1, v2;
	v4 =	vmul.f32 v4, v2;
	_ =	sdelay $0x1  }
0x449: {  	[tilespmem:s13+$0x20] =	vst v4  }
0x44a: {  	[tilespmem:s13+$0x30] =	vst v1  }
0x44b: {  	s13 =	sadd.s32 $0x80, s13;
	v1 =	vld.idx.msk [tilespmem:v3+s3+$0x0], $0xffff  }
0x44c: {  	s10 =	sadd.s32 $0x1, s7;
	v2 =	vld [tilespmem:s13+$0xFFFFFFC0]  }
0x44d: {  	v4 =	vmov s10;
	v3 =	vld [tilespmem:s13+$0xFFFFFFD0]  }
0x44e: {  	v4 =	vand.u32 $0xFFFFFFFD, v4  }
0x44f: {  	v4 =	vbroadcast v4, $0x0;
	_ =	sdelay $0x1  }
0x450: {  	v2 =	vmul.f32 v2, v1  }
0x451: {  	v1 =	vmul.f32 v3, v1  }
0x452: {  	[tilespmem:s13+$0xFFFFFFC0] =	vst v2  }
0x453: {  	[tilespmem:s13+$0xFFFFFFD0] =	vst v1  }
0x454: {  	v1 =	vld.idx.msk [tilespmem:v4+s3+$0x0], $0xffff  }
0x455: {  	s10 =	sadd.s32 $0x2, s7;
	v2 =	vld [tilespmem:s13+$0xFFFFFFE0]  }
0x456: {  	v4 =	vmov s10;
	v3 =	vld [tilespmem:s13+$0xFFFFFFF0]  }
0x457: {  	v4 =	vand.u32 $0xFFFFFFFE, v4  }
0x458: {  	v4 =	vbroadcast v4, $0x0;
	_ =	sdelay $0x1  }
0x459: {  	v2 =	vmul.f32 v2, v1  }
0x45a: {  	v1 =	vmul.f32 v3, v1  }
0x45b: {  	[tilespmem:s13+$0xFFFFFFE0] =	vst v2  }
0x45c: {  	[tilespmem:s13+$0xFFFFFFF0] =	vst v1;
	v1 =	vld [tilespmem:s13+$0x10]  }
0x45d: {  	v2 =	vld.idx.msk [tilespmem:v4+s3+$0x0], $0xffff  }
0x45e: {  	v3 =	vld [tilespmem:s13+$0x0];
	_ =	sdelay $0x2  }
0x45f: {  	s10 =	sadd.s32 $0x3, s7;
	s7 =	smov.u32 s9  }
0x460: {  	v4 =	vmov s10  }
0x461: {  	v1 =	vmul.f32 v1, v2;
	v3 =	vmul.f32 v3, v2;
	_ =	sdelay $0x1  }
0x462: {  	[tilespmem:s13+$0x10] =	vst v1  }
0x463: {  	[tilespmem:s13+$0x0] =	vst v3;
	v1 =	vld [tilespmem:s13+$0x30]  }
.Ltmp20:
0x464: {  	v2 =	vld.idx.msk [tilespmem:v4+s3+$0x0], $0xffff;
	(pc) =	sbr.rel @p0 .LBB2_42-.Ltmp20, $4  }
0x465: {  	v4 =	vld [tilespmem:s13+$0x20]  }
0x466: {  	v3 =	vmov s9  }
0x467: {  	v3 =	vand.u32 $0xFFFFFFFC, v3  }
0x468: {  	s9 =	sadd.s32 $0x4, s9;
	v3 =	vbroadcast v3, $0x0  }
0x469: {  	_ = 	snop  }
0x46a: {  	v1 =	vmul.f32 v1, v2  }
0x46b: {  	v4 =	vmul.f32 v4, v2  }
0x46c: {  	s9 =	sadd.s32 $0x80, s13;
	[tilespmem:s13+$0x30] =	vst v1  }
0x46d: {  	v2 =	vld [tilespmem:s9+$0xFFFFFFC0];
	[tilespmem:s13+$0x20] =	vst v4  }
0x46e: {  	s10 =	sadd.s32 $0x1, s7;
	v1 =	vld.idx.msk [tilespmem:v3+s3+$0x0], $0xffff  }
0x46f: {  	v4 =	vmov s10;
	v3 =	vld [tilespmem:s9+$0xFFFFFFD0]  }
0x470: {  	v4 =	vand.u32 $0xFFFFFFFD, v4  }
0x471: {  	v4 =	vbroadcast v4, $0x0;
	_ =	sdelay $0x1  }
0x472: {  	v2 =	vmul.f32 v2, v1  }
0x473: {  	v1 =	vmul.f32 v3, v1  }
0x474: {  	[tilespmem:s9+$0xFFFFFFC0] =	vst v2  }
0x475: {  	[tilespmem:s9+$0xFFFFFFD0] =	vst v1;
	v2 =	vld [tilespmem:s9+$0xFFFFFFE0]  }
0x476: {  	s25 =	sadd.s32 $0x2, s7;
	v1 =	vld.idx.msk [tilespmem:v4+s3+$0x0], $0xffff  }
0x477: {  	v3 =	vld [tilespmem:s9+$0xFFFFFFF0];
	v4 =	vmov s25  }
0x478: {  	v4 =	vand.u32 $0xFFFFFFFE, v4  }
0x479: {  	v4 =	vbroadcast v4, $0x0;
	_ =	sdelay $0x1  }
0x47a: {  	v2 =	vmul.f32 v2, v1  }
0x47b: {  	v1 =	vmul.f32 v3, v1  }
0x47c: {  	[tilespmem:s9+$0xFFFFFFE0] =	vst v2  }
0x47d: {  	[tilespmem:s9+$0xFFFFFFF0] =	vst v1;
	v1 =	vld [tilespmem:s9+$0x10]  }
0x47e: {  	v2 =	vld.idx.msk [tilespmem:v4+s3+$0x0], $0xffff  }
0x47f: {  	v3 =	vld [tilespmem:s9+$0x0];
	_ =	sdelay $0x1  }
0x480: {  	s13 =	sadd.s32 $0x3, s7  }
0x481: {  	v4 =	vmov s13  }
0x482: {  	v1 =	vmul.f32 v1, v2  }
0x483: {  	v2 =	vmul.f32 v3, v2  }
0x484: {  	[tilespmem:s9+$0x10] =	vst v1  }
0x485: {  	[tilespmem:s9+$0x0] =	vst v2;
	v2 =	vld [tilespmem:s9+$0x20]  }
0x486: {  	v1 =	vld.idx.msk [tilespmem:v4+s3+$0x0], $0xffff  }
0x487: {  	v3 =	vld [tilespmem:s9+$0x30];
	_ =	sdelay $0x2  }
0x488: {  	s25 =	simm.s32 $0x0  }
0x489: {  	v4 =	vmov s25;
	v2 =	vmul.f32 v2, v1  }
0x48a: {  	v1 =	vmul.f32 v3, v1;
	v3 =	vand.u32 $0xFFFFFFFC, v4  }
0x48b: {  	[tilespmem:s9+$0x20] =	vst v2;
	v2 =	vbroadcast v3, $0x0  }
0x48c: {  	s7 =	sadd.s32 $0xE00, s21;
	[tilespmem:s9+$0x30] =	vst v1  }
0x48d: {  	[spmem:s4] =	stream.indirect.scatter.add.f32 [tilespmem:s24], [sflag:$0x4], $0x20, s7, s23, $0xb8;
	[tilespmem:$0x1E200] =	vst v63  }
0x48e: {  	s9 =	sadd.s32 $0x200, s22;
	_ =	swait.ge [sflag:s29], $0x1000  }
0x48f: {  	s25 =	sshra.s32 s9, $0x2;
	[sflag:s29] =	ssyncset.done $0x0  }
0x490: {  	s3 =	sadd.s32 $0x1C00, s25;
	[sflag:s29] =	ssyncadd.s32 $0xFFFFF000  }
0x491: {  	s13 =	simm.s32 $0x3A40;
	v1 =	vld.idx.msk [tilespmem:v2+s3+$0x0], $0xffff  }
0x492: {  	s10 =	simm.s32 $0x1;
	v2 =	vld [tilespmem:s13+$0xFFFFFFC0]  }
0x493: {  	v4 =	vmov s10;
	v3 =	vld [tilespmem:s13+$0xFFFFFFD0]  }
0x494: {  	v4 =	vand.u32 $0xFFFFFFFD, v4  }
0x495: {  	v4 =	vbroadcast v4, $0x0;
	_ =	sdelay $0x1  }
0x496: {  	v2 =	vmul.f32 v2, v1  }
0x497: {  	v1 =	vmul.f32 v3, v1  }
0x498: {  	[tilespmem:s13+$0xFFFFFFC0] =	vst v2  }
0x499: {  	[tilespmem:s13+$0xFFFFFFD0] =	vst v1;
	v2 =	vld [tilespmem:s13+$0xFFFFFFE0]  }
0x49a: {  	s9 =	simm.s32 $0x2;
	v1 =	vld.idx.msk [tilespmem:v4+s3+$0x0], $0xffff  }
0x49b: {  	v3 =	vld [tilespmem:s13+$0xFFFFFFF0];
	v4 =	vmov s9  }
0x49c: {  	v4 =	vand.u32 $0xFFFFFFFE, v4  }
0x49d: {  	v4 =	vbroadcast v4, $0x0;
	_ =	sdelay $0x1  }
0x49e: {  	v2 =	vmul.f32 v2, v1  }
0x49f: {  	v1 =	vmul.f32 v3, v1  }
0x4a0: {  	[tilespmem:s13+$0xFFFFFFE0] =	vst v2  }
0x4a1: {  	[tilespmem:s13+$0xFFFFFFF0] =	vst v1;
	v1 =	vld [tilespmem:s13+$0x10]  }
0x4a2: {  	v2 =	vld.idx.msk [tilespmem:v4+s3+$0x0], $0xffff  }
0x4a3: {  	v3 =	vld [tilespmem:s13+$0x0];
	_ =	sdelay $0x1  }
0x4a4: {  	s10 =	simm.s32 $0x3  }
0x4a5: {  	v4 =	vmov s10  }
0x4a6: {  	v1 =	vmul.f32 v1, v2  }
0x4a7: {  	v2 =	vmul.f32 v3, v2  }
0x4a8: {  	[tilespmem:s13+$0x10] =	vst v1  }
0x4a9: {  	[tilespmem:s13+$0x0] =	vst v2;
	v1 =	vld [tilespmem:s13+$0x30]  }
0x4aa: {  	v2 =	vld.idx.msk [tilespmem:v4+s3+$0x0], $0xffff  }
0x4ab: {  	s7 =	simm.s32 $0x4;
	v4 =	vld [tilespmem:s13+$0x20]  }
0x4ac: {  	v3 =	vmov s7  }
0x4ad: {  	v3 =	vand.u32 $0xFFFFFFFC, v3  }
0x4ae: {  	s9 =	simm.s32 $0x8;
	v3 =	vbroadcast v3, $0x0  }
.LBB2_44:
0x4af: {  	p0 =	slt.u32 s9, $0x7C  }
0x4b0: {  	v1 =	vmul.f32 v1, v2;
	v4 =	vmul.f32 v4, v2;
	_ =	sdelay $0x1  }
0x4b1: {  	[tilespmem:s13+$0x20] =	vst v4  }
0x4b2: {  	[tilespmem:s13+$0x30] =	vst v1  }
0x4b3: {  	s13 =	sadd.s32 $0x80, s13;
	v1 =	vld.idx.msk [tilespmem:v3+s3+$0x0], $0xffff  }
0x4b4: {  	s10 =	sadd.s32 $0x1, s7;
	v2 =	vld [tilespmem:s13+$0xFFFFFFC0]  }
0x4b5: {  	v4 =	vmov s10;
	v3 =	vld [tilespmem:s13+$0xFFFFFFD0]  }
0x4b6: {  	v4 =	vand.u32 $0xFFFFFFFD, v4  }
0x4b7: {  	v4 =	vbroadcast v4, $0x0;
	_ =	sdelay $0x1  }
0x4b8: {  	v2 =	vmul.f32 v2, v1  }
0x4b9: {  	v1 =	vmul.f32 v3, v1  }
0x4ba: {  	[tilespmem:s13+$0xFFFFFFC0] =	vst v2  }
0x4bb: {  	[tilespmem:s13+$0xFFFFFFD0] =	vst v1  }
0x4bc: {  	v1 =	vld.idx.msk [tilespmem:v4+s3+$0x0], $0xffff  }
0x4bd: {  	s10 =	sadd.s32 $0x2, s7;
	v2 =	vld [tilespmem:s13+$0xFFFFFFE0]  }
0x4be: {  	v4 =	vmov s10;
	v3 =	vld [tilespmem:s13+$0xFFFFFFF0]  }
0x4bf: {  	v4 =	vand.u32 $0xFFFFFFFE, v4  }
0x4c0: {  	v4 =	vbroadcast v4, $0x0;
	_ =	sdelay $0x1  }
0x4c1: {  	v2 =	vmul.f32 v2, v1  }
0x4c2: {  	v1 =	vmul.f32 v3, v1  }
0x4c3: {  	[tilespmem:s13+$0xFFFFFFE0] =	vst v2  }
0x4c4: {  	[tilespmem:s13+$0xFFFFFFF0] =	vst v1;
	v1 =	vld [tilespmem:s13+$0x10]  }
0x4c5: {  	v2 =	vld.idx.msk [tilespmem:v4+s3+$0x0], $0xffff  }
0x4c6: {  	v3 =	vld [tilespmem:s13+$0x0];
	_ =	sdelay $0x2  }
0x4c7: {  	s10 =	sadd.s32 $0x3, s7;
	s7 =	smov.u32 s9  }
0x4c8: {  	v4 =	vmov s10  }
0x4c9: {  	v1 =	vmul.f32 v1, v2;
	v3 =	vmul.f32 v3, v2;
	_ =	sdelay $0x1  }
0x4ca: {  	[tilespmem:s13+$0x10] =	vst v1  }
0x4cb: {  	[tilespmem:s13+$0x0] =	vst v3;
	v1 =	vld [tilespmem:s13+$0x30]  }
.Ltmp21:
0x4cc: {  	v2 =	vld.idx.msk [tilespmem:v4+s3+$0x0], $0xffff;
	(pc) =	sbr.rel @p0 .LBB2_44-.Ltmp21, $4  }
0x4cd: {  	v4 =	vld [tilespmem:s13+$0x20]  }
0x4ce: {  	v3 =	vmov s9  }
0x4cf: {  	v3 =	vand.u32 $0xFFFFFFFC, v3  }
0x4d0: {  	s9 =	sadd.s32 $0x4, s9;
	v3 =	vbroadcast v3, $0x0  }
0x4d1: {  	_ = 	snop  }
0x4d2: {  	v1 =	vmul.f32 v1, v2  }
0x4d3: {  	v4 =	vmul.f32 v4, v2  }
0x4d4: {  	s9 =	sadd.s32 $0x80, s13;
	[tilespmem:s13+$0x30] =	vst v1  }
0x4d5: {  	v2 =	vld [tilespmem:s9+$0xFFFFFFC0];
	[tilespmem:s13+$0x20] =	vst v4  }
0x4d6: {  	s10 =	sadd.s32 $0x1, s7;
	v1 =	vld.idx.msk [tilespmem:v3+s3+$0x0], $0xffff  }
0x4d7: {  	v4 =	vmov s10;
	v3 =	vld [tilespmem:s9+$0xFFFFFFD0]  }
0x4d8: {  	v4 =	vand.u32 $0xFFFFFFFD, v4  }
0x4d9: {  	v4 =	vbroadcast v4, $0x0;
	_ =	sdelay $0x1  }
0x4da: {  	v2 =	vmul.f32 v2, v1  }
0x4db: {  	v1 =	vmul.f32 v3, v1  }
0x4dc: {  	[tilespmem:s9+$0xFFFFFFC0] =	vst v2  }
0x4dd: {  	[tilespmem:s9+$0xFFFFFFD0] =	vst v1;
	v2 =	vld [tilespmem:s9+$0xFFFFFFE0]  }
0x4de: {  	s13 =	sadd.s32 $0x2, s7;
	v1 =	vld.idx.msk [tilespmem:v4+s3+$0x0], $0xffff  }
0x4df: {  	v3 =	vld [tilespmem:s9+$0xFFFFFFF0];
	v4 =	vmov s13  }
0x4e0: {  	v4 =	vand.u32 $0xFFFFFFFE, v4  }
0x4e1: {  	v4 =	vbroadcast v4, $0x0;
	_ =	sdelay $0x1  }
0x4e2: {  	v2 =	vmul.f32 v2, v1  }
0x4e3: {  	v1 =	vmul.f32 v3, v1  }
0x4e4: {  	[tilespmem:s9+$0xFFFFFFE0] =	vst v2  }
0x4e5: {  	[tilespmem:s9+$0xFFFFFFF0] =	vst v1;
	v1 =	vld [tilespmem:s9+$0x10]  }
0x4e6: {  	v2 =	vld.idx.msk [tilespmem:v4+s3+$0x0], $0xffff  }
0x4e7: {  	v3 =	vld [tilespmem:s9+$0x0];
	_ =	sdelay $0x1  }
0x4e8: {  	s13 =	sadd.s32 $0x3, s7  }
0x4e9: {  	v4 =	vmov s13  }
0x4ea: {  	v1 =	vmul.f32 v1, v2  }
0x4eb: {  	v2 =	vmul.f32 v3, v2  }
0x4ec: {  	[tilespmem:s9+$0x10] =	vst v1  }
0x4ed: {  	[tilespmem:s9+$0x0] =	vst v2;
	v2 =	vld [tilespmem:s9+$0x20]  }
0x4ee: {  	v1 =	vld.idx.msk [tilespmem:v4+s3+$0x0], $0xffff  }
0x4ef: {  	v3 =	vld [tilespmem:s9+$0x30];
	_ =	sdelay $0x3  }
0x4f0: {  	v2 =	vmul.f32 v2, v1  }
0x4f1: {  	v1 =	vmul.f32 v3, v1  }
0x4f2: {  	[tilespmem:s9+$0x20] =	vst v2  }
0x4f3: {  	[tilespmem:s9+$0x30] =	vst v1  }
0x4f4: {  	s10 =	simm.s32 $0x0;
	_ =	swait.ge [sflag:s30], $0x1000  }
0x4f5: {  	v1 =	vmov s10;
	[sflag:s30] =	ssyncset.done $0x0  }
0x4f6: {  	s13 =	sadd.s32 $0x180, s21;
	v1 =	vand.u32 $0xFFFFFFFC, v1;
	[sflag:s30] =	ssyncadd.s32 $0xFFFFF000  }
0x4f7: {  	v1 =	vbroadcast v1, $0x0;
	[tilespmem:s24], [sflag:$0x1] =	stream.indirect.gather [hbm4b:s12+s23], $0x20, s13, s23, $0xb8;
	[tilespmem:$0x1E200] =	vst v63  }
0x4f8: {  	s25 =	sadd.s32 $0xE00, s25  }
0x4f9: {  	[spmem:s4] =	stream.indirect.scatter.add.f32 [tilespmem:s19], [sflag:$0x5], $0x20, s25, s23, $0xb8;
	[tilespmem:$0x1E200] =	vst v63  }
0x4fa: {  	s7 =	sadd.s32 $0x400, s22;
	_ =	swait.ge [sflag:s31], $0x1000  }
0x4fb: {  	s22 =	sshra.s32 s7, $0x2;
	[sflag:s31] =	ssyncset.done $0x0  }
0x4fc: {  	s3 =	sadd.s32 $0x1C00, s22;
	[sflag:s31] =	ssyncadd.s32 $0xFFFFF000  }
0x4fd: {  	s13 =	simm.s32 $0x4A40;
	v1 =	vld.idx.msk [tilespmem:v1+s3+$0x0], $0xffff  }
0x4fe: {  	s9 =	simm.s32 $0x1;
	v2 =	vld [tilespmem:s13+$0xFFFFFFC0]  }
0x4ff: {  	v4 =	vmov s9;
	v3 =	vld [tilespmem:s13+$0xFFFFFFD0]  }
0x500: {  	v4 =	vand.u32 $0xFFFFFFFD, v4  }
0x501: {  	v4 =	vbroadcast v4, $0x0;
	_ =	sdelay $0x1  }
0x502: {  	v2 =	vmul.f32 v2, v1  }
0x503: {  	v1 =	vmul.f32 v3, v1  }
0x504: {  	[tilespmem:s13+$0xFFFFFFC0] =	vst v2  }
0x505: {  	[tilespmem:s13+$0xFFFFFFD0] =	vst v1;
	v2 =	vld [tilespmem:s13+$0xFFFFFFE0]  }
0x506: {  	s10 =	simm.s32 $0x2;
	v1 =	vld.idx.msk [tilespmem:v4+s3+$0x0], $0xffff  }
0x507: {  	v3 =	vld [tilespmem:s13+$0xFFFFFFF0];
	v4 =	vmov s10  }
0x508: {  	v4 =	vand.u32 $0xFFFFFFFE, v4  }
0x509: {  	v4 =	vbroadcast v4, $0x0;
	_ =	sdelay $0x1  }
0x50a: {  	v2 =	vmul.f32 v2, v1  }
0x50b: {  	v1 =	vmul.f32 v3, v1  }
0x50c: {  	[tilespmem:s13+$0xFFFFFFE0] =	vst v2  }
0x50d: {  	[tilespmem:s13+$0xFFFFFFF0] =	vst v1;
	v1 =	vld [tilespmem:s13+$0x10]  }
0x50e: {  	v2 =	vld.idx.msk [tilespmem:v4+s3+$0x0], $0xffff  }
0x50f: {  	v3 =	vld [tilespmem:s13+$0x0];
	_ =	sdelay $0x1  }
0x510: {  	s25 =	simm.s32 $0x3  }
0x511: {  	v4 =	vmov s25  }
0x512: {  	v1 =	vmul.f32 v1, v2  }
0x513: {  	v2 =	vmul.f32 v3, v2  }
0x514: {  	[tilespmem:s13+$0x10] =	vst v1  }
0x515: {  	[tilespmem:s13+$0x0] =	vst v2;
	v1 =	vld [tilespmem:s13+$0x30]  }
0x516: {  	v2 =	vld.idx.msk [tilespmem:v4+s3+$0x0], $0xffff  }
0x517: {  	s7 =	simm.s32 $0x4;
	v4 =	vld [tilespmem:s13+$0x20]  }
0x518: {  	v3 =	vmov s7  }
0x519: {  	v3 =	vand.u32 $0xFFFFFFFC, v3  }
0x51a: {  	s9 =	simm.s32 $0x8;
	v3 =	vbroadcast v3, $0x0  }
.LBB2_46:
0x51b: {  	p0 =	slt.u32 s9, $0x7C  }
0x51c: {  	v1 =	vmul.f32 v1, v2;
	v4 =	vmul.f32 v4, v2;
	_ =	sdelay $0x1  }
0x51d: {  	[tilespmem:s13+$0x20] =	vst v4  }
0x51e: {  	[tilespmem:s13+$0x30] =	vst v1  }
0x51f: {  	s13 =	sadd.s32 $0x80, s13;
	v1 =	vld.idx.msk [tilespmem:v3+s3+$0x0], $0xffff  }
0x520: {  	s10 =	sadd.s32 $0x1, s7;
	v2 =	vld [tilespmem:s13+$0xFFFFFFC0]  }
0x521: {  	v4 =	vmov s10;
	v3 =	vld [tilespmem:s13+$0xFFFFFFD0]  }
0x522: {  	v4 =	vand.u32 $0xFFFFFFFD, v4  }
0x523: {  	v4 =	vbroadcast v4, $0x0;
	_ =	sdelay $0x1  }
0x524: {  	v2 =	vmul.f32 v2, v1  }
0x525: {  	v1 =	vmul.f32 v3, v1  }
0x526: {  	[tilespmem:s13+$0xFFFFFFC0] =	vst v2  }
0x527: {  	[tilespmem:s13+$0xFFFFFFD0] =	vst v1  }
0x528: {  	v1 =	vld.idx.msk [tilespmem:v4+s3+$0x0], $0xffff  }
0x529: {  	s10 =	sadd.s32 $0x2, s7;
	v2 =	vld [tilespmem:s13+$0xFFFFFFE0]  }
0x52a: {  	v4 =	vmov s10;
	v3 =	vld [tilespmem:s13+$0xFFFFFFF0]  }
0x52b: {  	v4 =	vand.u32 $0xFFFFFFFE, v4  }
0x52c: {  	v4 =	vbroadcast v4, $0x0;
	_ =	sdelay $0x1  }
0x52d: {  	v2 =	vmul.f32 v2, v1  }
0x52e: {  	v1 =	vmul.f32 v3, v1  }
0x52f: {  	[tilespmem:s13+$0xFFFFFFE0] =	vst v2  }
0x530: {  	[tilespmem:s13+$0xFFFFFFF0] =	vst v1;
	v1 =	vld [tilespmem:s13+$0x10]  }
0x531: {  	v2 =	vld.idx.msk [tilespmem:v4+s3+$0x0], $0xffff  }
0x532: {  	v3 =	vld [tilespmem:s13+$0x0];
	_ =	sdelay $0x2  }
0x533: {  	s10 =	sadd.s32 $0x3, s7;
	s7 =	smov.u32 s9  }
0x534: {  	v4 =	vmov s10  }
0x535: {  	v1 =	vmul.f32 v1, v2;
	v3 =	vmul.f32 v3, v2;
	_ =	sdelay $0x1  }
0x536: {  	[tilespmem:s13+$0x10] =	vst v1  }
0x537: {  	[tilespmem:s13+$0x0] =	vst v3;
	v1 =	vld [tilespmem:s13+$0x30]  }
.Ltmp22:
0x538: {  	v2 =	vld.idx.msk [tilespmem:v4+s3+$0x0], $0xffff;
	(pc) =	sbr.rel @p0 .LBB2_46-.Ltmp22, $4  }
0x539: {  	v4 =	vld [tilespmem:s13+$0x20]  }
0x53a: {  	v3 =	vmov s9  }
0x53b: {  	v3 =	vand.u32 $0xFFFFFFFC, v3  }
0x53c: {  	s9 =	sadd.s32 $0x4, s9;
	v3 =	vbroadcast v3, $0x0  }
0x53d: {  	_ = 	snop  }
0x53e: {  	v1 =	vmul.f32 v1, v2  }
0x53f: {  	v4 =	vmul.f32 v4, v2  }
0x540: {  	s9 =	sadd.s32 $0x80, s13;
	[tilespmem:s13+$0x30] =	vst v1  }
0x541: {  	v2 =	vld [tilespmem:s9+$0xFFFFFFC0];
	[tilespmem:s13+$0x20] =	vst v4  }
0x542: {  	s10 =	sadd.s32 $0x1, s7;
	v1 =	vld.idx.msk [tilespmem:v3+s3+$0x0], $0xffff  }
0x543: {  	v61 =	vmov s10;
	v3 =	vld [tilespmem:s9+$0xFFFFFFD0]  }
0x544: {  	v4 =	vand.u32 $0xFFFFFFFD, v61  }
0x545: {  	v4 =	vbroadcast v4, $0x0;
	_ =	sdelay $0x1  }
0x546: {  	v2 =	vmul.f32 v2, v1  }
0x547: {  	v1 =	vmul.f32 v3, v1  }
0x548: {  	[tilespmem:s9+$0xFFFFFFC0] =	vst v2  }
0x549: {  	[tilespmem:s9+$0xFFFFFFD0] =	vst v1;
	v2 =	vld [tilespmem:s9+$0xFFFFFFE0]  }
0x54a: {  	s13 =	sadd.s32 $0x2, s7;
	v1 =	vld.idx.msk [tilespmem:v4+s3+$0x0], $0xffff  }
0x54b: {  	v62 =	vmov s13;
	v3 =	vld [tilespmem:s9+$0xFFFFFFF0]  }
0x54c: {  	v4 =	vand.u32 $0xFFFFFFFE, v62  }
0x54d: {  	v4 =	vbroadcast v4, $0x0;
	_ =	sdelay $0x1  }
0x54e: {  	v2 =	vmul.f32 v2, v1  }
0x54f: {  	v1 =	vmul.f32 v3, v1  }
0x550: {  	[tilespmem:s9+$0xFFFFFFE0] =	vst v2  }
0x551: {  	[tilespmem:s9+$0xFFFFFFF0] =	vst v1;
	v1 =	vld [tilespmem:s9+$0x10]  }
0x552: {  	v2 =	vld.idx.msk [tilespmem:v4+s3+$0x0], $0xffff  }
0x553: {  	v3 =	vld [tilespmem:s9+$0x0];
	_ =	sdelay $0x1  }
0x554: {  	s25 =	sadd.s32 $0x3, s7  }
0x555: {  	v63 =	vmov s25  }
0x556: {  	v1 =	vmul.f32 v1, v2  }
0x557: {  	v2 =	vmul.f32 v3, v2  }
0x558: {  	[tilespmem:s9+$0x10] =	vst v1  }
0x559: {  	[tilespmem:s9+$0x0] =	vst v2;
	v2 =	vld [tilespmem:s9+$0x20]  }
0x55a: {  	v1 =	vld.idx.msk [tilespmem:v63+s3+$0x0], $0xffff  }
0x55b: {  	v3 =	vld [tilespmem:s9+$0x30];
	_ =	sdelay $0x3  }
0x55c: {  	v2 =	vmul.f32 v2, v1  }
0x55d: {  	p0 =	seq.s32 s2, $0x8;
	v1 =	vmul.f32 v3, v1  }
.Ltmp23:
0x55e: {  	[tilespmem:s9+$0x20] =	vst v2;
	(pc) =	sbr.rel @p0 .LBB2_49-.Ltmp23, $4  }
0x55f: {  	[tilespmem:s9+$0x30] =	vst v1  }
0x560: {  	_ =	swait.ge [sflag:s0], $0x1000  }
0x561: {  	[sflag:s0] =	ssyncset.done $0x0  }
0x562: {  	[sflag:s0] =	ssyncadd.s32 $0xFFFFF000  }
0x563: {  	s3 =	sadd.s32 $0x200, s21  }
0x564: {  	[tilespmem:s19], [sflag:$0x2] =	stream.indirect.gather [hbm4b:s12+s23], $0x20, s3, s23, $0xb8;
	[tilespmem:$0x1E200] =	vst v63  }
0x565: {  	s22 =	sadd.s32 $0xE00, s22  }
0x566: {  	[spmem:s4] =	stream.indirect.scatter.add.f32 [tilespmem:s26], [sflag:$0x6], $0x20, s22, s23, $0xb8;
	[tilespmem:$0x1E200] =	vst v63  }
.Ltmp24:
0x567: {  	_ = 	snop;
	(pc) =	sbr.rel .LBB2_41-.Ltmp24, $4  }
0x568: {  	_ =	swait.ge [sflag:s15], $0x1000  }
0x569: {  	[sflag:s15] =	ssyncset.done $0x0  }
0x56a: {  	s25 =	sadd.s32 $0x280, s21;
	s2 =	sadd.s32 $0x1, s2;
	[sflag:s15] =	ssyncadd.s32 $0xFFFFF000  }
0x56b: {  	[tilespmem:s26], [sflag:$0x3] =	stream.indirect.gather [hbm4b:s12+s23], $0x20, s25, s23, $0xb8;
	[tilespmem:$0x1E200] =	vst v63  }
.LBB2_49:
0x56c: {  	s2 =	simm.s32 $0x0;
	s21 =	simm.s32 $0x1B00  }
0x56d: {  	v1 =	vmov s2;
	[spmem:s4] =	stream.indirect.scatter.add.f32 [tilespmem:s26], [sflag:$0x6], $0x20, s21, s23, $0xb8;
	[tilespmem:$0x1E200] =	vst v63  }
0x56e: {  	v1 =	vand.u32 $0xFFFFFFFC, v1;
	_ =	swait.ge [sflag:s15], $0x1000  }
0x56f: {  	v1 =	vbroadcast v1, $0x0;
	[sflag:s15] =	ssyncset.done $0x0  }
0x570: {  	[sflag:s15] =	ssyncadd.s32 $0xFFFFF000  }
0x571: {  	_ =	swait.ge [sflag:s28], $0x1000  }
0x572: {  	[sflag:s28] =	ssyncset.done $0x0  }
0x573: {  	s2 =	simm.s32 $0x2A40;
	[sflag:s28] =	ssyncadd.s32 $0xFFFFF000  }
0x574: {  	v2 =	vld [tilespmem:s2+$0xFFFFFFC0]  }
0x575: {  	s3 =	simm.s32 $0x1;
	v1 =	vld.idx.msk [tilespmem:v1+s6+$0x0], $0xffff  }
0x576: {  	v4 =	vmov s3;
	v3 =	vld [tilespmem:s2+$0xFFFFFFD0]  }
0x577: {  	v4 =	vand.u32 $0xFFFFFFFD, v4  }
0x578: {  	v4 =	vbroadcast v4, $0x0;
	_ =	sdelay $0x1  }
0x579: {  	v2 =	vmul.f32 v2, v1  }
0x57a: {  	v1 =	vmul.f32 v3, v1  }
0x57b: {  	[tilespmem:s2+$0xFFFFFFC0] =	vst v2  }
0x57c: {  	[tilespmem:s2+$0xFFFFFFD0] =	vst v1;
	v2 =	vld [tilespmem:s2+$0xFFFFFFE0]  }
0x57d: {  	s22 =	simm.s32 $0x2;
	v1 =	vld.idx.msk [tilespmem:v4+s6+$0x0], $0xffff  }
0x57e: {  	v3 =	vld [tilespmem:s2+$0xFFFFFFF0];
	v4 =	vmov s22  }
0x57f: {  	v4 =	vand.u32 $0xFFFFFFFE, v4  }
0x580: {  	v4 =	vbroadcast v4, $0x0;
	_ =	sdelay $0x1  }
0x581: {  	v2 =	vmul.f32 v2, v1  }
0x582: {  	v1 =	vmul.f32 v3, v1  }
0x583: {  	[tilespmem:s2+$0xFFFFFFE0] =	vst v2  }
0x584: {  	[tilespmem:s2+$0xFFFFFFF0] =	vst v1;
	v1 =	vld [tilespmem:s2+$0x10]  }
0x585: {  	v2 =	vld.idx.msk [tilespmem:v4+s6+$0x0], $0xffff  }
0x586: {  	v3 =	vld [tilespmem:s2+$0x0];
	_ =	sdelay $0x1  }
0x587: {  	s25 =	simm.s32 $0x3  }
0x588: {  	v4 =	vmov s25  }
0x589: {  	v1 =	vmul.f32 v1, v2  }
0x58a: {  	v2 =	vmul.f32 v3, v2  }
0x58b: {  	[tilespmem:s2+$0x10] =	vst v1  }
0x58c: {  	[tilespmem:s2+$0x0] =	vst v2;
	v1 =	vld [tilespmem:s2+$0x30]  }
0x58d: {  	v2 =	vld.idx.msk [tilespmem:v4+s6+$0x0], $0xffff  }
0x58e: {  	s3 =	simm.s32 $0x4;
	v4 =	vld [tilespmem:s2+$0x20]  }
0x58f: {  	v3 =	vmov s3  }
0x590: {  	v3 =	vand.u32 $0xFFFFFFFC, v3  }
0x591: {  	s7 =	simm.s32 $0x8;
	v3 =	vbroadcast v3, $0x0  }
.LBB2_50:
0x592: {  	p0 =	slt.u32 s7, $0x7C  }
0x593: {  	v1 =	vmul.f32 v1, v2;
	v4 =	vmul.f32 v4, v2;
	_ =	sdelay $0x1  }
0x594: {  	[tilespmem:s2+$0x20] =	vst v4  }
0x595: {  	[tilespmem:s2+$0x30] =	vst v1  }
0x596: {  	s2 =	sadd.s32 $0x80, s2;
	v1 =	vld.idx.msk [tilespmem:v3+s6+$0x0], $0xffff  }
0x597: {  	s9 =	sadd.s32 $0x1, s3;
	v2 =	vld [tilespmem:s2+$0xFFFFFFC0]  }
0x598: {  	v4 =	vmov s9;
	v3 =	vld [tilespmem:s2+$0xFFFFFFD0]  }
0x599: {  	v4 =	vand.u32 $0xFFFFFFFD, v4  }
0x59a: {  	v4 =	vbroadcast v4, $0x0;
	_ =	sdelay $0x1  }
0x59b: {  	v2 =	vmul.f32 v2, v1  }
0x59c: {  	v1 =	vmul.f32 v3, v1  }
0x59d: {  	[tilespmem:s2+$0xFFFFFFC0] =	vst v2  }
0x59e: {  	[tilespmem:s2+$0xFFFFFFD0] =	vst v1  }
0x59f: {  	v1 =	vld.idx.msk [tilespmem:v4+s6+$0x0], $0xffff  }
0x5a0: {  	s9 =	sadd.s32 $0x2, s3;
	v2 =	vld [tilespmem:s2+$0xFFFFFFE0]  }
0x5a1: {  	v4 =	vmov s9;
	v3 =	vld [tilespmem:s2+$0xFFFFFFF0]  }
0x5a2: {  	v4 =	vand.u32 $0xFFFFFFFE, v4  }
0x5a3: {  	v4 =	vbroadcast v4, $0x0;
	_ =	sdelay $0x1  }
0x5a4: {  	v2 =	vmul.f32 v2, v1  }
0x5a5: {  	v1 =	vmul.f32 v3, v1  }
0x5a6: {  	[tilespmem:s2+$0xFFFFFFE0] =	vst v2  }
0x5a7: {  	[tilespmem:s2+$0xFFFFFFF0] =	vst v1;
	v1 =	vld [tilespmem:s2+$0x10]  }
0x5a8: {  	v2 =	vld.idx.msk [tilespmem:v4+s6+$0x0], $0xffff  }
0x5a9: {  	v3 =	vld [tilespmem:s2+$0x0];
	_ =	sdelay $0x2  }
0x5aa: {  	s9 =	sadd.s32 $0x3, s3;
	s3 =	smov.u32 s7  }
0x5ab: {  	v4 =	vmov s9  }
0x5ac: {  	v1 =	vmul.f32 v1, v2;
	v3 =	vmul.f32 v3, v2;
	_ =	sdelay $0x1  }
0x5ad: {  	[tilespmem:s2+$0x10] =	vst v1  }
0x5ae: {  	[tilespmem:s2+$0x0] =	vst v3;
	v1 =	vld [tilespmem:s2+$0x30]  }
.Ltmp25:
0x5af: {  	v2 =	vld.idx.msk [tilespmem:v4+s6+$0x0], $0xffff;
	(pc) =	sbr.rel @p0 .LBB2_50-.Ltmp25, $4  }
0x5b0: {  	v4 =	vld [tilespmem:s2+$0x20]  }
0x5b1: {  	v3 =	vmov s7  }
0x5b2: {  	v3 =	vand.u32 $0xFFFFFFFC, v3  }
0x5b3: {  	s7 =	sadd.s32 $0x4, s7;
	v3 =	vbroadcast v3, $0x0  }
0x5b4: {  	_ = 	snop  }
0x5b5: {  	v1 =	vmul.f32 v1, v2  }
0x5b6: {  	v4 =	vmul.f32 v4, v2  }
0x5b7: {  	s13 =	sadd.s32 $0x80, s2;
	[tilespmem:s2+$0x30] =	vst v1  }
0x5b8: {  	v2 =	vld [tilespmem:s13+$0xFFFFFFC0];
	[tilespmem:s2+$0x20] =	vst v4  }
0x5b9: {  	s7 =	sadd.s32 $0x1, s3;
	v1 =	vld.idx.msk [tilespmem:v3+s6+$0x0], $0xffff  }
0x5ba: {  	v61 =	vmov s7;
	v3 =	vld [tilespmem:s13+$0xFFFFFFD0]  }
0x5bb: {  	v4 =	vand.u32 $0xFFFFFFFD, v61  }
0x5bc: {  	v4 =	vbroadcast v4, $0x0;
	_ =	sdelay $0x1  }
0x5bd: {  	v2 =	vmul.f32 v2, v1  }
0x5be: {  	v1 =	vmul.f32 v3, v1  }
0x5bf: {  	[tilespmem:s13+$0xFFFFFFC0] =	vst v2  }
0x5c0: {  	[tilespmem:s13+$0xFFFFFFD0] =	vst v1;
	v2 =	vld [tilespmem:s13+$0xFFFFFFE0]  }
0x5c1: {  	s21 =	sadd.s32 $0x2, s3;
	v1 =	vld.idx.msk [tilespmem:v4+s6+$0x0], $0xffff  }
0x5c2: {  	v62 =	vmov s21;
	v3 =	vld [tilespmem:s13+$0xFFFFFFF0]  }
0x5c3: {  	v4 =	vand.u32 $0xFFFFFFFE, v62  }
0x5c4: {  	v4 =	vbroadcast v4, $0x0;
	_ =	sdelay $0x1  }
0x5c5: {  	v2 =	vmul.f32 v2, v1  }
0x5c6: {  	v1 =	vmul.f32 v3, v1  }
0x5c7: {  	[tilespmem:s13+$0xFFFFFFE0] =	vst v2  }
0x5c8: {  	[tilespmem:s13+$0xFFFFFFF0] =	vst v1;
	v1 =	vld [tilespmem:s13+$0x10]  }
0x5c9: {  	v2 =	vld.idx.msk [tilespmem:v4+s6+$0x0], $0xffff  }
0x5ca: {  	v3 =	vld [tilespmem:s13+$0x0];
	_ =	sdelay $0x1  }
0x5cb: {  	s22 =	sadd.s32 $0x3, s3  }
0x5cc: {  	v63 =	vmov s22  }
0x5cd: {  	v1 =	vmul.f32 v1, v2  }
0x5ce: {  	v2 =	vmul.f32 v3, v2  }
0x5cf: {  	[tilespmem:s13+$0x10] =	vst v1  }
0x5d0: {  	[tilespmem:s13+$0x0] =	vst v2;
	v2 =	vld [tilespmem:s13+$0x20]  }
0x5d1: {  	v1 =	vld.idx.msk [tilespmem:v63+s6+$0x0], $0xffff  }
0x5d2: {  	v3 =	vld [tilespmem:s13+$0x30];
	_ =	sdelay $0x3  }
0x5d3: {  	v2 =	vmul.f32 v2, v1  }
0x5d4: {  	s1 =	sadd.s32 $0x1, s1;
	v1 =	vmul.f32 v3, v1  }
0x5d5: {  	p0 =	sne.s32 s1, $0xE;
	[tilespmem:s13+$0x20] =	vst v2  }
.Ltmp26:
0x5d6: {  	s25 =	simm.s32 $0x1B80;
	[tilespmem:s13+$0x30] =	vst v1;
	(pc) =	sbr.rel @p0 .LBB2_40-.Ltmp26, $4  }
0x5d7: {  	[spmem:s4] =	stream.indirect.scatter.add.f32 [tilespmem:s24], [sflag:$0x4], $0x20, s25, s23, $0xb8;
	[tilespmem:$0x1E200] =	vst v63  }
0x5d8: {  	_ =	swait.ge [sflag:s30], $0x1000  }
0x5d9: {  	[sflag:s30] =	ssyncset.done $0x0  }
0x5da: {  	[sflag:s30] =	ssyncadd.s32 $0xFFFFF000  }
0x5db: {  	[bflag:$0x0] =	sbarrier.arrive $0xFFFF  }
0x5dc: {  	s1 =	simm.s32 $0x0;
	s2 =	simm.s32 $0x0;
	s14 =	rddreg [dreg:$0x5]  }
.LBB2_53:
0x5dd: {  	s3 =	smul.u32 $0x70, s2;
	_ =	sdelay $0x1  }
0x5de: {  	s7 =	sadd.s32 s14, s3  }
0x5df: {  	s7 =	sshll.u32 s7, $0x5  }
0x5e0: {  	s7 =	sand.u32 $0x3FFFFFE0, s7  }
0x5e1: {  	s7 =	sadd.s32 s7, s4  }
0x5e2: {  	[tilespmem:s24], [sflag:$0x7] =	stream.linear.gather [spmem:s7], $0xE00, $0x38;
	[tilespmem:$0x1E200] =	vst v63  }
0x5e3: {  	_ =	swait.ge [sflag:s20], $0xE00  }
0x5e4: {  	s22 =	rddreg [dreg:$0xa]  }
0x5e5: {  	s3 =	sadd.s32 s22, s3  }
0x5e6: {  	[sflag:s20] =	ssyncset.done $0x0;
	s3 =	sshll.u32 s3, $0x2  }
0x5e7: {  	[sflag:s20] =	ssyncadd.s32 $0xFFFFF200;
	s25 =	sadd.s32 s8, s3  }
0x5e8: {  	[tilespmem:s19], [sflag:$0x7] =	stream.linear.gather [hbm4b:s25+s1], $0xE00, $0x38;
	[tilespmem:$0x1E200] =	vst v63  }
0x5e9: {  	_ =	swait.ge [sflag:s20], $0xE00  }
0x5ea: {  	[sflag:s20] =	ssyncset.done $0x0  }
0x5eb: {  	s7 =	simm.s32 $0x0;
	[sflag:s20] =	ssyncadd.s32 $0xFFFFF200  }
0x5ec: {  	v1 =	vld [tilespmem:s7+$0x3A00]  }
0x5ed: {  	v2 =	vld [tilespmem:s7+$0x3A10]  }
0x5ee: {  	s9 =	simm.s32 $0x80;
	v3 =	vld [tilespmem:s7+$0x2A00]  }
.LBB2_54:
0x5ef: {  	p0 =	sne.s32 s9, $0x3780;
	v4 =	vld [tilespmem:s7+$0x2A10];
	_ =	sdelay $0x2  }
.Ltmp27:
0x5f0: {  	(pc) =	sbr.rel @p0 .LBB2_54-.Ltmp27, $4  }
0x5f1: {  	s10 =	sshra.s32 s9, $0x2;
	v3 =	vadd.f32 v1, v3  }
0x5f2: {  	v1 =	vld [tilespmem:s10+$0x3A00];
	v4 =	vadd.f32 v2, v4  }
0x5f3: {  	v2 =	vld [tilespmem:s10+$0x3A10];
	[tilespmem:s7+$0x2A00] =	vst v3  }
0x5f4: {  	s9 =	sadd.s32 $0x80, s9;
	v3 =	vld [tilespmem:s10+$0x2A00];
	[tilespmem:s7+$0x2A10] =	vst v4;
	s7 =	smov.u32 s10  }
0x5f5: {  	v4 =	vld [tilespmem:s7+$0x2A10];
	_ =	sdelay $0x3  }
0x5f6: {  	v1 =	vadd.f32 v1, v3  }
0x5f7: {  	v2 =	vadd.f32 v2, v4  }
0x5f8: {  	[tilespmem:s7+$0x2A00] =	vst v1  }
0x5f9: {  	s25 =	sadd.s32 s11, s3;
	s9 =	simm.s32 $0x0;
	[tilespmem:s7+$0x2A10] =	vst v2  }
0x5fa: {  	[tilespmem:s19], [sflag:$0x7] =	stream.linear.gather [hbm4b:s25+s9], $0xE00, $0x38;
	[tilespmem:$0x1E200] =	vst v63  }
0x5fb: {  	_ =	swait.ge [sflag:s20], $0xE00  }
0x5fc: {  	[sflag:s20] =	ssyncset.done $0x0  }
0x5fd: {  	s7 =	simm.s32 $0x0;
	[sflag:s20] =	ssyncadd.s32 $0xFFFFF200  }
0x5fe: {  	v1 =	vld [tilespmem:s7+$0x3A00]  }
0x5ff: {  	v2 =	vld [tilespmem:s7+$0x3A10]  }
0x600: {  	s9 =	simm.s32 $0x80;
	v3 =	vld [tilespmem:s7+$0x2A00]  }
.LBB2_56:
0x601: {  	p0 =	sne.s32 s9, $0x3780;
	v4 =	vld [tilespmem:s7+$0x2A10];
	_ =	sdelay $0x2  }
.Ltmp28:
0x602: {  	(pc) =	sbr.rel @p0 .LBB2_56-.Ltmp28, $4  }
0x603: {  	s10 =	sshra.s32 s9, $0x2;
	v3 =	vadd.f32 v1, v3  }
0x604: {  	v1 =	vld [tilespmem:s10+$0x3A00];
	v4 =	vadd.f32 v2, v4  }
0x605: {  	v2 =	vld [tilespmem:s10+$0x3A10];
	[tilespmem:s7+$0x2A00] =	vst v3  }
0x606: {  	s9 =	sadd.s32 $0x80, s9;
	v3 =	vld [tilespmem:s10+$0x2A00];
	[tilespmem:s7+$0x2A10] =	vst v4;
	s7 =	smov.u32 s10  }
0x607: {  	v4 =	vld [tilespmem:s7+$0x2A10];
	_ =	sdelay $0x3  }
0x608: {  	v1 =	vadd.f32 v1, v3  }
0x609: {  	v2 =	vadd.f32 v2, v4  }
0x60a: {  	[tilespmem:s7+$0x2A00] =	vst v1  }
0x60b: {  	s25 =	sadd.s32 s12, s3;
	s9 =	simm.s32 $0x0;
	[tilespmem:s7+$0x2A10] =	vst v2  }
0x60c: {  	[tilespmem:s19], [sflag:$0x7] =	stream.linear.gather [hbm4b:s25+s9], $0xE00, $0x38;
	[tilespmem:$0x1E200] =	vst v63  }
0x60d: {  	_ =	swait.ge [sflag:s20], $0xE00  }
0x60e: {  	[sflag:s20] =	ssyncset.done $0x0  }
0x60f: {  	s7 =	simm.s32 $0x0;
	[sflag:s20] =	ssyncadd.s32 $0xFFFFF200  }
0x610: {  	v1 =	vld [tilespmem:s7+$0x3A00]  }
0x611: {  	v2 =	vld [tilespmem:s7+$0x3A10]  }
0x612: {  	s13 =	simm.s32 $0x80;
	s9 =	simm.s32 $0x0;
	v3 =	vld [tilespmem:s7+$0x2A00]  }
.LBB2_58:
0x613: {  	p0 =	sne.s32 s13, $0x3780;
	v4 =	vld [tilespmem:s9+$0x2A10];
	_ =	sdelay $0x2  }
.Ltmp29:
0x614: {  	(pc) =	sbr.rel @p0 .LBB2_58-.Ltmp29, $4  }
0x615: {  	s10 =	sshra.s32 s13, $0x2;
	v3 =	vadd.f32 v1, v3  }
0x616: {  	v1 =	vld [tilespmem:s10+$0x3A00];
	v4 =	vadd.f32 v2, v4  }
0x617: {  	v2 =	vld [tilespmem:s10+$0x3A10];
	[tilespmem:s9+$0x2A00] =	vst v3  }
0x618: {  	s13 =	sadd.s32 $0x80, s13;
	v3 =	vld [tilespmem:s10+$0x2A00];
	[tilespmem:s9+$0x2A10] =	vst v4;
	s9 =	smov.u32 s10  }
0x619: {  	v4 =	vld [tilespmem:s9+$0x2A10];
	_ =	sdelay $0x3  }
0x61a: {  	v1 =	vadd.f32 v1, v3  }
0x61b: {  	v2 =	vadd.f32 v2, v4  }
0x61c: {  	[tilespmem:s9+$0x2A00] =	vst v1  }
0x61d: {  	[tilespmem:s9+$0x2A10] =	vst v2  }
0x61e: {  	s9 =	simm.s32 $0x80;
	v1 =	vld [tilespmem:s7+$0x2A00]  }
.LBB2_60:
0x61f: {  	p0 =	sne.s32 s9, $0x3780;
	v2 =	vld [tilespmem:s7+$0x2A10];
	_ =	sdelay $0x2  }
.Ltmp30:
0x620: {  	(pc) =	sbr.rel @p0 .LBB2_60-.Ltmp30, $4  }
0x621: {  	v1 =	vmul.f32 $2.500000000e-01, v1  }
0x622: {  	v2 =	vmul.f32 $2.500000000e-01, v2  }
0x623: {  	s10 =	sshra.s32 s9, $0x2;
	[tilespmem:s7+$0x2A00] =	vst v1  }
0x624: {  	s9 =	sadd.s32 $0x80, s9;
	v1 =	vld [tilespmem:s10+$0x2A00];
	[tilespmem:s7+$0x2A10] =	vst v2;
	s7 =	smov.u32 s10  }
0x625: {  	v2 =	vld [tilespmem:s7+$0x2A10];
	_ =	sdelay $0x3  }
0x626: {  	v1 =	vmul.f32 $2.500000000e-01, v1  }
0x627: {  	s2 =	sadd.s32 $0x1, s2;
	v2 =	vmul.f32 $2.500000000e-01, v2  }
0x628: {  	s25 =	rddreg [dreg:$0x9];
	p0 =	sne.s32 s2, $0x1C;
	[tilespmem:s7+$0x2A00] =	vst v1  }
.Ltmp31:
0x629: {  	s3 =	sadd.s32 s25, s3;
	[tilespmem:s7+$0x2A10] =	vst v2;
	(pc) =	sbr.rel @p0 .LBB2_53-.Ltmp31, $4  }
0x62a: {  	[hbm4b:s3+s5] =	stream.linear.scatter [tilespmem:s24], [sflag:$0x7], $0xE00, $0x38;
	[tilespmem:$0x1E200] =	vst v63  }
0x62b: {  	_ =	swait.ge [sflag:s20], $0xE00  }
0x62c: {  	[sflag:s20] =	ssyncset.done $0x0  }
0x62d: {  	[sflag:s20] =	ssyncadd.s32 $0xFFFFF200  }
0x62e: {  	s2 =	rddreg [dreg:$0xc]  }
0x62f: {  	s1 =	rddreg [dreg:$0xb];
	s2 =	sadd.s32 $0x1, s2  }
0x630: {  	p0 =	sne.s32 s2, s1  }
.Ltmp32:
0x631: {  	_ = 	snop;
	(pc) =	sbr.rel @p0 .LBB2_1-.Ltmp32, $1  }
0x632: {  	_ =	sdelay $0x3  }
0x633: {  	_ =	sfence.sel $0x180000  }
0x634: {  	[bflag:$0x0] =	sbarrier.arrive $0xFFFF  }
0x635: {  	_ =	strace $0x9000004A  }
0x636: {  	s0 =	stileid.u32;
	[bflag:$0x2] =	sbarrier.arrive $0xFFFF  }
0x637: {  	p0 =	sne.s32 s0, $0x0;
	s0 =	rddreg [dreg:$0x4]  }
0x638: {  	s0 =	sadd.s32 @!p0 $0x100000, s0  }
0x639: {  	[sflag:s0] =	ssyncadd.tile.s32 @!p0 $0x1;
	_ =	shalt  }
.Lfunc_end2:
_tile_overlayer_lowered:
.L_overlay_start_2:
0x63a: {  	(tag) =	ssettag $0x2  }
0x63b: {  	s0 =	rddreg [dreg:$0x0];
	s2 =	stileid.u32  }
0x63c: {  	s1 =	rddreg [dreg:$0x1];
	p0 =	sne.s32 s2, $0x0  }
0x63d: {  	s3 =	rddreg [dreg:$0x2];
	[bflag:$0x3] =	sbarrier.arrive $0xFFFF;
	s2 =	simm.s32 @!p0 $0x1C07  }
0x63e: {  	[timem:s3], [sflag:s2] =	dma.local @!p0 [hbm:s0], s1  }
0x63f: {  	s0 =	simm.s32 @!p0 $0x7  }
0x640: {  	_ =	swait.ge @!p0 [sflag:s0], s1  }
0x641: {  	s1 =	ssub.s32 @!p0 $0x0, s1;
	[sflag:s0] =	ssyncset.done @!p0 $0x0  }
0x642: {  	[sflag:s0] =	ssyncadd.s32 @!p0 s1  }
0x643: {  	[bflag:$0x3] =	sbarrier.arrive $0xFFFF  }
0x644: {  	_ =	shalt  }

</sc_bundles>
